<compile_context>
chip_gen: v7x
topology: tpu7x:2x2x1
jax: 0.10.2.dev20260603
libtpu: 0.0.44.dev20260713+nightly
codegen_flags: <defaults>
</compile_context>

<pallas_src>
import functools

import jax
import jax.numpy as jnp
from jax import lax
from jax.experimental import pallas as pl
from jax.experimental.pallas import tpu as pltpu
from jax.experimental.pallas import tpu_sc as plsc

N = 10000
D = 128
E = 320000

NC = 2
NS = 16
NW = NC * NS
K = 128
G = 8
NCHF = 128
NCHS = 32
NGF = NCHF // G
NGS = NCHS // G
E_PAD = NS * (NCHF + NCHS) * K
N_PAD = 10112
ROWS_PER_TILE = N_PAD // NS

_BLK = 2000


def _seg_sum_body(h_hbm, sd_hbm, out_hbm,
                  ib0, ib1, buf0, buf1, isem0, isem1, dsem0, dsem1, acc):
    c = lax.axis_index("c")
    s = lax.axis_index("s")
    wid = c * NS + s
    ng = jnp.where(c == 0, NGF, NGS)

    @pl.when(ng > 0)
    def _():
        pltpu.async_copy(sd_hbm.at[wid, pl.ds(0, G)], ib0, isem0)

    zero = jnp.zeros((16,), jnp.float32)

    def _zrow(i, carry):
        for l in range(D // 16):
            buf0[i, pl.ds(l * 16, 16)] = zero
        return carry

    lax.fori_loop(0, K, _zrow, 0)
    for z in range(ROWS_PER_TILE // K):
        pltpu.sync_copy(buf0, acc.at[pl.ds(s * ROWS_PER_TILE + z * K, K)])
    _rem = ROWS_PER_TILE % K
    if _rem:
        pltpu.sync_copy(
            buf0.at[pl.ds(0, _rem)],
            acc.at[pl.ds(s * ROWS_PER_TILE + (ROWS_PER_TILE // K) * K, _rem)])
    plsc.subcore_barrier()

    def _process(g, ib_cur, isem_cur, ib_next, isem_next):
        pltpu.make_async_copy(sd_hbm.at[wid, pl.ds(0, G)], ib_cur,
                              isem_cur).wait()

        @pl.when(g + 1 < ng)
        def _():
            pltpu.async_copy(sd_hbm.at[wid, pl.ds((g + 1) * G, G)],
                             ib_next, isem_next)

        pltpu.async_copy(h_hbm.at[ib_cur.at[0, 0]], buf0, dsem0)
        pltpu.async_copy(h_hbm.at[ib_cur.at[1, 0]], buf1, dsem1)
        for i in range(G):
            buf, dsem = (buf0, dsem0) if i % 2 == 0 else (buf1, dsem1)
            pltpu.make_async_copy(h_hbm.at[ib_cur.at[i, 0]], buf,
                                  dsem).wait()
            pltpu.sync_copy(buf, acc.at[ib_cur.at[i, 1]], add=True)
            if i + 2 < G:
                pltpu.async_copy(h_hbm.at[ib_cur.at[i + 2, 0]], buf, dsem)

    def _body(g, carry):
        @pl.when(g % 2 == 0)
        def _():
            _process(g, ib0, isem0, ib1, isem1)

        @pl.when(g % 2 == 1)
        def _():
            _process(g, ib1, isem1, ib0, isem0)

        return carry

    lax.fori_loop(0, ng, _body, 0)
    plsc.subcore_barrier()

    pltpu.sync_copy(acc.at[pl.ds(s * ROWS_PER_TILE, ROWS_PER_TILE)],
                    out_hbm.at[c, pl.ds(s * ROWS_PER_TILE, ROWS_PER_TILE)])


_seg_sum = functools.partial(
    pl.kernel,
    out_type=jax.ShapeDtypeStruct((NC, N_PAD, D), jnp.float32),
    mesh=plsc.VectorSubcoreMesh(core_axis_name="c", subcore_axis_name="s"),
    scratch_types=[
        pltpu.VMEM((G, 2, K), jnp.int32),
        pltpu.VMEM((G, 2, K), jnp.int32),
        pltpu.VMEM((K, D), jnp.float32),
        pltpu.VMEM((K, D), jnp.float32),
        pltpu.SemaphoreType.DMA,
        pltpu.SemaphoreType.DMA,
        pltpu.SemaphoreType.DMA,
        pltpu.SemaphoreType.DMA,
        pltpu.VMEM_SHARED((N_PAD, D), jnp.float32),
    ],
)(_seg_sum_body)


def _pack_edges(edge_index):
    pad = E_PAD - E
    src = jnp.concatenate([edge_index[0], jnp.zeros((pad,), jnp.int32)])
    dst = jnp.concatenate([edge_index[1], jnp.full((pad,), N, jnp.int32)])
    sd = jnp.stack([src.reshape(-1, K), dst.reshape(-1, K)], axis=1)
    nf = NS * NCHF
    fast = sd[:nf].reshape(NS, NCHF, 2, K)
    slow = sd[nf:].reshape(NS, NCHS, 2, K)
    slow = jnp.pad(slow, ((0, 0), (0, NCHF - NCHS), (0, 0), (0, 0)))
    return jnp.concatenate([fast, slow], axis=0)


def _dense0_body(x_ref, w_ref, b_ref, o_ref):
    o_ref[...] = (jnp.dot(x_ref[...], w_ref[...],
                          preferred_element_type=jnp.float32) + b_ref[...])


def _dense0(x, Wx, bx):
    return pl.pallas_call(
        _dense0_body,
        grid=(N // _BLK,),
        in_specs=[
            pl.BlockSpec((_BLK, D), lambda i: (i, 0)),
            pl.BlockSpec((D, D), lambda i: (0, 0)),
            pl.BlockSpec((1, D), lambda i: (0, 0)),
        ],
        out_specs=pl.BlockSpec((_BLK, D), lambda i: (i, 0)),
        out_shape=jax.ShapeDtypeStruct((N, D), jnp.float32),
    )(x, Wx, bx.reshape(1, D))


def _layer_a_body(p0_ref, p1_ref, h_ref, wrel_ref, wroot_ref, brel_ref,
                  t_ref, s1_ref, s2_ref):
    agg = p0_ref[...] + p1_ref[...]
    h = h_ref[...]
    t = (jnp.dot(agg, wrel_ref[...], preferred_element_type=jnp.float32)
         + jnp.dot(h, wroot_ref[...], preferred_element_type=jnp.float32)
         + h + brel_ref[...])
    t_ref[...] = t

    @pl.when(pl.program_id(0) == 0)
    def _():
        s1_ref[...] = jnp.zeros_like(s1_ref)
        s2_ref[...] = jnp.zeros_like(s2_ref)

    s1_ref[...] += jnp.broadcast_to(jnp.sum(t, axis=0), (8, D))
    s2_ref[...] += jnp.broadcast_to(jnp.sum(t * t, axis=0), (8, D))


def _layer_a(p0, p1, h, wrel, wroot, brel):
    return pl.pallas_call(
        _layer_a_body,
        grid=(N // _BLK,),
        in_specs=[
            pl.BlockSpec((_BLK, D), lambda i: (i, 0)),
            pl.BlockSpec((_BLK, D), lambda i: (i, 0)),
            pl.BlockSpec((_BLK, D), lambda i: (i, 0)),
            pl.BlockSpec((D, D), lambda i: (0, 0)),
            pl.BlockSpec((D, D), lambda i: (0, 0)),
            pl.BlockSpec((1, D), lambda i: (0, 0)),
        ],
        out_specs=[
            pl.BlockSpec((_BLK, D), lambda i: (i, 0)),
            pl.BlockSpec((8, D), lambda i: (0, 0)),
            pl.BlockSpec((8, D), lambda i: (0, 0)),
        ],
        out_shape=[
            jax.ShapeDtypeStruct((N, D), jnp.float32),
            jax.ShapeDtypeStruct((8, D), jnp.float32),
            jax.ShapeDtypeStruct((8, D), jnp.float32),
        ],
    )(p0, p1, h, wrel, wroot, brel)


def _layer_b_body(t_ref, s1_ref, s2_ref, g_ref, bb_ref, o_ref, *, relu):
    mu = s1_ref[0:1, :] * (1.0 / N)
    var = s2_ref[0:1, :] * (1.0 / N) - mu * mu
    inv = lax.rsqrt(var + 1e-5)
    o = g_ref[...] * ((t_ref[...] - mu) * inv) + bb_ref[...]
    if relu:
        o = jnp.maximum(o, 0.0)
    o_ref[...] = o


def _layer_b(t, s1, s2, gamma, beta, relu):
    return pl.pallas_call(
        functools.partial(_layer_b_body, relu=relu),
        grid=(N // _BLK,),
        in_specs=[
            pl.BlockSpec((_BLK, D), lambda i: (i, 0)),
            pl.BlockSpec((8, D), lambda i: (0, 0)),
            pl.BlockSpec((8, D), lambda i: (0, 0)),
            pl.BlockSpec((1, D), lambda i: (0, 0)),
            pl.BlockSpec((1, D), lambda i: (0, 0)),
        ],
        out_specs=pl.BlockSpec((_BLK, D), lambda i: (i, 0)),
        out_shape=jax.ShapeDtypeStruct((N, D), jnp.float32),
    )(t, s1, s2, gamma.reshape(1, D), beta.reshape(1, D))


def kernel(x, edge_index, edge_attr, edge_index_full, Wx, bx,
           Wrel0, brel0, Wroot0, Wrel1, brel1, Wroot1,
           Wrel1_2h, brel1_2h, Wroot1_2h, gamma0, beta0, gamma1, beta1):
    h0 = _dense0(x, Wx, bx)

    sd0 = _pack_edges(edge_index)
    part0 = _seg_sum(h0, sd0)
    t0, s1a, s2a = _layer_a(part0[0], part0[1], h0, Wrel0, Wroot0,
                            brel0.reshape(1, D))
    h1 = _layer_b(t0, s1a, s2a, gamma0, beta0, relu=True)

    sdf = _pack_edges(edge_index_full)
    part1 = _seg_sum(h1, sdf)
    t1, s1b, s2b = _layer_a(part1[0], part1[1], h1, Wrel1_2h, Wroot1_2h,
                            brel1_2h.reshape(1, D))
    h2 = _layer_b(t1, s1b, s2b, gamma1, beta1, relu=False)
    return h2

# --- scband reference (transcript-rebuilt; emitter-appended) ---
"""Pipeline reference for scband-gnn-two-hop-75986561401172 (READ-ONLY COPY).

The authoritative reference and input builder live on the scoring server;
editing this copy changes nothing except your own understanding.
"""

import jax, jax.numpy as jnp
import numpy as np

N = 10000
E = 320000
D = 128

def _graphconv(h, src, dst, Wrel, brel, Wroot):
    # PyG GraphConv: out_i = W_root @ x_i + W_rel @ (sum_{j in N(i)} x_j) + b_rel
    msg = jnp.take(h, src, axis=0)
    agg = jax.ops.segment_sum(msg, dst, num_segments=N)
    return agg @ Wrel + brel + h @ Wroot

def _bn(h, gamma, beta):
    # BatchNorm1d, training-mode batch statistics
    mu = jnp.mean(h, axis=0)
    var = jnp.var(h, axis=0)
    return gamma * (h - mu) / jnp.sqrt(var + 1e-5) + beta

def setup_inputs(seed: int = 0) -> dict:
    key = jax.random.key(seed)
    ks = jax.random.split(key, 20)
    s = 1.0 / np.sqrt(D)
    inp = {}
    inp["x"] = jax.random.normal(ks[0], (N, D), dtype=jnp.float32)
    inp["edge_index"] = jax.random.randint(ks[1], (2, E), 0, N, dtype=jnp.int32)
    inp["edge_attr"] = jax.random.normal(ks[2], (E, 4), dtype=jnp.float32)
    inp["edge_index_full"] = jax.random.randint(ks[3], (2, E), 0, N, dtype=jnp.int32)
    inp["Wx"] = jax.random.normal(ks[4], (D, D), dtype=jnp.float32) * s
    inp["bx"] = jnp.zeros((D,), jnp.float32)
    inp["Wrel0"] = jax.random.normal(ks[5], (D, D), dtype=jnp.float32) * s
    inp["brel0"] = jnp.zeros((D,), jnp.float32)
    inp["Wroot0"] = jax.random.normal(ks[6], (D, D), dtype=jnp.float32) * s
    inp["Wrel1"] = jax.random.normal(ks[7], (D, D), dtype=jnp.float32) * s
    inp["brel1"] = jnp.zeros((D,), jnp.float32)
    inp["Wroot1"] = jax.random.normal(ks[8], (D, D), dtype=jnp.float32) * s
    inp["Wrel1_2h"] = jax.random.normal(ks[9], (D, D), dtype=jnp.float32) * s
    inp["brel1_2h"] = jnp.zeros((D,), jnp.float32)
    inp["Wroot1_2h"] = jax.random.normal(ks[10], (D, D), dtype=jnp.float32) * s
    inp["gamma0"] = jnp.ones((D,), jnp.float32)
    inp["beta0"] = jnp.zeros((D,), jnp.float32)
    inp["gamma1"] = jnp.ones((D,), jnp.float32)
    inp["beta1"] = jnp.zeros((D,), jnp.float32)
    return inp

def reference(x, edge_index, edge_attr, edge_index_full, Wx, bx, Wrel0, brel0, Wroot0, Wrel1, brel1, Wroot1, Wrel1_2h, brel1_2h, Wroot1_2h, gamma0, beta0, gamma1, beta1):
    src, dst = edge_index[0], edge_index[1]
    srcf, dstf = edge_index_full[0], edge_index_full[1]
    # linear_x
    h0 = x @ Wx + bx
    # layer 0 (graphconv, residual, bn, relu; dropout p=0 is identity)
    r0 = h0
    h1 = _graphconv(h0, src, dst, Wrel0, brel0, Wroot0)
    h1 = h1 + r0
    h1 = _bn(h1, gamma0, beta0)
    h1 = jax.nn.relu(h1)
    # layer 1 (last): one-hop conv computed then overwritten by two-hop conv, as in the torch code
    r1 = h1
    _dead = _graphconv(h1, src, dst, Wrel1, brel1, Wroot1)
    h2 = _graphconv(h1, srcf, dstf, Wrel1_2h, brel1_2h, Wroot1_2h)
    h2 = h2 + r1
    h2 = _bn(h2, gamma1, beta1)
    # JK == 'last' -> node_representation = h_list[-1]
    return h2

if __name__ == "__main__":
    import jax
    _d = setup_inputs()
    print(jax.jit(kernel)(*tuple(_d.values())))

</pallas_src>

<mosaic_0001>
#map = affine_map<(d0, d1) -> (0, 0)>
#map1 = affine_map<(d0, d1) -> (0, 0, 0, 0)>
#map2 = affine_map<(d0, d1) -> (0, 0, 0)>
module attributes {stable_mosaic.version = 14 : i64} {
  func.func @_seg_sum_body(%arg0: i32, %arg1: i32, %arg2: memref<10000x128xf32, #tpu.memory_space<hbm>>, %arg3: memref<32x128x2x128xi32, #tpu.memory_space<hbm>>, %arg4: memref<2x10112x128xf32, #tpu.memory_space<hbm>>, %arg5: memref<8x2x128xi32, #tpu.memory_space<vmem>>, %arg6: memref<8x2x128xi32, #tpu.memory_space<vmem>>, %arg7: memref<128x128xf32, #tpu.memory_space<vmem>>, %arg8: memref<128x128xf32, #tpu.memory_space<vmem>>, %arg9: memref<!tpu.dma_semaphore, #tpu.memory_space<semaphore_mem>>, %arg10: memref<!tpu.dma_semaphore, #tpu.memory_space<semaphore_mem>>, %arg11: memref<!tpu.dma_semaphore, #tpu.memory_space<semaphore_mem>>, %arg12: memref<!tpu.dma_semaphore, #tpu.memory_space<semaphore_mem>>, %arg13: memref<10112x128xf32, #tpu.memory_space<vmem_shared>>) attributes {dimension_semantics = [#tpu.dimension_semantics<core_parallel>, #tpu.dimension_semantics<subcore_parallel>], iteration_bounds = array<i64: 2, 16>, scalar_prefetch = 0 : i64, scratch_operands = 9 : i64, tpu.core_type = #tpu.core_type<sc_vector_subcore>, window_params = [{transform_indices = #map}, {transform_indices = #map1}, {transform_indices = #map2}]} {
    %mul3A = arith.constant 16 : i32
    %mul3A_0 = arith.muli %arg0, %mul3A : i32
    %add3A = arith.addi %mul3A_0, %arg1 : i32
    %eq3A = arith.constant 0 : i32
    %eq3A_1 = arith.cmpi eq, %arg0, %eq3A : i32
    %jit3A = arith.constant 16 : i32
    %jit3A_2 = arith.constant 4 : i32
    %select_n3A = arith.select %eq3A_1, %jit3A, %jit3A_2 : i32
    %gt3A = arith.constant 0 : i32
    %gt3A_3 = arith.cmpi sgt, %select_n3A, %gt3A : i32
    %convert_element_type3A = arith.extui %gt3A_3 : i1 to i32
    %cond3A = arith.constant 0 : i32
    %cond3A_4 = arith.cmpi ne, %convert_element_type3A, %cond3A : i32
    scf.if %cond3A_4 {
      %dma_start3A = arith.constant 0 : i32
      %dma_start3A_45 = arith.constant 0 : i32
      %dma_start3A_46 = arith.constant 0 : i32
      %dma_start3A_47 = tpu.memref_slice %arg3[%add3A, %dma_start3A, %dma_start3A_45, %dma_start3A_46] : memref<32x128x2x128xi32, #tpu.memory_space<hbm>> -> memref<1x8x2x128xi32, #tpu.memory_space<hbm>>
      %dma_start3A_48 = tpu.memref_squeeze %dma_start3A_47 : memref<1x8x2x128xi32, #tpu.memory_space<hbm>> -> memref<8x2x128xi32, #tpu.memory_space<hbm>>
      %dma_start3A_49 = arith.constant 0 : i32
      %dma_start3A_50 = arith.constant 0 : i32
      %dma_start3A_51 = arith.constant 0 : i32
      %dma_start3A_52 = tpu.memref_slice %arg3[%add3A, %dma_start3A_49, %dma_start3A_50, %dma_start3A_51] : memref<32x128x2x128xi32, #tpu.memory_space<hbm>> -> memref<1x8x2x128xi32, #tpu.memory_space<hbm>>
      %dma_start3A_53 = tpu.memref_squeeze %dma_start3A_52 : memref<1x8x2x128xi32, #tpu.memory_space<hbm>> -> memref<8x2x128xi32, #tpu.memory_space<hbm>>
      tpu.enqueue_dma source(%dma_start3A_53 : memref<8x2x128xi32, #tpu.memory_space<hbm>>) target(%arg5 : memref<8x2x128xi32, #tpu.memory_space<vmem>>) target_semaphore(%arg9 : memref<!tpu.dma_semaphore, #tpu.memory_space<semaphore_mem>>)
    } else {
    }
    %broadcast_in_dim3A = arith.constant 0.000000e+00 : f32
    %broadcast_in_dim3A_5 = vector.broadcast %broadcast_in_dim3A : f32 to vector<16xf32>
    %scan3A = arith.constant 0 : i32
    %scan3A_6 = arith.constant 0 : i32
    %scan3A_7 = arith.constant 128 : i32
    %scan3A_8 = arith.addi %scan3A_6, %scan3A_7 : i32
    %scan3A_9 = arith.constant 1 : i32
    scf.for %scan3A_45 = %scan3A_6 to %scan3A_8 step %scan3A_9  : i32 {
      %swap3A = arith.index_cast %scan3A_45 : i32 to index
      %swap3A_46 = arith.constant 0 : index
      %swap3A_47 = tpu.vector_load %arg7[%swap3A, %swap3A_46] {strides = array<i32>} : memref<128x128xf32, #tpu.memory_space<vmem>>, vector<1x16xf32>,
      %swap3A_48 = vector.shape_cast %swap3A_47 : vector<1x16xf32> to vector<16xf32>
      %swap3A_49 = vector.shape_cast %broadcast_in_dim3A_5 : vector<16xf32> to vector<1x16xf32>
      tpu.vector_store %arg7[%swap3A, %swap3A_46], %swap3A_49 {strides = array<i32>} : memref<128x128xf32, #tpu.memory_space<vmem>>, vector<1x16xf32>,
      %swap3A_50 = arith.index_cast %scan3A_45 : i32 to index
      %swap3A_51 = arith.constant 16 : index
      %swap3A_52 = tpu.vector_load %arg7[%swap3A_50, %swap3A_51] {strides = array<i32>} : memref<128x128xf32, #tpu.memory_space<vmem>>, vector<1x16xf32>,
      %swap3A_53 = vector.shape_cast %swap3A_52 : vector<1x16xf32> to vector<16xf32>
      %swap3A_54 = vector.shape_cast %broadcast_in_dim3A_5 : vector<16xf32> to vector<1x16xf32>
      tpu.vector_store %arg7[%swap3A_50, %swap3A_51], %swap3A_54 {strides = array<i32>} : memref<128x128xf32, #tpu.memory_space<vmem>>, vector<1x16xf32>,
      %swap3A_55 = arith.index_cast %scan3A_45 : i32 to index
      %swap3A_56 = arith.constant 32 : index
      %swap3A_57 = tpu.vector_load %arg7[%swap3A_55, %swap3A_56] {strides = array<i32>} : memref<128x128xf32, #tpu.memory_space<vmem>>, vector<1x16xf32>,
      %swap3A_58 = vector.shape_cast %swap3A_57 : vector<1x16xf32> to vector<16xf32>
      %swap3A_59 = vector.shape_cast %broadcast_in_dim3A_5 : vector<16xf32> to vector<1x16xf32>
      tpu.vector_store %arg7[%swap3A_55, %swap3A_56], %swap3A_59 {strides = array<i32>} : memref<128x128xf32, #tpu.memory_space<vmem>>, vector<1x16xf32>,
      %swap3A_60 = arith.index_cast %scan3A_45 : i32 to index
      %swap3A_61 = arith.constant 48 : index
      %swap3A_62 = tpu.vector_load %arg7[%swap3A_60, %swap3A_61] {strides = array<i32>} : memref<128x128xf32, #tpu.memory_space<vmem>>, vector<1x16xf32>,
      %swap3A_63 = vector.shape_cast %swap3A_62 : vector<1x16xf32> to vector<16xf32>
      %swap3A_64 = vector.shape_cast %broadcast_in_dim3A_5 : vector<16xf32> to vector<1x16xf32>
      tpu.vector_store %arg7[%swap3A_60, %swap3A_61], %swap3A_64 {strides = array<i32>} : memref<128x128xf32, #tpu.memory_space<vmem>>, vector<1x16xf32>,
      %swap3A_65 = arith.index_cast %scan3A_45 : i32 to index
      %swap3A_66 = arith.constant 64 : index
      %swap3A_67 = tpu.vector_load %arg7[%swap3A_65, %swap3A_66] {strides = array<i32>} : memref<128x128xf32, #tpu.memory_space<vmem>>, vector<1x16xf32>,
      %swap3A_68 = vector.shape_cast %swap3A_67 : vector<1x16xf32> to vector<16xf32>
      %swap3A_69 = vector.shape_cast %broadcast_in_dim3A_5 : vector<16xf32> to vector<1x16xf32>
      tpu.vector_store %arg7[%swap3A_65, %swap3A_66], %swap3A_69 {strides = array<i32>} : memref<128x128xf32, #tpu.memory_space<vmem>>, vector<1x16xf32>,
      %swap3A_70 = arith.index_cast %scan3A_45 : i32 to index
      %swap3A_71 = arith.constant 80 : index
      %swap3A_72 = tpu.vector_load %arg7[%swap3A_70, %swap3A_71] {strides = array<i32>} : memref<128x128xf32, #tpu.memory_space<vmem>>, vector<1x16xf32>,
      %swap3A_73 = vector.shape_cast %swap3A_72 : vector<1x16xf32> to vector<16xf32>
      %swap3A_74 = vector.shape_cast %broadcast_in_dim3A_5 : vector<16xf32> to vector<1x16xf32>
      tpu.vector_store %arg7[%swap3A_70, %swap3A_71], %swap3A_74 {strides = array<i32>} : memref<128x128xf32, #tpu.memory_space<vmem>>, vector<1x16xf32>,
      %swap3A_75 = arith.index_cast %scan3A_45 : i32 to index
      %swap3A_76 = arith.constant 96 : index
      %swap3A_77 = tpu.vector_load %arg7[%swap3A_75, %swap3A_76] {strides = array<i32>} : memref<128x128xf32, #tpu.memory_space<vmem>>, vector<1x16xf32>,
      %swap3A_78 = vector.shape_cast %swap3A_77 : vector<1x16xf32> to vector<16xf32>
      %swap3A_79 = vector.shape_cast %broadcast_in_dim3A_5 : vector<16xf32> to vector<1x16xf32>
      tpu.vector_store %arg7[%swap3A_75, %swap3A_76], %swap3A_79 {strides = array<i32>} : memref<128x128xf32, #tpu.memory_space<vmem>>, vector<1x16xf32>,
      %swap3A_80 = arith.index_cast %scan3A_45 : i32 to index
      %swap3A_81 = arith.constant 112 : index
      %swap3A_82 = tpu.vector_load %arg7[%swap3A_80, %swap3A_81] {strides = array<i32>} : memref<128x128xf32, #tpu.memory_space<vmem>>, vector<1x16xf32>,
      %swap3A_83 = vector.shape_cast %swap3A_82 : vector<1x16xf32> to vector<16xf32>
      %swap3A_84 = vector.shape_cast %broadcast_in_dim3A_5 : vector<16xf32> to vector<1x16xf32>
      tpu.vector_store %arg7[%swap3A_80, %swap3A_81], %swap3A_84 {strides = array<i32>} : memref<128x128xf32, #tpu.memory_space<vmem>>, vector<1x16xf32>,
    }
    %scan3A_10 = arith.constant 128 : i32
    %mul3A_11 = arith.constant 632 : i32
    %mul3A_12 = arith.muli %arg1, %mul3A_11 : i32
    %add3A_13 = arith.constant 0 : i32
    %add3A_14 = arith.addi %mul3A_12, %add3A_13 : i32
    "tpu.region"() ({
      %run_scoped3A = tpu.sem_alloc : memref<!tpu.dma_semaphore, #tpu.memory_space<semaphore_mem>>
      %dma_start3A = arith.constant 0 : i32
      %dma_start3A_45 = tpu.memref_slice %arg13[%add3A_14, %dma_start3A] : memref<10112x128xf32, #tpu.memory_space<vmem_shared>> -> memref<128x128xf32, #tpu.memory_space<vmem_shared>>
      %dma_start3A_46 = arith.constant 0 : i32
      %dma_start3A_47 = tpu.memref_slice %arg13[%add3A_14, %dma_start3A_46] : memref<10112x128xf32, #tpu.memory_space<vmem_shared>> -> memref<128x128xf32, #tpu.memory_space<vmem_shared>>
      tpu.enqueue_dma source(%arg7 : memref<128x128xf32, #tpu.memory_space<vmem>>) target(%dma_start3A_47 : memref<128x128xf32, #tpu.memory_space<vmem_shared>>) target_semaphore(%run_scoped3A : memref<!tpu.dma_semaphore, #tpu.memory_space<semaphore_mem>>)
      %dma_wait3A = arith.constant 0 : i32
      %dma_wait3A_48 = tpu.memref_slice %arg13[%add3A_14, %dma_wait3A] : memref<10112x128xf32, #tpu.memory_space<vmem_shared>> -> memref<128x128xf32, #tpu.memory_space<vmem_shared>>
      %dma_wait3A_49 = arith.constant 0 : i32
      %dma_wait3A_50 = tpu.memref_slice %arg13[%add3A_14, %dma_wait3A_49] : memref<10112x128xf32, #tpu.memory_space<vmem_shared>> -> memref<128x128xf32, #tpu.memory_space<vmem_shared>>
      tpu.wait_dma2 semaphore(%run_scoped3A : memref<!tpu.dma_semaphore, #tpu.memory_space<semaphore_mem>>) src(%arg7 : memref<128x128xf32, #tpu.memory_space<vmem>>) dst(%dma_wait3A_50 : memref<128x128xf32, #tpu.memory_space<vmem_shared>>)
      tpu.yield
    }) : () -> ()
    %mul3A_15 = arith.constant 632 : i32
    %mul3A_16 = arith.muli %arg1, %mul3A_15 : i32
    %add3A_17 = arith.constant 128 : i32
    %add3A_18 = arith.addi %mul3A_16, %add3A_17 : i32
    "tpu.region"() ({
      %run_scoped3A = tpu.sem_alloc : memref<!tpu.dma_semaphore, #tpu.memory_space<semaphore_mem>>
      %dma_start3A = arith.constant 0 : i32
      %dma_start3A_45 = tpu.memref_slice %arg13[%add3A_18, %dma_start3A] : memref<10112x128xf32, #tpu.memory_space<vmem_shared>> -> memref<128x128xf32, #tpu.memory_space<vmem_shared>>
      %dma_start3A_46 = arith.constant 0 : i32
      %dma_start3A_47 = tpu.memref_slice %arg13[%add3A_18, %dma_start3A_46] : memref<10112x128xf32, #tpu.memory_space<vmem_shared>> -> memref<128x128xf32, #tpu.memory_space<vmem_shared>>
      tpu.enqueue_dma source(%arg7 : memref<128x128xf32, #tpu.memory_space<vmem>>) target(%dma_start3A_47 : memref<128x128xf32, #tpu.memory_space<vmem_shared>>) target_semaphore(%run_scoped3A : memref<!tpu.dma_semaphore, #tpu.memory_space<semaphore_mem>>)
      %dma_wait3A = arith.constant 0 : i32
      %dma_wait3A_48 = tpu.memref_slice %arg13[%add3A_18, %dma_wait3A] : memref<10112x128xf32, #tpu.memory_space<vmem_shared>> -> memref<128x128xf32, #tpu.memory_space<vmem_shared>>
      %dma_wait3A_49 = arith.constant 0 : i32
      %dma_wait3A_50 = tpu.memref_slice %arg13[%add3A_18, %dma_wait3A_49] : memref<10112x128xf32, #tpu.memory_space<vmem_shared>> -> memref<128x128xf32, #tpu.memory_space<vmem_shared>>
      tpu.wait_dma2 semaphore(%run_scoped3A : memref<!tpu.dma_semaphore, #tpu.memory_space<semaphore_mem>>) src(%arg7 : memref<128x128xf32, #tpu.memory_space<vmem>>) dst(%dma_wait3A_50 : memref<128x128xf32, #tpu.memory_space<vmem_shared>>)
      tpu.yield
    }) : () -> ()
    %mul3A_19 = arith.constant 632 : i32
    %mul3A_20 = arith.muli %arg1, %mul3A_19 : i32
    %add3A_21 = arith.constant 256 : i32
    %add3A_22 = arith.addi %mul3A_20, %add3A_21 : i32
    "tpu.region"() ({
      %run_scoped3A = tpu.sem_alloc : memref<!tpu.dma_semaphore, #tpu.memory_space<semaphore_mem>>
      %dma_start3A = arith.constant 0 : i32
      %dma_start3A_45 = tpu.memref_slice %arg13[%add3A_22, %dma_start3A] : memref<10112x128xf32, #tpu.memory_space<vmem_shared>> -> memref<128x128xf32, #tpu.memory_space<vmem_shared>>
      %dma_start3A_46 = arith.constant 0 : i32
      %dma_start3A_47 = tpu.memref_slice %arg13[%add3A_22, %dma_start3A_46] : memref<10112x128xf32, #tpu.memory_space<vmem_shared>> -> memref<128x128xf32, #tpu.memory_space<vmem_shared>>
      tpu.enqueue_dma source(%arg7 : memref<128x128xf32, #tpu.memory_space<vmem>>) target(%dma_start3A_47 : memref<128x128xf32, #tpu.memory_space<vmem_shared>>) target_semaphore(%run_scoped3A : memref<!tpu.dma_semaphore, #tpu.memory_space<semaphore_mem>>)
      %dma_wait3A = arith.constant 0 : i32
      %dma_wait3A_48 = tpu.memref_slice %arg13[%add3A_22, %dma_wait3A] : memref<10112x128xf32, #tpu.memory_space<vmem_shared>> -> memref<128x128xf32, #tpu.memory_space<vmem_shared>>
      %dma_wait3A_49 = arith.constant 0 : i32
      %dma_wait3A_50 = tpu.memref_slice %arg13[%add3A_22, %dma_wait3A_49] : memref<10112x128xf32, #tpu.memory_space<vmem_shared>> -> memref<128x128xf32, #tpu.memory_space<vmem_shared>>
      tpu.wait_dma2 semaphore(%run_scoped3A : memref<!tpu.dma_semaphore, #tpu.memory_space<semaphore_mem>>) src(%arg7 : memref<128x128xf32, #tpu.memory_space<vmem>>) dst(%dma_wait3A_50 : memref<128x128xf32, #tpu.memory_space<vmem_shared>>)
      tpu.yield
    }) : () -> ()
    %mul3A_23 = arith.constant 632 : i32
    %mul3A_24 = arith.muli %arg1, %mul3A_23 : i32
    %add3A_25 = arith.constant 384 : i32
    %add3A_26 = arith.addi %mul3A_24, %add3A_25 : i32
    "tpu.region"() ({
      %run_scoped3A = tpu.sem_alloc : memref<!tpu.dma_semaphore, #tpu.memory_space<semaphore_mem>>
      %dma_start3A = arith.constant 0 : i32
      %dma_start3A_45 = tpu.memref_slice %arg13[%add3A_26, %dma_start3A] : memref<10112x128xf32, #tpu.memory_space<vmem_shared>> -> memref<128x128xf32, #tpu.memory_space<vmem_shared>>
      %dma_start3A_46 = arith.constant 0 : i32
      %dma_start3A_47 = tpu.memref_slice %arg13[%add3A_26, %dma_start3A_46] : memref<10112x128xf32, #tpu.memory_space<vmem_shared>> -> memref<128x128xf32, #tpu.memory_space<vmem_shared>>
      tpu.enqueue_dma source(%arg7 : memref<128x128xf32, #tpu.memory_space<vmem>>) target(%dma_start3A_47 : memref<128x128xf32, #tpu.memory_space<vmem_shared>>) target_semaphore(%run_scoped3A : memref<!tpu.dma_semaphore, #tpu.memory_space<semaphore_mem>>)
      %dma_wait3A = arith.constant 0 : i32
      %dma_wait3A_48 = tpu.memref_slice %arg13[%add3A_26, %dma_wait3A] : memref<10112x128xf32, #tpu.memory_space<vmem_shared>> -> memref<128x128xf32, #tpu.memory_space<vmem_shared>>
      %dma_wait3A_49 = arith.constant 0 : i32
      %dma_wait3A_50 = tpu.memref_slice %arg13[%add3A_26, %dma_wait3A_49] : memref<10112x128xf32, #tpu.memory_space<vmem_shared>> -> memref<128x128xf32, #tpu.memory_space<vmem_shared>>
      tpu.wait_dma2 semaphore(%run_scoped3A : memref<!tpu.dma_semaphore, #tpu.memory_space<semaphore_mem>>) src(%arg7 : memref<128x128xf32, #tpu.memory_space<vmem>>) dst(%dma_wait3A_50 : memref<128x128xf32, #tpu.memory_space<vmem_shared>>)
      tpu.yield
    }) : () -> ()
    %mul3A_27 = arith.constant 632 : i32
    %mul3A_28 = arith.muli %arg1, %mul3A_27 : i32
    %add3A_29 = arith.constant 512 : i32
    %add3A_30 = arith.addi %mul3A_28, %add3A_29 : i32
    "tpu.region"() ({
      %run_scoped3A = tpu.sem_alloc : memref<!tpu.dma_semaphore, #tpu.memory_space<semaphore_mem>>
      %dma_start3A = arith.constant 0 : i32
      %dma_start3A_45 = arith.constant 0 : i32
      %dma_start3A_46 = tpu.memref_slice %arg7[%dma_start3A, %dma_start3A_45] : memref<128x128xf32, #tpu.memory_space<vmem>> -> memref<120x128xf32, #tpu.memory_space<vmem>>
      %dma_start3A_47 = arith.constant 0 : i32
      %dma_start3A_48 = tpu.memref_slice %arg13[%add3A_30, %dma_start3A_47] : memref<10112x128xf32, #tpu.memory_space<vmem_shared>> -> memref<120x128xf32, #tpu.memory_space<vmem_shared>>
      %dma_start3A_49 = arith.constant 0 : i32
      %dma_start3A_50 = tpu.memref_slice %arg13[%add3A_30, %dma_start3A_49] : memref<10112x128xf32, #tpu.memory_space<vmem_shared>> -> memref<120x128xf32, #tpu.memory_space<vmem_shared>>
      %dma_start3A_51 = arith.constant 0 : i32
      %dma_start3A_52 = arith.constant 0 : i32
      %dma_start3A_53 = tpu.memref_slice %arg7[%dma_start3A_51, %dma_start3A_52] : memref<128x128xf32, #tpu.memory_space<vmem>> -> memref<120x128xf32, #tpu.memory_space<vmem>>
      tpu.enqueue_dma source(%dma_start3A_53 : memref<120x128xf32, #tpu.memory_space<vmem>>) target(%dma_start3A_50 : memref<120x128xf32, #tpu.memory_space<vmem_shared>>) target_semaphore(%run_scoped3A : memref<!tpu.dma_semaphore, #tpu.memory_space<semaphore_mem>>)
      %dma_wait3A = arith.constant 0 : i32
      %dma_wait3A_54 = arith.constant 0 : i32
      %dma_wait3A_55 = tpu.memref_slice %arg7[%dma_wait3A, %dma_wait3A_54] : memref<128x128xf32, #tpu.memory_space<vmem>> -> memref<120x128xf32, #tpu.memory_space<vmem>>
      %dma_wait3A_56 = arith.constant 0 : i32
      %dma_wait3A_57 = tpu.memref_slice %arg13[%add3A_30, %dma_wait3A_56] : memref<10112x128xf32, #tpu.memory_space<vmem_shared>> -> memref<120x128xf32, #tpu.memory_space<vmem_shared>>
      %dma_wait3A_58 = arith.constant 0 : i32
      %dma_wait3A_59 = tpu.memref_slice %arg13[%add3A_30, %dma_wait3A_58] : memref<10112x128xf32, #tpu.memory_space<vmem_shared>> -> memref<120x128xf32, #tpu.memory_space<vmem_shared>>
      %dma_wait3A_60 = arith.constant 0 : i32
      %dma_wait3A_61 = arith.constant 0 : i32
      %dma_wait3A_62 = tpu.memref_slice %arg7[%dma_wait3A_60, %dma_wait3A_61] : memref<128x128xf32, #tpu.memory_space<vmem>> -> memref<120x128xf32, #tpu.memory_space<vmem>>
      tpu.wait_dma2 semaphore(%run_scoped3A : memref<!tpu.dma_semaphore, #tpu.memory_space<semaphore_mem>>) src(%dma_wait3A_62 : memref<120x128xf32, #tpu.memory_space<vmem>>) dst(%dma_wait3A_59 : memref<120x128xf32, #tpu.memory_space<vmem_shared>>)
      tpu.yield
    }) : () -> ()
    %barrier3A = arith.constant 0 : index
    tpu.barrier barrier_id(%barrier3A)
    %while3A = arith.constant 0 : i32
    %while3A_31 = arith.constant 0 : i32
    %while3A_32 = arith.subi %select_n3A, %while3A_31 : i32
    %while3A_33 = arith.addi %while3A_31, %while3A_32 : i32
    %while3A_34 = arith.constant 1 : i32
    %while3A_35 = arith.divsi %while3A_32, %while3A_34 : i32
    %while3A_36 = arith.muli %while3A_35, %while3A_34 : i32
    %while3A_37 = arith.addi %while3A_31, %while3A_36 : i32
    %while3A_38 = arith.constant 1 : i32
    scf.for %while3A_45 = %while3A_31 to %while3A_37 step %while3A_38  : i32 {
      %jit3A_46 = arith.constant 2 : i32
      %eq3A_47 = arith.constant 0 : i32
      %eq3A_48 = arith.cmpi eq, %jit3A_46, %eq3A_47 : i32
      %jit3A_49 = arith.constant 1 : i32
      %select_n3A_50 = arith.select %eq3A_48, %jit3A_49, %jit3A_46 : i32
      %rem3A = arith.remsi %while3A_45, %select_n3A_50 : i32
      %ne3A = arith.constant 0 : i32
      %ne3A_51 = arith.cmpi ne, %rem3A, %ne3A : i32
      %lt3A = arith.constant 0 : i32
      %lt3A_52 = arith.cmpi slt, %rem3A, %lt3A : i32
      %lt3A_53 = arith.constant 0 : i32
      %lt3A_54 = arith.cmpi slt, %select_n3A_50, %lt3A_53 : i32
      %ne3A_55 = arith.xori %lt3A_52, %lt3A_54 : i1
      %and3A = arith.andi %ne3A_55, %ne3A_51 : i1
      %add3A_56 = arith.addi %rem3A, %select_n3A_50 : i32
      %select_n3A_57 = arith.select %and3A, %add3A_56, %rem3A : i32
      %eq3A_58 = arith.constant 0 : i32
      %eq3A_59 = arith.cmpi eq, %select_n3A_57, %eq3A_58 : i32
      %convert_element_type3A_60 = arith.extui %eq3A_59 : i1 to i32
      %cond3A_61 = arith.constant 0 : i32
      %cond3A_62 = arith.cmpi ne, %convert_element_type3A_60, %cond3A_61 : i32
      scf.if %cond3A_62 {
        %dma_wait3A = arith.constant 0 : i32
        %dma_wait3A_84 = arith.constant 0 : i32
        %dma_wait3A_85 = arith.constant 0 : i32
        %dma_wait3A_86 = tpu.memref_slice %arg3[%add3A, %dma_wait3A, %dma_wait3A_84, %dma_wait3A_85] : memref<32x128x2x128xi32, #tpu.memory_space<hbm>> -> memref<1x8x2x128xi32, #tpu.memory_space<hbm>>
        %dma_wait3A_87 = tpu.memref_squeeze %dma_wait3A_86 : memref<1x8x2x128xi32, #tpu.memory_space<hbm>> -> memref<8x2x128xi32, #tpu.memory_space<hbm>>
        %dma_wait3A_88 = arith.constant 0 : i32
        %dma_wait3A_89 = arith.constant 0 : i32
        %dma_wait3A_90 = arith.constant 0 : i32
        %dma_wait3A_91 = tpu.memref_slice %arg3[%add3A, %dma_wait3A_88, %dma_wait3A_89, %dma_wait3A_90] : memref<32x128x2x128xi32, #tpu.memory_space<hbm>> -> memref<1x8x2x128xi32, #tpu.memory_space<hbm>>
        %dma_wait3A_92 = tpu.memref_squeeze %dma_wait3A_91 : memref<1x8x2x128xi32, #tpu.memory_space<hbm>> -> memref<8x2x128xi32, #tpu.memory_space<hbm>>
        tpu.wait_dma2 semaphore(%arg9 : memref<!tpu.dma_semaphore, #tpu.memory_space<semaphore_mem>>) src(%dma_wait3A_92 : memref<8x2x128xi32, #tpu.memory_space<hbm>>) dst(%arg5 : memref<8x2x128xi32, #tpu.memory_space<vmem>>)
        %add3A_93 = arith.constant 1 : i32
        %add3A_94 = arith.addi %while3A_45, %add3A_93 : i32
        %lt3A_95 = arith.cmpi slt, %add3A_94, %select_n3A : i32
        %convert_element_type3A_96 = arith.extui %lt3A_95 : i1 to i32
        %cond3A_97 = arith.constant 0 : i32
        %cond3A_98 = arith.cmpi ne, %convert_element_type3A_96, %cond3A_97 : i32
        scf.if %cond3A_98 {
          %add3A_241 = arith.constant 1 : i32
          %add3A_242 = arith.addi %while3A_45, %add3A_241 : i32
          %mul3A_243 = arith.constant 8 : i32
          %mul3A_244 = arith.muli %add3A_242, %mul3A_243 : i32
          %dma_start3A_245 = arith.constant 0 : i32
          %dma_start3A_246 = arith.constant 0 : i32
          %dma_start3A_247 = tpu.memref_slice %arg3[%add3A, %mul3A_244, %dma_start3A_245, %dma_start3A_246] : memref<32x128x2x128xi32, #tpu.memory_space<hbm>> -> memref<1x8x2x128xi32, #tpu.memory_space<hbm>>
          %dma_start3A_248 = tpu.memref_squeeze %dma_start3A_247 : memref<1x8x2x128xi32, #tpu.memory_space<hbm>> -> memref<8x2x128xi32, #tpu.memory_space<hbm>>
          %dma_start3A_249 = arith.constant 0 : i32
          %dma_start3A_250 = arith.constant 0 : i32
          %dma_start3A_251 = tpu.memref_slice %arg3[%add3A, %mul3A_244, %dma_start3A_249, %dma_start3A_250] : memref<32x128x2x128xi32, #tpu.memory_space<hbm>> -> memref<1x8x2x128xi32, #tpu.memory_space<hbm>>
          %dma_start3A_252 = tpu.memref_squeeze %dma_start3A_251 : memref<1x8x2x128xi32, #tpu.memory_space<hbm>> -> memref<8x2x128xi32, #tpu.memory_space<hbm>>
          tpu.enqueue_dma source(%dma_start3A_252 : memref<8x2x128xi32, #tpu.memory_space<hbm>>) target(%arg6 : memref<8x2x128xi32, #tpu.memory_space<vmem>>) target_semaphore(%arg10 : memref<!tpu.dma_semaphore, #tpu.memory_space<semaphore_mem>>)
        } else {
        }
        %dma_start3A = arith.constant 0 : i32
        %dma_start3A_99 = arith.constant 0 : i32
        %dma_start3A_100 = arith.constant 0 : i32
        %dma_start3A_101 = tpu.memref_slice %arg5[%dma_start3A, %dma_start3A_99, %dma_start3A_100] : memref<8x2x128xi32, #tpu.memory_space<vmem>> -> memref<1x1x128xi32, #tpu.memory_space<vmem>>
        %dma_start3A_102 = tpu.memref_squeeze %dma_start3A_101 : memref<1x1x128xi32, #tpu.memory_space<vmem>> -> memref<128xi32, #tpu.memory_space<vmem>>
        %dma_start3A_103 = arith.constant 0 : i32
        %dma_start3A_104 = arith.constant 0 : i32
        %dma_start3A_105 = tpu.memref_slice %arg2[%dma_start3A_103, %dma_start3A_104] : memref<10000x128xf32, #tpu.memory_space<hbm>> -> memref<10000x128xf32, #tpu.memory_space<hbm>>
        tpu.enqueue_indirect_dma source(%dma_start3A_105 : memref<10000x128xf32, #tpu.memory_space<hbm>>) target(%arg7 : memref<128x128xf32, #tpu.memory_space<vmem>>) offsets(%dma_start3A_102 : memref<128xi32, #tpu.memory_space<vmem>>) semaphore(%arg11 : memref<!tpu.dma_semaphore, #tpu.memory_space<semaphore_mem>>)
        %dma_start3A_106 = arith.constant 1 : i32
        %dma_start3A_107 = arith.constant 0 : i32
        %dma_start3A_108 = arith.constant 0 : i32
        %dma_start3A_109 = tpu.memref_slice %arg5[%dma_start3A_106, %dma_start3A_107, %dma_start3A_108] : memref<8x2x128xi32, #tpu.memory_space<vmem>> -> memref<1x1x128xi32, #tpu.memory_space<vmem>>
        %dma_start3A_110 = tpu.memref_squeeze %dma_start3A_109 : memref<1x1x128xi32, #tpu.memory_space<vmem>> -> memref<128xi32, #tpu.memory_space<vmem>>
        %dma_start3A_111 = arith.constant 0 : i32
        %dma_start3A_112 = arith.constant 0 : i32
        %dma_start3A_113 = tpu.memref_slice %arg2[%dma_start3A_111, %dma_start3A_112] : memref<10000x128xf32, #tpu.memory_space<hbm>> -> memref<10000x128xf32, #tpu.memory_space<hbm>>
        tpu.enqueue_indirect_dma source(%dma_start3A_113 : memref<10000x128xf32, #tpu.memory_space<hbm>>) target(%arg8 : memref<128x128xf32, #tpu.memory_space<vmem>>) offsets(%dma_start3A_110 : memref<128xi32, #tpu.memory_space<vmem>>) semaphore(%arg12 : memref<!tpu.dma_semaphore, #tpu.memory_space<semaphore_mem>>)
        %dma_wait3A_114 = arith.constant 0 : i32
        %dma_wait3A_115 = arith.constant 0 : i32
        %dma_wait3A_116 = arith.constant 0 : i32
        %dma_wait3A_117 = tpu.memref_slice %arg5[%dma_wait3A_114, %dma_wait3A_115, %dma_wait3A_116] : memref<8x2x128xi32, #tpu.memory_space<vmem>> -> memref<1x1x128xi32, #tpu.memory_space<vmem>>
        %dma_wait3A_118 = tpu.memref_squeeze %dma_wait3A_117 : memref<1x1x128xi32, #tpu.memory_space<vmem>> -> memref<128xi32, #tpu.memory_space<vmem>>
        %dma_wait3A_119 = arith.constant 0 : i32
        %dma_wait3A_120 = arith.constant 0 : i32
        %dma_wait3A_121 = tpu.memref_slice %arg2[%dma_wait3A_119, %dma_wait3A_120] : memref<10000x128xf32, #tpu.memory_space<hbm>> -> memref<10000x128xf32, #tpu.memory_space<hbm>>
        tpu.wait_indirect_dma semaphore(%arg11 : memref<!tpu.dma_semaphore, #tpu.memory_space<semaphore_mem>>) src(%dma_wait3A_121 : memref<10000x128xf32, #tpu.memory_space<hbm>>) dst(%arg7 : memref<128x128xf32, #tpu.memory_space<vmem>>)
        %run_scoped3A = arith.constant 0 : i32
        %run_scoped3A_122 = arith.constant 1 : i32
        "tpu.region"() ({
          %run_scoped3A_241 = tpu.sem_alloc : memref<!tpu.dma_semaphore, #tpu.memory_space<semaphore_mem>>
          %dma_start3A_242 = arith.constant 0 : i32
          %dma_start3A_243 = tpu.memref_slice %arg5[%run_scoped3A, %run_scoped3A_122, %dma_start3A_242] : memref<8x2x128xi32, #tpu.memory_space<vmem>> -> memref<1x1x128xi32, #tpu.memory_space<vmem>>
          %dma_start3A_244 = tpu.memref_squeeze %dma_start3A_243 : memref<1x1x128xi32, #tpu.memory_space<vmem>> -> memref<128xi32, #tpu.memory_space<vmem>>
          %dma_start3A_245 = arith.constant 0 : i32
          %dma_start3A_246 = arith.constant 0 : i32
          %dma_start3A_247 = tpu.memref_slice %arg13[%dma_start3A_245, %dma_start3A_246] : memref<10112x128xf32, #tpu.memory_space<vmem_shared>> -> memref<10112x128xf32, #tpu.memory_space<vmem_shared>>
          tpu.enqueue_indirect_dma source(%arg7 : memref<128x128xf32, #tpu.memory_space<vmem>>) target(%dma_start3A_247 : memref<10112x128xf32, #tpu.memory_space<vmem_shared>>) offsets(%dma_start3A_244 : memref<128xi32, #tpu.memory_space<vmem>>) semaphore(%run_scoped3A_241 : memref<!tpu.dma_semaphore, #tpu.memory_space<semaphore_mem>>) {add = true}
          %dma_wait3A_248 = arith.constant 0 : i32
          %dma_wait3A_249 = tpu.memref_slice %arg5[%run_scoped3A, %run_scoped3A_122, %dma_wait3A_248] : memref<8x2x128xi32, #tpu.memory_space<vmem>> -> memref<1x1x128xi32, #tpu.memory_space<vmem>>
          %dma_wait3A_250 = tpu.memref_squeeze %dma_wait3A_249 : memref<1x1x128xi32, #tpu.memory_space<vmem>> -> memref<128xi32, #tpu.memory_space<vmem>>
          %dma_wait3A_251 = arith.constant 0 : i32
          %dma_wait3A_252 = arith.constant 0 : i32
          %dma_wait3A_253 = tpu.memref_slice %arg13[%dma_wait3A_251, %dma_wait3A_252] : memref<10112x128xf32, #tpu.memory_space<vmem_shared>> -> memref<10112x128xf32, #tpu.memory_space<vmem_shared>>
          tpu.wait_indirect_dma semaphore(%run_scoped3A_241 : memref<!tpu.dma_semaphore, #tpu.memory_space<semaphore_mem>>) src(%arg7 : memref<128x128xf32, #tpu.memory_space<vmem>>) dst(%dma_wait3A_253 : memref<10112x128xf32, #tpu.memory_space<vmem_shared>>)
          tpu.yield
        }) : () -> ()
        %dma_start3A_123 = arith.constant 2 : i32
        %dma_start3A_124 = arith.constant 0 : i32
        %dma_start3A_125 = arith.constant 0 : i32
        %dma_start3A_126 = tpu.memref_slice %arg5[%dma_start3A_123, %dma_start3A_124, %dma_start3A_125] : memref<8x2x128xi32, #tpu.memory_space<vmem>> -> memref<1x1x128xi32, #tpu.memory_space<vmem>>
        %dma_start3A_127 = tpu.memref_squeeze %dma_start3A_126 : memref<1x1x128xi32, #tpu.memory_space<vmem>> -> memref<128xi32, #tpu.memory_space<vmem>>
        %dma_start3A_128 = arith.constant 0 : i32
        %dma_start3A_129 = arith.constant 0 : i32
        %dma_start3A_130 = tpu.memref_slice %arg2[%dma_start3A_128, %dma_start3A_129] : memref<10000x128xf32, #tpu.memory_space<hbm>> -> memref<10000x128xf32, #tpu.memory_space<hbm>>
        tpu.enqueue_indirect_dma source(%dma_start3A_130 : memref<10000x128xf32, #tpu.memory_space<hbm>>) target(%arg7 : memref<128x128xf32, #tpu.memory_space<vmem>>) offsets(%dma_start3A_127 : memref<128xi32, #tpu.memory_space<vmem>>) semaphore(%arg11 : memref<!tpu.dma_semaphore, #tpu.memory_space<semaphore_mem>>)
        %dma_wait3A_131 = arith.constant 1 : i32
        %dma_wait3A_132 = arith.constant 0 : i32
        %dma_wait3A_133 = arith.constant 0 : i32
        %dma_wait3A_134 = tpu.memref_slice %arg5[%dma_wait3A_131, %dma_wait3A_132, %dma_wait3A_133] : memref<8x2x128xi32, #tpu.memory_space<vmem>> -> memref<1x1x128xi32, #tpu.memory_space<vmem>>
        %dma_wait3A_135 = tpu.memref_squeeze %dma_wait3A_134 : memref<1x1x128xi32, #tpu.memory_space<vmem>> -> memref<128xi32, #tpu.memory_space<vmem>>
        %dma_wait3A_136 = arith.constant 0 : i32
        %dma_wait3A_137 = arith.constant 0 : i32
        %dma_wait3A_138 = tpu.memref_slice %arg2[%dma_wait3A_136, %dma_wait3A_137] : memref<10000x128xf32, #tpu.memory_space<hbm>> -> memref<10000x128xf32, #tpu.memory_space<hbm>>
        tpu.wait_indirect_dma semaphore(%arg12 : memref<!tpu.dma_semaphore, #tpu.memory_space<semaphore_mem>>) src(%dma_wait3A_138 : memref<10000x128xf32, #tpu.memory_space<hbm>>) dst(%arg8 : memref<128x128xf32, #tpu.memory_space<vmem>>)
        %run_scoped3A_139 = arith.constant 1 : i32
        %run_scoped3A_140 = arith.constant 1 : i32
        "tpu.region"() ({
          %run_scoped3A_241 = tpu.sem_alloc : memref<!tpu.dma_semaphore, #tpu.memory_space<semaphore_mem>>
          %dma_start3A_242 = arith.constant 0 : i32
          %dma_start3A_243 = tpu.memref_slice %arg5[%run_scoped3A_139, %run_scoped3A_140, %dma_start3A_242] : memref<8x2x128xi32, #tpu.memory_space<vmem>> -> memref<1x1x128xi32, #tpu.memory_space<vmem>>
          %dma_start3A_244 = tpu.memref_squeeze %dma_start3A_243 : memref<1x1x128xi32, #tpu.memory_space<vmem>> -> memref<128xi32, #tpu.memory_space<vmem>>
          %dma_start3A_245 = arith.constant 0 : i32
          %dma_start3A_246 = arith.constant 0 : i32
          %dma_start3A_247 = tpu.memref_slice %arg13[%dma_start3A_245, %dma_start3A_246] : memref<10112x128xf32, #tpu.memory_space<vmem_shared>> -> memref<10112x128xf32, #tpu.memory_space<vmem_shared>>
          tpu.enqueue_indirect_dma source(%arg8 : memref<128x128xf32, #tpu.memory_space<vmem>>) target(%dma_start3A_247 : memref<10112x128xf32, #tpu.memory_space<vmem_shared>>) offsets(%dma_start3A_244 : memref<128xi32, #tpu.memory_space<vmem>>) semaphore(%run_scoped3A_241 : memref<!tpu.dma_semaphore, #tpu.memory_space<semaphore_mem>>) {add = true}
          %dma_wait3A_248 = arith.constant 0 : i32
          %dma_wait3A_249 = tpu.memref_slice %arg5[%run_scoped3A_139, %run_scoped3A_140, %dma_wait3A_248] : memref<8x2x128xi32, #tpu.memory_space<vmem>> -> memref<1x1x128xi32, #tpu.memory_space<vmem>>
          %dma_wait3A_250 = tpu.memref_squeeze %dma_wait3A_249 : memref<1x1x128xi32, #tpu.memory_space<vmem>> -> memref<128xi32, #tpu.memory_space<vmem>>
          %dma_wait3A_251 = arith.constant 0 : i32
          %dma_wait3A_252 = arith.constant 0 : i32
          %dma_wait3A_253 = tpu.memref_slice %arg13[%dma_wait3A_251, %dma_wait3A_252] : memref<10112x128xf32, #tpu.memory_space<vmem_shared>> -> memref<10112x128xf32, #tpu.memory_space<vmem_shared>>
          tpu.wait_indirect_dma semaphore(%run_scoped3A_241 : memref<!tpu.dma_semaphore, #tpu.memory_space<semaphore_mem>>) src(%arg8 : memref<128x128xf32, #tpu.memory_space<vmem>>) dst(%dma_wait3A_253 : memref<10112x128xf32, #tpu.memory_space<vmem_shared>>)
          tpu.yield
        }) : () -> ()
        %dma_start3A_141 = arith.constant 3 : i32
        %dma_start3A_142 = arith.constant 0 : i32
        %dma_start3A_143 = arith.constant 0 : i32
        %dma_start3A_144 = tpu.memref_slice %arg5[%dma_start3A_141, %dma_start3A_142, %dma_start3A_143] : memref<8x2x128xi32, #tpu.memory_space<vmem>> -> memref<1x1x128xi32, #tpu.memory_space<vmem>>
        %dma_start3A_145 = tpu.memref_squeeze %dma_start3A_144 : memref<1x1x128xi32, #tpu.memory_space<vmem>> -> memref<128xi32, #tpu.memory_space<vmem>>
        %dma_start3A_146 = arith.constant 0 : i32
        %dma_start3A_147 = arith.constant 0 : i32
        %dma_start3A_148 = tpu.memref_slice %arg2[%dma_start3A_146, %dma_start3A_147] : memref<10000x128xf32, #tpu.memory_space<hbm>> -> memref<10000x128xf32, #tpu.memory_space<hbm>>
        tpu.enqueue_indirect_dma source(%dma_start3A_148 : memref<10000x128xf32, #tpu.memory_space<hbm>>) target(%arg8 : memref<128x128xf32, #tpu.memory_space<vmem>>) offsets(%dma_start3A_145 : memref<128xi32, #tpu.memory_space<vmem>>) semaphore(%arg12 : memref<!tpu.dma_semaphore, #tpu.memory_space<semaphore_mem>>)
        %dma_wait3A_149 = arith.constant 2 : i32
        %dma_wait3A_150 = arith.constant 0 : i32
        %dma_wait3A_151 = arith.constant 0 : i32
        %dma_wait3A_152 = tpu.memref_slice %arg5[%dma_wait3A_149, %dma_wait3A_150, %dma_wait3A_151] : memref<8x2x128xi32, #tpu.memory_space<vmem>> -> memref<1x1x128xi32, #tpu.memory_space<vmem>>
        %dma_wait3A_153 = tpu.memref_squeeze %dma_wait3A_152 : memref<1x1x128xi32, #tpu.memory_space<vmem>> -> memref<128xi32, #tpu.memory_space<vmem>>
        %dma_wait3A_154 = arith.constant 0 : i32
        %dma_wait3A_155 = arith.constant 0 : i32
        %dma_wait3A_156 = tpu.memref_slice %arg2[%dma_wait3A_154, %dma_wait3A_155] : memref<10000x128xf32, #tpu.memory_space<hbm>> -> memref<10000x128xf32, #tpu.memory_space<hbm>>
        tpu.wait_indirect_dma semaphore(%arg11 : memref<!tpu.dma_semaphore, #tpu.memory_space<semaphore_mem>>) src(%dma_wait3A_156 : memref<10000x128xf32, #tpu.memory_space<hbm>>) dst(%arg7 : memref<128x128xf32, #tpu.memory_space<vmem>>)
        %run_scoped3A_157 = arith.constant 2 : i32
        %run_scoped3A_158 = arith.constant 1 : i32
        "tpu.region"() ({
          %run_scoped3A_241 = tpu.sem_alloc : memref<!tpu.dma_semaphore, #tpu.memory_space<semaphore_mem>>
          %dma_start3A_242 = arith.constant 0 : i32
          %dma_start3A_243 = tpu.memref_slice %arg5[%run_scoped3A_157, %run_scoped3A_158, %dma_start3A_242] : memref<8x2x128xi32, #tpu.memory_space<vmem>> -> memref<1x1x128xi32, #tpu.memory_space<vmem>>
          %dma_start3A_244 = tpu.memref_squeeze %dma_start3A_243 : memref<1x1x128xi32, #tpu.memory_space<vmem>> -> memref<128xi32, #tpu.memory_space<vmem>>
          %dma_start3A_245 = arith.constant 0 : i32
          %dma_start3A_246 = arith.constant 0 : i32
          %dma_start3A_247 = tpu.memref_slice %arg13[%dma_start3A_245, %dma_start3A_246] : memref<10112x128xf32, #tpu.memory_space<vmem_shared>> -> memref<10112x128xf32, #tpu.memory_space<vmem_shared>>
          tpu.enqueue_indirect_dma source(%arg7 : memref<128x128xf32, #tpu.memory_space<vmem>>) target(%dma_start3A_247 : memref<10112x128xf32, #tpu.memory_space<vmem_shared>>) offsets(%dma_start3A_244 : memref<128xi32, #tpu.memory_space<vmem>>) semaphore(%run_scoped3A_241 : memref<!tpu.dma_semaphore, #tpu.memory_space<semaphore_mem>>) {add = true}
          %dma_wait3A_248 = arith.constant 0 : i32
          %dma_wait3A_249 = tpu.memref_slice %arg5[%run_scoped3A_157, %run_scoped3A_158, %dma_wait3A_248] : memref<8x2x128xi32, #tpu.memory_space<vmem>> -> memref<1x1x128xi32, #tpu.memory_space<vmem>>
          %dma_wait3A_250 = tpu.memref_squeeze %dma_wait3A_249 : memref<1x1x128xi32, #tpu.memory_space<vmem>> -> memref<128xi32, #tpu.memory_space<vmem>>
          %dma_wait3A_251 = arith.constant 0 : i32
          %dma_wait3A_252 = arith.constant 0 : i32
          %dma_wait3A_253 = tpu.memref_slice %arg13[%dma_wait3A_251, %dma_wait3A_252] : memref<10112x128xf32, #tpu.memory_space<vmem_shared>> -> memref<10112x128xf32, #tpu.memory_space<vmem_shared>>
          tpu.wait_indirect_dma semaphore(%run_scoped3A_241 : memref<!tpu.dma_semaphore, #tpu.memory_space<semaphore_mem>>) src(%arg7 : memref<128x128xf32, #tpu.memory_space<vmem>>) dst(%dma_wait3A_253 : memref<10112x128xf32, #tpu.memory_space<vmem_shared>>)
          tpu.yield
        }) : () -> ()
        %dma_start3A_159 = arith.constant 4 : i32
        %dma_start3A_160 = arith.constant 0 : i32
        %dma_start3A_161 = arith.constant 0 : i32
        %dma_start3A_162 = tpu.memref_slice %arg5[%dma_start3A_159, %dma_start3A_160, %dma_start3A_161] : memref<8x2x128xi32, #tpu.memory_space<vmem>> -> memref<1x1x128xi32, #tpu.memory_space<vmem>>
        %dma_start3A_163 = tpu.memref_squeeze %dma_start3A_162 : memref<1x1x128xi32, #tpu.memory_space<vmem>> -> memref<128xi32, #tpu.memory_space<vmem>>
        %dma_start3A_164 = arith.constant 0 : i32
        %dma_start3A_165 = arith.constant 0 : i32
        %dma_start3A_166 = tpu.memref_slice %arg2[%dma_start3A_164, %dma_start3A_165] : memref<10000x128xf32, #tpu.memory_space<hbm>> -> memref<10000x128xf32, #tpu.memory_space<hbm>>
        tpu.enqueue_indirect_dma source(%dma_start3A_166 : memref<10000x128xf32, #tpu.memory_space<hbm>>) target(%arg7 : memref<128x128xf32, #tpu.memory_space<vmem>>) offsets(%dma_start3A_163 : memref<128xi32, #tpu.memory_space<vmem>>) semaphore(%arg11 : memref<!tpu.dma_semaphore, #tpu.memory_space<semaphore_mem>>)
        %dma_wait3A_167 = arith.constant 3 : i32
        %dma_wait3A_168 = arith.constant 0 : i32
        %dma_wait3A_169 = arith.constant 0 : i32
        %dma_wait3A_170 = tpu.memref_slice %arg5[%dma_wait3A_167, %dma_wait3A_168, %dma_wait3A_169] : memref<8x2x128xi32, #tpu.memory_space<vmem>> -> memref<1x1x128xi32, #tpu.memory_space<vmem>>
        %dma_wait3A_171 = tpu.memref_squeeze %dma_wait3A_170 : memref<1x1x128xi32, #tpu.memory_space<vmem>> -> memref<128xi32, #tpu.memory_space<vmem>>
        %dma_wait3A_172 = arith.constant 0 : i32
        %dma_wait3A_173 = arith.constant 0 : i32
        %dma_wait3A_174 = tpu.memref_slice %arg2[%dma_wait3A_172, %dma_wait3A_173] : memref<10000x128xf32, #tpu.memory_space<hbm>> -> memref<10000x128xf32, #tpu.memory_space<hbm>>
        tpu.wait_indirect_dma semaphore(%arg12 : memref<!tpu.dma_semaphore, #tpu.memory_space<semaphore_mem>>) src(%dma_wait3A_174 : memref<10000x128xf32, #tpu.memory_space<hbm>>) dst(%arg8 : memref<128x128xf32, #tpu.memory_space<vmem>>)
        %run_scoped3A_175 = arith.constant 3 : i32
        %run_scoped3A_176 = arith.constant 1 : i32
        "tpu.region"() ({
          %run_scoped3A_241 = tpu.sem_alloc : memref<!tpu.dma_semaphore, #tpu.memory_space<semaphore_mem>>
          %dma_start3A_242 = arith.constant 0 : i32
          %dma_start3A_243 = tpu.memref_slice %arg5[%run_scoped3A_175, %run_scoped3A_176, %dma_start3A_242] : memref<8x2x128xi32, #tpu.memory_space<vmem>> -> memref<1x1x128xi32, #tpu.memory_space<vmem>>
          %dma_start3A_244 = tpu.memref_squeeze %dma_start3A_243 : memref<1x1x128xi32, #tpu.memory_space<vmem>> -> memref<128xi32, #tpu.memory_space<vmem>>
          %dma_start3A_245 = arith.constant 0 : i32
          %dma_start3A_246 = arith.constant 0 : i32
          %dma_start3A_247 = tpu.memref_slice %arg13[%dma_start3A_245, %dma_start3A_246] : memref<10112x128xf32, #tpu.memory_space<vmem_shared>> -> memref<10112x128xf32, #tpu.memory_space<vmem_shared>>
          tpu.enqueue_indirect_dma source(%arg8 : memref<128x128xf32, #tpu.memory_space<vmem>>) target(%dma_start3A_247 : memref<10112x128xf32, #tpu.memory_space<vmem_shared>>) offsets(%dma_start3A_244 : memref<128xi32, #tpu.memory_space<vmem>>) semaphore(%run_scoped3A_241 : memref<!tpu.dma_semaphore, #tpu.memory_space<semaphore_mem>>) {add = true}
          %dma_wait3A_248 = arith.constant 0 : i32
          %dma_wait3A_249 = tpu.memref_slice %arg5[%run_scoped3A_175, %run_scoped3A_176, %dma_wait3A_248] : memref<8x2x128xi32, #tpu.memory_space<vmem>> -> memref<1x1x128xi32, #tpu.memory_space<vmem>>
          %dma_wait3A_250 = tpu.memref_squeeze %dma_wait3A_249 : memref<1x1x128xi32, #tpu.memory_space<vmem>> -> memref<128xi32, #tpu.memory_space<vmem>>
          %dma_wait3A_251 = arith.constant 0 : i32
          %dma_wait3A_252 = arith.constant 0 : i32
          %dma_wait3A_253 = tpu.memref_slice %arg13[%dma_wait3A_251, %dma_wait3A_252] : memref<10112x128xf32, #tpu.memory_space<vmem_shared>> -> memref<10112x128xf32, #tpu.memory_space<vmem_shared>>
          tpu.wait_indirect_dma semaphore(%run_scoped3A_241 : memref<!tpu.dma_semaphore, #tpu.memory_space<semaphore_mem>>) src(%arg8 : memref<128x128xf32, #tpu.memory_space<vmem>>) dst(%dma_wait3A_253 : memref<10112x128xf32, #tpu.memory_space<vmem_shared>>)
          tpu.yield
        }) : () -> ()
        %dma_start3A_177 = arith.constant 5 : i32
        %dma_start3A_178 = arith.constant 0 : i32
        %dma_start3A_179 = arith.constant 0 : i32
        %dma_start3A_180 = tpu.memref_slice %arg5[%dma_start3A_177, %dma_start3A_178, %dma_start3A_179] : memref<8x2x128xi32, #tpu.memory_space<vmem>> -> memref<1x1x128xi32, #tpu.memory_space<vmem>>
        %dma_start3A_181 = tpu.memref_squeeze %dma_start3A_180 : memref<1x1x128xi32, #tpu.memory_space<vmem>> -> memref<128xi32, #tpu.memory_space<vmem>>
        %dma_start3A_182 = arith.constant 0 : i32
        %dma_start3A_183 = arith.constant 0 : i32
        %dma_start3A_184 = tpu.memref_slice %arg2[%dma_start3A_182, %dma_start3A_183] : memref<10000x128xf32, #tpu.memory_space<hbm>> -> memref<10000x128xf32, #tpu.memory_space<hbm>>
        tpu.enqueue_indirect_dma source(%dma_start3A_184 : memref<10000x128xf32, #tpu.memory_space<hbm>>) target(%arg8 : memref<128x128xf32, #tpu.memory_space<vmem>>) offsets(%dma_start3A_181 : memref<128xi32, #tpu.memory_space<vmem>>) semaphore(%arg12 : memref<!tpu.dma_semaphore, #tpu.memory_space<semaphore_mem>>)
        %dma_wait3A_185 = arith.constant 4 : i32
        %dma_wait3A_186 = arith.constant 0 : i32
        %dma_wait3A_187 = arith.constant 0 : i32
        %dma_wait3A_188 = tpu.memref_slice %arg5[%dma_wait3A_185, %dma_wait3A_186, %dma_wait3A_187] : memref<8x2x128xi32, #tpu.memory_space<vmem>> -> memref<1x1x128xi32, #tpu.memory_space<vmem>>
        %dma_wait3A_189 = tpu.memref_squeeze %dma_wait3A_188 : memref<1x1x128xi32, #tpu.memory_space<vmem>> -> memref<128xi32, #tpu.memory_space<vmem>>
        %dma_wait3A_190 = arith.constant 0 : i32
        %dma_wait3A_191 = arith.constant 0 : i32
        %dma_wait3A_192 = tpu.memref_slice %arg2[%dma_wait3A_190, %dma_wait3A_191] : memref<10000x128xf32, #tpu.memory_space<hbm>> -> memref<10000x128xf32, #tpu.memory_space<hbm>>
        tpu.wait_indirect_dma semaphore(%arg11 : memref<!tpu.dma_semaphore, #tpu.memory_space<semaphore_mem>>) src(%dma_wait3A_192 : memref<10000x128xf32, #tpu.memory_space<hbm>>) dst(%arg7 : memref<128x128xf32, #tpu.memory_space<vmem>>)
        %run_scoped3A_193 = arith.constant 4 : i32
        %run_scoped3A_194 = arith.constant 1 : i32
        "tpu.region"() ({
          %run_scoped3A_241 = tpu.sem_alloc : memref<!tpu.dma_semaphore, #tpu.memory_space<semaphore_mem>>
          %dma_start3A_242 = arith.constant 0 : i32
          %dma_start3A_243 = tpu.memref_slice %arg5[%run_scoped3A_193, %run_scoped3A_194, %dma_start3A_242] : memref<8x2x128xi32, #tpu.memory_space<vmem>> -> memref<1x1x128xi32, #tpu.memory_space<vmem>>
          %dma_start3A_244 = tpu.memref_squeeze %dma_start3A_243 : memref<1x1x128xi32, #tpu.memory_space<vmem>> -> memref<128xi32, #tpu.memory_space<vmem>>
          %dma_start3A_245 = arith.constant 0 : i32
          %dma_start3A_246 = arith.constant 0 : i32
          %dma_start3A_247 = tpu.memref_slice %arg13[%dma_start3A_245, %dma_start3A_246] : memref<10112x128xf32, #tpu.memory_space<vmem_shared>> -> memref<10112x128xf32, #tpu.memory_space<vmem_shared>>
          tpu.enqueue_indirect_dma source(%arg7 : memref<128x128xf32, #tpu.memory_space<vmem>>) target(%dma_start3A_247 : memref<10112x128xf32, #tpu.memory_space<vmem_shared>>) offsets(%dma_start3A_244 : memref<128xi32, #tpu.memory_space<vmem>>) semaphore(%run_scoped3A_241 : memref<!tpu.dma_semaphore, #tpu.memory_space<semaphore_mem>>) {add = true}
          %dma_wait3A_248 = arith.constant 0 : i32
          %dma_wait3A_249 = tpu.memref_slice %arg5[%run_scoped3A_193, %run_scoped3A_194, %dma_wait3A_248] : memref<8x2x128xi32, #tpu.memory_space<vmem>> -> memref<1x1x128xi32, #tpu.memory_space<vmem>>
          %dma_wait3A_250 = tpu.memref_squeeze %dma_wait3A_249 : memref<1x1x128xi32, #tpu.memory_space<vmem>> -> memref<128xi32, #tpu.memory_space<vmem>>
          %dma_wait3A_251 = arith.constant 0 : i32
          %dma_wait3A_252 = arith.constant 0 : i32
          %dma_wait3A_253 = tpu.memref_slice %arg13[%dma_wait3A_251, %dma_wait3A_252] : memref<10112x128xf32, #tpu.memory_space<vmem_shared>> -> memref<10112x128xf32, #tpu.memory_space<vmem_shared>>
          tpu.wait_indirect_dma semaphore(%run_scoped3A_241 : memref<!tpu.dma_semaphore, #tpu.memory_space<semaphore_mem>>) src(%arg7 : memref<128x128xf32, #tpu.memory_space<vmem>>) dst(%dma_wait3A_253 : memref<10112x128xf32, #tpu.memory_space<vmem_shared>>)
          tpu.yield
        }) : () -> ()
        %dma_start3A_195 = arith.constant 6 : i32
        %dma_start3A_196 = arith.constant 0 : i32
        %dma_start3A_197 = arith.constant 0 : i32
        %dma_start3A_198 = tpu.memref_slice %arg5[%dma_start3A_195, %dma_start3A_196, %dma_start3A_197] : memref<8x2x128xi32, #tpu.memory_space<vmem>> -> memref<1x1x128xi32, #tpu.memory_space<vmem>>
        %dma_start3A_199 = tpu.memref_squeeze %dma_start3A_198 : memref<1x1x128xi32, #tpu.memory_space<vmem>> -> memref<128xi32, #tpu.memory_space<vmem>>
        %dma_start3A_200 = arith.constant 0 : i32
        %dma_start3A_201 = arith.constant 0 : i32
        %dma_start3A_202 = tpu.memref_slice %arg2[%dma_start3A_200, %dma_start3A_201] : memref<10000x128xf32, #tpu.memory_space<hbm>> -> memref<10000x128xf32, #tpu.memory_space<hbm>>
        tpu.enqueue_indirect_dma source(%dma_start3A_202 : memref<10000x128xf32, #tpu.memory_space<hbm>>) target(%arg7 : memref<128x128xf32, #tpu.memory_space<vmem>>) offsets(%dma_start3A_199 : memref<128xi32, #tpu.memory_space<vmem>>) semaphore(%arg11 : memref<!tpu.dma_semaphore, #tpu.memory_space<semaphore_mem>>)
        %dma_wait3A_203 = arith.constant 5 : i32
        %dma_wait3A_204 = arith.constant 0 : i32
        %dma_wait3A_205 = arith.constant 0 : i32
        %dma_wait3A_206 = tpu.memref_slice %arg5[%dma_wait3A_203, %dma_wait3A_204, %dma_wait3A_205] : memref<8x2x128xi32, #tpu.memory_space<vmem>> -> memref<1x1x128xi32, #tpu.memory_space<vmem>>
        %dma_wait3A_207 = tpu.memref_squeeze %dma_wait3A_206 : memref<1x1x128xi32, #tpu.memory_space<vmem>> -> memref<128xi32, #tpu.memory_space<vmem>>
        %dma_wait3A_208 = arith.constant 0 : i32
        %dma_wait3A_209 = arith.constant 0 : i32
        %dma_wait3A_210 = tpu.memref_slice %arg2[%dma_wait3A_208, %dma_wait3A_209] : memref<10000x128xf32, #tpu.memory_space<hbm>> -> memref<10000x128xf32, #tpu.memory_space<hbm>>
        tpu.wait_indirect_dma semaphore(%arg12 : memref<!tpu.dma_semaphore, #tpu.memory_space<semaphore_mem>>) src(%dma_wait3A_210 : memref<10000x128xf32, #tpu.memory_space<hbm>>) dst(%arg8 : memref<128x128xf32, #tpu.memory_space<vmem>>)
        %run_scoped3A_211 = arith.constant 5 : i32
        %run_scoped3A_212 = arith.constant 1 : i32
        "tpu.region"() ({
          %run_scoped3A_241 = tpu.sem_alloc : memref<!tpu.dma_semaphore, #tpu.memory_space<semaphore_mem>>
          %dma_start3A_242 = arith.constant 0 : i32
          %dma_start3A_243 = tpu.memref_slice %arg5[%run_scoped3A_211, %run_scoped3A_212, %dma_start3A_242] : memref<8x2x128xi32, #tpu.memory_space<vmem>> -> memref<1x1x128xi32, #tpu.memory_space<vmem>>
          %dma_start3A_244 = tpu.memref_squeeze %dma_start3A_243 : memref<1x1x128xi32, #tpu.memory_space<vmem>> -> memref<128xi32, #tpu.memory_space<vmem>>
          %dma_start3A_245 = arith.constant 0 : i32
          %dma_start3A_246 = arith.constant 0 : i32
          %dma_start3A_247 = tpu.memref_slice %arg13[%dma_start3A_245, %dma_start3A_246] : memref<10112x128xf32, #tpu.memory_space<vmem_shared>> -> memref<10112x128xf32, #tpu.memory_space<vmem_shared>>
          tpu.enqueue_indirect_dma source(%arg8 : memref<128x128xf32, #tpu.memory_space<vmem>>) target(%dma_start3A_247 : memref<10112x128xf32, #tpu.memory_space<vmem_shared>>) offsets(%dma_start3A_244 : memref<128xi32, #tpu.memory_space<vmem>>) semaphore(%run_scoped3A_241 : memref<!tpu.dma_semaphore, #tpu.memory_space<semaphore_mem>>) {add = true}
          %dma_wait3A_248 = arith.constant 0 : i32
          %dma_wait3A_249 = tpu.memref_slice %arg5[%run_scoped3A_211, %run_scoped3A_212, %dma_wait3A_248] : memref<8x2x128xi32, #tpu.memory_space<vmem>> -> memref<1x1x128xi32, #tpu.memory_space<vmem>>
          %dma_wait3A_250 = tpu.memref_squeeze %dma_wait3A_249 : memref<1x1x128xi32, #tpu.memory_space<vmem>> -> memref<128xi32, #tpu.memory_space<vmem>>
          %dma_wait3A_251 = arith.constant 0 : i32
          %dma_wait3A_252 = arith.constant 0 : i32
          %dma_wait3A_253 = tpu.memref_slice %arg13[%dma_wait3A_251, %dma_wait3A_252] : memref<10112x128xf32, #tpu.memory_space<vmem_shared>> -> memref<10112x128xf32, #tpu.memory_space<vmem_shared>>
          tpu.wait_indirect_dma semaphore(%run_scoped3A_241 : memref<!tpu.dma_semaphore, #tpu.memory_space<semaphore_mem>>) src(%arg8 : memref<128x128xf32, #tpu.memory_space<vmem>>) dst(%dma_wait3A_253 : memref<10112x128xf32, #tpu.memory_space<vmem_shared>>)
          tpu.yield
        }) : () -> ()
        %dma_start3A_213 = arith.constant 7 : i32
        %dma_start3A_214 = arith.constant 0 : i32
        %dma_start3A_215 = arith.constant 0 : i32
        %dma_start3A_216 = tpu.memref_slice %arg5[%dma_start3A_213, %dma_start3A_214, %dma_start3A_215] : memref<8x2x128xi32, #tpu.memory_space<vmem>> -> memref<1x1x128xi32, #tpu.memory_space<vmem>>
        %dma_start3A_217 = tpu.memref_squeeze %dma_start3A_216 : memref<1x1x128xi32, #tpu.memory_space<vmem>> -> memref<128xi32, #tpu.memory_space<vmem>>
        %dma_start3A_218 = arith.constant 0 : i32
        %dma_start3A_219 = arith.constant 0 : i32
        %dma_start3A_220 = tpu.memref_slice %arg2[%dma_start3A_218, %dma_start3A_219] : memref<10000x128xf32, #tpu.memory_space<hbm>> -> memref<10000x128xf32, #tpu.memory_space<hbm>>
        tpu.enqueue_indirect_dma source(%dma_start3A_220 : memref<10000x128xf32, #tpu.memory_space<hbm>>) target(%arg8 : memref<128x128xf32, #tpu.memory_space<vmem>>) offsets(%dma_start3A_217 : memref<128xi32, #tpu.memory_space<vmem>>) semaphore(%arg12 : memref<!tpu.dma_semaphore, #tpu.memory_space<semaphore_mem>>)
        %dma_wait3A_221 = arith.constant 6 : i32
        %dma_wait3A_222 = arith.constant 0 : i32
        %dma_wait3A_223 = arith.constant 0 : i32
        %dma_wait3A_224 = tpu.memref_slice %arg5[%dma_wait3A_221, %dma_wait3A_222, %dma_wait3A_223] : memref<8x2x128xi32, #tpu.memory_space<vmem>> -> memref<1x1x128xi32, #tpu.memory_space<vmem>>
        %dma_wait3A_225 = tpu.memref_squeeze %dma_wait3A_224 : memref<1x1x128xi32, #tpu.memory_space<vmem>> -> memref<128xi32, #tpu.memory_space<vmem>>
        %dma_wait3A_226 = arith.constant 0 : i32
        %dma_wait3A_227 = arith.constant 0 : i32
        %dma_wait3A_228 = tpu.memref_slice %arg2[%dma_wait3A_226, %dma_wait3A_227] : memref<10000x128xf32, #tpu.memory_space<hbm>> -> memref<10000x128xf32, #tpu.memory_space<hbm>>
        tpu.wait_indirect_dma semaphore(%arg11 : memref<!tpu.dma_semaphore, #tpu.memory_space<semaphore_mem>>) src(%dma_wait3A_228 : memref<10000x128xf32, #tpu.memory_space<hbm>>) dst(%arg7 : memref<128x128xf32, #tpu.memory_space<vmem>>)
        %run_scoped3A_229 = arith.constant 6 : i32
        %run_scoped3A_230 = arith.constant 1 : i32
        "tpu.region"() ({
          %run_scoped3A_241 = tpu.sem_alloc : memref<!tpu.dma_semaphore, #tpu.memory_space<semaphore_mem>>
          %dma_start3A_242 = arith.constant 0 : i32
          %dma_start3A_243 = tpu.memref_slice %arg5[%run_scoped3A_229, %run_scoped3A_230, %dma_start3A_242] : memref<8x2x128xi32, #tpu.memory_space<vmem>> -> memref<1x1x128xi32, #tpu.memory_space<vmem>>
          %dma_start3A_244 = tpu.memref_squeeze %dma_start3A_243 : memref<1x1x128xi32, #tpu.memory_space<vmem>> -> memref<128xi32, #tpu.memory_space<vmem>>
          %dma_start3A_245 = arith.constant 0 : i32
          %dma_start3A_246 = arith.constant 0 : i32
          %dma_start3A_247 = tpu.memref_slice %arg13[%dma_start3A_245, %dma_start3A_246] : memref<10112x128xf32, #tpu.memory_space<vmem_shared>> -> memref<10112x128xf32, #tpu.memory_space<vmem_shared>>
          tpu.enqueue_indirect_dma source(%arg7 : memref<128x128xf32, #tpu.memory_space<vmem>>) target(%dma_start3A_247 : memref<10112x128xf32, #tpu.memory_space<vmem_shared>>) offsets(%dma_start3A_244 : memref<128xi32, #tpu.memory_space<vmem>>) semaphore(%run_scoped3A_241 : memref<!tpu.dma_semaphore, #tpu.memory_space<semaphore_mem>>) {add = true}
          %dma_wait3A_248 = arith.constant 0 : i32
          %dma_wait3A_249 = tpu.memref_slice %arg5[%run_scoped3A_229, %run_scoped3A_230, %dma_wait3A_248] : memref<8x2x128xi32, #tpu.memory_space<vmem>> -> memref<1x1x128xi32, #tpu.memory_space<vmem>>
          %dma_wait3A_250 = tpu.memref_squeeze %dma_wait3A_249 : memref<1x1x128xi32, #tpu.memory_space<vmem>> -> memref<128xi32, #tpu.memory_space<vmem>>
          %dma_wait3A_251 = arith.constant 0 : i32
          %dma_wait3A_252 = arith.constant 0 : i32
          %dma_wait3A_253 = tpu.memref_slice %arg13[%dma_wait3A_251, %dma_wait3A_252] : memref<10112x128xf32, #tpu.memory_space<vmem_shared>> -> memref<10112x128xf32, #tpu.memory_space<vmem_shared>>
          tpu.wait_indirect_dma semaphore(%run_scoped3A_241 : memref<!tpu.dma_semaphore, #tpu.memory_space<semaphore_mem>>) src(%arg7 : memref<128x128xf32, #tpu.memory_space<vmem>>) dst(%dma_wait3A_253 : memref<10112x128xf32, #tpu.memory_space<vmem_shared>>)
          tpu.yield
        }) : () -> ()
        %dma_wait3A_231 = arith.constant 7 : i32
        %dma_wait3A_232 = arith.constant 0 : i32
        %dma_wait3A_233 = arith.constant 0 : i32
        %dma_wait3A_234 = tpu.memref_slice %arg5[%dma_wait3A_231, %dma_wait3A_232, %dma_wait3A_233] : memref<8x2x128xi32, #tpu.memory_space<vmem>> -> memref<1x1x128xi32, #tpu.memory_space<vmem>>
        %dma_wait3A_235 = tpu.memref_squeeze %dma_wait3A_234 : memref<1x1x128xi32, #tpu.memory_space<vmem>> -> memref<128xi32, #tpu.memory_space<vmem>>
        %dma_wait3A_236 = arith.constant 0 : i32
        %dma_wait3A_237 = arith.constant 0 : i32
        %dma_wait3A_238 = tpu.memref_slice %arg2[%dma_wait3A_236, %dma_wait3A_237] : memref<10000x128xf32, #tpu.memory_space<hbm>> -> memref<10000x128xf32, #tpu.memory_space<hbm>>
        tpu.wait_indirect_dma semaphore(%arg12 : memref<!tpu.dma_semaphore, #tpu.memory_space<semaphore_mem>>) src(%dma_wait3A_238 : memref<10000x128xf32, #tpu.memory_space<hbm>>) dst(%arg8 : memref<128x128xf32, #tpu.memory_space<vmem>>)
        %run_scoped3A_239 = arith.constant 7 : i32
        %run_scoped3A_240 = arith.constant 1 : i32
        "tpu.region"() ({
          %run_scoped3A_241 = tpu.sem_alloc : memref<!tpu.dma_semaphore, #tpu.memory_space<semaphore_mem>>
          %dma_start3A_242 = arith.constant 0 : i32
          %dma_start3A_243 = tpu.memref_slice %arg5[%run_scoped3A_239, %run_scoped3A_240, %dma_start3A_242] : memref<8x2x128xi32, #tpu.memory_space<vmem>> -> memref<1x1x128xi32, #tpu.memory_space<vmem>>
          %dma_start3A_244 = tpu.memref_squeeze %dma_start3A_243 : memref<1x1x128xi32, #tpu.memory_space<vmem>> -> memref<128xi32, #tpu.memory_space<vmem>>
          %dma_start3A_245 = arith.constant 0 : i32
          %dma_start3A_246 = arith.constant 0 : i32
          %dma_start3A_247 = tpu.memref_slice %arg13[%dma_start3A_245, %dma_start3A_246] : memref<10112x128xf32, #tpu.memory_space<vmem_shared>> -> memref<10112x128xf32, #tpu.memory_space<vmem_shared>>
          tpu.enqueue_indirect_dma source(%arg8 : memref<128x128xf32, #tpu.memory_space<vmem>>) target(%dma_start3A_247 : memref<10112x128xf32, #tpu.memory_space<vmem_shared>>) offsets(%dma_start3A_244 : memref<128xi32, #tpu.memory_space<vmem>>) semaphore(%run_scoped3A_241 : memref<!tpu.dma_semaphore, #tpu.memory_space<semaphore_mem>>) {add = true}
          %dma_wait3A_248 = arith.constant 0 : i32
          %dma_wait3A_249 = tpu.memref_slice %arg5[%run_scoped3A_239, %run_scoped3A_240, %dma_wait3A_248] : memref<8x2x128xi32, #tpu.memory_space<vmem>> -> memref<1x1x128xi32, #tpu.memory_space<vmem>>
          %dma_wait3A_250 = tpu.memref_squeeze %dma_wait3A_249 : memref<1x1x128xi32, #tpu.memory_space<vmem>> -> memref<128xi32, #tpu.memory_space<vmem>>
          %dma_wait3A_251 = arith.constant 0 : i32
          %dma_wait3A_252 = arith.constant 0 : i32
          %dma_wait3A_253 = tpu.memref_slice %arg13[%dma_wait3A_251, %dma_wait3A_252] : memref<10112x128xf32, #tpu.memory_space<vmem_shared>> -> memref<10112x128xf32, #tpu.memory_space<vmem_shared>>
          tpu.wait_indirect_dma semaphore(%run_scoped3A_241 : memref<!tpu.dma_semaphore, #tpu.memory_space<semaphore_mem>>) src(%arg8 : memref<128x128xf32, #tpu.memory_space<vmem>>) dst(%dma_wait3A_253 : memref<10112x128xf32, #tpu.memory_space<vmem_shared>>)
          tpu.yield
        }) : () -> ()
      } else {
      }
      %jit3A_63 = arith.constant 2 : i32
      %eq3A_64 = arith.constant 0 : i32
      %eq3A_65 = arith.cmpi eq, %jit3A_63, %eq3A_64 : i32
      %jit3A_66 = arith.constant 1 : i32
      %select_n3A_67 = arith.select %eq3A_65, %jit3A_66, %jit3A_63 : i32
      %rem3A_68 = arith.remsi %while3A_45, %select_n3A_67 : i32
      %ne3A_69 = arith.constant 0 : i32
      %ne3A_70 = arith.cmpi ne, %rem3A_68, %ne3A_69 : i32
      %lt3A_71 = arith.constant 0 : i32
      %lt3A_72 = arith.cmpi slt, %rem3A_68, %lt3A_71 : i32
      %lt3A_73 = arith.constant 0 : i32
      %lt3A_74 = arith.cmpi slt, %select_n3A_67, %lt3A_73 : i32
      %ne3A_75 = arith.xori %lt3A_72, %lt3A_74 : i1
      %and3A_76 = arith.andi %ne3A_75, %ne3A_70 : i1
      %add3A_77 = arith.addi %rem3A_68, %select_n3A_67 : i32
      %select_n3A_78 = arith.select %and3A_76, %add3A_77, %rem3A_68 : i32
      %eq3A_79 = arith.constant 1 : i32
      %eq3A_80 = arith.cmpi eq, %select_n3A_78, %eq3A_79 : i32
      %convert_element_type3A_81 = arith.extui %eq3A_80 : i1 to i32
      %cond3A_82 = arith.constant 0 : i32
      %cond3A_83 = arith.cmpi ne, %convert_element_type3A_81, %cond3A_82 : i32
      scf.if %cond3A_83 {
        %dma_wait3A = arith.constant 0 : i32
        %dma_wait3A_84 = arith.constant 0 : i32
        %dma_wait3A_85 = arith.constant 0 : i32
        %dma_wait3A_86 = tpu.memref_slice %arg3[%add3A, %dma_wait3A, %dma_wait3A_84, %dma_wait3A_85] : memref<32x128x2x128xi32, #tpu.memory_space<hbm>> -> memref<1x8x2x128xi32, #tpu.memory_space<hbm>>
        %dma_wait3A_87 = tpu.memref_squeeze %dma_wait3A_86 : memref<1x8x2x128xi32, #tpu.memory_space<hbm>> -> memref<8x2x128xi32, #tpu.memory_space<hbm>>
        %dma_wait3A_88 = arith.constant 0 : i32
        %dma_wait3A_89 = arith.constant 0 : i32
        %dma_wait3A_90 = arith.constant 0 : i32
        %dma_wait3A_91 = tpu.memref_slice %arg3[%add3A, %dma_wait3A_88, %dma_wait3A_89, %dma_wait3A_90] : memref<32x128x2x128xi32, #tpu.memory_space<hbm>> -> memref<1x8x2x128xi32, #tpu.memory_space<hbm>>
        %dma_wait3A_92 = tpu.memref_squeeze %dma_wait3A_91 : memref<1x8x2x128xi32, #tpu.memory_space<hbm>> -> memref<8x2x128xi32, #tpu.memory_space<hbm>>
        tpu.wait_dma2 semaphore(%arg10 : memref<!tpu.dma_semaphore, #tpu.memory_space<semaphore_mem>>) src(%dma_wait3A_92 : memref<8x2x128xi32, #tpu.memory_space<hbm>>) dst(%arg6 : memref<8x2x128xi32, #tpu.memory_space<vmem>>)
        %add3A_93 = arith.constant 1 : i32
        %add3A_94 = arith.addi %while3A_45, %add3A_93 : i32
        %lt3A_95 = arith.cmpi slt, %add3A_94, %select_n3A : i32
        %convert_element_type3A_96 = arith.extui %lt3A_95 : i1 to i32
        %cond3A_97 = arith.constant 0 : i32
        %cond3A_98 = arith.cmpi ne, %convert_element_type3A_96, %cond3A_97 : i32
        scf.if %cond3A_98 {
          %add3A_241 = arith.constant 1 : i32
          %add3A_242 = arith.addi %while3A_45, %add3A_241 : i32
          %mul3A_243 = arith.constant 8 : i32
          %mul3A_244 = arith.muli %add3A_242, %mul3A_243 : i32
          %dma_start3A_245 = arith.constant 0 : i32
          %dma_start3A_246 = arith.constant 0 : i32
          %dma_start3A_247 = tpu.memref_slice %arg3[%add3A, %mul3A_244, %dma_start3A_245, %dma_start3A_246] : memref<32x128x2x128xi32, #tpu.memory_space<hbm>> -> memref<1x8x2x128xi32, #tpu.memory_space<hbm>>
          %dma_start3A_248 = tpu.memref_squeeze %dma_start3A_247 : memref<1x8x2x128xi32, #tpu.memory_space<hbm>> -> memref<8x2x128xi32, #tpu.memory_space<hbm>>
          %dma_start3A_249 = arith.constant 0 : i32
          %dma_start3A_250 = arith.constant 0 : i32
          %dma_start3A_251 = tpu.memref_slice %arg3[%add3A, %mul3A_244, %dma_start3A_249, %dma_start3A_250] : memref<32x128x2x128xi32, #tpu.memory_space<hbm>> -> memref<1x8x2x128xi32, #tpu.memory_space<hbm>>
          %dma_start3A_252 = tpu.memref_squeeze %dma_start3A_251 : memref<1x8x2x128xi32, #tpu.memory_space<hbm>> -> memref<8x2x128xi32, #tpu.memory_space<hbm>>
          tpu.enqueue_dma source(%dma_start3A_252 : memref<8x2x128xi32, #tpu.memory_space<hbm>>) target(%arg5 : memref<8x2x128xi32, #tpu.memory_space<vmem>>) target_semaphore(%arg9 : memref<!tpu.dma_semaphore, #tpu.memory_space<semaphore_mem>>)
        } else {
        }
        %dma_start3A = arith.constant 0 : i32
        %dma_start3A_99 = arith.constant 0 : i32
        %dma_start3A_100 = arith.constant 0 : i32
        %dma_start3A_101 = tpu.memref_slice %arg6[%dma_start3A, %dma_start3A_99, %dma_start3A_100] : memref<8x2x128xi32, #tpu.memory_space<vmem>> -> memref<1x1x128xi32, #tpu.memory_space<vmem>>
        %dma_start3A_102 = tpu.memref_squeeze %dma_start3A_101 : memref<1x1x128xi32, #tpu.memory_space<vmem>> -> memref<128xi32, #tpu.memory_space<vmem>>
        %dma_start3A_103 = arith.constant 0 : i32
        %dma_start3A_104 = arith.constant 0 : i32
        %dma_start3A_105 = tpu.memref_slice %arg2[%dma_start3A_103, %dma_start3A_104] : memref<10000x128xf32, #tpu.memory_space<hbm>> -> memref<10000x128xf32, #tpu.memory_space<hbm>>
        tpu.enqueue_indirect_dma source(%dma_start3A_105 : memref<10000x128xf32, #tpu.memory_space<hbm>>) target(%arg7 : memref<128x128xf32, #tpu.memory_space<vmem>>) offsets(%dma_start3A_102 : memref<128xi32, #tpu.memory_space<vmem>>) semaphore(%arg11 : memref<!tpu.dma_semaphore, #tpu.memory_space<semaphore_mem>>)
        %dma_start3A_106 = arith.constant 1 : i32
        %dma_start3A_107 = arith.constant 0 : i32
        %dma_start3A_108 = arith.constant 0 : i32
        %dma_start3A_109 = tpu.memref_slice %arg6[%dma_start3A_106, %dma_start3A_107, %dma_start3A_108] : memref<8x2x128xi32, #tpu.memory_space<vmem>> -> memref<1x1x128xi32, #tpu.memory_space<vmem>>
        %dma_start3A_110 = tpu.memref_squeeze %dma_start3A_109 : memref<1x1x128xi32, #tpu.memory_space<vmem>> -> memref<128xi32, #tpu.memory_space<vmem>>
        %dma_start3A_111 = arith.constant 0 : i32
        %dma_start3A_112 = arith.constant 0 : i32
        %dma_start3A_113 = tpu.memref_slice %arg2[%dma_start3A_111, %dma_start3A_112] : memref<10000x128xf32, #tpu.memory_space<hbm>> -> memref<10000x128xf32, #tpu.memory_space<hbm>>
        tpu.enqueue_indirect_dma source(%dma_start3A_113 : memref<10000x128xf32, #tpu.memory_space<hbm>>) target(%arg8 : memref<128x128xf32, #tpu.memory_space<vmem>>) offsets(%dma_start3A_110 : memref<128xi32, #tpu.memory_space<vmem>>) semaphore(%arg12 : memref<!tpu.dma_semaphore, #tpu.memory_space<semaphore_mem>>)
        %dma_wait3A_114 = arith.constant 0 : i32
        %dma_wait3A_115 = arith.constant 0 : i32
        %dma_wait3A_116 = arith.constant 0 : i32
        %dma_wait3A_117 = tpu.memref_slice %arg6[%dma_wait3A_114, %dma_wait3A_115, %dma_wait3A_116] : memref<8x2x128xi32, #tpu.memory_space<vmem>> -> memref<1x1x128xi32, #tpu.memory_space<vmem>>
        %dma_wait3A_118 = tpu.memref_squeeze %dma_wait3A_117 : memref<1x1x128xi32, #tpu.memory_space<vmem>> -> memref<128xi32, #tpu.memory_space<vmem>>
        %dma_wait3A_119 = arith.constant 0 : i32
        %dma_wait3A_120 = arith.constant 0 : i32
        %dma_wait3A_121 = tpu.memref_slice %arg2[%dma_wait3A_119, %dma_wait3A_120] : memref<10000x128xf32, #tpu.memory_space<hbm>> -> memref<10000x128xf32, #tpu.memory_space<hbm>>
        tpu.wait_indirect_dma semaphore(%arg11 : memref<!tpu.dma_semaphore, #tpu.memory_space<semaphore_mem>>) src(%dma_wait3A_121 : memref<10000x128xf32, #tpu.memory_space<hbm>>) dst(%arg7 : memref<128x128xf32, #tpu.memory_space<vmem>>)
        %run_scoped3A = arith.constant 0 : i32
        %run_scoped3A_122 = arith.constant 1 : i32
        "tpu.region"() ({
          %run_scoped3A_241 = tpu.sem_alloc : memref<!tpu.dma_semaphore, #tpu.memory_space<semaphore_mem>>
          %dma_start3A_242 = arith.constant 0 : i32
          %dma_start3A_243 = tpu.memref_slice %arg6[%run_scoped3A, %run_scoped3A_122, %dma_start3A_242] : memref<8x2x128xi32, #tpu.memory_space<vmem>> -> memref<1x1x128xi32, #tpu.memory_space<vmem>>
          %dma_start3A_244 = tpu.memref_squeeze %dma_start3A_243 : memref<1x1x128xi32, #tpu.memory_space<vmem>> -> memref<128xi32, #tpu.memory_space<vmem>>
          %dma_start3A_245 = arith.constant 0 : i32
          %dma_start3A_246 = arith.constant 0 : i32
          %dma_start3A_247 = tpu.memref_slice %arg13[%dma_start3A_245, %dma_start3A_246] : memref<10112x128xf32, #tpu.memory_space<vmem_shared>> -> memref<10112x128xf32, #tpu.memory_space<vmem_shared>>
          tpu.enqueue_indirect_dma source(%arg7 : memref<128x128xf32, #tpu.memory_space<vmem>>) target(%dma_start3A_247 : memref<10112x128xf32, #tpu.memory_space<vmem_shared>>) offsets(%dma_start3A_244 : memref<128xi32, #tpu.memory_space<vmem>>) semaphore(%run_scoped3A_241 : memref<!tpu.dma_semaphore, #tpu.memory_space<semaphore_mem>>) {add = true}
          %dma_wait3A_248 = arith.constant 0 : i32
          %dma_wait3A_249 = tpu.memref_slice %arg6[%run_scoped3A, %run_scoped3A_122, %dma_wait3A_248] : memref<8x2x128xi32, #tpu.memory_space<vmem>> -> memref<1x1x128xi32, #tpu.memory_space<vmem>>
          %dma_wait3A_250 = tpu.memref_squeeze %dma_wait3A_249 : memref<1x1x128xi32, #tpu.memory_space<vmem>> -> memref<128xi32, #tpu.memory_space<vmem>>
          %dma_wait3A_251 = arith.constant 0 : i32
          %dma_wait3A_252 = arith.constant 0 : i32
          %dma_wait3A_253 = tpu.memref_slice %arg13[%dma_wait3A_251, %dma_wait3A_252] : memref<10112x128xf32, #tpu.memory_space<vmem_shared>> -> memref<10112x128xf32, #tpu.memory_space<vmem_shared>>
          tpu.wait_indirect_dma semaphore(%run_scoped3A_241 : memref<!tpu.dma_semaphore, #tpu.memory_space<semaphore_mem>>) src(%arg7 : memref<128x128xf32, #tpu.memory_space<vmem>>) dst(%dma_wait3A_253 : memref<10112x128xf32, #tpu.memory_space<vmem_shared>>)
          tpu.yield
        }) : () -> ()
        %dma_start3A_123 = arith.constant 2 : i32
        %dma_start3A_124 = arith.constant 0 : i32
        %dma_start3A_125 = arith.constant 0 : i32
        %dma_start3A_126 = tpu.memref_slice %arg6[%dma_start3A_123, %dma_start3A_124, %dma_start3A_125] : memref<8x2x128xi32, #tpu.memory_space<vmem>> -> memref<1x1x128xi32, #tpu.memory_space<vmem>>
        %dma_start3A_127 = tpu.memref_squeeze %dma_start3A_126 : memref<1x1x128xi32, #tpu.memory_space<vmem>> -> memref<128xi32, #tpu.memory_space<vmem>>
        %dma_start3A_128 = arith.constant 0 : i32
        %dma_start3A_129 = arith.constant 0 : i32
        %dma_start3A_130 = tpu.memref_slice %arg2[%dma_start3A_128, %dma_start3A_129] : memref<10000x128xf32, #tpu.memory_space<hbm>> -> memref<10000x128xf32, #tpu.memory_space<hbm>>
        tpu.enqueue_indirect_dma source(%dma_start3A_130 : memref<10000x128xf32, #tpu.memory_space<hbm>>) target(%arg7 : memref<128x128xf32, #tpu.memory_space<vmem>>) offsets(%dma_start3A_127 : memref<128xi32, #tpu.memory_space<vmem>>) semaphore(%arg11 : memref<!tpu.dma_semaphore, #tpu.memory_space<semaphore_mem>>)
        %dma_wait3A_131 = arith.constant 1 : i32
        %dma_wait3A_132 = arith.constant 0 : i32
        %dma_wait3A_133 = arith.constant 0 : i32
        %dma_wait3A_134 = tpu.memref_slice %arg6[%dma_wait3A_131, %dma_wait3A_132, %dma_wait3A_133] : memref<8x2x128xi32, #tpu.memory_space<vmem>> -> memref<1x1x128xi32, #tpu.memory_space<vmem>>
        %dma_wait3A_135 = tpu.memref_squeeze %dma_wait3A_134 : memref<1x1x128xi32, #tpu.memory_space<vmem>> -> memref<128xi32, #tpu.memory_space<vmem>>
        %dma_wait3A_136 = arith.constant 0 : i32
        %dma_wait3A_137 = arith.constant 0 : i32
        %dma_wait3A_138 = tpu.memref_slice %arg2[%dma_wait3A_136, %dma_wait3A_137] : memref<10000x128xf32, #tpu.memory_space<hbm>> -> memref<10000x128xf32, #tpu.memory_space<hbm>>
        tpu.wait_indirect_dma semaphore(%arg12 : memref<!tpu.dma_semaphore, #tpu.memory_space<semaphore_mem>>) src(%dma_wait3A_138 : memref<10000x128xf32, #tpu.memory_space<hbm>>) dst(%arg8 : memref<128x128xf32, #tpu.memory_space<vmem>>)
        %run_scoped3A_139 = arith.constant 1 : i32
        %run_scoped3A_140 = arith.constant 1 : i32
        "tpu.region"() ({
          %run_scoped3A_241 = tpu.sem_alloc : memref<!tpu.dma_semaphore, #tpu.memory_space<semaphore_mem>>
          %dma_start3A_242 = arith.constant 0 : i32
          %dma_start3A_243 = tpu.memref_slice %arg6[%run_scoped3A_139, %run_scoped3A_140, %dma_start3A_242] : memref<8x2x128xi32, #tpu.memory_space<vmem>> -> memref<1x1x128xi32, #tpu.memory_space<vmem>>
          %dma_start3A_244 = tpu.memref_squeeze %dma_start3A_243 : memref<1x1x128xi32, #tpu.memory_space<vmem>> -> memref<128xi32, #tpu.memory_space<vmem>>
          %dma_start3A_245 = arith.constant 0 : i32
          %dma_start3A_246 = arith.constant 0 : i32
          %dma_start3A_247 = tpu.memref_slice %arg13[%dma_start3A_245, %dma_start3A_246] : memref<10112x128xf32, #tpu.memory_space<vmem_shared>> -> memref<10112x128xf32, #tpu.memory_space<vmem_shared>>
          tpu.enqueue_indirect_dma source(%arg8 : memref<128x128xf32, #tpu.memory_space<vmem>>) target(%dma_start3A_247 : memref<10112x128xf32, #tpu.memory_space<vmem_shared>>) offsets(%dma_start3A_244 : memref<128xi32, #tpu.memory_space<vmem>>) semaphore(%run_scoped3A_241 : memref<!tpu.dma_semaphore, #tpu.memory_space<semaphore_mem>>) {add = true}
          %dma_wait3A_248 = arith.constant 0 : i32
          %dma_wait3A_249 = tpu.memref_slice %arg6[%run_scoped3A_139, %run_scoped3A_140, %dma_wait3A_248] : memref<8x2x128xi32, #tpu.memory_space<vmem>> -> memref<1x1x128xi32, #tpu.memory_space<vmem>>
          %dma_wait3A_250 = tpu.memref_squeeze %dma_wait3A_249 : memref<1x1x128xi32, #tpu.memory_space<vmem>> -> memref<128xi32, #tpu.memory_space<vmem>>
          %dma_wait3A_251 = arith.constant 0 : i32
          %dma_wait3A_252 = arith.constant 0 : i32
          %dma_wait3A_253 = tpu.memref_slice %arg13[%dma_wait3A_251, %dma_wait3A_252] : memref<10112x128xf32, #tpu.memory_space<vmem_shared>> -> memref<10112x128xf32, #tpu.memory_space<vmem_shared>>
          tpu.wait_indirect_dma semaphore(%run_scoped3A_241 : memref<!tpu.dma_semaphore, #tpu.memory_space<semaphore_mem>>) src(%arg8 : memref<128x128xf32, #tpu.memory_space<vmem>>) dst(%dma_wait3A_253 : memref<10112x128xf32, #tpu.memory_space<vmem_shared>>)
          tpu.yield
        }) : () -> ()
        %dma_start3A_141 = arith.constant 3 : i32
        %dma_start3A_142 = arith.constant 0 : i32
        %dma_start3A_143 = arith.constant 0 : i32
        %dma_start3A_144 = tpu.memref_slice %arg6[%dma_start3A_141, %dma_start3A_142, %dma_start3A_143] : memref<8x2x128xi32, #tpu.memory_space<vmem>> -> memref<1x1x128xi32, #tpu.memory_space<vmem>>
        %dma_start3A_145 = tpu.memref_squeeze %dma_start3A_144 : memref<1x1x128xi32, #tpu.memory_space<vmem>> -> memref<128xi32, #tpu.memory_space<vmem>>
        %dma_start3A_146 = arith.constant 0 : i32
        %dma_start3A_147 = arith.constant 0 : i32
        %dma_start3A_148 = tpu.memref_slice %arg2[%dma_start3A_146, %dma_start3A_147] : memref<10000x128xf32, #tpu.memory_space<hbm>> -> memref<10000x128xf32, #tpu.memory_space<hbm>>
        tpu.enqueue_indirect_dma source(%dma_start3A_148 : memref<10000x128xf32, #tpu.memory_space<hbm>>) target(%arg8 : memref<128x128xf32, #tpu.memory_space<vmem>>) offsets(%dma_start3A_145 : memref<128xi32, #tpu.memory_space<vmem>>) semaphore(%arg12 : memref<!tpu.dma_semaphore, #tpu.memory_space<semaphore_mem>>)
        %dma_wait3A_149 = arith.constant 2 : i32
        %dma_wait3A_150 = arith.constant 0 : i32
        %dma_wait3A_151 = arith.constant 0 : i32
        %dma_wait3A_152 = tpu.memref_slice %arg6[%dma_wait3A_149, %dma_wait3A_150, %dma_wait3A_151] : memref<8x2x128xi32, #tpu.memory_space<vmem>> -> memref<1x1x128xi32, #tpu.memory_space<vmem>>
        %dma_wait3A_153 = tpu.memref_squeeze %dma_wait3A_152 : memref<1x1x128xi32, #tpu.memory_space<vmem>> -> memref<128xi32, #tpu.memory_space<vmem>>
        %dma_wait3A_154 = arith.constant 0 : i32
        %dma_wait3A_155 = arith.constant 0 : i32
        %dma_wait3A_156 = tpu.memref_slice %arg2[%dma_wait3A_154, %dma_wait3A_155] : memref<10000x128xf32, #tpu.memory_space<hbm>> -> memref<10000x128xf32, #tpu.memory_space<hbm>>
        tpu.wait_indirect_dma semaphore(%arg11 : memref<!tpu.dma_semaphore, #tpu.memory_space<semaphore_mem>>) src(%dma_wait3A_156 : memref<10000x128xf32, #tpu.memory_space<hbm>>) dst(%arg7 : memref<128x128xf32, #tpu.memory_space<vmem>>)
        %run_scoped3A_157 = arith.constant 2 : i32
        %run_scoped3A_158 = arith.constant 1 : i32
        "tpu.region"() ({
          %run_scoped3A_241 = tpu.sem_alloc : memref<!tpu.dma_semaphore, #tpu.memory_space<semaphore_mem>>
          %dma_start3A_242 = arith.constant 0 : i32
          %dma_start3A_243 = tpu.memref_slice %arg6[%run_scoped3A_157, %run_scoped3A_158, %dma_start3A_242] : memref<8x2x128xi32, #tpu.memory_space<vmem>> -> memref<1x1x128xi32, #tpu.memory_space<vmem>>
          %dma_start3A_244 = tpu.memref_squeeze %dma_start3A_243 : memref<1x1x128xi32, #tpu.memory_space<vmem>> -> memref<128xi32, #tpu.memory_space<vmem>>
          %dma_start3A_245 = arith.constant 0 : i32
          %dma_start3A_246 = arith.constant 0 : i32
          %dma_start3A_247 = tpu.memref_slice %arg13[%dma_start3A_245, %dma_start3A_246] : memref<10112x128xf32, #tpu.memory_space<vmem_shared>> -> memref<10112x128xf32, #tpu.memory_space<vmem_shared>>
          tpu.enqueue_indirect_dma source(%arg7 : memref<128x128xf32, #tpu.memory_space<vmem>>) target(%dma_start3A_247 : memref<10112x128xf32, #tpu.memory_space<vmem_shared>>) offsets(%dma_start3A_244 : memref<128xi32, #tpu.memory_space<vmem>>) semaphore(%run_scoped3A_241 : memref<!tpu.dma_semaphore, #tpu.memory_space<semaphore_mem>>) {add = true}
          %dma_wait3A_248 = arith.constant 0 : i32
          %dma_wait3A_249 = tpu.memref_slice %arg6[%run_scoped3A_157, %run_scoped3A_158, %dma_wait3A_248] : memref<8x2x128xi32, #tpu.memory_space<vmem>> -> memref<1x1x128xi32, #tpu.memory_space<vmem>>
          %dma_wait3A_250 = tpu.memref_squeeze %dma_wait3A_249 : memref<1x1x128xi32, #tpu.memory_space<vmem>> -> memref<128xi32, #tpu.memory_space<vmem>>
          %dma_wait3A_251 = arith.constant 0 : i32
          %dma_wait3A_252 = arith.constant 0 : i32
          %dma_wait3A_253 = tpu.memref_slice %arg13[%dma_wait3A_251, %dma_wait3A_252] : memref<10112x128xf32, #tpu.memory_space<vmem_shared>> -> memref<10112x128xf32, #tpu.memory_space<vmem_shared>>
          tpu.wait_indirect_dma semaphore(%run_scoped3A_241 : memref<!tpu.dma_semaphore, #tpu.memory_space<semaphore_mem>>) src(%arg7 : memref<128x128xf32, #tpu.memory_space<vmem>>) dst(%dma_wait3A_253 : memref<10112x128xf32, #tpu.memory_space<vmem_shared>>)
          tpu.yield
        }) : () -> ()
        %dma_start3A_159 = arith.constant 4 : i32
        %dma_start3A_160 = arith.constant 0 : i32
        %dma_start3A_161 = arith.constant 0 : i32
        %dma_start3A_162 = tpu.memref_slice %arg6[%dma_start3A_159, %dma_start3A_160, %dma_start3A_161] : memref<8x2x128xi32, #tpu.memory_space<vmem>> -> memref<1x1x128xi32, #tpu.memory_space<vmem>>
        %dma_start3A_163 = tpu.memref_squeeze %dma_start3A_162 : memref<1x1x128xi32, #tpu.memory_space<vmem>> -> memref<128xi32, #tpu.memory_space<vmem>>
        %dma_start3A_164 = arith.constant 0 : i32
        %dma_start3A_165 = arith.constant 0 : i32
        %dma_start3A_166 = tpu.memref_slice %arg2[%dma_start3A_164, %dma_start3A_165] : memref<10000x128xf32, #tpu.memory_space<hbm>> -> memref<10000x128xf32, #tpu.memory_space<hbm>>
        tpu.enqueue_indirect_dma source(%dma_start3A_166 : memref<10000x128xf32, #tpu.memory_space<hbm>>) target(%arg7 : memref<128x128xf32, #tpu.memory_space<vmem>>) offsets(%dma_start3A_163 : memref<128xi32, #tpu.memory_space<vmem>>) semaphore(%arg11 : memref<!tpu.dma_semaphore, #tpu.memory_space<semaphore_mem>>)
        %dma_wait3A_167 = arith.constant 3 : i32
        %dma_wait3A_168 = arith.constant 0 : i32
        %dma_wait3A_169 = arith.constant 0 : i32
        %dma_wait3A_170 = tpu.memref_slice %arg6[%dma_wait3A_167, %dma_wait3A_168, %dma_wait3A_169] : memref<8x2x128xi32, #tpu.memory_space<vmem>> -> memref<1x1x128xi32, #tpu.memory_space<vmem>>
        %dma_wait3A_171 = tpu.memref_squeeze %dma_wait3A_170 : memref<1x1x128xi32, #tpu.memory_space<vmem>> -> memref<128xi32, #tpu.memory_space<vmem>>
        %dma_wait3A_172 = arith.constant 0 : i32
        %dma_wait3A_173 = arith.constant 0 : i32
        %dma_wait3A_174 = tpu.memref_slice %arg2[%dma_wait3A_172, %dma_wait3A_173] : memref<10000x128xf32, #tpu.memory_space<hbm>> -> memref<10000x128xf32, #tpu.memory_space<hbm>>
        tpu.wait_indirect_dma semaphore(%arg12 : memref<!tpu.dma_semaphore, #tpu.memory_space<semaphore_mem>>) src(%dma_wait3A_174 : memref<10000x128xf32, #tpu.memory_space<hbm>>) dst(%arg8 : memref<128x128xf32, #tpu.memory_space<vmem>>)
        %run_scoped3A_175 = arith.constant 3 : i32
        %run_scoped3A_176 = arith.constant 1 : i32
        "tpu.region"() ({
          %run_scoped3A_241 = tpu.sem_alloc : memref<!tpu.dma_semaphore, #tpu.memory_space<semaphore_mem>>
          %dma_start3A_242 = arith.constant 0 : i32
          %dma_start3A_243 = tpu.memref_slice %arg6[%run_scoped3A_175, %run_scoped3A_176, %dma_start3A_242] : memref<8x2x128xi32, #tpu.memory_space<vmem>> -> memref<1x1x128xi32, #tpu.memory_space<vmem>>
          %dma_start3A_244 = tpu.memref_squeeze %dma_start3A_243 : memref<1x1x128xi32, #tpu.memory_space<vmem>> -> memref<128xi32, #tpu.memory_space<vmem>>
          %dma_start3A_245 = arith.constant 0 : i32
          %dma_start3A_246 = arith.constant 0 : i32
          %dma_start3A_247 = tpu.memref_slice %arg13[%dma_start3A_245, %dma_start3A_246] : memref<10112x128xf32, #tpu.memory_space<vmem_shared>> -> memref<10112x128xf32, #tpu.memory_space<vmem_shared>>
          tpu.enqueue_indirect_dma source(%arg8 : memref<128x128xf32, #tpu.memory_space<vmem>>) target(%dma_start3A_247 : memref<10112x128xf32, #tpu.memory_space<vmem_shared>>) offsets(%dma_start3A_244 : memref<128xi32, #tpu.memory_space<vmem>>) semaphore(%run_scoped3A_241 : memref<!tpu.dma_semaphore, #tpu.memory_space<semaphore_mem>>) {add = true}
          %dma_wait3A_248 = arith.constant 0 : i32
          %dma_wait3A_249 = tpu.memref_slice %arg6[%run_scoped3A_175, %run_scoped3A_176, %dma_wait3A_248] : memref<8x2x128xi32, #tpu.memory_space<vmem>> -> memref<1x1x128xi32, #tpu.memory_space<vmem>>
          %dma_wait3A_250 = tpu.memref_squeeze %dma_wait3A_249 : memref<1x1x128xi32, #tpu.memory_space<vmem>> -> memref<128xi32, #tpu.memory_space<vmem>>
          %dma_wait3A_251 = arith.constant 0 : i32
          %dma_wait3A_252 = arith.constant 0 : i32
          %dma_wait3A_253 = tpu.memref_slice %arg13[%dma_wait3A_251, %dma_wait3A_252] : memref<10112x128xf32, #tpu.memory_space<vmem_shared>> -> memref<10112x128xf32, #tpu.memory_space<vmem_shared>>
          tpu.wait_indirect_dma semaphore(%run_scoped3A_241 : memref<!tpu.dma_semaphore, #tpu.memory_space<semaphore_mem>>) src(%arg8 : memref<128x128xf32, #tpu.memory_space<vmem>>) dst(%dma_wait3A_253 : memref<10112x128xf32, #tpu.memory_space<vmem_shared>>)
          tpu.yield
        }) : () -> ()
        %dma_start3A_177 = arith.constant 5 : i32
        %dma_start3A_178 = arith.constant 0 : i32
        %dma_start3A_179 = arith.constant 0 : i32
        %dma_start3A_180 = tpu.memref_slice %arg6[%dma_start3A_177, %dma_start3A_178, %dma_start3A_179] : memref<8x2x128xi32, #tpu.memory_space<vmem>> -> memref<1x1x128xi32, #tpu.memory_space<vmem>>
        %dma_start3A_181 = tpu.memref_squeeze %dma_start3A_180 : memref<1x1x128xi32, #tpu.memory_space<vmem>> -> memref<128xi32, #tpu.memory_space<vmem>>
        %dma_start3A_182 = arith.constant 0 : i32
        %dma_start3A_183 = arith.constant 0 : i32
        %dma_start3A_184 = tpu.memref_slice %arg2[%dma_start3A_182, %dma_start3A_183] : memref<10000x128xf32, #tpu.memory_space<hbm>> -> memref<10000x128xf32, #tpu.memory_space<hbm>>
        tpu.enqueue_indirect_dma source(%dma_start3A_184 : memref<10000x128xf32, #tpu.memory_space<hbm>>) target(%arg8 : memref<128x128xf32, #tpu.memory_space<vmem>>) offsets(%dma_start3A_181 : memref<128xi32, #tpu.memory_space<vmem>>) semaphore(%arg12 : memref<!tpu.dma_semaphore, #tpu.memory_space<semaphore_mem>>)
        %dma_wait3A_185 = arith.constant 4 : i32
        %dma_wait3A_186 = arith.constant 0 : i32
        %dma_wait3A_187 = arith.constant 0 : i32
        %dma_wait3A_188 = tpu.memref_slice %arg6[%dma_wait3A_185, %dma_wait3A_186, %dma_wait3A_187] : memref<8x2x128xi32, #tpu.memory_space<vmem>> -> memref<1x1x128xi32, #tpu.memory_space<vmem>>
        %dma_wait3A_189 = tpu.memref_squeeze %dma_wait3A_188 : memref<1x1x128xi32, #tpu.memory_space<vmem>> -> memref<128xi32, #tpu.memory_space<vmem>>
        %dma_wait3A_190 = arith.constant 0 : i32
        %dma_wait3A_191 = arith.constant 0 : i32
        %dma_wait3A_192 = tpu.memref_slice %arg2[%dma_wait3A_190, %dma_wait3A_191] : memref<10000x128xf32, #tpu.memory_space<hbm>> -> memref<10000x128xf32, #tpu.memory_space<hbm>>
        tpu.wait_indirect_dma semaphore(%arg11 : memref<!tpu.dma_semaphore, #tpu.memory_space<semaphore_mem>>) src(%dma_wait3A_192 : memref<10000x128xf32, #tpu.memory_space<hbm>>) dst(%arg7 : memref<128x128xf32, #tpu.memory_space<vmem>>)
        %run_scoped3A_193 = arith.constant 4 : i32
        %run_scoped3A_194 = arith.constant 1 : i32
        "tpu.region"() ({
          %run_scoped3A_241 = tpu.sem_alloc : memref<!tpu.dma_semaphore, #tpu.memory_space<semaphore_mem>>
          %dma_start3A_242 = arith.constant 0 : i32
          %dma_start3A_243 = tpu.memref_slice %arg6[%run_scoped3A_193, %run_scoped3A_194, %dma_start3A_242] : memref<8x2x128xi32, #tpu.memory_space<vmem>> -> memref<1x1x128xi32, #tpu.memory_space<vmem>>
          %dma_start3A_244 = tpu.memref_squeeze %dma_start3A_243 : memref<1x1x128xi32, #tpu.memory_space<vmem>> -> memref<128xi32, #tpu.memory_space<vmem>>
          %dma_start3A_245 = arith.constant 0 : i32
          %dma_start3A_246 = arith.constant 0 : i32
          %dma_start3A_247 = tpu.memref_slice %arg13[%dma_start3A_245, %dma_start3A_246] : memref<10112x128xf32, #tpu.memory_space<vmem_shared>> -> memref<10112x128xf32, #tpu.memory_space<vmem_shared>>
          tpu.enqueue_indirect_dma source(%arg7 : memref<128x128xf32, #tpu.memory_space<vmem>>) target(%dma_start3A_247 : memref<10112x128xf32, #tpu.memory_space<vmem_shared>>) offsets(%dma_start3A_244 : memref<128xi32, #tpu.memory_space<vmem>>) semaphore(%run_scoped3A_241 : memref<!tpu.dma_semaphore, #tpu.memory_space<semaphore_mem>>) {add = true}
          %dma_wait3A_248 = arith.constant 0 : i32
          %dma_wait3A_249 = tpu.memref_slice %arg6[%run_scoped3A_193, %run_scoped3A_194, %dma_wait3A_248] : memref<8x2x128xi32, #tpu.memory_space<vmem>> -> memref<1x1x128xi32, #tpu.memory_space<vmem>>
          %dma_wait3A_250 = tpu.memref_squeeze %dma_wait3A_249 : memref<1x1x128xi32, #tpu.memory_space<vmem>> -> memref<128xi32, #tpu.memory_space<vmem>>
          %dma_wait3A_251 = arith.constant 0 : i32
          %dma_wait3A_252 = arith.constant 0 : i32
          %dma_wait3A_253 = tpu.memref_slice %arg13[%dma_wait3A_251, %dma_wait3A_252] : memref<10112x128xf32, #tpu.memory_space<vmem_shared>> -> memref<10112x128xf32, #tpu.memory_space<vmem_shared>>
          tpu.wait_indirect_dma semaphore(%run_scoped3A_241 : memref<!tpu.dma_semaphore, #tpu.memory_space<semaphore_mem>>) src(%arg7 : memref<128x128xf32, #tpu.memory_space<vmem>>) dst(%dma_wait3A_253 : memref<10112x128xf32, #tpu.memory_space<vmem_shared>>)
          tpu.yield
        }) : () -> ()
        %dma_start3A_195 = arith.constant 6 : i32
        %dma_start3A_196 = arith.constant 0 : i32
        %dma_start3A_197 = arith.constant 0 : i32
        %dma_start3A_198 = tpu.memref_slice %arg6[%dma_start3A_195, %dma_start3A_196, %dma_start3A_197] : memref<8x2x128xi32, #tpu.memory_space<vmem>> -> memref<1x1x128xi32, #tpu.memory_space<vmem>>
        %dma_start3A_199 = tpu.memref_squeeze %dma_start3A_198 : memref<1x1x128xi32, #tpu.memory_space<vmem>> -> memref<128xi32, #tpu.memory_space<vmem>>
        %dma_start3A_200 = arith.constant 0 : i32
        %dma_start3A_201 = arith.constant 0 : i32
        %dma_start3A_202 = tpu.memref_slice %arg2[%dma_start3A_200, %dma_start3A_201] : memref<10000x128xf32, #tpu.memory_space<hbm>> -> memref<10000x128xf32, #tpu.memory_space<hbm>>
        tpu.enqueue_indirect_dma source(%dma_start3A_202 : memref<10000x128xf32, #tpu.memory_space<hbm>>) target(%arg7 : memref<128x128xf32, #tpu.memory_space<vmem>>) offsets(%dma_start3A_199 : memref<128xi32, #tpu.memory_space<vmem>>) semaphore(%arg11 : memref<!tpu.dma_semaphore, #tpu.memory_space<semaphore_mem>>)
        %dma_wait3A_203 = arith.constant 5 : i32
        %dma_wait3A_204 = arith.constant 0 : i32
        %dma_wait3A_205 = arith.constant 0 : i32
        %dma_wait3A_206 = tpu.memref_slice %arg6[%dma_wait3A_203, %dma_wait3A_204, %dma_wait3A_205] : memref<8x2x128xi32, #tpu.memory_space<vmem>> -> memref<1x1x128xi32, #tpu.memory_space<vmem>>
        %dma_wait3A_207 = tpu.memref_squeeze %dma_wait3A_206 : memref<1x1x128xi32, #tpu.memory_space<vmem>> -> memref<128xi32, #tpu.memory_space<vmem>>
        %dma_wait3A_208 = arith.constant 0 : i32
        %dma_wait3A_209 = arith.constant 0 : i32
        %dma_wait3A_210 = tpu.memref_slice %arg2[%dma_wait3A_208, %dma_wait3A_209] : memref<10000x128xf32, #tpu.memory_space<hbm>> -> memref<10000x128xf32, #tpu.memory_space<hbm>>
        tpu.wait_indirect_dma semaphore(%arg12 : memref<!tpu.dma_semaphore, #tpu.memory_space<semaphore_mem>>) src(%dma_wait3A_210 : memref<10000x128xf32, #tpu.memory_space<hbm>>) dst(%arg8 : memref<128x128xf32, #tpu.memory_space<vmem>>)
        %run_scoped3A_211 = arith.constant 5 : i32
        %run_scoped3A_212 = arith.constant 1 : i32
        "tpu.region"() ({
          %run_scoped3A_241 = tpu.sem_alloc : memref<!tpu.dma_semaphore, #tpu.memory_space<semaphore_mem>>
          %dma_start3A_242 = arith.constant 0 : i32
          %dma_start3A_243 = tpu.memref_slice %arg6[%run_scoped3A_211, %run_scoped3A_212, %dma_start3A_242] : memref<8x2x128xi32, #tpu.memory_space<vmem>> -> memref<1x1x128xi32, #tpu.memory_space<vmem>>
          %dma_start3A_244 = tpu.memref_squeeze %dma_start3A_243 : memref<1x1x128xi32, #tpu.memory_space<vmem>> -> memref<128xi32, #tpu.memory_space<vmem>>
          %dma_start3A_245 = arith.constant 0 : i32
          %dma_start3A_246 = arith.constant 0 : i32
          %dma_start3A_247 = tpu.memref_slice %arg13[%dma_start3A_245, %dma_start3A_246] : memref<10112x128xf32, #tpu.memory_space<vmem_shared>> -> memref<10112x128xf32, #tpu.memory_space<vmem_shared>>
          tpu.enqueue_indirect_dma source(%arg8 : memref<128x128xf32, #tpu.memory_space<vmem>>) target(%dma_start3A_247 : memref<10112x128xf32, #tpu.memory_space<vmem_shared>>) offsets(%dma_start3A_244 : memref<128xi32, #tpu.memory_space<vmem>>) semaphore(%run_scoped3A_241 : memref<!tpu.dma_semaphore, #tpu.memory_space<semaphore_mem>>) {add = true}
          %dma_wait3A_248 = arith.constant 0 : i32
          %dma_wait3A_249 = tpu.memref_slice %arg6[%run_scoped3A_211, %run_scoped3A_212, %dma_wait3A_248] : memref<8x2x128xi32, #tpu.memory_space<vmem>> -> memref<1x1x128xi32, #tpu.memory_space<vmem>>
          %dma_wait3A_250 = tpu.memref_squeeze %dma_wait3A_249 : memref<1x1x128xi32, #tpu.memory_space<vmem>> -> memref<128xi32, #tpu.memory_space<vmem>>
          %dma_wait3A_251 = arith.constant 0 : i32
          %dma_wait3A_252 = arith.constant 0 : i32
          %dma_wait3A_253 = tpu.memref_slice %arg13[%dma_wait3A_251, %dma_wait3A_252] : memref<10112x128xf32, #tpu.memory_space<vmem_shared>> -> memref<10112x128xf32, #tpu.memory_space<vmem_shared>>
          tpu.wait_indirect_dma semaphore(%run_scoped3A_241 : memref<!tpu.dma_semaphore, #tpu.memory_space<semaphore_mem>>) src(%arg8 : memref<128x128xf32, #tpu.memory_space<vmem>>) dst(%dma_wait3A_253 : memref<10112x128xf32, #tpu.memory_space<vmem_shared>>)
          tpu.yield
        }) : () -> ()
        %dma_start3A_213 = arith.constant 7 : i32
        %dma_start3A_214 = arith.constant 0 : i32
        %dma_start3A_215 = arith.constant 0 : i32
        %dma_start3A_216 = tpu.memref_slice %arg6[%dma_start3A_213, %dma_start3A_214, %dma_start3A_215] : memref<8x2x128xi32, #tpu.memory_space<vmem>> -> memref<1x1x128xi32, #tpu.memory_space<vmem>>
        %dma_start3A_217 = tpu.memref_squeeze %dma_start3A_216 : memref<1x1x128xi32, #tpu.memory_space<vmem>> -> memref<128xi32, #tpu.memory_space<vmem>>
        %dma_start3A_218 = arith.constant 0 : i32
        %dma_start3A_219 = arith.constant 0 : i32
        %dma_start3A_220 = tpu.memref_slice %arg2[%dma_start3A_218, %dma_start3A_219] : memref<10000x128xf32, #tpu.memory_space<hbm>> -> memref<10000x128xf32, #tpu.memory_space<hbm>>
        tpu.enqueue_indirect_dma source(%dma_start3A_220 : memref<10000x128xf32, #tpu.memory_space<hbm>>) target(%arg8 : memref<128x128xf32, #tpu.memory_space<vmem>>) offsets(%dma_start3A_217 : memref<128xi32, #tpu.memory_space<vmem>>) semaphore(%arg12 : memref<!tpu.dma_semaphore, #tpu.memory_space<semaphore_mem>>)
        %dma_wait3A_221 = arith.constant 6 : i32
        %dma_wait3A_222 = arith.constant 0 : i32
        %dma_wait3A_223 = arith.constant 0 : i32
        %dma_wait3A_224 = tpu.memref_slice %arg6[%dma_wait3A_221, %dma_wait3A_222, %dma_wait3A_223] : memref<8x2x128xi32, #tpu.memory_space<vmem>> -> memref<1x1x128xi32, #tpu.memory_space<vmem>>
        %dma_wait3A_225 = tpu.memref_squeeze %dma_wait3A_224 : memref<1x1x128xi32, #tpu.memory_space<vmem>> -> memref<128xi32, #tpu.memory_space<vmem>>
        %dma_wait3A_226 = arith.constant 0 : i32
        %dma_wait3A_227 = arith.constant 0 : i32
        %dma_wait3A_228 = tpu.memref_slice %arg2[%dma_wait3A_226, %dma_wait3A_227] : memref<10000x128xf32, #tpu.memory_space<hbm>> -> memref<10000x128xf32, #tpu.memory_space<hbm>>
        tpu.wait_indirect_dma semaphore(%arg11 : memref<!tpu.dma_semaphore, #tpu.memory_space<semaphore_mem>>) src(%dma_wait3A_228 : memref<10000x128xf32, #tpu.memory_space<hbm>>) dst(%arg7 : memref<128x128xf32, #tpu.memory_space<vmem>>)
        %run_scoped3A_229 = arith.constant 6 : i32
        %run_scoped3A_230 = arith.constant 1 : i32
        "tpu.region"() ({
          %run_scoped3A_241 = tpu.sem_alloc : memref<!tpu.dma_semaphore, #tpu.memory_space<semaphore_mem>>
          %dma_start3A_242 = arith.constant 0 : i32
          %dma_start3A_243 = tpu.memref_slice %arg6[%run_scoped3A_229, %run_scoped3A_230, %dma_start3A_242] : memref<8x2x128xi32, #tpu.memory_space<vmem>> -> memref<1x1x128xi32, #tpu.memory_space<vmem>>
          %dma_start3A_244 = tpu.memref_squeeze %dma_start3A_243 : memref<1x1x128xi32, #tpu.memory_space<vmem>> -> memref<128xi32, #tpu.memory_space<vmem>>
          %dma_start3A_245 = arith.constant 0 : i32
          %dma_start3A_246 = arith.constant 0 : i32
          %dma_start3A_247 = tpu.memref_slice %arg13[%dma_start3A_245, %dma_start3A_246] : memref<10112x128xf32, #tpu.memory_space<vmem_shared>> -> memref<10112x128xf32, #tpu.memory_space<vmem_shared>>
          tpu.enqueue_indirect_dma source(%arg7 : memref<128x128xf32, #tpu.memory_space<vmem>>) target(%dma_start3A_247 : memref<10112x128xf32, #tpu.memory_space<vmem_shared>>) offsets(%dma_start3A_244 : memref<128xi32, #tpu.memory_space<vmem>>) semaphore(%run_scoped3A_241 : memref<!tpu.dma_semaphore, #tpu.memory_space<semaphore_mem>>) {add = true}
          %dma_wait3A_248 = arith.constant 0 : i32
          %dma_wait3A_249 = tpu.memref_slice %arg6[%run_scoped3A_229, %run_scoped3A_230, %dma_wait3A_248] : memref<8x2x128xi32, #tpu.memory_space<vmem>> -> memref<1x1x128xi32, #tpu.memory_space<vmem>>
          %dma_wait3A_250 = tpu.memref_squeeze %dma_wait3A_249 : memref<1x1x128xi32, #tpu.memory_space<vmem>> -> memref<128xi32, #tpu.memory_space<vmem>>
          %dma_wait3A_251 = arith.constant 0 : i32
          %dma_wait3A_252 = arith.constant 0 : i32
          %dma_wait3A_253 = tpu.memref_slice %arg13[%dma_wait3A_251, %dma_wait3A_252] : memref<10112x128xf32, #tpu.memory_space<vmem_shared>> -> memref<10112x128xf32, #tpu.memory_space<vmem_shared>>
          tpu.wait_indirect_dma semaphore(%run_scoped3A_241 : memref<!tpu.dma_semaphore, #tpu.memory_space<semaphore_mem>>) src(%arg7 : memref<128x128xf32, #tpu.memory_space<vmem>>) dst(%dma_wait3A_253 : memref<10112x128xf32, #tpu.memory_space<vmem_shared>>)
          tpu.yield
        }) : () -> ()
        %dma_wait3A_231 = arith.constant 7 : i32
        %dma_wait3A_232 = arith.constant 0 : i32
        %dma_wait3A_233 = arith.constant 0 : i32
        %dma_wait3A_234 = tpu.memref_slice %arg6[%dma_wait3A_231, %dma_wait3A_232, %dma_wait3A_233] : memref<8x2x128xi32, #tpu.memory_space<vmem>> -> memref<1x1x128xi32, #tpu.memory_space<vmem>>
        %dma_wait3A_235 = tpu.memref_squeeze %dma_wait3A_234 : memref<1x1x128xi32, #tpu.memory_space<vmem>> -> memref<128xi32, #tpu.memory_space<vmem>>
        %dma_wait3A_236 = arith.constant 0 : i32
        %dma_wait3A_237 = arith.constant 0 : i32
        %dma_wait3A_238 = tpu.memref_slice %arg2[%dma_wait3A_236, %dma_wait3A_237] : memref<10000x128xf32, #tpu.memory_space<hbm>> -> memref<10000x128xf32, #tpu.memory_space<hbm>>
        tpu.wait_indirect_dma semaphore(%arg12 : memref<!tpu.dma_semaphore, #tpu.memory_space<semaphore_mem>>) src(%dma_wait3A_238 : memref<10000x128xf32, #tpu.memory_space<hbm>>) dst(%arg8 : memref<128x128xf32, #tpu.memory_space<vmem>>)
        %run_scoped3A_239 = arith.constant 7 : i32
        %run_scoped3A_240 = arith.constant 1 : i32
        "tpu.region"() ({
          %run_scoped3A_241 = tpu.sem_alloc : memref<!tpu.dma_semaphore, #tpu.memory_space<semaphore_mem>>
          %dma_start3A_242 = arith.constant 0 : i32
          %dma_start3A_243 = tpu.memref_slice %arg6[%run_scoped3A_239, %run_scoped3A_240, %dma_start3A_242] : memref<8x2x128xi32, #tpu.memory_space<vmem>> -> memref<1x1x128xi32, #tpu.memory_space<vmem>>
          %dma_start3A_244 = tpu.memref_squeeze %dma_start3A_243 : memref<1x1x128xi32, #tpu.memory_space<vmem>> -> memref<128xi32, #tpu.memory_space<vmem>>
          %dma_start3A_245 = arith.constant 0 : i32
          %dma_start3A_246 = arith.constant 0 : i32
          %dma_start3A_247 = tpu.memref_slice %arg13[%dma_start3A_245, %dma_start3A_246] : memref<10112x128xf32, #tpu.memory_space<vmem_shared>> -> memref<10112x128xf32, #tpu.memory_space<vmem_shared>>
          tpu.enqueue_indirect_dma source(%arg8 : memref<128x128xf32, #tpu.memory_space<vmem>>) target(%dma_start3A_247 : memref<10112x128xf32, #tpu.memory_space<vmem_shared>>) offsets(%dma_start3A_244 : memref<128xi32, #tpu.memory_space<vmem>>) semaphore(%run_scoped3A_241 : memref<!tpu.dma_semaphore, #tpu.memory_space<semaphore_mem>>) {add = true}
          %dma_wait3A_248 = arith.constant 0 : i32
          %dma_wait3A_249 = tpu.memref_slice %arg6[%run_scoped3A_239, %run_scoped3A_240, %dma_wait3A_248] : memref<8x2x128xi32, #tpu.memory_space<vmem>> -> memref<1x1x128xi32, #tpu.memory_space<vmem>>
          %dma_wait3A_250 = tpu.memref_squeeze %dma_wait3A_249 : memref<1x1x128xi32, #tpu.memory_space<vmem>> -> memref<128xi32, #tpu.memory_space<vmem>>
          %dma_wait3A_251 = arith.constant 0 : i32
          %dma_wait3A_252 = arith.constant 0 : i32
          %dma_wait3A_253 = tpu.memref_slice %arg13[%dma_wait3A_251, %dma_wait3A_252] : memref<10112x128xf32, #tpu.memory_space<vmem_shared>> -> memref<10112x128xf32, #tpu.memory_space<vmem_shared>>
          tpu.wait_indirect_dma semaphore(%run_scoped3A_241 : memref<!tpu.dma_semaphore, #tpu.memory_space<semaphore_mem>>) src(%arg8 : memref<128x128xf32, #tpu.memory_space<vmem>>) dst(%dma_wait3A_253 : memref<10112x128xf32, #tpu.memory_space<vmem_shared>>)
          tpu.yield
        }) : () -> ()
      } else {
      }
    }
    %while3A_39 = arith.constant 1 : i32
    scf.for %while3A_45 = %while3A_37 to %while3A_33 step %while3A_39  : i32 {
      %jit3A_46 = arith.constant 2 : i32
      %eq3A_47 = arith.constant 0 : i32
      %eq3A_48 = arith.cmpi eq, %jit3A_46, %eq3A_47 : i32
      %jit3A_49 = arith.constant 1 : i32
      %select_n3A_50 = arith.select %eq3A_48, %jit3A_49, %jit3A_46 : i32
      %rem3A = arith.remsi %while3A_45, %select_n3A_50 : i32
      %ne3A = arith.constant 0 : i32
      %ne3A_51 = arith.cmpi ne, %rem3A, %ne3A : i32
      %lt3A = arith.constant 0 : i32
      %lt3A_52 = arith.cmpi slt, %rem3A, %lt3A : i32
      %lt3A_53 = arith.constant 0 : i32
      %lt3A_54 = arith.cmpi slt, %select_n3A_50, %lt3A_53 : i32
      %ne3A_55 = arith.xori %lt3A_52, %lt3A_54 : i1
      %and3A = arith.andi %ne3A_55, %ne3A_51 : i1
      %add3A_56 = arith.addi %rem3A, %select_n3A_50 : i32
      %select_n3A_57 = arith.select %and3A, %add3A_56, %rem3A : i32
      %eq3A_58 = arith.constant 0 : i32
      %eq3A_59 = arith.cmpi eq, %select_n3A_57, %eq3A_58 : i32
      %convert_element_type3A_60 = arith.extui %eq3A_59 : i1 to i32
      %cond3A_61 = arith.constant 0 : i32
      %cond3A_62 = arith.cmpi ne, %convert_element_type3A_60, %cond3A_61 : i32
      scf.if %cond3A_62 {
        %dma_wait3A = arith.constant 0 : i32
        %dma_wait3A_84 = arith.constant 0 : i32
        %dma_wait3A_85 = arith.constant 0 : i32
        %dma_wait3A_86 = tpu.memref_slice %arg3[%add3A, %dma_wait3A, %dma_wait3A_84, %dma_wait3A_85] : memref<32x128x2x128xi32, #tpu.memory_space<hbm>> -> memref<1x8x2x128xi32, #tpu.memory_space<hbm>>
        %dma_wait3A_87 = tpu.memref_squeeze %dma_wait3A_86 : memref<1x8x2x128xi32, #tpu.memory_space<hbm>> -> memref<8x2x128xi32, #tpu.memory_space<hbm>>
        %dma_wait3A_88 = arith.constant 0 : i32
        %dma_wait3A_89 = arith.constant 0 : i32
        %dma_wait3A_90 = arith.constant 0 : i32
        %dma_wait3A_91 = tpu.memref_slice %arg3[%add3A, %dma_wait3A_88, %dma_wait3A_89, %dma_wait3A_90] : memref<32x128x2x128xi32, #tpu.memory_space<hbm>> -> memref<1x8x2x128xi32, #tpu.memory_space<hbm>>
        %dma_wait3A_92 = tpu.memref_squeeze %dma_wait3A_91 : memref<1x8x2x128xi32, #tpu.memory_space<hbm>> -> memref<8x2x128xi32, #tpu.memory_space<hbm>>
        tpu.wait_dma2 semaphore(%arg9 : memref<!tpu.dma_semaphore, #tpu.memory_space<semaphore_mem>>) src(%dma_wait3A_92 : memref<8x2x128xi32, #tpu.memory_space<hbm>>) dst(%arg5 : memref<8x2x128xi32, #tpu.memory_space<vmem>>)
        %add3A_93 = arith.constant 1 : i32
        %add3A_94 = arith.addi %while3A_45, %add3A_93 : i32
        %lt3A_95 = arith.cmpi slt, %add3A_94, %select_n3A : i32
        %convert_element_type3A_96 = arith.extui %lt3A_95 : i1 to i32
        %cond3A_97 = arith.constant 0 : i32
        %cond3A_98 = arith.cmpi ne, %convert_element_type3A_96, %cond3A_97 : i32
        scf.if %cond3A_98 {
          %add3A_241 = arith.constant 1 : i32
          %add3A_242 = arith.addi %while3A_45, %add3A_241 : i32
          %mul3A_243 = arith.constant 8 : i32
          %mul3A_244 = arith.muli %add3A_242, %mul3A_243 : i32
          %dma_start3A_245 = arith.constant 0 : i32
          %dma_start3A_246 = arith.constant 0 : i32
          %dma_start3A_247 = tpu.memref_slice %arg3[%add3A, %mul3A_244, %dma_start3A_245, %dma_start3A_246] : memref<32x128x2x128xi32, #tpu.memory_space<hbm>> -> memref<1x8x2x128xi32, #tpu.memory_space<hbm>>
          %dma_start3A_248 = tpu.memref_squeeze %dma_start3A_247 : memref<1x8x2x128xi32, #tpu.memory_space<hbm>> -> memref<8x2x128xi32, #tpu.memory_space<hbm>>
          %dma_start3A_249 = arith.constant 0 : i32
          %dma_start3A_250 = arith.constant 0 : i32
          %dma_start3A_251 = tpu.memref_slice %arg3[%add3A, %mul3A_244, %dma_start3A_249, %dma_start3A_250] : memref<32x128x2x128xi32, #tpu.memory_space<hbm>> -> memref<1x8x2x128xi32, #tpu.memory_space<hbm>>
          %dma_start3A_252 = tpu.memref_squeeze %dma_start3A_251 : memref<1x8x2x128xi32, #tpu.memory_space<hbm>> -> memref<8x2x128xi32, #tpu.memory_space<hbm>>
          tpu.enqueue_dma source(%dma_start3A_252 : memref<8x2x128xi32, #tpu.memory_space<hbm>>) target(%arg6 : memref<8x2x128xi32, #tpu.memory_space<vmem>>) target_semaphore(%arg10 : memref<!tpu.dma_semaphore, #tpu.memory_space<semaphore_mem>>)
        } else {
        }
        %dma_start3A = arith.constant 0 : i32
        %dma_start3A_99 = arith.constant 0 : i32
        %dma_start3A_100 = arith.constant 0 : i32
        %dma_start3A_101 = tpu.memref_slice %arg5[%dma_start3A, %dma_start3A_99, %dma_start3A_100] : memref<8x2x128xi32, #tpu.memory_space<vmem>> -> memref<1x1x128xi32, #tpu.memory_space<vmem>>
        %dma_start3A_102 = tpu.memref_squeeze %dma_start3A_101 : memref<1x1x128xi32, #tpu.memory_space<vmem>> -> memref<128xi32, #tpu.memory_space<vmem>>
        %dma_start3A_103 = arith.constant 0 : i32
        %dma_start3A_104 = arith.constant 0 : i32
        %dma_start3A_105 = tpu.memref_slice %arg2[%dma_start3A_103, %dma_start3A_104] : memref<10000x128xf32, #tpu.memory_space<hbm>> -> memref<10000x128xf32, #tpu.memory_space<hbm>>
        tpu.enqueue_indirect_dma source(%dma_start3A_105 : memref<10000x128xf32, #tpu.memory_space<hbm>>) target(%arg7 : memref<128x128xf32, #tpu.memory_space<vmem>>) offsets(%dma_start3A_102 : memref<128xi32, #tpu.memory_space<vmem>>) semaphore(%arg11 : memref<!tpu.dma_semaphore, #tpu.memory_space<semaphore_mem>>)
        %dma_start3A_106 = arith.constant 1 : i32
        %dma_start3A_107 = arith.constant 0 : i32
        %dma_start3A_108 = arith.constant 0 : i32
        %dma_start3A_109 = tpu.memref_slice %arg5[%dma_start3A_106, %dma_start3A_107, %dma_start3A_108] : memref<8x2x128xi32, #tpu.memory_space<vmem>> -> memref<1x1x128xi32, #tpu.memory_space<vmem>>
        %dma_start3A_110 = tpu.memref_squeeze %dma_start3A_109 : memref<1x1x128xi32, #tpu.memory_space<vmem>> -> memref<128xi32, #tpu.memory_space<vmem>>
        %dma_start3A_111 = arith.constant 0 : i32
        %dma_start3A_112 = arith.constant 0 : i32
        %dma_start3A_113 = tpu.memref_slice %arg2[%dma_start3A_111, %dma_start3A_112] : memref<10000x128xf32, #tpu.memory_space<hbm>> -> memref<10000x128xf32, #tpu.memory_space<hbm>>
        tpu.enqueue_indirect_dma source(%dma_start3A_113 : memref<10000x128xf32, #tpu.memory_space<hbm>>) target(%arg8 : memref<128x128xf32, #tpu.memory_space<vmem>>) offsets(%dma_start3A_110 : memref<128xi32, #tpu.memory_space<vmem>>) semaphore(%arg12 : memref<!tpu.dma_semaphore, #tpu.memory_space<semaphore_mem>>)
        %dma_wait3A_114 = arith.constant 0 : i32
        %dma_wait3A_115 = arith.constant 0 : i32
        %dma_wait3A_116 = arith.constant 0 : i32
        %dma_wait3A_117 = tpu.memref_slice %arg5[%dma_wait3A_114, %dma_wait3A_115, %dma_wait3A_116] : memref<8x2x128xi32, #tpu.memory_space<vmem>> -> memref<1x1x128xi32, #tpu.memory_space<vmem>>
        %dma_wait3A_118 = tpu.memref_squeeze %dma_wait3A_117 : memref<1x1x128xi32, #tpu.memory_space<vmem>> -> memref<128xi32, #tpu.memory_space<vmem>>
        %dma_wait3A_119 = arith.constant 0 : i32
        %dma_wait3A_120 = arith.constant 0 : i32
        %dma_wait3A_121 = tpu.memref_slice %arg2[%dma_wait3A_119, %dma_wait3A_120] : memref<10000x128xf32, #tpu.memory_space<hbm>> -> memref<10000x128xf32, #tpu.memory_space<hbm>>
        tpu.wait_indirect_dma semaphore(%arg11 : memref<!tpu.dma_semaphore, #tpu.memory_space<semaphore_mem>>) src(%dma_wait3A_121 : memref<10000x128xf32, #tpu.memory_space<hbm>>) dst(%arg7 : memref<128x128xf32, #tpu.memory_space<vmem>>)
        %run_scoped3A = arith.constant 0 : i32
        %run_scoped3A_122 = arith.constant 1 : i32
        "tpu.region"() ({
          %run_scoped3A_241 = tpu.sem_alloc : memref<!tpu.dma_semaphore, #tpu.memory_space<semaphore_mem>>
          %dma_start3A_242 = arith.constant 0 : i32
          %dma_start3A_243 = tpu.memref_slice %arg5[%run_scoped3A, %run_scoped3A_122, %dma_start3A_242] : memref<8x2x128xi32, #tpu.memory_space<vmem>> -> memref<1x1x128xi32, #tpu.memory_space<vmem>>
          %dma_start3A_244 = tpu.memref_squeeze %dma_start3A_243 : memref<1x1x128xi32, #tpu.memory_space<vmem>> -> memref<128xi32, #tpu.memory_space<vmem>>
          %dma_start3A_245 = arith.constant 0 : i32
          %dma_start3A_246 = arith.constant 0 : i32
          %dma_start3A_247 = tpu.memref_slice %arg13[%dma_start3A_245, %dma_start3A_246] : memref<10112x128xf32, #tpu.memory_space<vmem_shared>> -> memref<10112x128xf32, #tpu.memory_space<vmem_shared>>
          tpu.enqueue_indirect_dma source(%arg7 : memref<128x128xf32, #tpu.memory_space<vmem>>) target(%dma_start3A_247 : memref<10112x128xf32, #tpu.memory_space<vmem_shared>>) offsets(%dma_start3A_244 : memref<128xi32, #tpu.memory_space<vmem>>) semaphore(%run_scoped3A_241 : memref<!tpu.dma_semaphore, #tpu.memory_space<semaphore_mem>>) {add = true}
          %dma_wait3A_248 = arith.constant 0 : i32
          %dma_wait3A_249 = tpu.memref_slice %arg5[%run_scoped3A, %run_scoped3A_122, %dma_wait3A_248] : memref<8x2x128xi32, #tpu.memory_space<vmem>> -> memref<1x1x128xi32, #tpu.memory_space<vmem>>
          %dma_wait3A_250 = tpu.memref_squeeze %dma_wait3A_249 : memref<1x1x128xi32, #tpu.memory_space<vmem>> -> memref<128xi32, #tpu.memory_space<vmem>>
          %dma_wait3A_251 = arith.constant 0 : i32
          %dma_wait3A_252 = arith.constant 0 : i32
          %dma_wait3A_253 = tpu.memref_slice %arg13[%dma_wait3A_251, %dma_wait3A_252] : memref<10112x128xf32, #tpu.memory_space<vmem_shared>> -> memref<10112x128xf32, #tpu.memory_space<vmem_shared>>
          tpu.wait_indirect_dma semaphore(%run_scoped3A_241 : memref<!tpu.dma_semaphore, #tpu.memory_space<semaphore_mem>>) src(%arg7 : memref<128x128xf32, #tpu.memory_space<vmem>>) dst(%dma_wait3A_253 : memref<10112x128xf32, #tpu.memory_space<vmem_shared>>)
          tpu.yield
        }) : () -> ()
        %dma_start3A_123 = arith.constant 2 : i32
        %dma_start3A_124 = arith.constant 0 : i32
        %dma_start3A_125 = arith.constant 0 : i32
        %dma_start3A_126 = tpu.memref_slice %arg5[%dma_start3A_123, %dma_start3A_124, %dma_start3A_125] : memref<8x2x128xi32, #tpu.memory_space<vmem>> -> memref<1x1x128xi32, #tpu.memory_space<vmem>>
        %dma_start3A_127 = tpu.memref_squeeze %dma_start3A_126 : memref<1x1x128xi32, #tpu.memory_space<vmem>> -> memref<128xi32, #tpu.memory_space<vmem>>
        %dma_start3A_128 = arith.constant 0 : i32
        %dma_start3A_129 = arith.constant 0 : i32
        %dma_start3A_130 = tpu.memref_slice %arg2[%dma_start3A_128, %dma_start3A_129] : memref<10000x128xf32, #tpu.memory_space<hbm>> -> memref<10000x128xf32, #tpu.memory_space<hbm>>
        tpu.enqueue_indirect_dma source(%dma_start3A_130 : memref<10000x128xf32, #tpu.memory_space<hbm>>) target(%arg7 : memref<128x128xf32, #tpu.memory_space<vmem>>) offsets(%dma_start3A_127 : memref<128xi32, #tpu.memory_space<vmem>>) semaphore(%arg11 : memref<!tpu.dma_semaphore, #tpu.memory_space<semaphore_mem>>)
        %dma_wait3A_131 = arith.constant 1 : i32
        %dma_wait3A_132 = arith.constant 0 : i32
        %dma_wait3A_133 = arith.constant 0 : i32
        %dma_wait3A_134 = tpu.memref_slice %arg5[%dma_wait3A_131, %dma_wait3A_132, %dma_wait3A_133] : memref<8x2x128xi32, #tpu.memory_space<vmem>> -> memref<1x1x128xi32, #tpu.memory_space<vmem>>
        %dma_wait3A_135 = tpu.memref_squeeze %dma_wait3A_134 : memref<1x1x128xi32, #tpu.memory_space<vmem>> -> memref<128xi32, #tpu.memory_space<vmem>>
        %dma_wait3A_136 = arith.constant 0 : i32
        %dma_wait3A_137 = arith.constant 0 : i32
        %dma_wait3A_138 = tpu.memref_slice %arg2[%dma_wait3A_136, %dma_wait3A_137] : memref<10000x128xf32, #tpu.memory_space<hbm>> -> memref<10000x128xf32, #tpu.memory_space<hbm>>
        tpu.wait_indirect_dma semaphore(%arg12 : memref<!tpu.dma_semaphore, #tpu.memory_space<semaphore_mem>>) src(%dma_wait3A_138 : memref<10000x128xf32, #tpu.memory_space<hbm>>) dst(%arg8 : memref<128x128xf32, #tpu.memory_space<vmem>>)
        %run_scoped3A_139 = arith.constant 1 : i32
        %run_scoped3A_140 = arith.constant 1 : i32
        "tpu.region"() ({
          %run_scoped3A_241 = tpu.sem_alloc : memref<!tpu.dma_semaphore, #tpu.memory_space<semaphore_mem>>
          %dma_start3A_242 = arith.constant 0 : i32
          %dma_start3A_243 = tpu.memref_slice %arg5[%run_scoped3A_139, %run_scoped3A_140, %dma_start3A_242] : memref<8x2x128xi32, #tpu.memory_space<vmem>> -> memref<1x1x128xi32, #tpu.memory_space<vmem>>
          %dma_start3A_244 = tpu.memref_squeeze %dma_start3A_243 : memref<1x1x128xi32, #tpu.memory_space<vmem>> -> memref<128xi32, #tpu.memory_space<vmem>>
          %dma_start3A_245 = arith.constant 0 : i32
          %dma_start3A_246 = arith.constant 0 : i32
          %dma_start3A_247 = tpu.memref_slice %arg13[%dma_start3A_245, %dma_start3A_246] : memref<10112x128xf32, #tpu.memory_space<vmem_shared>> -> memref<10112x128xf32, #tpu.memory_space<vmem_shared>>
          tpu.enqueue_indirect_dma source(%arg8 : memref<128x128xf32, #tpu.memory_space<vmem>>) target(%dma_start3A_247 : memref<10112x128xf32, #tpu.memory_space<vmem_shared>>) offsets(%dma_start3A_244 : memref<128xi32, #tpu.memory_space<vmem>>) semaphore(%run_scoped3A_241 : memref<!tpu.dma_semaphore, #tpu.memory_space<semaphore_mem>>) {add = true}
          %dma_wait3A_248 = arith.constant 0 : i32
          %dma_wait3A_249 = tpu.memref_slice %arg5[%run_scoped3A_139, %run_scoped3A_140, %dma_wait3A_248] : memref<8x2x128xi32, #tpu.memory_space<vmem>> -> memref<1x1x128xi32, #tpu.memory_space<vmem>>
          %dma_wait3A_250 = tpu.memref_squeeze %dma_wait3A_249 : memref<1x1x128xi32, #tpu.memory_space<vmem>> -> memref<128xi32, #tpu.memory_space<vmem>>
          %dma_wait3A_251 = arith.constant 0 : i32
          %dma_wait3A_252 = arith.constant 0 : i32
          %dma_wait3A_253 = tpu.memref_slice %arg13[%dma_wait3A_251, %dma_wait3A_252] : memref<10112x128xf32, #tpu.memory_space<vmem_shared>> -> memref<10112x128xf32, #tpu.memory_space<vmem_shared>>
          tpu.wait_indirect_dma semaphore(%run_scoped3A_241 : memref<!tpu.dma_semaphore, #tpu.memory_space<semaphore_mem>>) src(%arg8 : memref<128x128xf32, #tpu.memory_space<vmem>>) dst(%dma_wait3A_253 : memref<10112x128xf32, #tpu.memory_space<vmem_shared>>)
          tpu.yield
        }) : () -> ()
        %dma_start3A_141 = arith.constant 3 : i32
        %dma_start3A_142 = arith.constant 0 : i32
        %dma_start3A_143 = arith.constant 0 : i32
        %dma_start3A_144 = tpu.memref_slice %arg5[%dma_start3A_141, %dma_start3A_142, %dma_start3A_143] : memref<8x2x128xi32, #tpu.memory_space<vmem>> -> memref<1x1x128xi32, #tpu.memory_space<vmem>>
        %dma_start3A_145 = tpu.memref_squeeze %dma_start3A_144 : memref<1x1x128xi32, #tpu.memory_space<vmem>> -> memref<128xi32, #tpu.memory_space<vmem>>
        %dma_start3A_146 = arith.constant 0 : i32
        %dma_start3A_147 = arith.constant 0 : i32
        %dma_start3A_148 = tpu.memref_slice %arg2[%dma_start3A_146, %dma_start3A_147] : memref<10000x128xf32, #tpu.memory_space<hbm>> -> memref<10000x128xf32, #tpu.memory_space<hbm>>
        tpu.enqueue_indirect_dma source(%dma_start3A_148 : memref<10000x128xf32, #tpu.memory_space<hbm>>) target(%arg8 : memref<128x128xf32, #tpu.memory_space<vmem>>) offsets(%dma_start3A_145 : memref<128xi32, #tpu.memory_space<vmem>>) semaphore(%arg12 : memref<!tpu.dma_semaphore, #tpu.memory_space<semaphore_mem>>)
        %dma_wait3A_149 = arith.constant 2 : i32
        %dma_wait3A_150 = arith.constant 0 : i32
        %dma_wait3A_151 = arith.constant 0 : i32
        %dma_wait3A_152 = tpu.memref_slice %arg5[%dma_wait3A_149, %dma_wait3A_150, %dma_wait3A_151] : memref<8x2x128xi32, #tpu.memory_space<vmem>> -> memref<1x1x128xi32, #tpu.memory_space<vmem>>
        %dma_wait3A_153 = tpu.memref_squeeze %dma_wait3A_152 : memref<1x1x128xi32, #tpu.memory_space<vmem>> -> memref<128xi32, #tpu.memory_space<vmem>>
        %dma_wait3A_154 = arith.constant 0 : i32
        %dma_wait3A_155 = arith.constant 0 : i32
        %dma_wait3A_156 = tpu.memref_slice %arg2[%dma_wait3A_154, %dma_wait3A_155] : memref<10000x128xf32, #tpu.memory_space<hbm>> -> memref<10000x128xf32, #tpu.memory_space<hbm>>
        tpu.wait_indirect_dma semaphore(%arg11 : memref<!tpu.dma_semaphore, #tpu.memory_space<semaphore_mem>>) src(%dma_wait3A_156 : memref<10000x128xf32, #tpu.memory_space<hbm>>) dst(%arg7 : memref<128x128xf32, #tpu.memory_space<vmem>>)
        %run_scoped3A_157 = arith.constant 2 : i32
        %run_scoped3A_158 = arith.constant 1 : i32
        "tpu.region"() ({
          %run_scoped3A_241 = tpu.sem_alloc : memref<!tpu.dma_semaphore, #tpu.memory_space<semaphore_mem>>
          %dma_start3A_242 = arith.constant 0 : i32
          %dma_start3A_243 = tpu.memref_slice %arg5[%run_scoped3A_157, %run_scoped3A_158, %dma_start3A_242] : memref<8x2x128xi32, #tpu.memory_space<vmem>> -> memref<1x1x128xi32, #tpu.memory_space<vmem>>
          %dma_start3A_244 = tpu.memref_squeeze %dma_start3A_243 : memref<1x1x128xi32, #tpu.memory_space<vmem>> -> memref<128xi32, #tpu.memory_space<vmem>>
          %dma_start3A_245 = arith.constant 0 : i32
          %dma_start3A_246 = arith.constant 0 : i32
          %dma_start3A_247 = tpu.memref_slice %arg13[%dma_start3A_245, %dma_start3A_246] : memref<10112x128xf32, #tpu.memory_space<vmem_shared>> -> memref<10112x128xf32, #tpu.memory_space<vmem_shared>>
          tpu.enqueue_indirect_dma source(%arg7 : memref<128x128xf32, #tpu.memory_space<vmem>>) target(%dma_start3A_247 : memref<10112x128xf32, #tpu.memory_space<vmem_shared>>) offsets(%dma_start3A_244 : memref<128xi32, #tpu.memory_space<vmem>>) semaphore(%run_scoped3A_241 : memref<!tpu.dma_semaphore, #tpu.memory_space<semaphore_mem>>) {add = true}
          %dma_wait3A_248 = arith.constant 0 : i32
          %dma_wait3A_249 = tpu.memref_slice %arg5[%run_scoped3A_157, %run_scoped3A_158, %dma_wait3A_248] : memref<8x2x128xi32, #tpu.memory_space<vmem>> -> memref<1x1x128xi32, #tpu.memory_space<vmem>>
          %dma_wait3A_250 = tpu.memref_squeeze %dma_wait3A_249 : memref<1x1x128xi32, #tpu.memory_space<vmem>> -> memref<128xi32, #tpu.memory_space<vmem>>
          %dma_wait3A_251 = arith.constant 0 : i32
          %dma_wait3A_252 = arith.constant 0 : i32
          %dma_wait3A_253 = tpu.memref_slice %arg13[%dma_wait3A_251, %dma_wait3A_252] : memref<10112x128xf32, #tpu.memory_space<vmem_shared>> -> memref<10112x128xf32, #tpu.memory_space<vmem_shared>>
          tpu.wait_indirect_dma semaphore(%run_scoped3A_241 : memref<!tpu.dma_semaphore, #tpu.memory_space<semaphore_mem>>) src(%arg7 : memref<128x128xf32, #tpu.memory_space<vmem>>) dst(%dma_wait3A_253 : memref<10112x128xf32, #tpu.memory_space<vmem_shared>>)
          tpu.yield
        }) : () -> ()
        %dma_start3A_159 = arith.constant 4 : i32
        %dma_start3A_160 = arith.constant 0 : i32
        %dma_start3A_161 = arith.constant 0 : i32
        %dma_start3A_162 = tpu.memref_slice %arg5[%dma_start3A_159, %dma_start3A_160, %dma_start3A_161] : memref<8x2x128xi32, #tpu.memory_space<vmem>> -> memref<1x1x128xi32, #tpu.memory_space<vmem>>
        %dma_start3A_163 = tpu.memref_squeeze %dma_start3A_162 : memref<1x1x128xi32, #tpu.memory_space<vmem>> -> memref<128xi32, #tpu.memory_space<vmem>>
        %dma_start3A_164 = arith.constant 0 : i32
        %dma_start3A_165 = arith.constant 0 : i32
        %dma_start3A_166 = tpu.memref_slice %arg2[%dma_start3A_164, %dma_start3A_165] : memref<10000x128xf32, #tpu.memory_space<hbm>> -> memref<10000x128xf32, #tpu.memory_space<hbm>>
        tpu.enqueue_indirect_dma source(%dma_start3A_166 : memref<10000x128xf32, #tpu.memory_space<hbm>>) target(%arg7 : memref<128x128xf32, #tpu.memory_space<vmem>>) offsets(%dma_start3A_163 : memref<128xi32, #tpu.memory_space<vmem>>) semaphore(%arg11 : memref<!tpu.dma_semaphore, #tpu.memory_space<semaphore_mem>>)
        %dma_wait3A_167 = arith.constant 3 : i32
        %dma_wait3A_168 = arith.constant 0 : i32
        %dma_wait3A_169 = arith.constant 0 : i32
        %dma_wait3A_170 = tpu.memref_slice %arg5[%dma_wait3A_167, %dma_wait3A_168, %dma_wait3A_169] : memref<8x2x128xi32, #tpu.memory_space<vmem>> -> memref<1x1x128xi32, #tpu.memory_space<vmem>>
        %dma_wait3A_171 = tpu.memref_squeeze %dma_wait3A_170 : memref<1x1x128xi32, #tpu.memory_space<vmem>> -> memref<128xi32, #tpu.memory_space<vmem>>
        %dma_wait3A_172 = arith.constant 0 : i32
        %dma_wait3A_173 = arith.constant 0 : i32
        %dma_wait3A_174 = tpu.memref_slice %arg2[%dma_wait3A_172, %dma_wait3A_173] : memref<10000x128xf32, #tpu.memory_space<hbm>> -> memref<10000x128xf32, #tpu.memory_space<hbm>>
        tpu.wait_indirect_dma semaphore(%arg12 : memref<!tpu.dma_semaphore, #tpu.memory_space<semaphore_mem>>) src(%dma_wait3A_174 : memref<10000x128xf32, #tpu.memory_space<hbm>>) dst(%arg8 : memref<128x128xf32, #tpu.memory_space<vmem>>)
        %run_scoped3A_175 = arith.constant 3 : i32
        %run_scoped3A_176 = arith.constant 1 : i32
        "tpu.region"() ({
          %run_scoped3A_241 = tpu.sem_alloc : memref<!tpu.dma_semaphore, #tpu.memory_space<semaphore_mem>>
          %dma_start3A_242 = arith.constant 0 : i32
          %dma_start3A_243 = tpu.memref_slice %arg5[%run_scoped3A_175, %run_scoped3A_176, %dma_start3A_242] : memref<8x2x128xi32, #tpu.memory_space<vmem>> -> memref<1x1x128xi32, #tpu.memory_space<vmem>>
          %dma_start3A_244 = tpu.memref_squeeze %dma_start3A_243 : memref<1x1x128xi32, #tpu.memory_space<vmem>> -> memref<128xi32, #tpu.memory_space<vmem>>
          %dma_start3A_245 = arith.constant 0 : i32
          %dma_start3A_246 = arith.constant 0 : i32
          %dma_start3A_247 = tpu.memref_slice %arg13[%dma_start3A_245, %dma_start3A_246] : memref<10112x128xf32, #tpu.memory_space<vmem_shared>> -> memref<10112x128xf32, #tpu.memory_space<vmem_shared>>
          tpu.enqueue_indirect_dma source(%arg8 : memref<128x128xf32, #tpu.memory_space<vmem>>) target(%dma_start3A_247 : memref<10112x128xf32, #tpu.memory_space<vmem_shared>>) offsets(%dma_start3A_244 : memref<128xi32, #tpu.memory_space<vmem>>) semaphore(%run_scoped3A_241 : memref<!tpu.dma_semaphore, #tpu.memory_space<semaphore_mem>>) {add = true}
          %dma_wait3A_248 = arith.constant 0 : i32
          %dma_wait3A_249 = tpu.memref_slice %arg5[%run_scoped3A_175, %run_scoped3A_176, %dma_wait3A_248] : memref<8x2x128xi32, #tpu.memory_space<vmem>> -> memref<1x1x128xi32, #tpu.memory_space<vmem>>
          %dma_wait3A_250 = tpu.memref_squeeze %dma_wait3A_249 : memref<1x1x128xi32, #tpu.memory_space<vmem>> -> memref<128xi32, #tpu.memory_space<vmem>>
          %dma_wait3A_251 = arith.constant 0 : i32
          %dma_wait3A_252 = arith.constant 0 : i32
          %dma_wait3A_253 = tpu.memref_slice %arg13[%dma_wait3A_251, %dma_wait3A_252] : memref<10112x128xf32, #tpu.memory_space<vmem_shared>> -> memref<10112x128xf32, #tpu.memory_space<vmem_shared>>
          tpu.wait_indirect_dma semaphore(%run_scoped3A_241 : memref<!tpu.dma_semaphore, #tpu.memory_space<semaphore_mem>>) src(%arg8 : memref<128x128xf32, #tpu.memory_space<vmem>>) dst(%dma_wait3A_253 : memref<10112x128xf32, #tpu.memory_space<vmem_shared>>)
          tpu.yield
        }) : () -> ()
        %dma_start3A_177 = arith.constant 5 : i32
        %dma_start3A_178 = arith.constant 0 : i32
        %dma_start3A_179 = arith.constant 0 : i32
        %dma_start3A_180 = tpu.memref_slice %arg5[%dma_start3A_177, %dma_start3A_178, %dma_start3A_179] : memref<8x2x128xi32, #tpu.memory_space<vmem>> -> memref<1x1x128xi32, #tpu.memory_space<vmem>>
        %dma_start3A_181 = tpu.memref_squeeze %dma_start3A_180 : memref<1x1x128xi32, #tpu.memory_space<vmem>> -> memref<128xi32, #tpu.memory_space<vmem>>
        %dma_start3A_182 = arith.constant 0 : i32
        %dma_start3A_183 = arith.constant 0 : i32
        %dma_start3A_184 = tpu.memref_slice %arg2[%dma_start3A_182, %dma_start3A_183] : memref<10000x128xf32, #tpu.memory_space<hbm>> -> memref<10000x128xf32, #tpu.memory_space<hbm>>
        tpu.enqueue_indirect_dma source(%dma_start3A_184 : memref<10000x128xf32, #tpu.memory_space<hbm>>) target(%arg8 : memref<128x128xf32, #tpu.memory_space<vmem>>) offsets(%dma_start3A_181 : memref<128xi32, #tpu.memory_space<vmem>>) semaphore(%arg12 : memref<!tpu.dma_semaphore, #tpu.memory_space<semaphore_mem>>)
        %dma_wait3A_185 = arith.constant 4 : i32
        %dma_wait3A_186 = arith.constant 0 : i32
        %dma_wait3A_187 = arith.constant 0 : i32
        %dma_wait3A_188 = tpu.memref_slice %arg5[%dma_wait3A_185, %dma_wait3A_186, %dma_wait3A_187] : memref<8x2x128xi32, #tpu.memory_space<vmem>> -> memref<1x1x128xi32, #tpu.memory_space<vmem>>
        %dma_wait3A_189 = tpu.memref_squeeze %dma_wait3A_188 : memref<1x1x128xi32, #tpu.memory_space<vmem>> -> memref<128xi32, #tpu.memory_space<vmem>>
        %dma_wait3A_190 = arith.constant 0 : i32
        %dma_wait3A_191 = arith.constant 0 : i32
        %dma_wait3A_192 = tpu.memref_slice %arg2[%dma_wait3A_190, %dma_wait3A_191] : memref<10000x128xf32, #tpu.memory_space<hbm>> -> memref<10000x128xf32, #tpu.memory_space<hbm>>
        tpu.wait_indirect_dma semaphore(%arg11 : memref<!tpu.dma_semaphore, #tpu.memory_space<semaphore_mem>>) src(%dma_wait3A_192 : memref<10000x128xf32, #tpu.memory_space<hbm>>) dst(%arg7 : memref<128x128xf32, #tpu.memory_space<vmem>>)
        %run_scoped3A_193 = arith.constant 4 : i32
        %run_scoped3A_194 = arith.constant 1 : i32
        "tpu.region"() ({
          %run_scoped3A_241 = tpu.sem_alloc : memref<!tpu.dma_semaphore, #tpu.memory_space<semaphore_mem>>
          %dma_start3A_242 = arith.constant 0 : i32
          %dma_start3A_243 = tpu.memref_slice %arg5[%run_scoped3A_193, %run_scoped3A_194, %dma_start3A_242] : memref<8x2x128xi32, #tpu.memory_space<vmem>> -> memref<1x1x128xi32, #tpu.memory_space<vmem>>
          %dma_start3A_244 = tpu.memref_squeeze %dma_start3A_243 : memref<1x1x128xi32, #tpu.memory_space<vmem>> -> memref<128xi32, #tpu.memory_space<vmem>>
          %dma_start3A_245 = arith.constant 0 : i32
          %dma_start3A_246 = arith.constant 0 : i32
          %dma_start3A_247 = tpu.memref_slice %arg13[%dma_start3A_245, %dma_start3A_246] : memref<10112x128xf32, #tpu.memory_space<vmem_shared>> -> memref<10112x128xf32, #tpu.memory_space<vmem_shared>>
          tpu.enqueue_indirect_dma source(%arg7 : memref<128x128xf32, #tpu.memory_space<vmem>>) target(%dma_start3A_247 : memref<10112x128xf32, #tpu.memory_space<vmem_shared>>) offsets(%dma_start3A_244 : memref<128xi32, #tpu.memory_space<vmem>>) semaphore(%run_scoped3A_241 : memref<!tpu.dma_semaphore, #tpu.memory_space<semaphore_mem>>) {add = true}
          %dma_wait3A_248 = arith.constant 0 : i32
          %dma_wait3A_249 = tpu.memref_slice %arg5[%run_scoped3A_193, %run_scoped3A_194, %dma_wait3A_248] : memref<8x2x128xi32, #tpu.memory_space<vmem>> -> memref<1x1x128xi32, #tpu.memory_space<vmem>>
          %dma_wait3A_250 = tpu.memref_squeeze %dma_wait3A_249 : memref<1x1x128xi32, #tpu.memory_space<vmem>> -> memref<128xi32, #tpu.memory_space<vmem>>
          %dma_wait3A_251 = arith.constant 0 : i32
          %dma_wait3A_252 = arith.constant 0 : i32
          %dma_wait3A_253 = tpu.memref_slice %arg13[%dma_wait3A_251, %dma_wait3A_252] : memref<10112x128xf32, #tpu.memory_space<vmem_shared>> -> memref<10112x128xf32, #tpu.memory_space<vmem_shared>>
          tpu.wait_indirect_dma semaphore(%run_scoped3A_241 : memref<!tpu.dma_semaphore, #tpu.memory_space<semaphore_mem>>) src(%arg7 : memref<128x128xf32, #tpu.memory_space<vmem>>) dst(%dma_wait3A_253 : memref<10112x128xf32, #tpu.memory_space<vmem_shared>>)
          tpu.yield
        }) : () -> ()
        %dma_start3A_195 = arith.constant 6 : i32
        %dma_start3A_196 = arith.constant 0 : i32
        %dma_start3A_197 = arith.constant 0 : i32
        %dma_start3A_198 = tpu.memref_slice %arg5[%dma_start3A_195, %dma_start3A_196, %dma_start3A_197] : memref<8x2x128xi32, #tpu.memory_space<vmem>> -> memref<1x1x128xi32, #tpu.memory_space<vmem>>
        %dma_start3A_199 = tpu.memref_squeeze %dma_start3A_198 : memref<1x1x128xi32, #tpu.memory_space<vmem>> -> memref<128xi32, #tpu.memory_space<vmem>>
        %dma_start3A_200 = arith.constant 0 : i32
        %dma_start3A_201 = arith.constant 0 : i32
        %dma_start3A_202 = tpu.memref_slice %arg2[%dma_start3A_200, %dma_start3A_201] : memref<10000x128xf32, #tpu.memory_space<hbm>> -> memref<10000x128xf32, #tpu.memory_space<hbm>>
        tpu.enqueue_indirect_dma source(%dma_start3A_202 : memref<10000x128xf32, #tpu.memory_space<hbm>>) target(%arg7 : memref<128x128xf32, #tpu.memory_space<vmem>>) offsets(%dma_start3A_199 : memref<128xi32, #tpu.memory_space<vmem>>) semaphore(%arg11 : memref<!tpu.dma_semaphore, #tpu.memory_space<semaphore_mem>>)
        %dma_wait3A_203 = arith.constant 5 : i32
        %dma_wait3A_204 = arith.constant 0 : i32
        %dma_wait3A_205 = arith.constant 0 : i32
        %dma_wait3A_206 = tpu.memref_slice %arg5[%dma_wait3A_203, %dma_wait3A_204, %dma_wait3A_205] : memref<8x2x128xi32, #tpu.memory_space<vmem>> -> memref<1x1x128xi32, #tpu.memory_space<vmem>>
        %dma_wait3A_207 = tpu.memref_squeeze %dma_wait3A_206 : memref<1x1x128xi32, #tpu.memory_space<vmem>> -> memref<128xi32, #tpu.memory_space<vmem>>
        %dma_wait3A_208 = arith.constant 0 : i32
        %dma_wait3A_209 = arith.constant 0 : i32
        %dma_wait3A_210 = tpu.memref_slice %arg2[%dma_wait3A_208, %dma_wait3A_209] : memref<10000x128xf32, #tpu.memory_space<hbm>> -> memref<10000x128xf32, #tpu.memory_space<hbm>>
        tpu.wait_indirect_dma semaphore(%arg12 : memref<!tpu.dma_semaphore, #tpu.memory_space<semaphore_mem>>) src(%dma_wait3A_210 : memref<10000x128xf32, #tpu.memory_space<hbm>>) dst(%arg8 : memref<128x128xf32, #tpu.memory_space<vmem>>)
        %run_scoped3A_211 = arith.constant 5 : i32
        %run_scoped3A_212 = arith.constant 1 : i32
        "tpu.region"() ({
          %run_scoped3A_241 = tpu.sem_alloc : memref<!tpu.dma_semaphore, #tpu.memory_space<semaphore_mem>>
          %dma_start3A_242 = arith.constant 0 : i32
          %dma_start3A_243 = tpu.memref_slice %arg5[%run_scoped3A_211, %run_scoped3A_212, %dma_start3A_242] : memref<8x2x128xi32, #tpu.memory_space<vmem>> -> memref<1x1x128xi32, #tpu.memory_space<vmem>>
          %dma_start3A_244 = tpu.memref_squeeze %dma_start3A_243 : memref<1x1x128xi32, #tpu.memory_space<vmem>> -> memref<128xi32, #tpu.memory_space<vmem>>
          %dma_start3A_245 = arith.constant 0 : i32
          %dma_start3A_246 = arith.constant 0 : i32
          %dma_start3A_247 = tpu.memref_slice %arg13[%dma_start3A_245, %dma_start3A_246] : memref<10112x128xf32, #tpu.memory_space<vmem_shared>> -> memref<10112x128xf32, #tpu.memory_space<vmem_shared>>
          tpu.enqueue_indirect_dma source(%arg8 : memref<128x128xf32, #tpu.memory_space<vmem>>) target(%dma_start3A_247 : memref<10112x128xf32, #tpu.memory_space<vmem_shared>>) offsets(%dma_start3A_244 : memref<128xi32, #tpu.memory_space<vmem>>) semaphore(%run_scoped3A_241 : memref<!tpu.dma_semaphore, #tpu.memory_space<semaphore_mem>>) {add = true}
          %dma_wait3A_248 = arith.constant 0 : i32
          %dma_wait3A_249 = tpu.memref_slice %arg5[%run_scoped3A_211, %run_scoped3A_212, %dma_wait3A_248] : memref<8x2x128xi32, #tpu.memory_space<vmem>> -> memref<1x1x128xi32, #tpu.memory_space<vmem>>
          %dma_wait3A_250 = tpu.memref_squeeze %dma_wait3A_249 : memref<1x1x128xi32, #tpu.memory_space<vmem>> -> memref<128xi32, #tpu.memory_space<vmem>>
          %dma_wait3A_251 = arith.constant 0 : i32
          %dma_wait3A_252 = arith.constant 0 : i32
          %dma_wait3A_253 = tpu.memref_slice %arg13[%dma_wait3A_251, %dma_wait3A_252] : memref<10112x128xf32, #tpu.memory_space<vmem_shared>> -> memref<10112x128xf32, #tpu.memory_space<vmem_shared>>
          tpu.wait_indirect_dma semaphore(%run_scoped3A_241 : memref<!tpu.dma_semaphore, #tpu.memory_space<semaphore_mem>>) src(%arg8 : memref<128x128xf32, #tpu.memory_space<vmem>>) dst(%dma_wait3A_253 : memref<10112x128xf32, #tpu.memory_space<vmem_shared>>)
          tpu.yield
        }) : () -> ()
        %dma_start3A_213 = arith.constant 7 : i32
        %dma_start3A_214 = arith.constant 0 : i32
        %dma_start3A_215 = arith.constant 0 : i32
        %dma_start3A_216 = tpu.memref_slice %arg5[%dma_start3A_213, %dma_start3A_214, %dma_start3A_215] : memref<8x2x128xi32, #tpu.memory_space<vmem>> -> memref<1x1x128xi32, #tpu.memory_space<vmem>>
        %dma_start3A_217 = tpu.memref_squeeze %dma_start3A_216 : memref<1x1x128xi32, #tpu.memory_space<vmem>> -> memref<128xi32, #tpu.memory_space<vmem>>
        %dma_start3A_218 = arith.constant 0 : i32
        %dma_start3A_219 = arith.constant 0 : i32
        %dma_start3A_220 = tpu.memref_slice %arg2[%dma_start3A_218, %dma_start3A_219] : memref<10000x128xf32, #tpu.memory_space<hbm>> -> memref<10000x128xf32, #tpu.memory_space<hbm>>
        tpu.enqueue_indirect_dma source(%dma_start3A_220 : memref<10000x128xf32, #tpu.memory_space<hbm>>) target(%arg8 : memref<128x128xf32, #tpu.memory_space<vmem>>) offsets(%dma_start3A_217 : memref<128xi32, #tpu.memory_space<vmem>>) semaphore(%arg12 : memref<!tpu.dma_semaphore, #tpu.memory_space<semaphore_mem>>)
        %dma_wait3A_221 = arith.constant 6 : i32
        %dma_wait3A_222 = arith.constant 0 : i32
        %dma_wait3A_223 = arith.constant 0 : i32
        %dma_wait3A_224 = tpu.memref_slice %arg5[%dma_wait3A_221, %dma_wait3A_222, %dma_wait3A_223] : memref<8x2x128xi32, #tpu.memory_space<vmem>> -> memref<1x1x128xi32, #tpu.memory_space<vmem>>
        %dma_wait3A_225 = tpu.memref_squeeze %dma_wait3A_224 : memref<1x1x128xi32, #tpu.memory_space<vmem>> -> memref<128xi32, #tpu.memory_space<vmem>>
        %dma_wait3A_226 = arith.constant 0 : i32
        %dma_wait3A_227 = arith.constant 0 : i32
        %dma_wait3A_228 = tpu.memref_slice %arg2[%dma_wait3A_226, %dma_wait3A_227] : memref<10000x128xf32, #tpu.memory_space<hbm>> -> memref<10000x128xf32, #tpu.memory_space<hbm>>
        tpu.wait_indirect_dma semaphore(%arg11 : memref<!tpu.dma_semaphore, #tpu.memory_space<semaphore_mem>>) src(%dma_wait3A_228 : memref<10000x128xf32, #tpu.memory_space<hbm>>) dst(%arg7 : memref<128x128xf32, #tpu.memory_space<vmem>>)
        %run_scoped3A_229 = arith.constant 6 : i32
        %run_scoped3A_230 = arith.constant 1 : i32
        "tpu.region"() ({
          %run_scoped3A_241 = tpu.sem_alloc : memref<!tpu.dma_semaphore, #tpu.memory_space<semaphore_mem>>
          %dma_start3A_242 = arith.constant 0 : i32
          %dma_start3A_243 = tpu.memref_slice %arg5[%run_scoped3A_229, %run_scoped3A_230, %dma_start3A_242] : memref<8x2x128xi32, #tpu.memory_space<vmem>> -> memref<1x1x128xi32, #tpu.memory_space<vmem>>
          %dma_start3A_244 = tpu.memref_squeeze %dma_start3A_243 : memref<1x1x128xi32, #tpu.memory_space<vmem>> -> memref<128xi32, #tpu.memory_space<vmem>>
          %dma_start3A_245 = arith.constant 0 : i32
          %dma_start3A_246 = arith.constant 0 : i32
          %dma_start3A_247 = tpu.memref_slice %arg13[%dma_start3A_245, %dma_start3A_246] : memref<10112x128xf32, #tpu.memory_space<vmem_shared>> -> memref<10112x128xf32, #tpu.memory_space<vmem_shared>>
          tpu.enqueue_indirect_dma source(%arg7 : memref<128x128xf32, #tpu.memory_space<vmem>>) target(%dma_start3A_247 : memref<10112x128xf32, #tpu.memory_space<vmem_shared>>) offsets(%dma_start3A_244 : memref<128xi32, #tpu.memory_space<vmem>>) semaphore(%run_scoped3A_241 : memref<!tpu.dma_semaphore, #tpu.memory_space<semaphore_mem>>) {add = true}
          %dma_wait3A_248 = arith.constant 0 : i32
          %dma_wait3A_249 = tpu.memref_slice %arg5[%run_scoped3A_229, %run_scoped3A_230, %dma_wait3A_248] : memref<8x2x128xi32, #tpu.memory_space<vmem>> -> memref<1x1x128xi32, #tpu.memory_space<vmem>>
          %dma_wait3A_250 = tpu.memref_squeeze %dma_wait3A_249 : memref<1x1x128xi32, #tpu.memory_space<vmem>> -> memref<128xi32, #tpu.memory_space<vmem>>
          %dma_wait3A_251 = arith.constant 0 : i32
          %dma_wait3A_252 = arith.constant 0 : i32
          %dma_wait3A_253 = tpu.memref_slice %arg13[%dma_wait3A_251, %dma_wait3A_252] : memref<10112x128xf32, #tpu.memory_space<vmem_shared>> -> memref<10112x128xf32, #tpu.memory_space<vmem_shared>>
          tpu.wait_indirect_dma semaphore(%run_scoped3A_241 : memref<!tpu.dma_semaphore, #tpu.memory_space<semaphore_mem>>) src(%arg7 : memref<128x128xf32, #tpu.memory_space<vmem>>) dst(%dma_wait3A_253 : memref<10112x128xf32, #tpu.memory_space<vmem_shared>>)
          tpu.yield
        }) : () -> ()
        %dma_wait3A_231 = arith.constant 7 : i32
        %dma_wait3A_232 = arith.constant 0 : i32
        %dma_wait3A_233 = arith.constant 0 : i32
        %dma_wait3A_234 = tpu.memref_slice %arg5[%dma_wait3A_231, %dma_wait3A_232, %dma_wait3A_233] : memref<8x2x128xi32, #tpu.memory_space<vmem>> -> memref<1x1x128xi32, #tpu.memory_space<vmem>>
        %dma_wait3A_235 = tpu.memref_squeeze %dma_wait3A_234 : memref<1x1x128xi32, #tpu.memory_space<vmem>> -> memref<128xi32, #tpu.memory_space<vmem>>
        %dma_wait3A_236 = arith.constant 0 : i32
        %dma_wait3A_237 = arith.constant 0 : i32
        %dma_wait3A_238 = tpu.memref_slice %arg2[%dma_wait3A_236, %dma_wait3A_237] : memref<10000x128xf32, #tpu.memory_space<hbm>> -> memref<10000x128xf32, #tpu.memory_space<hbm>>
        tpu.wait_indirect_dma semaphore(%arg12 : memref<!tpu.dma_semaphore, #tpu.memory_space<semaphore_mem>>) src(%dma_wait3A_238 : memref<10000x128xf32, #tpu.memory_space<hbm>>) dst(%arg8 : memref<128x128xf32, #tpu.memory_space<vmem>>)
        %run_scoped3A_239 = arith.constant 7 : i32
        %run_scoped3A_240 = arith.constant 1 : i32
        "tpu.region"() ({
          %run_scoped3A_241 = tpu.sem_alloc : memref<!tpu.dma_semaphore, #tpu.memory_space<semaphore_mem>>
          %dma_start3A_242 = arith.constant 0 : i32
          %dma_start3A_243 = tpu.memref_slice %arg5[%run_scoped3A_239, %run_scoped3A_240, %dma_start3A_242] : memref<8x2x128xi32, #tpu.memory_space<vmem>> -> memref<1x1x128xi32, #tpu.memory_space<vmem>>
          %dma_start3A_244 = tpu.memref_squeeze %dma_start3A_243 : memref<1x1x128xi32, #tpu.memory_space<vmem>> -> memref<128xi32, #tpu.memory_space<vmem>>
          %dma_start3A_245 = arith.constant 0 : i32
          %dma_start3A_246 = arith.constant 0 : i32
          %dma_start3A_247 = tpu.memref_slice %arg13[%dma_start3A_245, %dma_start3A_246] : memref<10112x128xf32, #tpu.memory_space<vmem_shared>> -> memref<10112x128xf32, #tpu.memory_space<vmem_shared>>
          tpu.enqueue_indirect_dma source(%arg8 : memref<128x128xf32, #tpu.memory_space<vmem>>) target(%dma_start3A_247 : memref<10112x128xf32, #tpu.memory_space<vmem_shared>>) offsets(%dma_start3A_244 : memref<128xi32, #tpu.memory_space<vmem>>) semaphore(%run_scoped3A_241 : memref<!tpu.dma_semaphore, #tpu.memory_space<semaphore_mem>>) {add = true}
          %dma_wait3A_248 = arith.constant 0 : i32
          %dma_wait3A_249 = tpu.memref_slice %arg5[%run_scoped3A_239, %run_scoped3A_240, %dma_wait3A_248] : memref<8x2x128xi32, #tpu.memory_space<vmem>> -> memref<1x1x128xi32, #tpu.memory_space<vmem>>
          %dma_wait3A_250 = tpu.memref_squeeze %dma_wait3A_249 : memref<1x1x128xi32, #tpu.memory_space<vmem>> -> memref<128xi32, #tpu.memory_space<vmem>>
          %dma_wait3A_251 = arith.constant 0 : i32
          %dma_wait3A_252 = arith.constant 0 : i32
          %dma_wait3A_253 = tpu.memref_slice %arg13[%dma_wait3A_251, %dma_wait3A_252] : memref<10112x128xf32, #tpu.memory_space<vmem_shared>> -> memref<10112x128xf32, #tpu.memory_space<vmem_shared>>
          tpu.wait_indirect_dma semaphore(%run_scoped3A_241 : memref<!tpu.dma_semaphore, #tpu.memory_space<semaphore_mem>>) src(%arg8 : memref<128x128xf32, #tpu.memory_space<vmem>>) dst(%dma_wait3A_253 : memref<10112x128xf32, #tpu.memory_space<vmem_shared>>)
          tpu.yield
        }) : () -> ()
      } else {
      }
      %jit3A_63 = arith.constant 2 : i32
      %eq3A_64 = arith.constant 0 : i32
      %eq3A_65 = arith.cmpi eq, %jit3A_63, %eq3A_64 : i32
      %jit3A_66 = arith.constant 1 : i32
      %select_n3A_67 = arith.select %eq3A_65, %jit3A_66, %jit3A_63 : i32
      %rem3A_68 = arith.remsi %while3A_45, %select_n3A_67 : i32
      %ne3A_69 = arith.constant 0 : i32
      %ne3A_70 = arith.cmpi ne, %rem3A_68, %ne3A_69 : i32
      %lt3A_71 = arith.constant 0 : i32
      %lt3A_72 = arith.cmpi slt, %rem3A_68, %lt3A_71 : i32
      %lt3A_73 = arith.constant 0 : i32
      %lt3A_74 = arith.cmpi slt, %select_n3A_67, %lt3A_73 : i32
      %ne3A_75 = arith.xori %lt3A_72, %lt3A_74 : i1
      %and3A_76 = arith.andi %ne3A_75, %ne3A_70 : i1
      %add3A_77 = arith.addi %rem3A_68, %select_n3A_67 : i32
      %select_n3A_78 = arith.select %and3A_76, %add3A_77, %rem3A_68 : i32
      %eq3A_79 = arith.constant 1 : i32
      %eq3A_80 = arith.cmpi eq, %select_n3A_78, %eq3A_79 : i32
      %convert_element_type3A_81 = arith.extui %eq3A_80 : i1 to i32
      %cond3A_82 = arith.constant 0 : i32
      %cond3A_83 = arith.cmpi ne, %convert_element_type3A_81, %cond3A_82 : i32
      scf.if %cond3A_83 {
        %dma_wait3A = arith.constant 0 : i32
        %dma_wait3A_84 = arith.constant 0 : i32
        %dma_wait3A_85 = arith.constant 0 : i32
        %dma_wait3A_86 = tpu.memref_slice %arg3[%add3A, %dma_wait3A, %dma_wait3A_84, %dma_wait3A_85] : memref<32x128x2x128xi32, #tpu.memory_space<hbm>> -> memref<1x8x2x128xi32, #tpu.memory_space<hbm>>
        %dma_wait3A_87 = tpu.memref_squeeze %dma_wait3A_86 : memref<1x8x2x128xi32, #tpu.memory_space<hbm>> -> memref<8x2x128xi32, #tpu.memory_space<hbm>>
        %dma_wait3A_88 = arith.constant 0 : i32
        %dma_wait3A_89 = arith.constant 0 : i32
        %dma_wait3A_90 = arith.constant 0 : i32
        %dma_wait3A_91 = tpu.memref_slice %arg3[%add3A, %dma_wait3A_88, %dma_wait3A_89, %dma_wait3A_90] : memref<32x128x2x128xi32, #tpu.memory_space<hbm>> -> memref<1x8x2x128xi32, #tpu.memory_space<hbm>>
        %dma_wait3A_92 = tpu.memref_squeeze %dma_wait3A_91 : memref<1x8x2x128xi32, #tpu.memory_space<hbm>> -> memref<8x2x128xi32, #tpu.memory_space<hbm>>
        tpu.wait_dma2 semaphore(%arg10 : memref<!tpu.dma_semaphore, #tpu.memory_space<semaphore_mem>>) src(%dma_wait3A_92 : memref<8x2x128xi32, #tpu.memory_space<hbm>>) dst(%arg6 : memref<8x2x128xi32, #tpu.memory_space<vmem>>)
        %add3A_93 = arith.constant 1 : i32
        %add3A_94 = arith.addi %while3A_45, %add3A_93 : i32
        %lt3A_95 = arith.cmpi slt, %add3A_94, %select_n3A : i32
        %convert_element_type3A_96 = arith.extui %lt3A_95 : i1 to i32
        %cond3A_97 = arith.constant 0 : i32
        %cond3A_98 = arith.cmpi ne, %convert_element_type3A_96, %cond3A_97 : i32
        scf.if %cond3A_98 {
          %add3A_241 = arith.constant 1 : i32
          %add3A_242 = arith.addi %while3A_45, %add3A_241 : i32
          %mul3A_243 = arith.constant 8 : i32
          %mul3A_244 = arith.muli %add3A_242, %mul3A_243 : i32
          %dma_start3A_245 = arith.constant 0 : i32
          %dma_start3A_246 = arith.constant 0 : i32
          %dma_start3A_247 = tpu.memref_slice %arg3[%add3A, %mul3A_244, %dma_start3A_245, %dma_start3A_246] : memref<32x128x2x128xi32, #tpu.memory_space<hbm>> -> memref<1x8x2x128xi32, #tpu.memory_space<hbm>>
          %dma_start3A_248 = tpu.memref_squeeze %dma_start3A_247 : memref<1x8x2x128xi32, #tpu.memory_space<hbm>> -> memref<8x2x128xi32, #tpu.memory_space<hbm>>
          %dma_start3A_249 = arith.constant 0 : i32
          %dma_start3A_250 = arith.constant 0 : i32
          %dma_start3A_251 = tpu.memref_slice %arg3[%add3A, %mul3A_244, %dma_start3A_249, %dma_start3A_250] : memref<32x128x2x128xi32, #tpu.memory_space<hbm>> -> memref<1x8x2x128xi32, #tpu.memory_space<hbm>>
          %dma_start3A_252 = tpu.memref_squeeze %dma_start3A_251 : memref<1x8x2x128xi32, #tpu.memory_space<hbm>> -> memref<8x2x128xi32, #tpu.memory_space<hbm>>
          tpu.enqueue_dma source(%dma_start3A_252 : memref<8x2x128xi32, #tpu.memory_space<hbm>>) target(%arg5 : memref<8x2x128xi32, #tpu.memory_space<vmem>>) target_semaphore(%arg9 : memref<!tpu.dma_semaphore, #tpu.memory_space<semaphore_mem>>)
        } else {
        }
        %dma_start3A = arith.constant 0 : i32
        %dma_start3A_99 = arith.constant 0 : i32
        %dma_start3A_100 = arith.constant 0 : i32
        %dma_start3A_101 = tpu.memref_slice %arg6[%dma_start3A, %dma_start3A_99, %dma_start3A_100] : memref<8x2x128xi32, #tpu.memory_space<vmem>> -> memref<1x1x128xi32, #tpu.memory_space<vmem>>
        %dma_start3A_102 = tpu.memref_squeeze %dma_start3A_101 : memref<1x1x128xi32, #tpu.memory_space<vmem>> -> memref<128xi32, #tpu.memory_space<vmem>>
        %dma_start3A_103 = arith.constant 0 : i32
        %dma_start3A_104 = arith.constant 0 : i32
        %dma_start3A_105 = tpu.memref_slice %arg2[%dma_start3A_103, %dma_start3A_104] : memref<10000x128xf32, #tpu.memory_space<hbm>> -> memref<10000x128xf32, #tpu.memory_space<hbm>>
        tpu.enqueue_indirect_dma source(%dma_start3A_105 : memref<10000x128xf32, #tpu.memory_space<hbm>>) target(%arg7 : memref<128x128xf32, #tpu.memory_space<vmem>>) offsets(%dma_start3A_102 : memref<128xi32, #tpu.memory_space<vmem>>) semaphore(%arg11 : memref<!tpu.dma_semaphore, #tpu.memory_space<semaphore_mem>>)
        %dma_start3A_106 = arith.constant 1 : i32
        %dma_start3A_107 = arith.constant 0 : i32
        %dma_start3A_108 = arith.constant 0 : i32
        %dma_start3A_109 = tpu.memref_slice %arg6[%dma_start3A_106, %dma_start3A_107, %dma_start3A_108] : memref<8x2x128xi32, #tpu.memory_space<vmem>> -> memref<1x1x128xi32, #tpu.memory_space<vmem>>
        %dma_start3A_110 = tpu.memref_squeeze %dma_start3A_109 : memref<1x1x128xi32, #tpu.memory_space<vmem>> -> memref<128xi32, #tpu.memory_space<vmem>>
        %dma_start3A_111 = arith.constant 0 : i32
        %dma_start3A_112 = arith.constant 0 : i32
        %dma_start3A_113 = tpu.memref_slice %arg2[%dma_start3A_111, %dma_start3A_112] : memref<10000x128xf32, #tpu.memory_space<hbm>> -> memref<10000x128xf32, #tpu.memory_space<hbm>>
        tpu.enqueue_indirect_dma source(%dma_start3A_113 : memref<10000x128xf32, #tpu.memory_space<hbm>>) target(%arg8 : memref<128x128xf32, #tpu.memory_space<vmem>>) offsets(%dma_start3A_110 : memref<128xi32, #tpu.memory_space<vmem>>) semaphore(%arg12 : memref<!tpu.dma_semaphore, #tpu.memory_space<semaphore_mem>>)
        %dma_wait3A_114 = arith.constant 0 : i32
        %dma_wait3A_115 = arith.constant 0 : i32
        %dma_wait3A_116 = arith.constant 0 : i32
        %dma_wait3A_117 = tpu.memref_slice %arg6[%dma_wait3A_114, %dma_wait3A_115, %dma_wait3A_116] : memref<8x2x128xi32, #tpu.memory_space<vmem>> -> memref<1x1x128xi32, #tpu.memory_space<vmem>>
        %dma_wait3A_118 = tpu.memref_squeeze %dma_wait3A_117 : memref<1x1x128xi32, #tpu.memory_space<vmem>> -> memref<128xi32, #tpu.memory_space<vmem>>
        %dma_wait3A_119 = arith.constant 0 : i32
        %dma_wait3A_120 = arith.constant 0 : i32
        %dma_wait3A_121 = tpu.memref_slice %arg2[%dma_wait3A_119, %dma_wait3A_120] : memref<10000x128xf32, #tpu.memory_space<hbm>> -> memref<10000x128xf32, #tpu.memory_space<hbm>>
        tpu.wait_indirect_dma semaphore(%arg11 : memref<!tpu.dma_semaphore, #tpu.memory_space<semaphore_mem>>) src(%dma_wait3A_121 : memref<10000x128xf32, #tpu.memory_space<hbm>>) dst(%arg7 : memref<128x128xf32, #tpu.memory_space<vmem>>)
        %run_scoped3A = arith.constant 0 : i32
        %run_scoped3A_122 = arith.constant 1 : i32
        "tpu.region"() ({
          %run_scoped3A_241 = tpu.sem_alloc : memref<!tpu.dma_semaphore, #tpu.memory_space<semaphore_mem>>
          %dma_start3A_242 = arith.constant 0 : i32
          %dma_start3A_243 = tpu.memref_slice %arg6[%run_scoped3A, %run_scoped3A_122, %dma_start3A_242] : memref<8x2x128xi32, #tpu.memory_space<vmem>> -> memref<1x1x128xi32, #tpu.memory_space<vmem>>
          %dma_start3A_244 = tpu.memref_squeeze %dma_start3A_243 : memref<1x1x128xi32, #tpu.memory_space<vmem>> -> memref<128xi32, #tpu.memory_space<vmem>>
          %dma_start3A_245 = arith.constant 0 : i32
          %dma_start3A_246 = arith.constant 0 : i32
          %dma_start3A_247 = tpu.memref_slice %arg13[%dma_start3A_245, %dma_start3A_246] : memref<10112x128xf32, #tpu.memory_space<vmem_shared>> -> memref<10112x128xf32, #tpu.memory_space<vmem_shared>>
          tpu.enqueue_indirect_dma source(%arg7 : memref<128x128xf32, #tpu.memory_space<vmem>>) target(%dma_start3A_247 : memref<10112x128xf32, #tpu.memory_space<vmem_shared>>) offsets(%dma_start3A_244 : memref<128xi32, #tpu.memory_space<vmem>>) semaphore(%run_scoped3A_241 : memref<!tpu.dma_semaphore, #tpu.memory_space<semaphore_mem>>) {add = true}
          %dma_wait3A_248 = arith.constant 0 : i32
          %dma_wait3A_249 = tpu.memref_slice %arg6[%run_scoped3A, %run_scoped3A_122, %dma_wait3A_248] : memref<8x2x128xi32, #tpu.memory_space<vmem>> -> memref<1x1x128xi32, #tpu.memory_space<vmem>>
          %dma_wait3A_250 = tpu.memref_squeeze %dma_wait3A_249 : memref<1x1x128xi32, #tpu.memory_space<vmem>> -> memref<128xi32, #tpu.memory_space<vmem>>
          %dma_wait3A_251 = arith.constant 0 : i32
          %dma_wait3A_252 = arith.constant 0 : i32
          %dma_wait3A_253 = tpu.memref_slice %arg13[%dma_wait3A_251, %dma_wait3A_252] : memref<10112x128xf32, #tpu.memory_space<vmem_shared>> -> memref<10112x128xf32, #tpu.memory_space<vmem_shared>>
          tpu.wait_indirect_dma semaphore(%run_scoped3A_241 : memref<!tpu.dma_semaphore, #tpu.memory_space<semaphore_mem>>) src(%arg7 : memref<128x128xf32, #tpu.memory_space<vmem>>) dst(%dma_wait3A_253 : memref<10112x128xf32, #tpu.memory_space<vmem_shared>>)
          tpu.yield
        }) : () -> ()
        %dma_start3A_123 = arith.constant 2 : i32
        %dma_start3A_124 = arith.constant 0 : i32
        %dma_start3A_125 = arith.constant 0 : i32
        %dma_start3A_126 = tpu.memref_slice %arg6[%dma_start3A_123, %dma_start3A_124, %dma_start3A_125] : memref<8x2x128xi32, #tpu.memory_space<vmem>> -> memref<1x1x128xi32, #tpu.memory_space<vmem>>
        %dma_start3A_127 = tpu.memref_squeeze %dma_start3A_126 : memref<1x1x128xi32, #tpu.memory_space<vmem>> -> memref<128xi32, #tpu.memory_space<vmem>>
        %dma_start3A_128 = arith.constant 0 : i32
        %dma_start3A_129 = arith.constant 0 : i32
        %dma_start3A_130 = tpu.memref_slice %arg2[%dma_start3A_128, %dma_start3A_129] : memref<10000x128xf32, #tpu.memory_space<hbm>> -> memref<10000x128xf32, #tpu.memory_space<hbm>>
        tpu.enqueue_indirect_dma source(%dma_start3A_130 : memref<10000x128xf32, #tpu.memory_space<hbm>>) target(%arg7 : memref<128x128xf32, #tpu.memory_space<vmem>>) offsets(%dma_start3A_127 : memref<128xi32, #tpu.memory_space<vmem>>) semaphore(%arg11 : memref<!tpu.dma_semaphore, #tpu.memory_space<semaphore_mem>>)
        %dma_wait3A_131 = arith.constant 1 : i32
        %dma_wait3A_132 = arith.constant 0 : i32
        %dma_wait3A_133 = arith.constant 0 : i32
        %dma_wait3A_134 = tpu.memref_slice %arg6[%dma_wait3A_131, %dma_wait3A_132, %dma_wait3A_133] : memref<8x2x128xi32, #tpu.memory_space<vmem>> -> memref<1x1x128xi32, #tpu.memory_space<vmem>>
        %dma_wait3A_135 = tpu.memref_squeeze %dma_wait3A_134 : memref<1x1x128xi32, #tpu.memory_space<vmem>> -> memref<128xi32, #tpu.memory_space<vmem>>
        %dma_wait3A_136 = arith.constant 0 : i32
        %dma_wait3A_137 = arith.constant 0 : i32
        %dma_wait3A_138 = tpu.memref_slice %arg2[%dma_wait3A_136, %dma_wait3A_137] : memref<10000x128xf32, #tpu.memory_space<hbm>> -> memref<10000x128xf32, #tpu.memory_space<hbm>>
        tpu.wait_indirect_dma semaphore(%arg12 : memref<!tpu.dma_semaphore, #tpu.memory_space<semaphore_mem>>) src(%dma_wait3A_138 : memref<10000x128xf32, #tpu.memory_space<hbm>>) dst(%arg8 : memref<128x128xf32, #tpu.memory_space<vmem>>)
        %run_scoped3A_139 = arith.constant 1 : i32
        %run_scoped3A_140 = arith.constant 1 : i32
        "tpu.region"() ({
          %run_scoped3A_241 = tpu.sem_alloc : memref<!tpu.dma_semaphore, #tpu.memory_space<semaphore_mem>>
          %dma_start3A_242 = arith.constant 0 : i32
          %dma_start3A_243 = tpu.memref_slice %arg6[%run_scoped3A_139, %run_scoped3A_140, %dma_start3A_242] : memref<8x2x128xi32, #tpu.memory_space<vmem>> -> memref<1x1x128xi32, #tpu.memory_space<vmem>>
          %dma_start3A_244 = tpu.memref_squeeze %dma_start3A_243 : memref<1x1x128xi32, #tpu.memory_space<vmem>> -> memref<128xi32, #tpu.memory_space<vmem>>
          %dma_start3A_245 = arith.constant 0 : i32
          %dma_start3A_246 = arith.constant 0 : i32
          %dma_start3A_247 = tpu.memref_slice %arg13[%dma_start3A_245, %dma_start3A_246] : memref<10112x128xf32, #tpu.memory_space<vmem_shared>> -> memref<10112x128xf32, #tpu.memory_space<vmem_shared>>
          tpu.enqueue_indirect_dma source(%arg8 : memref<128x128xf32, #tpu.memory_space<vmem>>) target(%dma_start3A_247 : memref<10112x128xf32, #tpu.memory_space<vmem_shared>>) offsets(%dma_start3A_244 : memref<128xi32, #tpu.memory_space<vmem>>) semaphore(%run_scoped3A_241 : memref<!tpu.dma_semaphore, #tpu.memory_space<semaphore_mem>>) {add = true}
          %dma_wait3A_248 = arith.constant 0 : i32
          %dma_wait3A_249 = tpu.memref_slice %arg6[%run_scoped3A_139, %run_scoped3A_140, %dma_wait3A_248] : memref<8x2x128xi32, #tpu.memory_space<vmem>> -> memref<1x1x128xi32, #tpu.memory_space<vmem>>
          %dma_wait3A_250 = tpu.memref_squeeze %dma_wait3A_249 : memref<1x1x128xi32, #tpu.memory_space<vmem>> -> memref<128xi32, #tpu.memory_space<vmem>>
          %dma_wait3A_251 = arith.constant 0 : i32
          %dma_wait3A_252 = arith.constant 0 : i32
          %dma_wait3A_253 = tpu.memref_slice %arg13[%dma_wait3A_251, %dma_wait3A_252] : memref<10112x128xf32, #tpu.memory_space<vmem_shared>> -> memref<10112x128xf32, #tpu.memory_space<vmem_shared>>
          tpu.wait_indirect_dma semaphore(%run_scoped3A_241 : memref<!tpu.dma_semaphore, #tpu.memory_space<semaphore_mem>>) src(%arg8 : memref<128x128xf32, #tpu.memory_space<vmem>>) dst(%dma_wait3A_253 : memref<10112x128xf32, #tpu.memory_space<vmem_shared>>)
          tpu.yield
        }) : () -> ()
        %dma_start3A_141 = arith.constant 3 : i32
        %dma_start3A_142 = arith.constant 0 : i32
        %dma_start3A_143 = arith.constant 0 : i32
        %dma_start3A_144 = tpu.memref_slice %arg6[%dma_start3A_141, %dma_start3A_142, %dma_start3A_143] : memref<8x2x128xi32, #tpu.memory_space<vmem>> -> memref<1x1x128xi32, #tpu.memory_space<vmem>>
        %dma_start3A_145 = tpu.memref_squeeze %dma_start3A_144 : memref<1x1x128xi32, #tpu.memory_space<vmem>> -> memref<128xi32, #tpu.memory_space<vmem>>
        %dma_start3A_146 = arith.constant 0 : i32
        %dma_start3A_147 = arith.constant 0 : i32
        %dma_start3A_148 = tpu.memref_slice %arg2[%dma_start3A_146, %dma_start3A_147] : memref<10000x128xf32, #tpu.memory_space<hbm>> -> memref<10000x128xf32, #tpu.memory_space<hbm>>
        tpu.enqueue_indirect_dma source(%dma_start3A_148 : memref<10000x128xf32, #tpu.memory_space<hbm>>) target(%arg8 : memref<128x128xf32, #tpu.memory_space<vmem>>) offsets(%dma_start3A_145 : memref<128xi32, #tpu.memory_space<vmem>>) semaphore(%arg12 : memref<!tpu.dma_semaphore, #tpu.memory_space<semaphore_mem>>)
        %dma_wait3A_149 = arith.constant 2 : i32
        %dma_wait3A_150 = arith.constant 0 : i32
        %dma_wait3A_151 = arith.constant 0 : i32
        %dma_wait3A_152 = tpu.memref_slice %arg6[%dma_wait3A_149, %dma_wait3A_150, %dma_wait3A_151] : memref<8x2x128xi32, #tpu.memory_space<vmem>> -> memref<1x1x128xi32, #tpu.memory_space<vmem>>
        %dma_wait3A_153 = tpu.memref_squeeze %dma_wait3A_152 : memref<1x1x128xi32, #tpu.memory_space<vmem>> -> memref<128xi32, #tpu.memory_space<vmem>>
        %dma_wait3A_154 = arith.constant 0 : i32
        %dma_wait3A_155 = arith.constant 0 : i32
        %dma_wait3A_156 = tpu.memref_slice %arg2[%dma_wait3A_154, %dma_wait3A_155] : memref<10000x128xf32, #tpu.memory_space<hbm>> -> memref<10000x128xf32, #tpu.memory_space<hbm>>
        tpu.wait_indirect_dma semaphore(%arg11 : memref<!tpu.dma_semaphore, #tpu.memory_space<semaphore_mem>>) src(%dma_wait3A_156 : memref<10000x128xf32, #tpu.memory_space<hbm>>) dst(%arg7 : memref<128x128xf32, #tpu.memory_space<vmem>>)
        %run_scoped3A_157 = arith.constant 2 : i32
        %run_scoped3A_158 = arith.constant 1 : i32
        "tpu.region"() ({
          %run_scoped3A_241 = tpu.sem_alloc : memref<!tpu.dma_semaphore, #tpu.memory_space<semaphore_mem>>
          %dma_start3A_242 = arith.constant 0 : i32
          %dma_start3A_243 = tpu.memref_slice %arg6[%run_scoped3A_157, %run_scoped3A_158, %dma_start3A_242] : memref<8x2x128xi32, #tpu.memory_space<vmem>> -> memref<1x1x128xi32, #tpu.memory_space<vmem>>
          %dma_start3A_244 = tpu.memref_squeeze %dma_start3A_243 : memref<1x1x128xi32, #tpu.memory_space<vmem>> -> memref<128xi32, #tpu.memory_space<vmem>>
          %dma_start3A_245 = arith.constant 0 : i32
          %dma_start3A_246 = arith.constant 0 : i32
          %dma_start3A_247 = tpu.memref_slice %arg13[%dma_start3A_245, %dma_start3A_246] : memref<10112x128xf32, #tpu.memory_space<vmem_shared>> -> memref<10112x128xf32, #tpu.memory_space<vmem_shared>>
          tpu.enqueue_indirect_dma source(%arg7 : memref<128x128xf32, #tpu.memory_space<vmem>>) target(%dma_start3A_247 : memref<10112x128xf32, #tpu.memory_space<vmem_shared>>) offsets(%dma_start3A_244 : memref<128xi32, #tpu.memory_space<vmem>>) semaphore(%run_scoped3A_241 : memref<!tpu.dma_semaphore, #tpu.memory_space<semaphore_mem>>) {add = true}
          %dma_wait3A_248 = arith.constant 0 : i32
          %dma_wait3A_249 = tpu.memref_slice %arg6[%run_scoped3A_157, %run_scoped3A_158, %dma_wait3A_248] : memref<8x2x128xi32, #tpu.memory_space<vmem>> -> memref<1x1x128xi32, #tpu.memory_space<vmem>>
          %dma_wait3A_250 = tpu.memref_squeeze %dma_wait3A_249 : memref<1x1x128xi32, #tpu.memory_space<vmem>> -> memref<128xi32, #tpu.memory_space<vmem>>
          %dma_wait3A_251 = arith.constant 0 : i32
          %dma_wait3A_252 = arith.constant 0 : i32
          %dma_wait3A_253 = tpu.memref_slice %arg13[%dma_wait3A_251, %dma_wait3A_252] : memref<10112x128xf32, #tpu.memory_space<vmem_shared>> -> memref<10112x128xf32, #tpu.memory_space<vmem_shared>>
          tpu.wait_indirect_dma semaphore(%run_scoped3A_241 : memref<!tpu.dma_semaphore, #tpu.memory_space<semaphore_mem>>) src(%arg7 : memref<128x128xf32, #tpu.memory_space<vmem>>) dst(%dma_wait3A_253 : memref<10112x128xf32, #tpu.memory_space<vmem_shared>>)
          tpu.yield
        }) : () -> ()
        %dma_start3A_159 = arith.constant 4 : i32
        %dma_start3A_160 = arith.constant 0 : i32
        %dma_start3A_161 = arith.constant 0 : i32
        %dma_start3A_162 = tpu.memref_slice %arg6[%dma_start3A_159, %dma_start3A_160, %dma_start3A_161] : memref<8x2x128xi32, #tpu.memory_space<vmem>> -> memref<1x1x128xi32, #tpu.memory_space<vmem>>
        %dma_start3A_163 = tpu.memref_squeeze %dma_start3A_162 : memref<1x1x128xi32, #tpu.memory_space<vmem>> -> memref<128xi32, #tpu.memory_space<vmem>>
        %dma_start3A_164 = arith.constant 0 : i32
        %dma_start3A_165 = arith.constant 0 : i32
        %dma_start3A_166 = tpu.memref_slice %arg2[%dma_start3A_164, %dma_start3A_165] : memref<10000x128xf32, #tpu.memory_space<hbm>> -> memref<10000x128xf32, #tpu.memory_space<hbm>>
        tpu.enqueue_indirect_dma source(%dma_start3A_166 : memref<10000x128xf32, #tpu.memory_space<hbm>>) target(%arg7 : memref<128x128xf32, #tpu.memory_space<vmem>>) offsets(%dma_start3A_163 : memref<128xi32, #tpu.memory_space<vmem>>) semaphore(%arg11 : memref<!tpu.dma_semaphore, #tpu.memory_space<semaphore_mem>>)
        %dma_wait3A_167 = arith.constant 3 : i32
        %dma_wait3A_168 = arith.constant 0 : i32
        %dma_wait3A_169 = arith.constant 0 : i32
        %dma_wait3A_170 = tpu.memref_slice %arg6[%dma_wait3A_167, %dma_wait3A_168, %dma_wait3A_169] : memref<8x2x128xi32, #tpu.memory_space<vmem>> -> memref<1x1x128xi32, #tpu.memory_space<vmem>>
        %dma_wait3A_171 = tpu.memref_squeeze %dma_wait3A_170 : memref<1x1x128xi32, #tpu.memory_space<vmem>> -> memref<128xi32, #tpu.memory_space<vmem>>
        %dma_wait3A_172 = arith.constant 0 : i32
        %dma_wait3A_173 = arith.constant 0 : i32
        %dma_wait3A_174 = tpu.memref_slice %arg2[%dma_wait3A_172, %dma_wait3A_173] : memref<10000x128xf32, #tpu.memory_space<hbm>> -> memref<10000x128xf32, #tpu.memory_space<hbm>>
        tpu.wait_indirect_dma semaphore(%arg12 : memref<!tpu.dma_semaphore, #tpu.memory_space<semaphore_mem>>) src(%dma_wait3A_174 : memref<10000x128xf32, #tpu.memory_space<hbm>>) dst(%arg8 : memref<128x128xf32, #tpu.memory_space<vmem>>)
        %run_scoped3A_175 = arith.constant 3 : i32
        %run_scoped3A_176 = arith.constant 1 : i32
        "tpu.region"() ({
          %run_scoped3A_241 = tpu.sem_alloc : memref<!tpu.dma_semaphore, #tpu.memory_space<semaphore_mem>>
          %dma_start3A_242 = arith.constant 0 : i32
          %dma_start3A_243 = tpu.memref_slice %arg6[%run_scoped3A_175, %run_scoped3A_176, %dma_start3A_242] : memref<8x2x128xi32, #tpu.memory_space<vmem>> -> memref<1x1x128xi32, #tpu.memory_space<vmem>>
          %dma_start3A_244 = tpu.memref_squeeze %dma_start3A_243 : memref<1x1x128xi32, #tpu.memory_space<vmem>> -> memref<128xi32, #tpu.memory_space<vmem>>
          %dma_start3A_245 = arith.constant 0 : i32
          %dma_start3A_246 = arith.constant 0 : i32
          %dma_start3A_247 = tpu.memref_slice %arg13[%dma_start3A_245, %dma_start3A_246] : memref<10112x128xf32, #tpu.memory_space<vmem_shared>> -> memref<10112x128xf32, #tpu.memory_space<vmem_shared>>
          tpu.enqueue_indirect_dma source(%arg8 : memref<128x128xf32, #tpu.memory_space<vmem>>) target(%dma_start3A_247 : memref<10112x128xf32, #tpu.memory_space<vmem_shared>>) offsets(%dma_start3A_244 : memref<128xi32, #tpu.memory_space<vmem>>) semaphore(%run_scoped3A_241 : memref<!tpu.dma_semaphore, #tpu.memory_space<semaphore_mem>>) {add = true}
          %dma_wait3A_248 = arith.constant 0 : i32
          %dma_wait3A_249 = tpu.memref_slice %arg6[%run_scoped3A_175, %run_scoped3A_176, %dma_wait3A_248] : memref<8x2x128xi32, #tpu.memory_space<vmem>> -> memref<1x1x128xi32, #tpu.memory_space<vmem>>
          %dma_wait3A_250 = tpu.memref_squeeze %dma_wait3A_249 : memref<1x1x128xi32, #tpu.memory_space<vmem>> -> memref<128xi32, #tpu.memory_space<vmem>>
          %dma_wait3A_251 = arith.constant 0 : i32
          %dma_wait3A_252 = arith.constant 0 : i32
          %dma_wait3A_253 = tpu.memref_slice %arg13[%dma_wait3A_251, %dma_wait3A_252] : memref<10112x128xf32, #tpu.memory_space<vmem_shared>> -> memref<10112x128xf32, #tpu.memory_space<vmem_shared>>
          tpu.wait_indirect_dma semaphore(%run_scoped3A_241 : memref<!tpu.dma_semaphore, #tpu.memory_space<semaphore_mem>>) src(%arg8 : memref<128x128xf32, #tpu.memory_space<vmem>>) dst(%dma_wait3A_253 : memref<10112x128xf32, #tpu.memory_space<vmem_shared>>)
          tpu.yield
        }) : () -> ()
        %dma_start3A_177 = arith.constant 5 : i32
        %dma_start3A_178 = arith.constant 0 : i32
        %dma_start3A_179 = arith.constant 0 : i32
        %dma_start3A_180 = tpu.memref_slice %arg6[%dma_start3A_177, %dma_start3A_178, %dma_start3A_179] : memref<8x2x128xi32, #tpu.memory_space<vmem>> -> memref<1x1x128xi32, #tpu.memory_space<vmem>>
        %dma_start3A_181 = tpu.memref_squeeze %dma_start3A_180 : memref<1x1x128xi32, #tpu.memory_space<vmem>> -> memref<128xi32, #tpu.memory_space<vmem>>
        %dma_start3A_182 = arith.constant 0 : i32
        %dma_start3A_183 = arith.constant 0 : i32
        %dma_start3A_184 = tpu.memref_slice %arg2[%dma_start3A_182, %dma_start3A_183] : memref<10000x128xf32, #tpu.memory_space<hbm>> -> memref<10000x128xf32, #tpu.memory_space<hbm>>
        tpu.enqueue_indirect_dma source(%dma_start3A_184 : memref<10000x128xf32, #tpu.memory_space<hbm>>) target(%arg8 : memref<128x128xf32, #tpu.memory_space<vmem>>) offsets(%dma_start3A_181 : memref<128xi32, #tpu.memory_space<vmem>>) semaphore(%arg12 : memref<!tpu.dma_semaphore, #tpu.memory_space<semaphore_mem>>)
        %dma_wait3A_185 = arith.constant 4 : i32
        %dma_wait3A_186 = arith.constant 0 : i32
        %dma_wait3A_187 = arith.constant 0 : i32
        %dma_wait3A_188 = tpu.memref_slice %arg6[%dma_wait3A_185, %dma_wait3A_186, %dma_wait3A_187] : memref<8x2x128xi32, #tpu.memory_space<vmem>> -> memref<1x1x128xi32, #tpu.memory_space<vmem>>
        %dma_wait3A_189 = tpu.memref_squeeze %dma_wait3A_188 : memref<1x1x128xi32, #tpu.memory_space<vmem>> -> memref<128xi32, #tpu.memory_space<vmem>>
        %dma_wait3A_190 = arith.constant 0 : i32
        %dma_wait3A_191 = arith.constant 0 : i32
        %dma_wait3A_192 = tpu.memref_slice %arg2[%dma_wait3A_190, %dma_wait3A_191] : memref<10000x128xf32, #tpu.memory_space<hbm>> -> memref<10000x128xf32, #tpu.memory_space<hbm>>
        tpu.wait_indirect_dma semaphore(%arg11 : memref<!tpu.dma_semaphore, #tpu.memory_space<semaphore_mem>>) src(%dma_wait3A_192 : memref<10000x128xf32, #tpu.memory_space<hbm>>) dst(%arg7 : memref<128x128xf32, #tpu.memory_space<vmem>>)
        %run_scoped3A_193 = arith.constant 4 : i32
        %run_scoped3A_194 = arith.constant 1 : i32
        "tpu.region"() ({
          %run_scoped3A_241 = tpu.sem_alloc : memref<!tpu.dma_semaphore, #tpu.memory_space<semaphore_mem>>
          %dma_start3A_242 = arith.constant 0 : i32
          %dma_start3A_243 = tpu.memref_slice %arg6[%run_scoped3A_193, %run_scoped3A_194, %dma_start3A_242] : memref<8x2x128xi32, #tpu.memory_space<vmem>> -> memref<1x1x128xi32, #tpu.memory_space<vmem>>
          %dma_start3A_244 = tpu.memref_squeeze %dma_start3A_243 : memref<1x1x128xi32, #tpu.memory_space<vmem>> -> memref<128xi32, #tpu.memory_space<vmem>>
          %dma_start3A_245 = arith.constant 0 : i32
          %dma_start3A_246 = arith.constant 0 : i32
          %dma_start3A_247 = tpu.memref_slice %arg13[%dma_start3A_245, %dma_start3A_246] : memref<10112x128xf32, #tpu.memory_space<vmem_shared>> -> memref<10112x128xf32, #tpu.memory_space<vmem_shared>>
          tpu.enqueue_indirect_dma source(%arg7 : memref<128x128xf32, #tpu.memory_space<vmem>>) target(%dma_start3A_247 : memref<10112x128xf32, #tpu.memory_space<vmem_shared>>) offsets(%dma_start3A_244 : memref<128xi32, #tpu.memory_space<vmem>>) semaphore(%run_scoped3A_241 : memref<!tpu.dma_semaphore, #tpu.memory_space<semaphore_mem>>) {add = true}
          %dma_wait3A_248 = arith.constant 0 : i32
          %dma_wait3A_249 = tpu.memref_slice %arg6[%run_scoped3A_193, %run_scoped3A_194, %dma_wait3A_248] : memref<8x2x128xi32, #tpu.memory_space<vmem>> -> memref<1x1x128xi32, #tpu.memory_space<vmem>>
          %dma_wait3A_250 = tpu.memref_squeeze %dma_wait3A_249 : memref<1x1x128xi32, #tpu.memory_space<vmem>> -> memref<128xi32, #tpu.memory_space<vmem>>
          %dma_wait3A_251 = arith.constant 0 : i32
          %dma_wait3A_252 = arith.constant 0 : i32
          %dma_wait3A_253 = tpu.memref_slice %arg13[%dma_wait3A_251, %dma_wait3A_252] : memref<10112x128xf32, #tpu.memory_space<vmem_shared>> -> memref<10112x128xf32, #tpu.memory_space<vmem_shared>>
          tpu.wait_indirect_dma semaphore(%run_scoped3A_241 : memref<!tpu.dma_semaphore, #tpu.memory_space<semaphore_mem>>) src(%arg7 : memref<128x128xf32, #tpu.memory_space<vmem>>) dst(%dma_wait3A_253 : memref<10112x128xf32, #tpu.memory_space<vmem_shared>>)
          tpu.yield
        }) : () -> ()
        %dma_start3A_195 = arith.constant 6 : i32
        %dma_start3A_196 = arith.constant 0 : i32
        %dma_start3A_197 = arith.constant 0 : i32
        %dma_start3A_198 = tpu.memref_slice %arg6[%dma_start3A_195, %dma_start3A_196, %dma_start3A_197] : memref<8x2x128xi32, #tpu.memory_space<vmem>> -> memref<1x1x128xi32, #tpu.memory_space<vmem>>
        %dma_start3A_199 = tpu.memref_squeeze %dma_start3A_198 : memref<1x1x128xi32, #tpu.memory_space<vmem>> -> memref<128xi32, #tpu.memory_space<vmem>>
        %dma_start3A_200 = arith.constant 0 : i32
        %dma_start3A_201 = arith.constant 0 : i32
        %dma_start3A_202 = tpu.memref_slice %arg2[%dma_start3A_200, %dma_start3A_201] : memref<10000x128xf32, #tpu.memory_space<hbm>> -> memref<10000x128xf32, #tpu.memory_space<hbm>>
        tpu.enqueue_indirect_dma source(%dma_start3A_202 : memref<10000x128xf32, #tpu.memory_space<hbm>>) target(%arg7 : memref<128x128xf32, #tpu.memory_space<vmem>>) offsets(%dma_start3A_199 : memref<128xi32, #tpu.memory_space<vmem>>) semaphore(%arg11 : memref<!tpu.dma_semaphore, #tpu.memory_space<semaphore_mem>>)
        %dma_wait3A_203 = arith.constant 5 : i32
        %dma_wait3A_204 = arith.constant 0 : i32
        %dma_wait3A_205 = arith.constant 0 : i32
        %dma_wait3A_206 = tpu.memref_slice %arg6[%dma_wait3A_203, %dma_wait3A_204, %dma_wait3A_205] : memref<8x2x128xi32, #tpu.memory_space<vmem>> -> memref<1x1x128xi32, #tpu.memory_space<vmem>>
        %dma_wait3A_207 = tpu.memref_squeeze %dma_wait3A_206 : memref<1x1x128xi32, #tpu.memory_space<vmem>> -> memref<128xi32, #tpu.memory_space<vmem>>
        %dma_wait3A_208 = arith.constant 0 : i32
        %dma_wait3A_209 = arith.constant 0 : i32
        %dma_wait3A_210 = tpu.memref_slice %arg2[%dma_wait3A_208, %dma_wait3A_209] : memref<10000x128xf32, #tpu.memory_space<hbm>> -> memref<10000x128xf32, #tpu.memory_space<hbm>>
        tpu.wait_indirect_dma semaphore(%arg12 : memref<!tpu.dma_semaphore, #tpu.memory_space<semaphore_mem>>) src(%dma_wait3A_210 : memref<10000x128xf32, #tpu.memory_space<hbm>>) dst(%arg8 : memref<128x128xf32, #tpu.memory_space<vmem>>)
        %run_scoped3A_211 = arith.constant 5 : i32
        %run_scoped3A_212 = arith.constant 1 : i32
        "tpu.region"() ({
          %run_scoped3A_241 = tpu.sem_alloc : memref<!tpu.dma_semaphore, #tpu.memory_space<semaphore_mem>>
          %dma_start3A_242 = arith.constant 0 : i32
          %dma_start3A_243 = tpu.memref_slice %arg6[%run_scoped3A_211, %run_scoped3A_212, %dma_start3A_242] : memref<8x2x128xi32, #tpu.memory_space<vmem>> -> memref<1x1x128xi32, #tpu.memory_space<vmem>>
          %dma_start3A_244 = tpu.memref_squeeze %dma_start3A_243 : memref<1x1x128xi32, #tpu.memory_space<vmem>> -> memref<128xi32, #tpu.memory_space<vmem>>
          %dma_start3A_245 = arith.constant 0 : i32
          %dma_start3A_246 = arith.constant 0 : i32
          %dma_start3A_247 = tpu.memref_slice %arg13[%dma_start3A_245, %dma_start3A_246] : memref<10112x128xf32, #tpu.memory_space<vmem_shared>> -> memref<10112x128xf32, #tpu.memory_space<vmem_shared>>
          tpu.enqueue_indirect_dma source(%arg8 : memref<128x128xf32, #tpu.memory_space<vmem>>) target(%dma_start3A_247 : memref<10112x128xf32, #tpu.memory_space<vmem_shared>>) offsets(%dma_start3A_244 : memref<128xi32, #tpu.memory_space<vmem>>) semaphore(%run_scoped3A_241 : memref<!tpu.dma_semaphore, #tpu.memory_space<semaphore_mem>>) {add = true}
          %dma_wait3A_248 = arith.constant 0 : i32
          %dma_wait3A_249 = tpu.memref_slice %arg6[%run_scoped3A_211, %run_scoped3A_212, %dma_wait3A_248] : memref<8x2x128xi32, #tpu.memory_space<vmem>> -> memref<1x1x128xi32, #tpu.memory_space<vmem>>
          %dma_wait3A_250 = tpu.memref_squeeze %dma_wait3A_249 : memref<1x1x128xi32, #tpu.memory_space<vmem>> -> memref<128xi32, #tpu.memory_space<vmem>>
          %dma_wait3A_251 = arith.constant 0 : i32
          %dma_wait3A_252 = arith.constant 0 : i32
          %dma_wait3A_253 = tpu.memref_slice %arg13[%dma_wait3A_251, %dma_wait3A_252] : memref<10112x128xf32, #tpu.memory_space<vmem_shared>> -> memref<10112x128xf32, #tpu.memory_space<vmem_shared>>
          tpu.wait_indirect_dma semaphore(%run_scoped3A_241 : memref<!tpu.dma_semaphore, #tpu.memory_space<semaphore_mem>>) src(%arg8 : memref<128x128xf32, #tpu.memory_space<vmem>>) dst(%dma_wait3A_253 : memref<10112x128xf32, #tpu.memory_space<vmem_shared>>)
          tpu.yield
        }) : () -> ()
        %dma_start3A_213 = arith.constant 7 : i32
        %dma_start3A_214 = arith.constant 0 : i32
        %dma_start3A_215 = arith.constant 0 : i32
        %dma_start3A_216 = tpu.memref_slice %arg6[%dma_start3A_213, %dma_start3A_214, %dma_start3A_215] : memref<8x2x128xi32, #tpu.memory_space<vmem>> -> memref<1x1x128xi32, #tpu.memory_space<vmem>>
        %dma_start3A_217 = tpu.memref_squeeze %dma_start3A_216 : memref<1x1x128xi32, #tpu.memory_space<vmem>> -> memref<128xi32, #tpu.memory_space<vmem>>
        %dma_start3A_218 = arith.constant 0 : i32
        %dma_start3A_219 = arith.constant 0 : i32
        %dma_start3A_220 = tpu.memref_slice %arg2[%dma_start3A_218, %dma_start3A_219] : memref<10000x128xf32, #tpu.memory_space<hbm>> -> memref<10000x128xf32, #tpu.memory_space<hbm>>
        tpu.enqueue_indirect_dma source(%dma_start3A_220 : memref<10000x128xf32, #tpu.memory_space<hbm>>) target(%arg8 : memref<128x128xf32, #tpu.memory_space<vmem>>) offsets(%dma_start3A_217 : memref<128xi32, #tpu.memory_space<vmem>>) semaphore(%arg12 : memref<!tpu.dma_semaphore, #tpu.memory_space<semaphore_mem>>)
        %dma_wait3A_221 = arith.constant 6 : i32
        %dma_wait3A_222 = arith.constant 0 : i32
        %dma_wait3A_223 = arith.constant 0 : i32
        %dma_wait3A_224 = tpu.memref_slice %arg6[%dma_wait3A_221, %dma_wait3A_222, %dma_wait3A_223] : memref<8x2x128xi32, #tpu.memory_space<vmem>> -> memref<1x1x128xi32, #tpu.memory_space<vmem>>
        %dma_wait3A_225 = tpu.memref_squeeze %dma_wait3A_224 : memref<1x1x128xi32, #tpu.memory_space<vmem>> -> memref<128xi32, #tpu.memory_space<vmem>>
        %dma_wait3A_226 = arith.constant 0 : i32
        %dma_wait3A_227 = arith.constant 0 : i32
        %dma_wait3A_228 = tpu.memref_slice %arg2[%dma_wait3A_226, %dma_wait3A_227] : memref<10000x128xf32, #tpu.memory_space<hbm>> -> memref<10000x128xf32, #tpu.memory_space<hbm>>
        tpu.wait_indirect_dma semaphore(%arg11 : memref<!tpu.dma_semaphore, #tpu.memory_space<semaphore_mem>>) src(%dma_wait3A_228 : memref<10000x128xf32, #tpu.memory_space<hbm>>) dst(%arg7 : memref<128x128xf32, #tpu.memory_space<vmem>>)
        %run_scoped3A_229 = arith.constant 6 : i32
        %run_scoped3A_230 = arith.constant 1 : i32
        "tpu.region"() ({
          %run_scoped3A_241 = tpu.sem_alloc : memref<!tpu.dma_semaphore, #tpu.memory_space<semaphore_mem>>
          %dma_start3A_242 = arith.constant 0 : i32
          %dma_start3A_243 = tpu.memref_slice %arg6[%run_scoped3A_229, %run_scoped3A_230, %dma_start3A_242] : memref<8x2x128xi32, #tpu.memory_space<vmem>> -> memref<1x1x128xi32, #tpu.memory_space<vmem>>
          %dma_start3A_244 = tpu.memref_squeeze %dma_start3A_243 : memref<1x1x128xi32, #tpu.memory_space<vmem>> -> memref<128xi32, #tpu.memory_space<vmem>>
          %dma_start3A_245 = arith.constant 0 : i32
          %dma_start3A_246 = arith.constant 0 : i32
          %dma_start3A_247 = tpu.memref_slice %arg13[%dma_start3A_245, %dma_start3A_246] : memref<10112x128xf32, #tpu.memory_space<vmem_shared>> -> memref<10112x128xf32, #tpu.memory_space<vmem_shared>>
          tpu.enqueue_indirect_dma source(%arg7 : memref<128x128xf32, #tpu.memory_space<vmem>>) target(%dma_start3A_247 : memref<10112x128xf32, #tpu.memory_space<vmem_shared>>) offsets(%dma_start3A_244 : memref<128xi32, #tpu.memory_space<vmem>>) semaphore(%run_scoped3A_241 : memref<!tpu.dma_semaphore, #tpu.memory_space<semaphore_mem>>) {add = true}
          %dma_wait3A_248 = arith.constant 0 : i32
          %dma_wait3A_249 = tpu.memref_slice %arg6[%run_scoped3A_229, %run_scoped3A_230, %dma_wait3A_248] : memref<8x2x128xi32, #tpu.memory_space<vmem>> -> memref<1x1x128xi32, #tpu.memory_space<vmem>>
          %dma_wait3A_250 = tpu.memref_squeeze %dma_wait3A_249 : memref<1x1x128xi32, #tpu.memory_space<vmem>> -> memref<128xi32, #tpu.memory_space<vmem>>
          %dma_wait3A_251 = arith.constant 0 : i32
          %dma_wait3A_252 = arith.constant 0 : i32
          %dma_wait3A_253 = tpu.memref_slice %arg13[%dma_wait3A_251, %dma_wait3A_252] : memref<10112x128xf32, #tpu.memory_space<vmem_shared>> -> memref<10112x128xf32, #tpu.memory_space<vmem_shared>>
          tpu.wait_indirect_dma semaphore(%run_scoped3A_241 : memref<!tpu.dma_semaphore, #tpu.memory_space<semaphore_mem>>) src(%arg7 : memref<128x128xf32, #tpu.memory_space<vmem>>) dst(%dma_wait3A_253 : memref<10112x128xf32, #tpu.memory_space<vmem_shared>>)
          tpu.yield
        }) : () -> ()
        %dma_wait3A_231 = arith.constant 7 : i32
        %dma_wait3A_232 = arith.constant 0 : i32
        %dma_wait3A_233 = arith.constant 0 : i32
        %dma_wait3A_234 = tpu.memref_slice %arg6[%dma_wait3A_231, %dma_wait3A_232, %dma_wait3A_233] : memref<8x2x128xi32, #tpu.memory_space<vmem>> -> memref<1x1x128xi32, #tpu.memory_space<vmem>>
        %dma_wait3A_235 = tpu.memref_squeeze %dma_wait3A_234 : memref<1x1x128xi32, #tpu.memory_space<vmem>> -> memref<128xi32, #tpu.memory_space<vmem>>
        %dma_wait3A_236 = arith.constant 0 : i32
        %dma_wait3A_237 = arith.constant 0 : i32
        %dma_wait3A_238 = tpu.memref_slice %arg2[%dma_wait3A_236, %dma_wait3A_237] : memref<10000x128xf32, #tpu.memory_space<hbm>> -> memref<10000x128xf32, #tpu.memory_space<hbm>>
        tpu.wait_indirect_dma semaphore(%arg12 : memref<!tpu.dma_semaphore, #tpu.memory_space<semaphore_mem>>) src(%dma_wait3A_238 : memref<10000x128xf32, #tpu.memory_space<hbm>>) dst(%arg8 : memref<128x128xf32, #tpu.memory_space<vmem>>)
        %run_scoped3A_239 = arith.constant 7 : i32
        %run_scoped3A_240 = arith.constant 1 : i32
        "tpu.region"() ({
          %run_scoped3A_241 = tpu.sem_alloc : memref<!tpu.dma_semaphore, #tpu.memory_space<semaphore_mem>>
          %dma_start3A_242 = arith.constant 0 : i32
          %dma_start3A_243 = tpu.memref_slice %arg6[%run_scoped3A_239, %run_scoped3A_240, %dma_start3A_242] : memref<8x2x128xi32, #tpu.memory_space<vmem>> -> memref<1x1x128xi32, #tpu.memory_space<vmem>>
          %dma_start3A_244 = tpu.memref_squeeze %dma_start3A_243 : memref<1x1x128xi32, #tpu.memory_space<vmem>> -> memref<128xi32, #tpu.memory_space<vmem>>
          %dma_start3A_245 = arith.constant 0 : i32
          %dma_start3A_246 = arith.constant 0 : i32
          %dma_start3A_247 = tpu.memref_slice %arg13[%dma_start3A_245, %dma_start3A_246] : memref<10112x128xf32, #tpu.memory_space<vmem_shared>> -> memref<10112x128xf32, #tpu.memory_space<vmem_shared>>
          tpu.enqueue_indirect_dma source(%arg8 : memref<128x128xf32, #tpu.memory_space<vmem>>) target(%dma_start3A_247 : memref<10112x128xf32, #tpu.memory_space<vmem_shared>>) offsets(%dma_start3A_244 : memref<128xi32, #tpu.memory_space<vmem>>) semaphore(%run_scoped3A_241 : memref<!tpu.dma_semaphore, #tpu.memory_space<semaphore_mem>>) {add = true}
          %dma_wait3A_248 = arith.constant 0 : i32
          %dma_wait3A_249 = tpu.memref_slice %arg6[%run_scoped3A_239, %run_scoped3A_240, %dma_wait3A_248] : memref<8x2x128xi32, #tpu.memory_space<vmem>> -> memref<1x1x128xi32, #tpu.memory_space<vmem>>
          %dma_wait3A_250 = tpu.memref_squeeze %dma_wait3A_249 : memref<1x1x128xi32, #tpu.memory_space<vmem>> -> memref<128xi32, #tpu.memory_space<vmem>>
          %dma_wait3A_251 = arith.constant 0 : i32
          %dma_wait3A_252 = arith.constant 0 : i32
          %dma_wait3A_253 = tpu.memref_slice %arg13[%dma_wait3A_251, %dma_wait3A_252] : memref<10112x128xf32, #tpu.memory_space<vmem_shared>> -> memref<10112x128xf32, #tpu.memory_space<vmem_shared>>
          tpu.wait_indirect_dma semaphore(%run_scoped3A_241 : memref<!tpu.dma_semaphore, #tpu.memory_space<semaphore_mem>>) src(%arg8 : memref<128x128xf32, #tpu.memory_space<vmem>>) dst(%dma_wait3A_253 : memref<10112x128xf32, #tpu.memory_space<vmem_shared>>)
          tpu.yield
        }) : () -> ()
      } else {
      }
    }
    %barrier3A_40 = arith.constant 0 : index
    tpu.barrier barrier_id(%barrier3A_40)
    %mul3A_41 = arith.constant 632 : i32
    %mul3A_42 = arith.muli %arg1, %mul3A_41 : i32
    %mul3A_43 = arith.constant 632 : i32
    %mul3A_44 = arith.muli %arg1, %mul3A_43 : i32
    "tpu.region"() ({
      %run_scoped3A = tpu.sem_alloc : memref<!tpu.dma_semaphore, #tpu.memory_space<semaphore_mem>>
      %dma_start3A = arith.constant 0 : i32
      %dma_start3A_45 = tpu.memref_slice %arg4[%arg0, %mul3A_44, %dma_start3A] : memref<2x10112x128xf32, #tpu.memory_space<hbm>> -> memref<1x632x128xf32, #tpu.memory_space<hbm>>
      %dma_start3A_46 = tpu.memref_squeeze %dma_start3A_45 : memref<1x632x128xf32, #tpu.memory_space<hbm>> -> memref<632x128xf32, #tpu.memory_space<hbm>>
      %dma_start3A_47 = arith.constant 0 : i32
      %dma_start3A_48 = tpu.memref_slice %arg13[%mul3A_42, %dma_start3A_47] : memref<10112x128xf32, #tpu.memory_space<vmem_shared>> -> memref<632x128xf32, #tpu.memory_space<vmem_shared>>
      tpu.enqueue_dma source(%dma_start3A_48 : memref<632x128xf32, #tpu.memory_space<vmem_shared>>) target(%dma_start3A_46 : memref<632x128xf32, #tpu.memory_space<hbm>>) target_semaphore(%run_scoped3A : memref<!tpu.dma_semaphore, #tpu.memory_space<semaphore_mem>>)
      %dma_wait3A = arith.constant 0 : i32
      %dma_wait3A_49 = tpu.memref_slice %arg4[%arg0, %mul3A_44, %dma_wait3A] : memref<2x10112x128xf32, #tpu.memory_space<hbm>> -> memref<1x632x128xf32, #tpu.memory_space<hbm>>
      %dma_wait3A_50 = tpu.memref_squeeze %dma_wait3A_49 : memref<1x632x128xf32, #tpu.memory_space<hbm>> -> memref<632x128xf32, #tpu.memory_space<hbm>>
      %dma_wait3A_51 = arith.constant 0 : i32
      %dma_wait3A_52 = tpu.memref_slice %arg13[%mul3A_42, %dma_wait3A_51] : memref<10112x128xf32, #tpu.memory_space<vmem_shared>> -> memref<632x128xf32, #tpu.memory_space<vmem_shared>>
      tpu.wait_dma2 semaphore(%run_scoped3A : memref<!tpu.dma_semaphore, #tpu.memory_space<semaphore_mem>>) src(%dma_wait3A_52 : memref<632x128xf32, #tpu.memory_space<vmem_shared>>) dst(%dma_wait3A_50 : memref<632x128xf32, #tpu.memory_space<hbm>>)
      tpu.yield
    }) : () -> ()
    return
  }
}

#map = affine_map<(d0, d1) -> (0, 0)>
#map1 = affine_map<(d0, d1) -> (0, 0, 0, 0)>
#map2 = affine_map<(d0, d1) -> (0, 0, 0)>
module attributes {stable_mosaic.version = 14 : i64} {
  func.func @_seg_sum_body(%arg0: i32, %arg1: i32, %arg2: memref<10000x128xf32, #tpu.memory_space<hbm>>, %arg3: memref<32x128x2x128xi32, #tpu.memory_space<hbm>>, %arg4: memref<2x10112x128xf32, #tpu.memory_space<hbm>>, %arg5: memref<8x2x128xi32, #tpu.memory_space<vmem>>, %arg6: memref<8x2x128xi32, #tpu.memory_space<vmem>>, %arg7: memref<128x128xf32, #tpu.memory_space<vmem>>, %arg8: memref<128x128xf32, #tpu.memory_space<vmem>>, %arg9: memref<!tpu.dma_semaphore, #tpu.memory_space<semaphore_mem>>, %arg10: memref<!tpu.dma_semaphore, #tpu.memory_space<semaphore_mem>>, %arg11: memref<!tpu.dma_semaphore, #tpu.memory_space<semaphore_mem>>, %arg12: memref<!tpu.dma_semaphore, #tpu.memory_space<semaphore_mem>>, %arg13: memref<10112x128xf32, #tpu.memory_space<vmem_shared>>) attributes {dimension_semantics = [#tpu.dimension_semantics<core_parallel>, #tpu.dimension_semantics<subcore_parallel>], iteration_bounds = array<i64: 2, 16>, scalar_prefetch = 0 : i64, scratch_operands = 9 : i64, tpu.core_type = #tpu.core_type<sc_vector_subcore>, window_params = [{transform_indices = #map}, {transform_indices = #map1}, {transform_indices = #map2}]} {
    %mul3A = arith.constant 16 : i32
    %mul3A_0 = arith.muli %arg0, %mul3A : i32
    %add3A = arith.addi %mul3A_0, %arg1 : i32
    %eq3A = arith.constant 0 : i32
    %eq3A_1 = arith.cmpi eq, %arg0, %eq3A : i32
    %jit3A = arith.constant 16 : i32
    %jit3A_2 = arith.constant 4 : i32
    %select_n3A = arith.select %eq3A_1, %jit3A, %jit3A_2 : i32
    %gt3A = arith.constant 0 : i32
    %gt3A_3 = arith.cmpi sgt, %select_n3A, %gt3A : i32
    %convert_element_type3A = arith.extui %gt3A_3 : i1 to i32
    %cond3A = arith.constant 0 : i32
    %cond3A_4 = arith.cmpi ne, %convert_element_type3A, %cond3A : i32
    scf.if %cond3A_4 {
      %dma_start3A = arith.constant 0 : i32
      %dma_start3A_45 = arith.constant 0 : i32
      %dma_start3A_46 = arith.constant 0 : i32
      %dma_start3A_47 = tpu.memref_slice %arg3[%add3A, %dma_start3A, %dma_start3A_45, %dma_start3A_46] : memref<32x128x2x128xi32, #tpu.memory_space<hbm>> -> memref<1x8x2x128xi32, #tpu.memory_space<hbm>>
      %dma_start3A_48 = tpu.memref_squeeze %dma_start3A_47 : memref<1x8x2x128xi32, #tpu.memory_space<hbm>> -> memref<8x2x128xi32, #tpu.memory_space<hbm>>
      %dma_start3A_49 = arith.constant 0 : i32
      %dma_start3A_50 = arith.constant 0 : i32
      %dma_start3A_51 = arith.constant 0 : i32
      %dma_start3A_52 = tpu.memref_slice %arg3[%add3A, %dma_start3A_49, %dma_start3A_50, %dma_start3A_51] : memref<32x128x2x128xi32, #tpu.memory_space<hbm>> -> memref<1x8x2x128xi32, #tpu.memory_space<hbm>>
      %dma_start3A_53 = tpu.memref_squeeze %dma_start3A_52 : memref<1x8x2x128xi32, #tpu.memory_space<hbm>> -> memref<8x2x128xi32, #tpu.memory_space<hbm>>
      tpu.enqueue_dma source(%dma_start3A_53 : memref<8x2x128xi32, #tpu.memory_space<hbm>>) target(%arg5 : memref<8x2x128xi32, #tpu.memory_space<vmem>>) target_semaphore(%arg9 : memref<!tpu.dma_semaphore, #tpu.memory_space<semaphore_mem>>)
    } else {
    }
    %broadcast_in_dim3A = arith.constant 0.000000e+00 : f32
    %broadcast_in_dim3A_5 = vector.broadcast %broadcast_in_dim3A : f32 to vector<16xf32>
    %scan3A = arith.constant 0 : i32
    %scan3A_6 = arith.constant 0 : i32
    %scan3A_7 = arith.constant 128 : i32
    %scan3A_8 = arith.addi %scan3A_6, %scan3A_7 : i32
    %scan3A_9 = arith.constant 1 : i32
    scf.for %scan3A_45 = %scan3A_6 to %scan3A_8 step %scan3A_9  : i32 {
      %swap3A = arith.index_cast %scan3A_45 : i32 to index
      %swap3A_46 = arith.constant 0 : index
      %swap3A_47 = tpu.vector_load %arg7[%swap3A, %swap3A_46] {strides = array<i32>} : memref<128x128xf32, #tpu.memory_space<vmem>>, vector<1x16xf32>,
      %swap3A_48 = vector.shape_cast %swap3A_47 : vector<1x16xf32> to vector<16xf32>
      %swap3A_49 = vector.shape_cast %broadcast_in_dim3A_5 : vector<16xf32> to vector<1x16xf32>
      tpu.vector_store %arg7[%swap3A, %swap3A_46], %swap3A_49 {strides = array<i32>} : memref<128x128xf32, #tpu.memory_space<vmem>>, vector<1x16xf32>,
      %swap3A_50 = arith.index_cast %scan3A_45 : i32 to index
      %swap3A_51 = arith.constant 16 : index
      %swap3A_52 = tpu.vector_load %arg7[%swap3A_50, %swap3A_51] {strides = array<i32>} : memref<128x128xf32, #tpu.memory_space<vmem>>, vector<1x16xf32>,
      %swap3A_53 = vector.shape_cast %swap3A_52 : vector<1x16xf32> to vector<16xf32>
      %swap3A_54 = vector.shape_cast %broadcast_in_dim3A_5 : vector<16xf32> to vector<1x16xf32>
      tpu.vector_store %arg7[%swap3A_50, %swap3A_51], %swap3A_54 {strides = array<i32>} : memref<128x128xf32, #tpu.memory_space<vmem>>, vector<1x16xf32>,
      %swap3A_55 = arith.index_cast %scan3A_45 : i32 to index
      %swap3A_56 = arith.constant 32 : index
      %swap3A_57 = tpu.vector_load %arg7[%swap3A_55, %swap3A_56] {strides = array<i32>} : memref<128x128xf32, #tpu.memory_space<vmem>>, vector<1x16xf32>,
      %swap3A_58 = vector.shape_cast %swap3A_57 : vector<1x16xf32> to vector<16xf32>
      %swap3A_59 = vector.shape_cast %broadcast_in_dim3A_5 : vector<16xf32> to vector<1x16xf32>
      tpu.vector_store %arg7[%swap3A_55, %swap3A_56], %swap3A_59 {strides = array<i32>} : memref<128x128xf32, #tpu.memory_space<vmem>>, vector<1x16xf32>,
      %swap3A_60 = arith.index_cast %scan3A_45 : i32 to index
      %swap3A_61 = arith.constant 48 : index
      %swap3A_62 = tpu.vector_load %arg7[%swap3A_60, %swap3A_61] {strides = array<i32>} : memref<128x128xf32, #tpu.memory_space<vmem>>, vector<1x16xf32>,
      %swap3A_63 = vector.shape_cast %swap3A_62 : vector<1x16xf32> to vector<16xf32>
      %swap3A_64 = vector.shape_cast %broadcast_in_dim3A_5 : vector<16xf32> to vector<1x16xf32>
      tpu.vector_store %arg7[%swap3A_60, %swap3A_61], %swap3A_64 {strides = array<i32>} : memref<128x128xf32, #tpu.memory_space<vmem>>, vector<1x16xf32>,
      %swap3A_65 = arith.index_cast %scan3A_45 : i32 to index
      %swap3A_66 = arith.constant 64 : index
      %swap3A_67 = tpu.vector_load %arg7[%swap3A_65, %swap3A_66] {strides = array<i32>} : memref<128x128xf32, #tpu.memory_space<vmem>>, vector<1x16xf32>,
      %swap3A_68 = vector.shape_cast %swap3A_67 : vector<1x16xf32> to vector<16xf32>
      %swap3A_69 = vector.shape_cast %broadcast_in_dim3A_5 : vector<16xf32> to vector<1x16xf32>
      tpu.vector_store %arg7[%swap3A_65, %swap3A_66], %swap3A_69 {strides = array<i32>} : memref<128x128xf32, #tpu.memory_space<vmem>>, vector<1x16xf32>,
      %swap3A_70 = arith.index_cast %scan3A_45 : i32 to index
      %swap3A_71 = arith.constant 80 : index
      %swap3A_72 = tpu.vector_load %arg7[%swap3A_70, %swap3A_71] {strides = array<i32>} : memref<128x128xf32, #tpu.memory_space<vmem>>, vector<1x16xf32>,
      %swap3A_73 = vector.shape_cast %swap3A_72 : vector<1x16xf32> to vector<16xf32>
      %swap3A_74 = vector.shape_cast %broadcast_in_dim3A_5 : vector<16xf32> to vector<1x16xf32>
      tpu.vector_store %arg7[%swap3A_70, %swap3A_71], %swap3A_74 {strides = array<i32>} : memref<128x128xf32, #tpu.memory_space<vmem>>, vector<1x16xf32>,
      %swap3A_75 = arith.index_cast %scan3A_45 : i32 to index
      %swap3A_76 = arith.constant 96 : index
      %swap3A_77 = tpu.vector_load %arg7[%swap3A_75, %swap3A_76] {strides = array<i32>} : memref<128x128xf32, #tpu.memory_space<vmem>>, vector<1x16xf32>,
      %swap3A_78 = vector.shape_cast %swap3A_77 : vector<1x16xf32> to vector<16xf32>
      %swap3A_79 = vector.shape_cast %broadcast_in_dim3A_5 : vector<16xf32> to vector<1x16xf32>
      tpu.vector_store %arg7[%swap3A_75, %swap3A_76], %swap3A_79 {strides = array<i32>} : memref<128x128xf32, #tpu.memory_space<vmem>>, vector<1x16xf32>,
      %swap3A_80 = arith.index_cast %scan3A_45 : i32 to index
      %swap3A_81 = arith.constant 112 : index
      %swap3A_82 = tpu.vector_load %arg7[%swap3A_80, %swap3A_81] {strides = array<i32>} : memref<128x128xf32, #tpu.memory_space<vmem>>, vector<1x16xf32>,
      %swap3A_83 = vector.shape_cast %swap3A_82 : vector<1x16xf32> to vector<16xf32>
      %swap3A_84 = vector.shape_cast %broadcast_in_dim3A_5 : vector<16xf32> to vector<1x16xf32>
      tpu.vector_store %arg7[%swap3A_80, %swap3A_81], %swap3A_84 {strides = array<i32>} : memref<128x128xf32, #tpu.memory_space<vmem>>, vector<1x16xf32>,
    }
    %scan3A_10 = arith.constant 128 : i32
    %mul3A_11 = arith.constant 632 : i32
    %mul3A_12 = arith.muli %arg1, %mul3A_11 : i32
    %add3A_13 = arith.constant 0 : i32
    %add3A_14 = arith.addi %mul3A_12, %add3A_13 : i32
    "tpu.region"() ({
      %run_scoped3A = tpu.sem_alloc : memref<!tpu.dma_semaphore, #tpu.memory_space<semaphore_mem>>
      %dma_start3A = arith.constant 0 : i32
      %dma_start3A_45 = tpu.memref_slice %arg13[%add3A_14, %dma_start3A] : memref<10112x128xf32, #tpu.memory_space<vmem_shared>> -> memref<128x128xf32, #tpu.memory_space<vmem_shared>>
      %dma_start3A_46 = arith.constant 0 : i32
      %dma_start3A_47 = tpu.memref_slice %arg13[%add3A_14, %dma_start3A_46] : memref<10112x128xf32, #tpu.memory_space<vmem_shared>> -> memref<128x128xf32, #tpu.memory_space<vmem_shared>>
      tpu.enqueue_dma source(%arg7 : memref<128x128xf32, #tpu.memory_space<vmem>>) target(%dma_start3A_47 : memref<128x128xf32, #tpu.memory_space<vmem_shared>>) target_semaphore(%run_scoped3A : memref<!tpu.dma_semaphore, #tpu.memory_space<semaphore_mem>>)
      %dma_wait3A = arith.constant 0 : i32
      %dma_wait3A_48 = tpu.memref_slice %arg13[%add3A_14, %dma_wait3A] : memref<10112x128xf32, #tpu.memory_space<vmem_shared>> -> memref<128x128xf32, #tpu.memory_space<vmem_shared>>
      %dma_wait3A_49 = arith.constant 0 : i32
      %dma_wait3A_50 = tpu.memref_slice %arg13[%add3A_14, %dma_wait3A_49] : memref<10112x128xf32, #tpu.memory_space<vmem_shared>> -> memref<128x128xf32, #tpu.memory_space<vmem_shared>>
      tpu.wait_dma2 semaphore(%run_scoped3A : memref<!tpu.dma_semaphore, #tpu.memory_space<semaphore_mem>>) src(%arg7 : memref<128x128xf32, #tpu.memory_space<vmem>>) dst(%dma_wait3A_50 : memref<128x128xf32, #tpu.memory_space<vmem_shared>>)
      tpu.yield
    }) : () -> ()
    %mul3A_15 = arith.constant 632 : i32
    %mul3A_16 = arith.muli %arg1, %mul3A_15 : i32
    %add3A_17 = arith.constant 128 : i32
    %add3A_18 = arith.addi %mul3A_16, %add3A_17 : i32
    "tpu.region"() ({
      %run_scoped3A = tpu.sem_alloc : memref<!tpu.dma_semaphore, #tpu.memory_space<semaphore_mem>>
      %dma_start3A = arith.constant 0 : i32
      %dma_start3A_45 = tpu.memref_slice %arg13[%add3A_18, %dma_start3A] : memref<10112x128xf32, #tpu.memory_space<vmem_shared>> -> memref<128x128xf32, #tpu.memory_space<vmem_shared>>
      %dma_start3A_46 = arith.constant 0 : i32
      %dma_start3A_47 = tpu.memref_slice %arg13[%add3A_18, %dma_start3A_46] : memref<10112x128xf32, #tpu.memory_space<vmem_shared>> -> memref<128x128xf32, #tpu.memory_space<vmem_shared>>
      tpu.enqueue_dma source(%arg7 : memref<128x128xf32, #tpu.memory_space<vmem>>) target(%dma_start3A_47 : memref<128x128xf32, #tpu.memory_space<vmem_shared>>) target_semaphore(%run_scoped3A : memref<!tpu.dma_semaphore, #tpu.memory_space<semaphore_mem>>)
      %dma_wait3A = arith.constant 0 : i32
      %dma_wait3A_48 = tpu.memref_slice %arg13[%add3A_18, %dma_wait3A] : memref<10112x128xf32, #tpu.memory_space<vmem_shared>> -> memref<128x128xf32, #tpu.memory_space<vmem_shared>>
      %dma_wait3A_49 = arith.constant 0 : i32
      %dma_wait3A_50 = tpu.memref_slice %arg13[%add3A_18, %dma_wait3A_49] : memref<10112x128xf32, #tpu.memory_space<vmem_shared>> -> memref<128x128xf32, #tpu.memory_space<vmem_shared>>
      tpu.wait_dma2 semaphore(%run_scoped3A : memref<!tpu.dma_semaphore, #tpu.memory_space<semaphore_mem>>) src(%arg7 : memref<128x128xf32, #tpu.memory_space<vmem>>) dst(%dma_wait3A_50 : memref<128x128xf32, #tpu.memory_space<vmem_shared>>)
      tpu.yield
    }) : () -> ()
    %mul3A_19 = arith.constant 632 : i32
    %mul3A_20 = arith.muli %arg1, %mul3A_19 : i32
    %add3A_21 = arith.constant 256 : i32
    %add3A_22 = arith.addi %mul3A_20, %add3A_21 : i32
    "tpu.region"() ({
      %run_scoped3A = tpu.sem_alloc : memref<!tpu.dma_semaphore, #tpu.memory_space<semaphore_mem>>
      %dma_start3A = arith.constant 0 : i32
      %dma_start3A_45 = tpu.memref_slice %arg13[%add3A_22, %dma_start3A] : memref<10112x128xf32, #tpu.memory_space<vmem_shared>> -> memref<128x128xf32, #tpu.memory_space<vmem_shared>>
      %dma_start3A_46 = arith.constant 0 : i32
      %dma_start3A_47 = tpu.memref_slice %arg13[%add3A_22, %dma_start3A_46] : memref<10112x128xf32, #tpu.memory_space<vmem_shared>> -> memref<128x128xf32, #tpu.memory_space<vmem_shared>>
      tpu.enqueue_dma source(%arg7 : memref<128x128xf32, #tpu.memory_space<vmem>>) target(%dma_start3A_47 : memref<128x128xf32, #tpu.memory_space<vmem_shared>>) target_semaphore(%run_scoped3A : memref<!tpu.dma_semaphore, #tpu.memory_space<semaphore_mem>>)
      %dma_wait3A = arith.constant 0 : i32
      %dma_wait3A_48 = tpu.memref_slice %arg13[%add3A_22, %dma_wait3A] : memref<10112x128xf32, #tpu.memory_space<vmem_shared>> -> memref<128x128xf32, #tpu.memory_space<vmem_shared>>
      %dma_wait3A_49 = arith.constant 0 : i32
      %dma_wait3A_50 = tpu.memref_slice %arg13[%add3A_22, %dma_wait3A_49] : memref<10112x128xf32, #tpu.memory_space<vmem_shared>> -> memref<128x128xf32, #tpu.memory_space<vmem_shared>>
      tpu.wait_dma2 semaphore(%run_scoped3A : memref<!tpu.dma_semaphore, #tpu.memory_space<semaphore_mem>>) src(%arg7 : memref<128x128xf32, #tpu.memory_space<vmem>>) dst(%dma_wait3A_50 : memref<128x128xf32, #tpu.memory_space<vmem_shared>>)
      tpu.yield
    }) : () -> ()
    %mul3A_23 = arith.constant 632 : i32
    %mul3A_24 = arith.muli %arg1, %mul3A_23 : i32
    %add3A_25 = arith.constant 384 : i32
    %add3A_26 = arith.addi %mul3A_24, %add3A_25 : i32
    "tpu.region"() ({
      %run_scoped3A = tpu.sem_alloc : memref<!tpu.dma_semaphore, #tpu.memory_space<semaphore_mem>>
      %dma_start3A = arith.constant 0 : i32
      %dma_start3A_45 = tpu.memref_slice %arg13[%add3A_26, %dma_start3A] : memref<10112x128xf32, #tpu.memory_space<vmem_shared>> -> memref<128x128xf32, #tpu.memory_space<vmem_shared>>
      %dma_start3A_46 = arith.constant 0 : i32
      %dma_start3A_47 = tpu.memref_slice %arg13[%add3A_26, %dma_start3A_46] : memref<10112x128xf32, #tpu.memory_space<vmem_shared>> -> memref<128x128xf32, #tpu.memory_space<vmem_shared>>
      tpu.enqueue_dma source(%arg7 : memref<128x128xf32, #tpu.memory_space<vmem>>) target(%dma_start3A_47 : memref<128x128xf32, #tpu.memory_space<vmem_shared>>) target_semaphore(%run_scoped3A : memref<!tpu.dma_semaphore, #tpu.memory_space<semaphore_mem>>)
      %dma_wait3A = arith.constant 0 : i32
      %dma_wait3A_48 = tpu.memref_slice %arg13[%add3A_26, %dma_wait3A] : memref<10112x128xf32, #tpu.memory_space<vmem_shared>> -> memref<128x128xf32, #tpu.memory_space<vmem_shared>>
      %dma_wait3A_49 = arith.constant 0 : i32
      %dma_wait3A_50 = tpu.memref_slice %arg13[%add3A_26, %dma_wait3A_49] : memref<10112x128xf32, #tpu.memory_space<vmem_shared>> -> memref<128x128xf32, #tpu.memory_space<vmem_shared>>
      tpu.wait_dma2 semaphore(%run_scoped3A : memref<!tpu.dma_semaphore, #tpu.memory_space<semaphore_mem>>) src(%arg7 : memref<128x128xf32, #tpu.memory_space<vmem>>) dst(%dma_wait3A_50 : memref<128x128xf32, #tpu.memory_space<vmem_shared>>)
      tpu.yield
    }) : () -> ()
    %mul3A_27 = arith.constant 632 : i32
    %mul3A_28 = arith.muli %arg1, %mul3A_27 : i32
    %add3A_29 = arith.constant 512 : i32
    %add3A_30 = arith.addi %mul3A_28, %add3A_29 : i32
    "tpu.region"() ({
      %run_scoped3A = tpu.sem_alloc : memref<!tpu.dma_semaphore, #tpu.memory_space<semaphore_mem>>
      %dma_start3A = arith.constant 0 : i32
      %dma_start3A_45 = arith.constant 0 : i32
      %dma_start3A_46 = tpu.memref_slice %arg7[%dma_start3A, %dma_start3A_45] : memref<128x128xf32, #tpu.memory_space<vmem>> -> memref<120x128xf32, #tpu.memory_space<vmem>>
      %dma_start3A_47 = arith.constant 0 : i32
      %dma_start3A_48 = tpu.memref_slice %arg13[%add3A_30, %dma_start3A_47] : memref<10112x128xf32, #tpu.memory_space<vmem_shared>> -> memref<120x128xf32, #tpu.memory_space<vmem_shared>>
      %dma_start3A_49 = arith.constant 0 : i32
      %dma_start3A_50 = tpu.memref_slice %arg13[%add3A_30, %dma_start3A_49] : memref<10112x128xf32, #tpu.memory_space<vmem_shared>> -> memref<120x128xf32, #tpu.memory_space<vmem_shared>>
      %dma_start3A_51 = arith.constant 0 : i32
      %dma_start3A_52 = arith.constant 0 : i32
      %dma_start3A_53 = tpu.memref_slice %arg7[%dma_start3A_51, %dma_start3A_52] : memref<128x128xf32, #tpu.memory_space<vmem>> -> memref<120x128xf32, #tpu.memory_space<vmem>>
      tpu.enqueue_dma source(%dma_start3A_53 : memref<120x128xf32, #tpu.memory_space<vmem>>) target(%dma_start3A_50 : memref<120x128xf32, #tpu.memory_space<vmem_shared>>) target_semaphore(%run_scoped3A : memref<!tpu.dma_semaphore, #tpu.memory_space<semaphore_mem>>)
      %dma_wait3A = arith.constant 0 : i32
      %dma_wait3A_54 = arith.constant 0 : i32
      %dma_wait3A_55 = tpu.memref_slice %arg7[%dma_wait3A, %dma_wait3A_54] : memref<128x128xf32, #tpu.memory_space<vmem>> -> memref<120x128xf32, #tpu.memory_space<vmem>>
      %dma_wait3A_56 = arith.constant 0 : i32
      %dma_wait3A_57 = tpu.memref_slice %arg13[%add3A_30, %dma_wait3A_56] : memref<10112x128xf32, #tpu.memory_space<vmem_shared>> -> memref<120x128xf32, #tpu.memory_space<vmem_shared>>
      %dma_wait3A_58 = arith.constant 0 : i32
      %dma_wait3A_59 = tpu.memref_slice %arg13[%add3A_30, %dma_wait3A_58] : memref<10112x128xf32, #tpu.memory_space<vmem_shared>> -> memref<120x128xf32, #tpu.memory_space<vmem_shared>>
      %dma_wait3A_60 = arith.constant 0 : i32
      %dma_wait3A_61 = arith.constant 0 : i32
      %dma_wait3A_62 = tpu.memref_slice %arg7[%dma_wait3A_60, %dma_wait3A_61] : memref<128x128xf32, #tpu.memory_space<vmem>> -> memref<120x128xf32, #tpu.memory_space<vmem>>
      tpu.wait_dma2 semaphore(%run_scoped3A : memref<!tpu.dma_semaphore, #tpu.memory_space<semaphore_mem>>) src(%dma_wait3A_62 : memref<120x128xf32, #tpu.memory_space<vmem>>) dst(%dma_wait3A_59 : memref<120x128xf32, #tpu.memory_space<vmem_shared>>)
      tpu.yield
    }) : () -> ()
    %barrier3A = arith.constant 0 : index
    tpu.barrier barrier_id(%barrier3A)
    %while3A = arith.constant 0 : i32
    %while3A_31 = arith.constant 0 : i32
    %while3A_32 = arith.subi %select_n3A, %while3A_31 : i32
    %while3A_33 = arith.addi %while3A_31, %while3A_32 : i32
    %while3A_34 = arith.constant 1 : i32
    %while3A_35 = arith.divsi %while3A_32, %while3A_34 : i32
    %while3A_36 = arith.muli %while3A_35, %while3A_34 : i32
    %while3A_37 = arith.addi %while3A_31, %while3A_36 : i32
    %while3A_38 = arith.constant 1 : i32
    scf.for %while3A_45 = %while3A_31 to %while3A_37 step %while3A_38  : i32 {
      %jit3A_46 = arith.constant 2 : i32
      %eq3A_47 = arith.constant 0 : i32
      %eq3A_48 = arith.cmpi eq, %jit3A_46, %eq3A_47 : i32
      %jit3A_49 = arith.constant 1 : i32
      %select_n3A_50 = arith.select %eq3A_48, %jit3A_49, %jit3A_46 : i32
      %rem3A = arith.remsi %while3A_45, %select_n3A_50 : i32
      %ne3A = arith.constant 0 : i32
      %ne3A_51 = arith.cmpi ne, %rem3A, %ne3A : i32
      %lt3A = arith.constant 0 : i32
      %lt3A_52 = arith.cmpi slt, %rem3A, %lt3A : i32
      %lt3A_53 = arith.constant 0 : i32
      %lt3A_54 = arith.cmpi slt, %select_n3A_50, %lt3A_53 : i32
      %ne3A_55 = arith.xori %lt3A_52, %lt3A_54 : i1
      %and3A = arith.andi %ne3A_55, %ne3A_51 : i1
      %add3A_56 = arith.addi %rem3A, %select_n3A_50 : i32
      %select_n3A_57 = arith.select %and3A, %add3A_56, %rem3A : i32
      %eq3A_58 = arith.constant 0 : i32
      %eq3A_59 = arith.cmpi eq, %select_n3A_57, %eq3A_58 : i32
      %convert_element_type3A_60 = arith.extui %eq3A_59 : i1 to i32
      %cond3A_61 = arith.constant 0 : i32
      %cond3A_62 = arith.cmpi ne, %convert_element_type3A_60, %cond3A_61 : i32
      scf.if %cond3A_62 {
        %dma_wait3A = arith.constant 0 : i32
        %dma_wait3A_84 = arith.constant 0 : i32
        %dma_wait3A_85 = arith.constant 0 : i32
        %dma_wait3A_86 = tpu.memref_slice %arg3[%add3A, %dma_wait3A, %dma_wait3A_84, %dma_wait3A_85] : memref<32x128x2x128xi32, #tpu.memory_space<hbm>> -> memref<1x8x2x128xi32, #tpu.memory_space<hbm>>
        %dma_wait3A_87 = tpu.memref_squeeze %dma_wait3A_86 : memref<1x8x2x128xi32, #tpu.memory_space<hbm>> -> memref<8x2x128xi32, #tpu.memory_space<hbm>>
        %dma_wait3A_88 = arith.constant 0 : i32
        %dma_wait3A_89 = arith.constant 0 : i32
        %dma_wait3A_90 = arith.constant 0 : i32
        %dma_wait3A_91 = tpu.memref_slice %arg3[%add3A, %dma_wait3A_88, %dma_wait3A_89, %dma_wait3A_90] : memref<32x128x2x128xi32, #tpu.memory_space<hbm>> -> memref<1x8x2x128xi32, #tpu.memory_space<hbm>>
        %dma_wait3A_92 = tpu.memref_squeeze %dma_wait3A_91 : memref<1x8x2x128xi32, #tpu.memory_space<hbm>> -> memref<8x2x128xi32, #tpu.memory_space<hbm>>
        tpu.wait_dma2 semaphore(%arg9 : memref<!tpu.dma_semaphore, #tpu.memory_space<semaphore_mem>>) src(%dma_wait3A_92 : memref<8x2x128xi32, #tpu.memory_space<hbm>>) dst(%arg5 : memref<8x2x128xi32, #tpu.memory_space<vmem>>)
        %add3A_93 = arith.constant 1 : i32
        %add3A_94 = arith.addi %while3A_45, %add3A_93 : i32
        %lt3A_95 = arith.cmpi slt, %add3A_94, %select_n3A : i32
        %convert_element_type3A_96 = arith.extui %lt3A_95 : i1 to i32
        %cond3A_97 = arith.constant 0 : i32
        %cond3A_98 = arith.cmpi ne, %convert_element_type3A_96, %cond3A_97 : i32
        scf.if %cond3A_98 {
          %add3A_241 = arith.constant 1 : i32
          %add3A_242 = arith.addi %while3A_45, %add3A_241 : i32
          %mul3A_243 = arith.constant 8 : i32
          %mul3A_244 = arith.muli %add3A_242, %mul3A_243 : i32
          %dma_start3A_245 = arith.constant 0 : i32
          %dma_start3A_246 = arith.constant 0 : i32
          %dma_start3A_247 = tpu.memref_slice %arg3[%add3A, %mul3A_244, %dma_start3A_245, %dma_start3A_246] : memref<32x128x2x128xi32, #tpu.memory_space<hbm>> -> memref<1x8x2x128xi32, #tpu.memory_space<hbm>>
          %dma_start3A_248 = tpu.memref_squeeze %dma_start3A_247 : memref<1x8x2x128xi32, #tpu.memory_space<hbm>> -> memref<8x2x128xi32, #tpu.memory_space<hbm>>
          %dma_start3A_249 = arith.constant 0 : i32
          %dma_start3A_250 = arith.constant 0 : i32
          %dma_start3A_251 = tpu.memref_slice %arg3[%add3A, %mul3A_244, %dma_start3A_249, %dma_start3A_250] : memref<32x128x2x128xi32, #tpu.memory_space<hbm>> -> memref<1x8x2x128xi32, #tpu.memory_space<hbm>>
          %dma_start3A_252 = tpu.memref_squeeze %dma_start3A_251 : memref<1x8x2x128xi32, #tpu.memory_space<hbm>> -> memref<8x2x128xi32, #tpu.memory_space<hbm>>
          tpu.enqueue_dma source(%dma_start3A_252 : memref<8x2x128xi32, #tpu.memory_space<hbm>>) target(%arg6 : memref<8x2x128xi32, #tpu.memory_space<vmem>>) target_semaphore(%arg10 : memref<!tpu.dma_semaphore, #tpu.memory_space<semaphore_mem>>)
        } else {
        }
        %dma_start3A = arith.constant 0 : i32
        %dma_start3A_99 = arith.constant 0 : i32
        %dma_start3A_100 = arith.constant 0 : i32
        %dma_start3A_101 = tpu.memref_slice %arg5[%dma_start3A, %dma_start3A_99, %dma_start3A_100] : memref<8x2x128xi32, #tpu.memory_space<vmem>> -> memref<1x1x128xi32, #tpu.memory_space<vmem>>
        %dma_start3A_102 = tpu.memref_squeeze %dma_start3A_101 : memref<1x1x128xi32, #tpu.memory_space<vmem>> -> memref<128xi32, #tpu.memory_space<vmem>>
        %dma_start3A_103 = arith.constant 0 : i32
        %dma_start3A_104 = arith.constant 0 : i32
        %dma_start3A_105 = tpu.memref_slice %arg2[%dma_start3A_103, %dma_start3A_104] : memref<10000x128xf32, #tpu.memory_space<hbm>> -> memref<10000x128xf32, #tpu.memory_space<hbm>>
        tpu.enqueue_indirect_dma source(%dma_start3A_105 : memref<10000x128xf32, #tpu.memory_space<hbm>>) target(%arg7 : memref<128x128xf32, #tpu.memory_space<vmem>>) offsets(%dma_start3A_102 : memref<128xi32, #tpu.memory_space<vmem>>) semaphore(%arg11 : memref<!tpu.dma_semaphore, #tpu.memory_space<semaphore_mem>>)
        %dma_start3A_106 = arith.constant 1 : i32
        %dma_start3A_107 = arith.constant 0 : i32
        %dma_start3A_108 = arith.constant 0 : i32
        %dma_start3A_109 = tpu.memref_slice %arg5[%dma_start3A_106, %dma_start3A_107, %dma_start3A_108] : memref<8x2x128xi32, #tpu.memory_space<vmem>> -> memref<1x1x128xi32, #tpu.memory_space<vmem>>
        %dma_start3A_110 = tpu.memref_squeeze %dma_start3A_109 : memref<1x1x128xi32, #tpu.memory_space<vmem>> -> memref<128xi32, #tpu.memory_space<vmem>>
        %dma_start3A_111 = arith.constant 0 : i32
        %dma_start3A_112 = arith.constant 0 : i32
        %dma_start3A_113 = tpu.memref_slice %arg2[%dma_start3A_111, %dma_start3A_112] : memref<10000x128xf32, #tpu.memory_space<hbm>> -> memref<10000x128xf32, #tpu.memory_space<hbm>>
        tpu.enqueue_indirect_dma source(%dma_start3A_113 : memref<10000x128xf32, #tpu.memory_space<hbm>>) target(%arg8 : memref<128x128xf32, #tpu.memory_space<vmem>>) offsets(%dma_start3A_110 : memref<128xi32, #tpu.memory_space<vmem>>) semaphore(%arg12 : memref<!tpu.dma_semaphore, #tpu.memory_space<semaphore_mem>>)
        %dma_wait3A_114 = arith.constant 0 : i32
        %dma_wait3A_115 = arith.constant 0 : i32
        %dma_wait3A_116 = arith.constant 0 : i32
        %dma_wait3A_117 = tpu.memref_slice %arg5[%dma_wait3A_114, %dma_wait3A_115, %dma_wait3A_116] : memref<8x2x128xi32, #tpu.memory_space<vmem>> -> memref<1x1x128xi32, #tpu.memory_space<vmem>>
        %dma_wait3A_118 = tpu.memref_squeeze %dma_wait3A_117 : memref<1x1x128xi32, #tpu.memory_space<vmem>> -> memref<128xi32, #tpu.memory_space<vmem>>
        %dma_wait3A_119 = arith.constant 0 : i32
        %dma_wait3A_120 = arith.constant 0 : i32
        %dma_wait3A_121 = tpu.memref_slice %arg2[%dma_wait3A_119, %dma_wait3A_120] : memref<10000x128xf32, #tpu.memory_space<hbm>> -> memref<10000x128xf32, #tpu.memory_space<hbm>>
        tpu.wait_indirect_dma semaphore(%arg11 : memref<!tpu.dma_semaphore, #tpu.memory_space<semaphore_mem>>) src(%dma_wait3A_121 : memref<10000x128xf32, #tpu.memory_space<hbm>>) dst(%arg7 : memref<128x128xf32, #tpu.memory_space<vmem>>)
        %run_scoped3A = arith.constant 0 : i32
        %run_scoped3A_122 = arith.constant 1 : i32
        "tpu.region"() ({
          %run_scoped3A_241 = tpu.sem_alloc : memref<!tpu.dma_semaphore, #tpu.memory_space<semaphore_mem>>
          %dma_start3A_242 = arith.constant 0 : i32
          %dma_start3A_243 = tpu.memref_slice %arg5[%run_scoped3A, %run_scoped3A_122, %dma_start3A_242] : memref<8x2x128xi32, #tpu.memory_space<vmem>> -> memref<1x1x128xi32, #tpu.memory_space<vmem>>
          %dma_start3A_244 = tpu.memref_squeeze %dma_start3A_243 : memref<1x1x128xi32, #tpu.memory_space<vmem>> -> memref<128xi32, #tpu.memory_space<vmem>>
          %dma_start3A_245 = arith.constant 0 : i32
          %dma_start3A_246 = arith.constant 0 : i32
          %dma_start3A_247 = tpu.memref_slice %arg13[%dma_start3A_245, %dma_start3A_246] : memref<10112x128xf32, #tpu.memory_space<vmem_shared>> -> memref<10112x128xf32, #tpu.memory_space<vmem_shared>>
          tpu.enqueue_indirect_dma source(%arg7 : memref<128x128xf32, #tpu.memory_space<vmem>>) target(%dma_start3A_247 : memref<10112x128xf32, #tpu.memory_space<vmem_shared>>) offsets(%dma_start3A_244 : memref<128xi32, #tpu.memory_space<vmem>>) semaphore(%run_scoped3A_241 : memref<!tpu.dma_semaphore, #tpu.memory_space<semaphore_mem>>) {add = true}
          %dma_wait3A_248 = arith.constant 0 : i32
          %dma_wait3A_249 = tpu.memref_slice %arg5[%run_scoped3A, %run_scoped3A_122, %dma_wait3A_248] : memref<8x2x128xi32, #tpu.memory_space<vmem>> -> memref<1x1x128xi32, #tpu.memory_space<vmem>>
          %dma_wait3A_250 = tpu.memref_squeeze %dma_wait3A_249 : memref<1x1x128xi32, #tpu.memory_space<vmem>> -> memref<128xi32, #tpu.memory_space<vmem>>
          %dma_wait3A_251 = arith.constant 0 : i32
          %dma_wait3A_252 = arith.constant 0 : i32
          %dma_wait3A_253 = tpu.memref_slice %arg13[%dma_wait3A_251, %dma_wait3A_252] : memref<10112x128xf32, #tpu.memory_space<vmem_shared>> -> memref<10112x128xf32, #tpu.memory_space<vmem_shared>>
          tpu.wait_indirect_dma semaphore(%run_scoped3A_241 : memref<!tpu.dma_semaphore, #tpu.memory_space<semaphore_mem>>) src(%arg7 : memref<128x128xf32, #tpu.memory_space<vmem>>) dst(%dma_wait3A_253 : memref<10112x128xf32, #tpu.memory_space<vmem_shared>>)
          tpu.yield
        }) : () -> ()
        %dma_start3A_123 = arith.constant 2 : i32
        %dma_start3A_124 = arith.constant 0 : i32
        %dma_start3A_125 = arith.constant 0 : i32
        %dma_start3A_126 = tpu.memref_slice %arg5[%dma_start3A_123, %dma_start3A_124, %dma_start3A_125] : memref<8x2x128xi32, #tpu.memory_space<vmem>> -> memref<1x1x128xi32, #tpu.memory_space<vmem>>
        %dma_start3A_127 = tpu.memref_squeeze %dma_start3A_126 : memref<1x1x128xi32, #tpu.memory_space<vmem>> -> memref<128xi32, #tpu.memory_space<vmem>>
        %dma_start3A_128 = arith.constant 0 : i32
        %dma_start3A_129 = arith.constant 0 : i32
        %dma_start3A_130 = tpu.memref_slice %arg2[%dma_start3A_128, %dma_start3A_129] : memref<10000x128xf32, #tpu.memory_space<hbm>> -> memref<10000x128xf32, #tpu.memory_space<hbm>>
        tpu.enqueue_indirect_dma source(%dma_start3A_130 : memref<10000x128xf32, #tpu.memory_space<hbm>>) target(%arg7 : memref<128x128xf32, #tpu.memory_space<vmem>>) offsets(%dma_start3A_127 : memref<128xi32, #tpu.memory_space<vmem>>) semaphore(%arg11 : memref<!tpu.dma_semaphore, #tpu.memory_space<semaphore_mem>>)
        %dma_wait3A_131 = arith.constant 1 : i32
        %dma_wait3A_132 = arith.constant 0 : i32
        %dma_wait3A_133 = arith.constant 0 : i32
        %dma_wait3A_134 = tpu.memref_slice %arg5[%dma_wait3A_131, %dma_wait3A_132, %dma_wait3A_133] : memref<8x2x128xi32, #tpu.memory_space<vmem>> -> memref<1x1x128xi32, #tpu.memory_space<vmem>>
        %dma_wait3A_135 = tpu.memref_squeeze %dma_wait3A_134 : memref<1x1x128xi32, #tpu.memory_space<vmem>> -> memref<128xi32, #tpu.memory_space<vmem>>
        %dma_wait3A_136 = arith.constant 0 : i32
        %dma_wait3A_137 = arith.constant 0 : i32
        %dma_wait3A_138 = tpu.memref_slice %arg2[%dma_wait3A_136, %dma_wait3A_137] : memref<10000x128xf32, #tpu.memory_space<hbm>> -> memref<10000x128xf32, #tpu.memory_space<hbm>>
        tpu.wait_indirect_dma semaphore(%arg12 : memref<!tpu.dma_semaphore, #tpu.memory_space<semaphore_mem>>) src(%dma_wait3A_138 : memref<10000x128xf32, #tpu.memory_space<hbm>>) dst(%arg8 : memref<128x128xf32, #tpu.memory_space<vmem>>)
        %run_scoped3A_139 = arith.constant 1 : i32
        %run_scoped3A_140 = arith.constant 1 : i32
        "tpu.region"() ({
          %run_scoped3A_241 = tpu.sem_alloc : memref<!tpu.dma_semaphore, #tpu.memory_space<semaphore_mem>>
          %dma_start3A_242 = arith.constant 0 : i32
          %dma_start3A_243 = tpu.memref_slice %arg5[%run_scoped3A_139, %run_scoped3A_140, %dma_start3A_242] : memref<8x2x128xi32, #tpu.memory_space<vmem>> -> memref<1x1x128xi32, #tpu.memory_space<vmem>>
          %dma_start3A_244 = tpu.memref_squeeze %dma_start3A_243 : memref<1x1x128xi32, #tpu.memory_space<vmem>> -> memref<128xi32, #tpu.memory_space<vmem>>
          %dma_start3A_245 = arith.constant 0 : i32
          %dma_start3A_246 = arith.constant 0 : i32
          %dma_start3A_247 = tpu.memref_slice %arg13[%dma_start3A_245, %dma_start3A_246] : memref<10112x128xf32, #tpu.memory_space<vmem_shared>> -> memref<10112x128xf32, #tpu.memory_space<vmem_shared>>
          tpu.enqueue_indirect_dma source(%arg8 : memref<128x128xf32, #tpu.memory_space<vmem>>) target(%dma_start3A_247 : memref<10112x128xf32, #tpu.memory_space<vmem_shared>>) offsets(%dma_start3A_244 : memref<128xi32, #tpu.memory_space<vmem>>) semaphore(%run_scoped3A_241 : memref<!tpu.dma_semaphore, #tpu.memory_space<semaphore_mem>>) {add = true}
          %dma_wait3A_248 = arith.constant 0 : i32
          %dma_wait3A_249 = tpu.memref_slice %arg5[%run_scoped3A_139, %run_scoped3A_140, %dma_wait3A_248] : memref<8x2x128xi32, #tpu.memory_space<vmem>> -> memref<1x1x128xi32, #tpu.memory_space<vmem>>
          %dma_wait3A_250 = tpu.memref_squeeze %dma_wait3A_249 : memref<1x1x128xi32, #tpu.memory_space<vmem>> -> memref<128xi32, #tpu.memory_space<vmem>>
          %dma_wait3A_251 = arith.constant 0 : i32
          %dma_wait3A_252 = arith.constant 0 : i32
          %dma_wait3A_253 = tpu.memref_slice %arg13[%dma_wait3A_251, %dma_wait3A_252] : memref<10112x128xf32, #tpu.memory_space<vmem_shared>> -> memref<10112x128xf32, #tpu.memory_space<vmem_shared>>
          tpu.wait_indirect_dma semaphore(%run_scoped3A_241 : memref<!tpu.dma_semaphore, #tpu.memory_space<semaphore_mem>>) src(%arg8 : memref<128x128xf32, #tpu.memory_space<vmem>>) dst(%dma_wait3A_253 : memref<10112x128xf32, #tpu.memory_space<vmem_shared>>)
          tpu.yield
        }) : () -> ()
        %dma_start3A_141 = arith.constant 3 : i32
        %dma_start3A_142 = arith.constant 0 : i32
        %dma_start3A_143 = arith.constant 0 : i32
        %dma_start3A_144 = tpu.memref_slice %arg5[%dma_start3A_141, %dma_start3A_142, %dma_start3A_143] : memref<8x2x128xi32, #tpu.memory_space<vmem>> -> memref<1x1x128xi32, #tpu.memory_space<vmem>>
        %dma_start3A_145 = tpu.memref_squeeze %dma_start3A_144 : memref<1x1x128xi32, #tpu.memory_space<vmem>> -> memref<128xi32, #tpu.memory_space<vmem>>
        %dma_start3A_146 = arith.constant 0 : i32
        %dma_start3A_147 = arith.constant 0 : i32
        %dma_start3A_148 = tpu.memref_slice %arg2[%dma_start3A_146, %dma_start3A_147] : memref<10000x128xf32, #tpu.memory_space<hbm>> -> memref<10000x128xf32, #tpu.memory_space<hbm>>
        tpu.enqueue_indirect_dma source(%dma_start3A_148 : memref<10000x128xf32, #tpu.memory_space<hbm>>) target(%arg8 : memref<128x128xf32, #tpu.memory_space<vmem>>) offsets(%dma_start3A_145 : memref<128xi32, #tpu.memory_space<vmem>>) semaphore(%arg12 : memref<!tpu.dma_semaphore, #tpu.memory_space<semaphore_mem>>)
        %dma_wait3A_149 = arith.constant 2 : i32
        %dma_wait3A_150 = arith.constant 0 : i32
        %dma_wait3A_151 = arith.constant 0 : i32
        %dma_wait3A_152 = tpu.memref_slice %arg5[%dma_wait3A_149, %dma_wait3A_150, %dma_wait3A_151] : memref<8x2x128xi32, #tpu.memory_space<vmem>> -> memref<1x1x128xi32, #tpu.memory_space<vmem>>
        %dma_wait3A_153 = tpu.memref_squeeze %dma_wait3A_152 : memref<1x1x128xi32, #tpu.memory_space<vmem>> -> memref<128xi32, #tpu.memory_space<vmem>>
        %dma_wait3A_154 = arith.constant 0 : i32
        %dma_wait3A_155 = arith.constant 0 : i32
        %dma_wait3A_156 = tpu.memref_slice %arg2[%dma_wait3A_154, %dma_wait3A_155] : memref<10000x128xf32, #tpu.memory_space<hbm>> -> memref<10000x128xf32, #tpu.memory_space<hbm>>
        tpu.wait_indirect_dma semaphore(%arg11 : memref<!tpu.dma_semaphore, #tpu.memory_space<semaphore_mem>>) src(%dma_wait3A_156 : memref<10000x128xf32, #tpu.memory_space<hbm>>) dst(%arg7 : memref<128x128xf32, #tpu.memory_space<vmem>>)
        %run_scoped3A_157 = arith.constant 2 : i32
        %run_scoped3A_158 = arith.constant 1 : i32
        "tpu.region"() ({
          %run_scoped3A_241 = tpu.sem_alloc : memref<!tpu.dma_semaphore, #tpu.memory_space<semaphore_mem>>
          %dma_start3A_242 = arith.constant 0 : i32
          %dma_start3A_243 = tpu.memref_slice %arg5[%run_scoped3A_157, %run_scoped3A_158, %dma_start3A_242] : memref<8x2x128xi32, #tpu.memory_space<vmem>> -> memref<1x1x128xi32, #tpu.memory_space<vmem>>
          %dma_start3A_244 = tpu.memref_squeeze %dma_start3A_243 : memref<1x1x128xi32, #tpu.memory_space<vmem>> -> memref<128xi32, #tpu.memory_space<vmem>>
          %dma_start3A_245 = arith.constant 0 : i32
          %dma_start3A_246 = arith.constant 0 : i32
          %dma_start3A_247 = tpu.memref_slice %arg13[%dma_start3A_245, %dma_start3A_246] : memref<10112x128xf32, #tpu.memory_space<vmem_shared>> -> memref<10112x128xf32, #tpu.memory_space<vmem_shared>>
          tpu.enqueue_indirect_dma source(%arg7 : memref<128x128xf32, #tpu.memory_space<vmem>>) target(%dma_start3A_247 : memref<10112x128xf32, #tpu.memory_space<vmem_shared>>) offsets(%dma_start3A_244 : memref<128xi32, #tpu.memory_space<vmem>>) semaphore(%run_scoped3A_241 : memref<!tpu.dma_semaphore, #tpu.memory_space<semaphore_mem>>) {add = true}
          %dma_wait3A_248 = arith.constant 0 : i32
          %dma_wait3A_249 = tpu.memref_slice %arg5[%run_scoped3A_157, %run_scoped3A_158, %dma_wait3A_248] : memref<8x2x128xi32, #tpu.memory_space<vmem>> -> memref<1x1x128xi32, #tpu.memory_space<vmem>>
          %dma_wait3A_250 = tpu.memref_squeeze %dma_wait3A_249 : memref<1x1x128xi32, #tpu.memory_space<vmem>> -> memref<128xi32, #tpu.memory_space<vmem>>
          %dma_wait3A_251 = arith.constant 0 : i32
          %dma_wait3A_252 = arith.constant 0 : i32
          %dma_wait3A_253 = tpu.memref_slice %arg13[%dma_wait3A_251, %dma_wait3A_252] : memref<10112x128xf32, #tpu.memory_space<vmem_shared>> -> memref<10112x128xf32, #tpu.memory_space<vmem_shared>>
          tpu.wait_indirect_dma semaphore(%run_scoped3A_241 : memref<!tpu.dma_semaphore, #tpu.memory_space<semaphore_mem>>) src(%arg7 : memref<128x128xf32, #tpu.memory_space<vmem>>) dst(%dma_wait3A_253 : memref<10112x128xf32, #tpu.memory_space<vmem_shared>>)
          tpu.yield
        }) : () -> ()
        %dma_start3A_159 = arith.constant 4 : i32
        %dma_start3A_160 = arith.constant 0 : i32
        %dma_start3A_161 = arith.constant 0 : i32
        %dma_start3A_162 = tpu.memref_slice %arg5[%dma_start3A_159, %dma_start3A_160, %dma_start3A_161] : memref<8x2x128xi32, #tpu.memory_space<vmem>> -> memref<1x1x128xi32, #tpu.memory_space<vmem>>
        %dma_start3A_163 = tpu.memref_squeeze %dma_start3A_162 : memref<1x1x128xi32, #tpu.memory_space<vmem>> -> memref<128xi32, #tpu.memory_space<vmem>>
        %dma_start3A_164 = arith.constant 0 : i32
        %dma_start3A_165 = arith.constant 0 : i32
        %dma_start3A_166 = tpu.memref_slice %arg2[%dma_start3A_164, %dma_start3A_165] : memref<10000x128xf32, #tpu.memory_space<hbm>> -> memref<10000x128xf32, #tpu.memory_space<hbm>>
        tpu.enqueue_indirect_dma source(%dma_start3A_166 : memref<10000x128xf32, #tpu.memory_space<hbm>>) target(%arg7 : memref<128x128xf32, #tpu.memory_space<vmem>>) offsets(%dma_start3A_163 : memref<128xi32, #tpu.memory_space<vmem>>) semaphore(%arg11 : memref<!tpu.dma_semaphore, #tpu.memory_space<semaphore_mem>>)
        %dma_wait3A_167 = arith.constant 3 : i32
        %dma_wait3A_168 = arith.constant 0 : i32
        %dma_wait3A_169 = arith.constant 0 : i32
        %dma_wait3A_170 = tpu.memref_slice %arg5[%dma_wait3A_167, %dma_wait3A_168, %dma_wait3A_169] : memref<8x2x128xi32, #tpu.memory_space<vmem>> -> memref<1x1x128xi32, #tpu.memory_space<vmem>>
        %dma_wait3A_171 = tpu.memref_squeeze %dma_wait3A_170 : memref<1x1x128xi32, #tpu.memory_space<vmem>> -> memref<128xi32, #tpu.memory_space<vmem>>
        %dma_wait3A_172 = arith.constant 0 : i32
        %dma_wait3A_173 = arith.constant 0 : i32
        %dma_wait3A_174 = tpu.memref_slice %arg2[%dma_wait3A_172, %dma_wait3A_173] : memref<10000x128xf32, #tpu.memory_space<hbm>> -> memref<10000x128xf32, #tpu.memory_space<hbm>>
        tpu.wait_indirect_dma semaphore(%arg12 : memref<!tpu.dma_semaphore, #tpu.memory_space<semaphore_mem>>) src(%dma_wait3A_174 : memref<10000x128xf32, #tpu.memory_space<hbm>>) dst(%arg8 : memref<128x128xf32, #tpu.memory_space<vmem>>)
        %run_scoped3A_175 = arith.constant 3 : i32
        %run_scoped3A_176 = arith.constant 1 : i32
        "tpu.region"() ({
          %run_scoped3A_241 = tpu.sem_alloc : memref<!tpu.dma_semaphore, #tpu.memory_space<semaphore_mem>>
          %dma_start3A_242 = arith.constant 0 : i32
          %dma_start3A_243 = tpu.memref_slice %arg5[%run_scoped3A_175, %run_scoped3A_176, %dma_start3A_242] : memref<8x2x128xi32, #tpu.memory_space<vmem>> -> memref<1x1x128xi32, #tpu.memory_space<vmem>>
          %dma_start3A_244 = tpu.memref_squeeze %dma_start3A_243 : memref<1x1x128xi32, #tpu.memory_space<vmem>> -> memref<128xi32, #tpu.memory_space<vmem>>
          %dma_start3A_245 = arith.constant 0 : i32
          %dma_start3A_246 = arith.constant 0 : i32
          %dma_start3A_247 = tpu.memref_slice %arg13[%dma_start3A_245, %dma_start3A_246] : memref<10112x128xf32, #tpu.memory_space<vmem_shared>> -> memref<10112x128xf32, #tpu.memory_space<vmem_shared>>
          tpu.enqueue_indirect_dma source(%arg8 : memref<128x128xf32, #tpu.memory_space<vmem>>) target(%dma_start3A_247 : memref<10112x128xf32, #tpu.memory_space<vmem_shared>>) offsets(%dma_start3A_244 : memref<128xi32, #tpu.memory_space<vmem>>) semaphore(%run_scoped3A_241 : memref<!tpu.dma_semaphore, #tpu.memory_space<semaphore_mem>>) {add = true}
          %dma_wait3A_248 = arith.constant 0 : i32
          %dma_wait3A_249 = tpu.memref_slice %arg5[%run_scoped3A_175, %run_scoped3A_176, %dma_wait3A_248] : memref<8x2x128xi32, #tpu.memory_space<vmem>> -> memref<1x1x128xi32, #tpu.memory_space<vmem>>
          %dma_wait3A_250 = tpu.memref_squeeze %dma_wait3A_249 : memref<1x1x128xi32, #tpu.memory_space<vmem>> -> memref<128xi32, #tpu.memory_space<vmem>>
          %dma_wait3A_251 = arith.constant 0 : i32
          %dma_wait3A_252 = arith.constant 0 : i32
          %dma_wait3A_253 = tpu.memref_slice %arg13[%dma_wait3A_251, %dma_wait3A_252] : memref<10112x128xf32, #tpu.memory_space<vmem_shared>> -> memref<10112x128xf32, #tpu.memory_space<vmem_shared>>
          tpu.wait_indirect_dma semaphore(%run_scoped3A_241 : memref<!tpu.dma_semaphore, #tpu.memory_space<semaphore_mem>>) src(%arg8 : memref<128x128xf32, #tpu.memory_space<vmem>>) dst(%dma_wait3A_253 : memref<10112x128xf32, #tpu.memory_space<vmem_shared>>)
          tpu.yield
        }) : () -> ()
        %dma_start3A_177 = arith.constant 5 : i32
        %dma_start3A_178 = arith.constant 0 : i32
        %dma_start3A_179 = arith.constant 0 : i32
        %dma_start3A_180 = tpu.memref_slice %arg5[%dma_start3A_177, %dma_start3A_178, %dma_start3A_179] : memref<8x2x128xi32, #tpu.memory_space<vmem>> -> memref<1x1x128xi32, #tpu.memory_space<vmem>>
        %dma_start3A_181 = tpu.memref_squeeze %dma_start3A_180 : memref<1x1x128xi32, #tpu.memory_space<vmem>> -> memref<128xi32, #tpu.memory_space<vmem>>
        %dma_start3A_182 = arith.constant 0 : i32
        %dma_start3A_183 = arith.constant 0 : i32
        %dma_start3A_184 = tpu.memref_slice %arg2[%dma_start3A_182, %dma_start3A_183] : memref<10000x128xf32, #tpu.memory_space<hbm>> -> memref<10000x128xf32, #tpu.memory_space<hbm>>
        tpu.enqueue_indirect_dma source(%dma_start3A_184 : memref<10000x128xf32, #tpu.memory_space<hbm>>) target(%arg8 : memref<128x128xf32, #tpu.memory_space<vmem>>) offsets(%dma_start3A_181 : memref<128xi32, #tpu.memory_space<vmem>>) semaphore(%arg12 : memref<!tpu.dma_semaphore, #tpu.memory_space<semaphore_mem>>)
        %dma_wait3A_185 = arith.constant 4 : i32
        %dma_wait3A_186 = arith.constant 0 : i32
        %dma_wait3A_187 = arith.constant 0 : i32
        %dma_wait3A_188 = tpu.memref_slice %arg5[%dma_wait3A_185, %dma_wait3A_186, %dma_wait3A_187] : memref<8x2x128xi32, #tpu.memory_space<vmem>> -> memref<1x1x128xi32, #tpu.memory_space<vmem>>
        %dma_wait3A_189 = tpu.memref_squeeze %dma_wait3A_188 : memref<1x1x128xi32, #tpu.memory_space<vmem>> -> memref<128xi32, #tpu.memory_space<vmem>>
        %dma_wait3A_190 = arith.constant 0 : i32
        %dma_wait3A_191 = arith.constant 0 : i32
        %dma_wait3A_192 = tpu.memref_slice %arg2[%dma_wait3A_190, %dma_wait3A_191] : memref<10000x128xf32, #tpu.memory_space<hbm>> -> memref<10000x128xf32, #tpu.memory_space<hbm>>
        tpu.wait_indirect_dma semaphore(%arg11 : memref<!tpu.dma_semaphore, #tpu.memory_space<semaphore_mem>>) src(%dma_wait3A_192 : memref<10000x128xf32, #tpu.memory_space<hbm>>) dst(%arg7 : memref<128x128xf32, #tpu.memory_space<vmem>>)
        %run_scoped3A_193 = arith.constant 4 : i32
        %run_scoped3A_194 = arith.constant 1 : i32
        "tpu.region"() ({
          %run_scoped3A_241 = tpu.sem_alloc : memref<!tpu.dma_semaphore, #tpu.memory_space<semaphore_mem>>
          %dma_start3A_242 = arith.constant 0 : i32
          %dma_start3A_243 = tpu.memref_slice %arg5[%run_scoped3A_193, %run_scoped3A_194, %dma_start3A_242] : memref<8x2x128xi32, #tpu.memory_space<vmem>> -> memref<1x1x128xi32, #tpu.memory_space<vmem>>
          %dma_start3A_244 = tpu.memref_squeeze %dma_start3A_243 : memref<1x1x128xi32, #tpu.memory_space<vmem>> -> memref<128xi32, #tpu.memory_space<vmem>>
          %dma_start3A_245 = arith.constant 0 : i32
          %dma_start3A_246 = arith.constant 0 : i32
          %dma_start3A_247 = tpu.memref_slice %arg13[%dma_start3A_245, %dma_start3A_246] : memref<10112x128xf32, #tpu.memory_space<vmem_shared>> -> memref<10112x128xf32, #tpu.memory_space<vmem_shared>>
          tpu.enqueue_indirect_dma source(%arg7 : memref<128x128xf32, #tpu.memory_space<vmem>>) target(%dma_start3A_247 : memref<10112x128xf32, #tpu.memory_space<vmem_shared>>) offsets(%dma_start3A_244 : memref<128xi32, #tpu.memory_space<vmem>>) semaphore(%run_scoped3A_241 : memref<!tpu.dma_semaphore, #tpu.memory_space<semaphore_mem>>) {add = true}
          %dma_wait3A_248 = arith.constant 0 : i32
          %dma_wait3A_249 = tpu.memref_slice %arg5[%run_scoped3A_193, %run_scoped3A_194, %dma_wait3A_248] : memref<8x2x128xi32, #tpu.memory_space<vmem>> -> memref<1x1x128xi32, #tpu.memory_space<vmem>>
          %dma_wait3A_250 = tpu.memref_squeeze %dma_wait3A_249 : memref<1x1x128xi32, #tpu.memory_space<vmem>> -> memref<128xi32, #tpu.memory_space<vmem>>
          %dma_wait3A_251 = arith.constant 0 : i32
          %dma_wait3A_252 = arith.constant 0 : i32
          %dma_wait3A_253 = tpu.memref_slice %arg13[%dma_wait3A_251, %dma_wait3A_252] : memref<10112x128xf32, #tpu.memory_space<vmem_shared>> -> memref<10112x128xf32, #tpu.memory_space<vmem_shared>>
          tpu.wait_indirect_dma semaphore(%run_scoped3A_241 : memref<!tpu.dma_semaphore, #tpu.memory_space<semaphore_mem>>) src(%arg7 : memref<128x128xf32, #tpu.memory_space<vmem>>) dst(%dma_wait3A_253 : memref<10112x128xf32, #tpu.memory_space<vmem_shared>>)
          tpu.yield
        }) : () -> ()
        %dma_start3A_195 = arith.constant 6 : i32
        %dma_start3A_196 = arith.constant 0 : i32
        %dma_start3A_197 = arith.constant 0 : i32
        %dma_start3A_198 = tpu.memref_slice %arg5[%dma_start3A_195, %dma_start3A_196, %dma_start3A_197] : memref<8x2x128xi32, #tpu.memory_space<vmem>> -> memref<1x1x128xi32, #tpu.memory_space<vmem>>
        %dma_start3A_199 = tpu.memref_squeeze %dma_start3A_198 : memref<1x1x128xi32, #tpu.memory_space<vmem>> -> memref<128xi32, #tpu.memory_space<vmem>>
        %dma_start3A_200 = arith.constant 0 : i32
        %dma_start3A_201 = arith.constant 0 : i32
        %dma_start3A_202 = tpu.memref_slice %arg2[%dma_start3A_200, %dma_start3A_201] : memref<10000x128xf32, #tpu.memory_space<hbm>> -> memref<10000x128xf32, #tpu.memory_space<hbm>>
        tpu.enqueue_indirect_dma source(%dma_start3A_202 : memref<10000x128xf32, #tpu.memory_space<hbm>>) target(%arg7 : memref<128x128xf32, #tpu.memory_space<vmem>>) offsets(%dma_start3A_199 : memref<128xi32, #tpu.memory_space<vmem>>) semaphore(%arg11 : memref<!tpu.dma_semaphore, #tpu.memory_space<semaphore_mem>>)
        %dma_wait3A_203 = arith.constant 5 : i32
        %dma_wait3A_204 = arith.constant 0 : i32
        %dma_wait3A_205 = arith.constant 0 : i32
        %dma_wait3A_206 = tpu.memref_slice %arg5[%dma_wait3A_203, %dma_wait3A_204, %dma_wait3A_205] : memref<8x2x128xi32, #tpu.memory_space<vmem>> -> memref<1x1x128xi32, #tpu.memory_space<vmem>>
        %dma_wait3A_207 = tpu.memref_squeeze %dma_wait3A_206 : memref<1x1x128xi32, #tpu.memory_space<vmem>> -> memref<128xi32, #tpu.memory_space<vmem>>
        %dma_wait3A_208 = arith.constant 0 : i32
        %dma_wait3A_209 = arith.constant 0 : i32
        %dma_wait3A_210 = tpu.memref_slice %arg2[%dma_wait3A_208, %dma_wait3A_209] : memref<10000x128xf32, #tpu.memory_space<hbm>> -> memref<10000x128xf32, #tpu.memory_space<hbm>>
        tpu.wait_indirect_dma semaphore(%arg12 : memref<!tpu.dma_semaphore, #tpu.memory_space<semaphore_mem>>) src(%dma_wait3A_210 : memref<10000x128xf32, #tpu.memory_space<hbm>>) dst(%arg8 : memref<128x128xf32, #tpu.memory_space<vmem>>)
        %run_scoped3A_211 = arith.constant 5 : i32
        %run_scoped3A_212 = arith.constant 1 : i32
        "tpu.region"() ({
          %run_scoped3A_241 = tpu.sem_alloc : memref<!tpu.dma_semaphore, #tpu.memory_space<semaphore_mem>>
          %dma_start3A_242 = arith.constant 0 : i32
          %dma_start3A_243 = tpu.memref_slice %arg5[%run_scoped3A_211, %run_scoped3A_212, %dma_start3A_242] : memref<8x2x128xi32, #tpu.memory_space<vmem>> -> memref<1x1x128xi32, #tpu.memory_space<vmem>>
          %dma_start3A_244 = tpu.memref_squeeze %dma_start3A_243 : memref<1x1x128xi32, #tpu.memory_space<vmem>> -> memref<128xi32, #tpu.memory_space<vmem>>
          %dma_start3A_245 = arith.constant 0 : i32
          %dma_start3A_246 = arith.constant 0 : i32
          %dma_start3A_247 = tpu.memref_slice %arg13[%dma_start3A_245, %dma_start3A_246] : memref<10112x128xf32, #tpu.memory_space<vmem_shared>> -> memref<10112x128xf32, #tpu.memory_space<vmem_shared>>
          tpu.enqueue_indirect_dma source(%arg8 : memref<128x128xf32, #tpu.memory_space<vmem>>) target(%dma_start3A_247 : memref<10112x128xf32, #tpu.memory_space<vmem_shared>>) offsets(%dma_start3A_244 : memref<128xi32, #tpu.memory_space<vmem>>) semaphore(%run_scoped3A_241 : memref<!tpu.dma_semaphore, #tpu.memory_space<semaphore_mem>>) {add = true}
          %dma_wait3A_248 = arith.constant 0 : i32
          %dma_wait3A_249 = tpu.memref_slice %arg5[%run_scoped3A_211, %run_scoped3A_212, %dma_wait3A_248] : memref<8x2x128xi32, #tpu.memory_space<vmem>> -> memref<1x1x128xi32, #tpu.memory_space<vmem>>
          %dma_wait3A_250 = tpu.memref_squeeze %dma_wait3A_249 : memref<1x1x128xi32, #tpu.memory_space<vmem>> -> memref<128xi32, #tpu.memory_space<vmem>>
          %dma_wait3A_251 = arith.constant 0 : i32
          %dma_wait3A_252 = arith.constant 0 : i32
          %dma_wait3A_253 = tpu.memref_slice %arg13[%dma_wait3A_251, %dma_wait3A_252] : memref<10112x128xf32, #tpu.memory_space<vmem_shared>> -> memref<10112x128xf32, #tpu.memory_space<vmem_shared>>
          tpu.wait_indirect_dma semaphore(%run_scoped3A_241 : memref<!tpu.dma_semaphore, #tpu.memory_space<semaphore_mem>>) src(%arg8 : memref<128x128xf32, #tpu.memory_space<vmem>>) dst(%dma_wait3A_253 : memref<10112x128xf32, #tpu.memory_space<vmem_shared>>)
          tpu.yield
        }) : () -> ()
        %dma_start3A_213 = arith.constant 7 : i32
        %dma_start3A_214 = arith.constant 0 : i32
        %dma_start3A_215 = arith.constant 0 : i32
        %dma_start3A_216 = tpu.memref_slice %arg5[%dma_start3A_213, %dma_start3A_214, %dma_start3A_215] : memref<8x2x128xi32, #tpu.memory_space<vmem>> -> memref<1x1x128xi32, #tpu.memory_space<vmem>>
        %dma_start3A_217 = tpu.memref_squeeze %dma_start3A_216 : memref<1x1x128xi32, #tpu.memory_space<vmem>> -> memref<128xi32, #tpu.memory_space<vmem>>
        %dma_start3A_218 = arith.constant 0 : i32
        %dma_start3A_219 = arith.constant 0 : i32
        %dma_start3A_220 = tpu.memref_slice %arg2[%dma_start3A_218, %dma_start3A_219] : memref<10000x128xf32, #tpu.memory_space<hbm>> -> memref<10000x128xf32, #tpu.memory_space<hbm>>
        tpu.enqueue_indirect_dma source(%dma_start3A_220 : memref<10000x128xf32, #tpu.memory_space<hbm>>) target(%arg8 : memref<128x128xf32, #tpu.memory_space<vmem>>) offsets(%dma_start3A_217 : memref<128xi32, #tpu.memory_space<vmem>>) semaphore(%arg12 : memref<!tpu.dma_semaphore, #tpu.memory_space<semaphore_mem>>)
        %dma_wait3A_221 = arith.constant 6 : i32
        %dma_wait3A_222 = arith.constant 0 : i32
        %dma_wait3A_223 = arith.constant 0 : i32
        %dma_wait3A_224 = tpu.memref_slice %arg5[%dma_wait3A_221, %dma_wait3A_222, %dma_wait3A_223] : memref<8x2x128xi32, #tpu.memory_space<vmem>> -> memref<1x1x128xi32, #tpu.memory_space<vmem>>
        %dma_wait3A_225 = tpu.memref_squeeze %dma_wait3A_224 : memref<1x1x128xi32, #tpu.memory_space<vmem>> -> memref<128xi32, #tpu.memory_space<vmem>>
        %dma_wait3A_226 = arith.constant 0 : i32
        %dma_wait3A_227 = arith.constant 0 : i32
        %dma_wait3A_228 = tpu.memref_slice %arg2[%dma_wait3A_226, %dma_wait3A_227] : memref<10000x128xf32, #tpu.memory_space<hbm>> -> memref<10000x128xf32, #tpu.memory_space<hbm>>
        tpu.wait_indirect_dma semaphore(%arg11 : memref<!tpu.dma_semaphore, #tpu.memory_space<semaphore_mem>>) src(%dma_wait3A_228 : memref<10000x128xf32, #tpu.memory_space<hbm>>) dst(%arg7 : memref<128x128xf32, #tpu.memory_space<vmem>>)
        %run_scoped3A_229 = arith.constant 6 : i32
        %run_scoped3A_230 = arith.constant 1 : i32
        "tpu.region"() ({
          %run_scoped3A_241 = tpu.sem_alloc : memref<!tpu.dma_semaphore, #tpu.memory_space<semaphore_mem>>
          %dma_start3A_242 = arith.constant 0 : i32
          %dma_start3A_243 = tpu.memref_slice %arg5[%run_scoped3A_229, %run_scoped3A_230, %dma_start3A_242] : memref<8x2x128xi32, #tpu.memory_space<vmem>> -> memref<1x1x128xi32, #tpu.memory_space<vmem>>
          %dma_start3A_244 = tpu.memref_squeeze %dma_start3A_243 : memref<1x1x128xi32, #tpu.memory_space<vmem>> -> memref<128xi32, #tpu.memory_space<vmem>>
          %dma_start3A_245 = arith.constant 0 : i32
          %dma_start3A_246 = arith.constant 0 : i32
          %dma_start3A_247 = tpu.memref_slice %arg13[%dma_start3A_245, %dma_start3A_246] : memref<10112x128xf32, #tpu.memory_space<vmem_shared>> -> memref<10112x128xf32, #tpu.memory_space<vmem_shared>>
          tpu.enqueue_indirect_dma source(%arg7 : memref<128x128xf32, #tpu.memory_space<vmem>>) target(%dma_start3A_247 : memref<10112x128xf32, #tpu.memory_space<vmem_shared>>) offsets(%dma_start3A_244 : memref<128xi32, #tpu.memory_space<vmem>>) semaphore(%run_scoped3A_241 : memref<!tpu.dma_semaphore, #tpu.memory_space<semaphore_mem>>) {add = true}
          %dma_wait3A_248 = arith.constant 0 : i32
          %dma_wait3A_249 = tpu.memref_slice %arg5[%run_scoped3A_229, %run_scoped3A_230, %dma_wait3A_248] : memref<8x2x128xi32, #tpu.memory_space<vmem>> -> memref<1x1x128xi32, #tpu.memory_space<vmem>>
          %dma_wait3A_250 = tpu.memref_squeeze %dma_wait3A_249 : memref<1x1x128xi32, #tpu.memory_space<vmem>> -> memref<128xi32, #tpu.memory_space<vmem>>
          %dma_wait3A_251 = arith.constant 0 : i32
          %dma_wait3A_252 = arith.constant 0 : i32
          %dma_wait3A_253 = tpu.memref_slice %arg13[%dma_wait3A_251, %dma_wait3A_252] : memref<10112x128xf32, #tpu.memory_space<vmem_shared>> -> memref<10112x128xf32, #tpu.memory_space<vmem_shared>>
          tpu.wait_indirect_dma semaphore(%run_scoped3A_241 : memref<!tpu.dma_semaphore, #tpu.memory_space<semaphore_mem>>) src(%arg7 : memref<128x128xf32, #tpu.memory_space<vmem>>) dst(%dma_wait3A_253 : memref<10112x128xf32, #tpu.memory_space<vmem_shared>>)
          tpu.yield
        }) : () -> ()
        %dma_wait3A_231 = arith.constant 7 : i32
        %dma_wait3A_232 = arith.constant 0 : i32
        %dma_wait3A_233 = arith.constant 0 : i32
        %dma_wait3A_234 = tpu.memref_slice %arg5[%dma_wait3A_231, %dma_wait3A_232, %dma_wait3A_233] : memref<8x2x128xi32, #tpu.memory_space<vmem>> -> memref<1x1x128xi32, #tpu.memory_space<vmem>>
        %dma_wait3A_235 = tpu.memref_squeeze %dma_wait3A_234 : memref<1x1x128xi32, #tpu.memory_space<vmem>> -> memref<128xi32, #tpu.memory_space<vmem>>
        %dma_wait3A_236 = arith.constant 0 : i32
        %dma_wait3A_237 = arith.constant 0 : i32
        %dma_wait3A_238 = tpu.memref_slice %arg2[%dma_wait3A_236, %dma_wait3A_237] : memref<10000x128xf32, #tpu.memory_space<hbm>> -> memref<10000x128xf32, #tpu.memory_space<hbm>>
        tpu.wait_indirect_dma semaphore(%arg12 : memref<!tpu.dma_semaphore, #tpu.memory_space<semaphore_mem>>) src(%dma_wait3A_238 : memref<10000x128xf32, #tpu.memory_space<hbm>>) dst(%arg8 : memref<128x128xf32, #tpu.memory_space<vmem>>)
        %run_scoped3A_239 = arith.constant 7 : i32
        %run_scoped3A_240 = arith.constant 1 : i32
        "tpu.region"() ({
          %run_scoped3A_241 = tpu.sem_alloc : memref<!tpu.dma_semaphore, #tpu.memory_space<semaphore_mem>>
          %dma_start3A_242 = arith.constant 0 : i32
          %dma_start3A_243 = tpu.memref_slice %arg5[%run_scoped3A_239, %run_scoped3A_240, %dma_start3A_242] : memref<8x2x128xi32, #tpu.memory_space<vmem>> -> memref<1x1x128xi32, #tpu.memory_space<vmem>>
          %dma_start3A_244 = tpu.memref_squeeze %dma_start3A_243 : memref<1x1x128xi32, #tpu.memory_space<vmem>> -> memref<128xi32, #tpu.memory_space<vmem>>
          %dma_start3A_245 = arith.constant 0 : i32
          %dma_start3A_246 = arith.constant 0 : i32
          %dma_start3A_247 = tpu.memref_slice %arg13[%dma_start3A_245, %dma_start3A_246] : memref<10112x128xf32, #tpu.memory_space<vmem_shared>> -> memref<10112x128xf32, #tpu.memory_space<vmem_shared>>
          tpu.enqueue_indirect_dma source(%arg8 : memref<128x128xf32, #tpu.memory_space<vmem>>) target(%dma_start3A_247 : memref<10112x128xf32, #tpu.memory_space<vmem_shared>>) offsets(%dma_start3A_244 : memref<128xi32, #tpu.memory_space<vmem>>) semaphore(%run_scoped3A_241 : memref<!tpu.dma_semaphore, #tpu.memory_space<semaphore_mem>>) {add = true}
          %dma_wait3A_248 = arith.constant 0 : i32
          %dma_wait3A_249 = tpu.memref_slice %arg5[%run_scoped3A_239, %run_scoped3A_240, %dma_wait3A_248] : memref<8x2x128xi32, #tpu.memory_space<vmem>> -> memref<1x1x128xi32, #tpu.memory_space<vmem>>
          %dma_wait3A_250 = tpu.memref_squeeze %dma_wait3A_249 : memref<1x1x128xi32, #tpu.memory_space<vmem>> -> memref<128xi32, #tpu.memory_space<vmem>>
          %dma_wait3A_251 = arith.constant 0 : i32
          %dma_wait3A_252 = arith.constant 0 : i32
          %dma_wait3A_253 = tpu.memref_slice %arg13[%dma_wait3A_251, %dma_wait3A_252] : memref<10112x128xf32, #tpu.memory_space<vmem_shared>> -> memref<10112x128xf32, #tpu.memory_space<vmem_shared>>
          tpu.wait_indirect_dma semaphore(%run_scoped3A_241 : memref<!tpu.dma_semaphore, #tpu.memory_space<semaphore_mem>>) src(%arg8 : memref<128x128xf32, #tpu.memory_space<vmem>>) dst(%dma_wait3A_253 : memref<10112x128xf32, #tpu.memory_space<vmem_shared>>)
          tpu.yield
        }) : () -> ()
      } else {
      }
      %jit3A_63 = arith.constant 2 : i32
      %eq3A_64 = arith.constant 0 : i32
      %eq3A_65 = arith.cmpi eq, %jit3A_63, %eq3A_64 : i32
      %jit3A_66 = arith.constant 1 : i32
      %select_n3A_67 = arith.select %eq3A_65, %jit3A_66, %jit3A_63 : i32
      %rem3A_68 = arith.remsi %while3A_45, %select_n3A_67 : i32
      %ne3A_69 = arith.constant 0 : i32
      %ne3A_70 = arith.cmpi ne, %rem3A_68, %ne3A_69 : i32
      %lt3A_71 = arith.constant 0 : i32
      %lt3A_72 = arith.cmpi slt, %rem3A_68, %lt3A_71 : i32
      %lt3A_73 = arith.constant 0 : i32
      %lt3A_74 = arith.cmpi slt, %select_n3A_67, %lt3A_73 : i32
      %ne3A_75 = arith.xori %lt3A_72, %lt3A_74 : i1
      %and3A_76 = arith.andi %ne3A_75, %ne3A_70 : i1
      %add3A_77 = arith.addi %rem3A_68, %select_n3A_67 : i32
      %select_n3A_78 = arith.select %and3A_76, %add3A_77, %rem3A_68 : i32
      %eq3A_79 = arith.constant 1 : i32
      %eq3A_80 = arith.cmpi eq, %select_n3A_78, %eq3A_79 : i32
      %convert_element_type3A_81 = arith.extui %eq3A_80 : i1 to i32
      %cond3A_82 = arith.constant 0 : i32
      %cond3A_83 = arith.cmpi ne, %convert_element_type3A_81, %cond3A_82 : i32
      scf.if %cond3A_83 {
        %dma_wait3A = arith.constant 0 : i32
        %dma_wait3A_84 = arith.constant 0 : i32
        %dma_wait3A_85 = arith.constant 0 : i32
        %dma_wait3A_86 = tpu.memref_slice %arg3[%add3A, %dma_wait3A, %dma_wait3A_84, %dma_wait3A_85] : memref<32x128x2x128xi32, #tpu.memory_space<hbm>> -> memref<1x8x2x128xi32, #tpu.memory_space<hbm>>
        %dma_wait3A_87 = tpu.memref_squeeze %dma_wait3A_86 : memref<1x8x2x128xi32, #tpu.memory_space<hbm>> -> memref<8x2x128xi32, #tpu.memory_space<hbm>>
        %dma_wait3A_88 = arith.constant 0 : i32
        %dma_wait3A_89 = arith.constant 0 : i32
        %dma_wait3A_90 = arith.constant 0 : i32
        %dma_wait3A_91 = tpu.memref_slice %arg3[%add3A, %dma_wait3A_88, %dma_wait3A_89, %dma_wait3A_90] : memref<32x128x2x128xi32, #tpu.memory_space<hbm>> -> memref<1x8x2x128xi32, #tpu.memory_space<hbm>>
        %dma_wait3A_92 = tpu.memref_squeeze %dma_wait3A_91 : memref<1x8x2x128xi32, #tpu.memory_space<hbm>> -> memref<8x2x128xi32, #tpu.memory_space<hbm>>
        tpu.wait_dma2 semaphore(%arg10 : memref<!tpu.dma_semaphore, #tpu.memory_space<semaphore_mem>>) src(%dma_wait3A_92 : memref<8x2x128xi32, #tpu.memory_space<hbm>>) dst(%arg6 : memref<8x2x128xi32, #tpu.memory_space<vmem>>)
        %add3A_93 = arith.constant 1 : i32
        %add3A_94 = arith.addi %while3A_45, %add3A_93 : i32
        %lt3A_95 = arith.cmpi slt, %add3A_94, %select_n3A : i32
        %convert_element_type3A_96 = arith.extui %lt3A_95 : i1 to i32
        %cond3A_97 = arith.constant 0 : i32
        %cond3A_98 = arith.cmpi ne, %convert_element_type3A_96, %cond3A_97 : i32
        scf.if %cond3A_98 {
          %add3A_241 = arith.constant 1 : i32
          %add3A_242 = arith.addi %while3A_45, %add3A_241 : i32
          %mul3A_243 = arith.constant 8 : i32
          %mul3A_244 = arith.muli %add3A_242, %mul3A_243 : i32
          %dma_start3A_245 = arith.constant 0 : i32
          %dma_start3A_246 = arith.constant 0 : i32
          %dma_start3A_247 = tpu.memref_slice %arg3[%add3A, %mul3A_244, %dma_start3A_245, %dma_start3A_246] : memref<32x128x2x128xi32, #tpu.memory_space<hbm>> -> memref<1x8x2x128xi32, #tpu.memory_space<hbm>>
          %dma_start3A_248 = tpu.memref_squeeze %dma_start3A_247 : memref<1x8x2x128xi32, #tpu.memory_space<hbm>> -> memref<8x2x128xi32, #tpu.memory_space<hbm>>
          %dma_start3A_249 = arith.constant 0 : i32
          %dma_start3A_250 = arith.constant 0 : i32
          %dma_start3A_251 = tpu.memref_slice %arg3[%add3A, %mul3A_244, %dma_start3A_249, %dma_start3A_250] : memref<32x128x2x128xi32, #tpu.memory_space<hbm>> -> memref<1x8x2x128xi32, #tpu.memory_space<hbm>>
          %dma_start3A_252 = tpu.memref_squeeze %dma_start3A_251 : memref<1x8x2x128xi32, #tpu.memory_space<hbm>> -> memref<8x2x128xi32, #tpu.memory_space<hbm>>
          tpu.enqueue_dma source(%dma_start3A_252 : memref<8x2x128xi32, #tpu.memory_space<hbm>>) target(%arg5 : memref<8x2x128xi32, #tpu.memory_space<vmem>>) target_semaphore(%arg9 : memref<!tpu.dma_semaphore, #tpu.memory_space<semaphore_mem>>)
        } else {
        }
        %dma_start3A = arith.constant 0 : i32
        %dma_start3A_99 = arith.constant 0 : i32
        %dma_start3A_100 = arith.constant 0 : i32
        %dma_start3A_101 = tpu.memref_slice %arg6[%dma_start3A, %dma_start3A_99, %dma_start3A_100] : memref<8x2x128xi32, #tpu.memory_space<vmem>> -> memref<1x1x128xi32, #tpu.memory_space<vmem>>
        %dma_start3A_102 = tpu.memref_squeeze %dma_start3A_101 : memref<1x1x128xi32, #tpu.memory_space<vmem>> -> memref<128xi32, #tpu.memory_space<vmem>>
        %dma_start3A_103 = arith.constant 0 : i32
        %dma_start3A_104 = arith.constant 0 : i32
        %dma_start3A_105 = tpu.memref_slice %arg2[%dma_start3A_103, %dma_start3A_104] : memref<10000x128xf32, #tpu.memory_space<hbm>> -> memref<10000x128xf32, #tpu.memory_space<hbm>>
        tpu.enqueue_indirect_dma source(%dma_start3A_105 : memref<10000x128xf32, #tpu.memory_space<hbm>>) target(%arg7 : memref<128x128xf32, #tpu.memory_space<vmem>>) offsets(%dma_start3A_102 : memref<128xi32, #tpu.memory_space<vmem>>) semaphore(%arg11 : memref<!tpu.dma_semaphore, #tpu.memory_space<semaphore_mem>>)
        %dma_start3A_106 = arith.constant 1 : i32
        %dma_start3A_107 = arith.constant 0 : i32
        %dma_start3A_108 = arith.constant 0 : i32
        %dma_start3A_109 = tpu.memref_slice %arg6[%dma_start3A_106, %dma_start3A_107, %dma_start3A_108] : memref<8x2x128xi32, #tpu.memory_space<vmem>> -> memref<1x1x128xi32, #tpu.memory_space<vmem>>
        %dma_start3A_110 = tpu.memref_squeeze %dma_start3A_109 : memref<1x1x128xi32, #tpu.memory_space<vmem>> -> memref<128xi32, #tpu.memory_space<vmem>>
        %dma_start3A_111 = arith.constant 0 : i32
        %dma_start3A_112 = arith.constant 0 : i32
        %dma_start3A_113 = tpu.memref_slice %arg2[%dma_start3A_111, %dma_start3A_112] : memref<10000x128xf32, #tpu.memory_space<hbm>> -> memref<10000x128xf32, #tpu.memory_space<hbm>>
        tpu.enqueue_indirect_dma source(%dma_start3A_113 : memref<10000x128xf32, #tpu.memory_space<hbm>>) target(%arg8 : memref<128x128xf32, #tpu.memory_space<vmem>>) offsets(%dma_start3A_110 : memref<128xi32, #tpu.memory_space<vmem>>) semaphore(%arg12 : memref<!tpu.dma_semaphore, #tpu.memory_space<semaphore_mem>>)
        %dma_wait3A_114 = arith.constant 0 : i32
        %dma_wait3A_115 = arith.constant 0 : i32
        %dma_wait3A_116 = arith.constant 0 : i32
        %dma_wait3A_117 = tpu.memref_slice %arg6[%dma_wait3A_114, %dma_wait3A_115, %dma_wait3A_116] : memref<8x2x128xi32, #tpu.memory_space<vmem>> -> memref<1x1x128xi32, #tpu.memory_space<vmem>>
        %dma_wait3A_118 = tpu.memref_squeeze %dma_wait3A_117 : memref<1x1x128xi32, #tpu.memory_space<vmem>> -> memref<128xi32, #tpu.memory_space<vmem>>
        %dma_wait3A_119 = arith.constant 0 : i32
        %dma_wait3A_120 = arith.constant 0 : i32
        %dma_wait3A_121 = tpu.memref_slice %arg2[%dma_wait3A_119, %dma_wait3A_120] : memref<10000x128xf32, #tpu.memory_space<hbm>> -> memref<10000x128xf32, #tpu.memory_space<hbm>>
        tpu.wait_indirect_dma semaphore(%arg11 : memref<!tpu.dma_semaphore, #tpu.memory_space<semaphore_mem>>) src(%dma_wait3A_121 : memref<10000x128xf32, #tpu.memory_space<hbm>>) dst(%arg7 : memref<128x128xf32, #tpu.memory_space<vmem>>)
        %run_scoped3A = arith.constant 0 : i32
        %run_scoped3A_122 = arith.constant 1 : i32
        "tpu.region"() ({
          %run_scoped3A_241 = tpu.sem_alloc : memref<!tpu.dma_semaphore, #tpu.memory_space<semaphore_mem>>
          %dma_start3A_242 = arith.constant 0 : i32
          %dma_start3A_243 = tpu.memref_slice %arg6[%run_scoped3A, %run_scoped3A_122, %dma_start3A_242] : memref<8x2x128xi32, #tpu.memory_space<vmem>> -> memref<1x1x128xi32, #tpu.memory_space<vmem>>
          %dma_start3A_244 = tpu.memref_squeeze %dma_start3A_243 : memref<1x1x128xi32, #tpu.memory_space<vmem>> -> memref<128xi32, #tpu.memory_space<vmem>>
          %dma_start3A_245 = arith.constant 0 : i32
          %dma_start3A_246 = arith.constant 0 : i32
          %dma_start3A_247 = tpu.memref_slice %arg13[%dma_start3A_245, %dma_start3A_246] : memref<10112x128xf32, #tpu.memory_space<vmem_shared>> -> memref<10112x128xf32, #tpu.memory_space<vmem_shared>>
          tpu.enqueue_indirect_dma source(%arg7 : memref<128x128xf32, #tpu.memory_space<vmem>>) target(%dma_start3A_247 : memref<10112x128xf32, #tpu.memory_space<vmem_shared>>) offsets(%dma_start3A_244 : memref<128xi32, #tpu.memory_space<vmem>>) semaphore(%run_scoped3A_241 : memref<!tpu.dma_semaphore, #tpu.memory_space<semaphore_mem>>) {add = true}
          %dma_wait3A_248 = arith.constant 0 : i32
          %dma_wait3A_249 = tpu.memref_slice %arg6[%run_scoped3A, %run_scoped3A_122, %dma_wait3A_248] : memref<8x2x128xi32, #tpu.memory_space<vmem>> -> memref<1x1x128xi32, #tpu.memory_space<vmem>>
          %dma_wait3A_250 = tpu.memref_squeeze %dma_wait3A_249 : memref<1x1x128xi32, #tpu.memory_space<vmem>> -> memref<128xi32, #tpu.memory_space<vmem>>
          %dma_wait3A_251 = arith.constant 0 : i32
          %dma_wait3A_252 = arith.constant 0 : i32
          %dma_wait3A_253 = tpu.memref_slice %arg13[%dma_wait3A_251, %dma_wait3A_252] : memref<10112x128xf32, #tpu.memory_space<vmem_shared>> -> memref<10112x128xf32, #tpu.memory_space<vmem_shared>>
          tpu.wait_indirect_dma semaphore(%run_scoped3A_241 : memref<!tpu.dma_semaphore, #tpu.memory_space<semaphore_mem>>) src(%arg7 : memref<128x128xf32, #tpu.memory_space<vmem>>) dst(%dma_wait3A_253 : memref<10112x128xf32, #tpu.memory_space<vmem_shared>>)
          tpu.yield
        }) : () -> ()
        %dma_start3A_123 = arith.constant 2 : i32
        %dma_start3A_124 = arith.constant 0 : i32
        %dma_start3A_125 = arith.constant 0 : i32
        %dma_start3A_126 = tpu.memref_slice %arg6[%dma_start3A_123, %dma_start3A_124, %dma_start3A_125] : memref<8x2x128xi32, #tpu.memory_space<vmem>> -> memref<1x1x128xi32, #tpu.memory_space<vmem>>
        %dma_start3A_127 = tpu.memref_squeeze %dma_start3A_126 : memref<1x1x128xi32, #tpu.memory_space<vmem>> -> memref<128xi32, #tpu.memory_space<vmem>>
        %dma_start3A_128 = arith.constant 0 : i32
        %dma_start3A_129 = arith.constant 0 : i32
        %dma_start3A_130 = tpu.memref_slice %arg2[%dma_start3A_128, %dma_start3A_129] : memref<10000x128xf32, #tpu.memory_space<hbm>> -> memref<10000x128xf32, #tpu.memory_space<hbm>>
        tpu.enqueue_indirect_dma source(%dma_start3A_130 : memref<10000x128xf32, #tpu.memory_space<hbm>>) target(%arg7 : memref<128x128xf32, #tpu.memory_space<vmem>>) offsets(%dma_start3A_127 : memref<128xi32, #tpu.memory_space<vmem>>) semaphore(%arg11 : memref<!tpu.dma_semaphore, #tpu.memory_space<semaphore_mem>>)
        %dma_wait3A_131 = arith.constant 1 : i32
        %dma_wait3A_132 = arith.constant 0 : i32
        %dma_wait3A_133 = arith.constant 0 : i32
        %dma_wait3A_134 = tpu.memref_slice %arg6[%dma_wait3A_131, %dma_wait3A_132, %dma_wait3A_133] : memref<8x2x128xi32, #tpu.memory_space<vmem>> -> memref<1x1x128xi32, #tpu.memory_space<vmem>>
        %dma_wait3A_135 = tpu.memref_squeeze %dma_wait3A_134 : memref<1x1x128xi32, #tpu.memory_space<vmem>> -> memref<128xi32, #tpu.memory_space<vmem>>
        %dma_wait3A_136 = arith.constant 0 : i32
        %dma_wait3A_137 = arith.constant 0 : i32
        %dma_wait3A_138 = tpu.memref_slice %arg2[%dma_wait3A_136, %dma_wait3A_137] : memref<10000x128xf32, #tpu.memory_space<hbm>> -> memref<10000x128xf32, #tpu.memory_space<hbm>>
        tpu.wait_indirect_dma semaphore(%arg12 : memref<!tpu.dma_semaphore, #tpu.memory_space<semaphore_mem>>) src(%dma_wait3A_138 : memref<10000x128xf32, #tpu.memory_space<hbm>>) dst(%arg8 : memref<128x128xf32, #tpu.memory_space<vmem>>)
        %run_scoped3A_139 = arith.constant 1 : i32
        %run_scoped3A_140 = arith.constant 1 : i32
        "tpu.region"() ({
          %run_scoped3A_241 = tpu.sem_alloc : memref<!tpu.dma_semaphore, #tpu.memory_space<semaphore_mem>>
          %dma_start3A_242 = arith.constant 0 : i32
          %dma_start3A_243 = tpu.memref_slice %arg6[%run_scoped3A_139, %run_scoped3A_140, %dma_start3A_242] : memref<8x2x128xi32, #tpu.memory_space<vmem>> -> memref<1x1x128xi32, #tpu.memory_space<vmem>>
          %dma_start3A_244 = tpu.memref_squeeze %dma_start3A_243 : memref<1x1x128xi32, #tpu.memory_space<vmem>> -> memref<128xi32, #tpu.memory_space<vmem>>
          %dma_start3A_245 = arith.constant 0 : i32
          %dma_start3A_246 = arith.constant 0 : i32
          %dma_start3A_247 = tpu.memref_slice %arg13[%dma_start3A_245, %dma_start3A_246] : memref<10112x128xf32, #tpu.memory_space<vmem_shared>> -> memref<10112x128xf32, #tpu.memory_space<vmem_shared>>
          tpu.enqueue_indirect_dma source(%arg8 : memref<128x128xf32, #tpu.memory_space<vmem>>) target(%dma_start3A_247 : memref<10112x128xf32, #tpu.memory_space<vmem_shared>>) offsets(%dma_start3A_244 : memref<128xi32, #tpu.memory_space<vmem>>) semaphore(%run_scoped3A_241 : memref<!tpu.dma_semaphore, #tpu.memory_space<semaphore_mem>>) {add = true}
          %dma_wait3A_248 = arith.constant 0 : i32
          %dma_wait3A_249 = tpu.memref_slice %arg6[%run_scoped3A_139, %run_scoped3A_140, %dma_wait3A_248] : memref<8x2x128xi32, #tpu.memory_space<vmem>> -> memref<1x1x128xi32, #tpu.memory_space<vmem>>
          %dma_wait3A_250 = tpu.memref_squeeze %dma_wait3A_249 : memref<1x1x128xi32, #tpu.memory_space<vmem>> -> memref<128xi32, #tpu.memory_space<vmem>>
          %dma_wait3A_251 = arith.constant 0 : i32
          %dma_wait3A_252 = arith.constant 0 : i32
          %dma_wait3A_253 = tpu.memref_slice %arg13[%dma_wait3A_251, %dma_wait3A_252] : memref<10112x128xf32, #tpu.memory_space<vmem_shared>> -> memref<10112x128xf32, #tpu.memory_space<vmem_shared>>
          tpu.wait_indirect_dma semaphore(%run_scoped3A_241 : memref<!tpu.dma_semaphore, #tpu.memory_space<semaphore_mem>>) src(%arg8 : memref<128x128xf32, #tpu.memory_space<vmem>>) dst(%dma_wait3A_253 : memref<10112x128xf32, #tpu.memory_space<vmem_shared>>)
          tpu.yield
        }) : () -> ()
        %dma_start3A_141 = arith.constant 3 : i32
        %dma_start3A_142 = arith.constant 0 : i32
        %dma_start3A_143 = arith.constant 0 : i32
        %dma_start3A_144 = tpu.memref_slice %arg6[%dma_start3A_141, %dma_start3A_142, %dma_start3A_143] : memref<8x2x128xi32, #tpu.memory_space<vmem>> -> memref<1x1x128xi32, #tpu.memory_space<vmem>>
        %dma_start3A_145 = tpu.memref_squeeze %dma_start3A_144 : memref<1x1x128xi32, #tpu.memory_space<vmem>> -> memref<128xi32, #tpu.memory_space<vmem>>
        %dma_start3A_146 = arith.constant 0 : i32
        %dma_start3A_147 = arith.constant 0 : i32
        %dma_start3A_148 = tpu.memref_slice %arg2[%dma_start3A_146, %dma_start3A_147] : memref<10000x128xf32, #tpu.memory_space<hbm>> -> memref<10000x128xf32, #tpu.memory_space<hbm>>
        tpu.enqueue_indirect_dma source(%dma_start3A_148 : memref<10000x128xf32, #tpu.memory_space<hbm>>) target(%arg8 : memref<128x128xf32, #tpu.memory_space<vmem>>) offsets(%dma_start3A_145 : memref<128xi32, #tpu.memory_space<vmem>>) semaphore(%arg12 : memref<!tpu.dma_semaphore, #tpu.memory_space<semaphore_mem>>)
        %dma_wait3A_149 = arith.constant 2 : i32
        %dma_wait3A_150 = arith.constant 0 : i32
        %dma_wait3A_151 = arith.constant 0 : i32
        %dma_wait3A_152 = tpu.memref_slice %arg6[%dma_wait3A_149, %dma_wait3A_150, %dma_wait3A_151] : memref<8x2x128xi32, #tpu.memory_space<vmem>> -> memref<1x1x128xi32, #tpu.memory_space<vmem>>
        %dma_wait3A_153 = tpu.memref_squeeze %dma_wait3A_152 : memref<1x1x128xi32, #tpu.memory_space<vmem>> -> memref<128xi32, #tpu.memory_space<vmem>>
        %dma_wait3A_154 = arith.constant 0 : i32
        %dma_wait3A_155 = arith.constant 0 : i32
        %dma_wait3A_156 = tpu.memref_slice %arg2[%dma_wait3A_154, %dma_wait3A_155] : memref<10000x128xf32, #tpu.memory_space<hbm>> -> memref<10000x128xf32, #tpu.memory_space<hbm>>
        tpu.wait_indirect_dma semaphore(%arg11 : memref<!tpu.dma_semaphore, #tpu.memory_space<semaphore_mem>>) src(%dma_wait3A_156 : memref<10000x128xf32, #tpu.memory_space<hbm>>) dst(%arg7 : memref<128x128xf32, #tpu.memory_space<vmem>>)
        %run_scoped3A_157 = arith.constant 2 : i32
        %run_scoped3A_158 = arith.constant 1 : i32
        "tpu.region"() ({
          %run_scoped3A_241 = tpu.sem_alloc : memref<!tpu.dma_semaphore, #tpu.memory_space<semaphore_mem>>
          %dma_start3A_242 = arith.constant 0 : i32
          %dma_start3A_243 = tpu.memref_slice %arg6[%run_scoped3A_157, %run_scoped3A_158, %dma_start3A_242] : memref<8x2x128xi32, #tpu.memory_space<vmem>> -> memref<1x1x128xi32, #tpu.memory_space<vmem>>
          %dma_start3A_244 = tpu.memref_squeeze %dma_start3A_243 : memref<1x1x128xi32, #tpu.memory_space<vmem>> -> memref<128xi32, #tpu.memory_space<vmem>>
          %dma_start3A_245 = arith.constant 0 : i32
          %dma_start3A_246 = arith.constant 0 : i32
          %dma_start3A_247 = tpu.memref_slice %arg13[%dma_start3A_245, %dma_start3A_246] : memref<10112x128xf32, #tpu.memory_space<vmem_shared>> -> memref<10112x128xf32, #tpu.memory_space<vmem_shared>>
          tpu.enqueue_indirect_dma source(%arg7 : memref<128x128xf32, #tpu.memory_space<vmem>>) target(%dma_start3A_247 : memref<10112x128xf32, #tpu.memory_space<vmem_shared>>) offsets(%dma_start3A_244 : memref<128xi32, #tpu.memory_space<vmem>>) semaphore(%run_scoped3A_241 : memref<!tpu.dma_semaphore, #tpu.memory_space<semaphore_mem>>) {add = true}
          %dma_wait3A_248 = arith.constant 0 : i32
          %dma_wait3A_249 = tpu.memref_slice %arg6[%run_scoped3A_157, %run_scoped3A_158, %dma_wait3A_248] : memref<8x2x128xi32, #tpu.memory_space<vmem>> -> memref<1x1x128xi32, #tpu.memory_space<vmem>>
          %dma_wait3A_250 = tpu.memref_squeeze %dma_wait3A_249 : memref<1x1x128xi32, #tpu.memory_space<vmem>> -> memref<128xi32, #tpu.memory_space<vmem>>
          %dma_wait3A_251 = arith.constant 0 : i32
          %dma_wait3A_252 = arith.constant 0 : i32
          %dma_wait3A_253 = tpu.memref_slice %arg13[%dma_wait3A_251, %dma_wait3A_252] : memref<10112x128xf32, #tpu.memory_space<vmem_shared>> -> memref<10112x128xf32, #tpu.memory_space<vmem_shared>>
          tpu.wait_indirect_dma semaphore(%run_scoped3A_241 : memref<!tpu.dma_semaphore, #tpu.memory_space<semaphore_mem>>) src(%arg7 : memref<128x128xf32, #tpu.memory_space<vmem>>) dst(%dma_wait3A_253 : memref<10112x128xf32, #tpu.memory_space<vmem_shared>>)
          tpu.yield
        }) : () -> ()
        %dma_start3A_159 = arith.constant 4 : i32
        %dma_start3A_160 = arith.constant 0 : i32
        %dma_start3A_161 = arith.constant 0 : i32
        %dma_start3A_162 = tpu.memref_slice %arg6[%dma_start3A_159, %dma_start3A_160, %dma_start3A_161] : memref<8x2x128xi32, #tpu.memory_space<vmem>> -> memref<1x1x128xi32, #tpu.memory_space<vmem>>
        %dma_start3A_163 = tpu.memref_squeeze %dma_start3A_162 : memref<1x1x128xi32, #tpu.memory_space<vmem>> -> memref<128xi32, #tpu.memory_space<vmem>>
        %dma_start3A_164 = arith.constant 0 : i32
        %dma_start3A_165 = arith.constant 0 : i32
        %dma_start3A_166 = tpu.memref_slice %arg2[%dma_start3A_164, %dma_start3A_165] : memref<10000x128xf32, #tpu.memory_space<hbm>> -> memref<10000x128xf32, #tpu.memory_space<hbm>>
        tpu.enqueue_indirect_dma source(%dma_start3A_166 : memref<10000x128xf32, #tpu.memory_space<hbm>>) target(%arg7 : memref<128x128xf32, #tpu.memory_space<vmem>>) offsets(%dma_start3A_163 : memref<128xi32, #tpu.memory_space<vmem>>) semaphore(%arg11 : memref<!tpu.dma_semaphore, #tpu.memory_space<semaphore_mem>>)
        %dma_wait3A_167 = arith.constant 3 : i32
        %dma_wait3A_168 = arith.constant 0 : i32
        %dma_wait3A_169 = arith.constant 0 : i32
        %dma_wait3A_170 = tpu.memref_slice %arg6[%dma_wait3A_167, %dma_wait3A_168, %dma_wait3A_169] : memref<8x2x128xi32, #tpu.memory_space<vmem>> -> memref<1x1x128xi32, #tpu.memory_space<vmem>>
        %dma_wait3A_171 = tpu.memref_squeeze %dma_wait3A_170 : memref<1x1x128xi32, #tpu.memory_space<vmem>> -> memref<128xi32, #tpu.memory_space<vmem>>
        %dma_wait3A_172 = arith.constant 0 : i32
        %dma_wait3A_173 = arith.constant 0 : i32
        %dma_wait3A_174 = tpu.memref_slice %arg2[%dma_wait3A_172, %dma_wait3A_173] : memref<10000x128xf32, #tpu.memory_space<hbm>> -> memref<10000x128xf32, #tpu.memory_space<hbm>>
        tpu.wait_indirect_dma semaphore(%arg12 : memref<!tpu.dma_semaphore, #tpu.memory_space<semaphore_mem>>) src(%dma_wait3A_174 : memref<10000x128xf32, #tpu.memory_space<hbm>>) dst(%arg8 : memref<128x128xf32, #tpu.memory_space<vmem>>)
        %run_scoped3A_175 = arith.constant 3 : i32
        %run_scoped3A_176 = arith.constant 1 : i32
        "tpu.region"() ({
          %run_scoped3A_241 = tpu.sem_alloc : memref<!tpu.dma_semaphore, #tpu.memory_space<semaphore_mem>>
          %dma_start3A_242 = arith.constant 0 : i32
          %dma_start3A_243 = tpu.memref_slice %arg6[%run_scoped3A_175, %run_scoped3A_176, %dma_start3A_242] : memref<8x2x128xi32, #tpu.memory_space<vmem>> -> memref<1x1x128xi32, #tpu.memory_space<vmem>>
          %dma_start3A_244 = tpu.memref_squeeze %dma_start3A_243 : memref<1x1x128xi32, #tpu.memory_space<vmem>> -> memref<128xi32, #tpu.memory_space<vmem>>
          %dma_start3A_245 = arith.constant 0 : i32
          %dma_start3A_246 = arith.constant 0 : i32
          %dma_start3A_247 = tpu.memref_slice %arg13[%dma_start3A_245, %dma_start3A_246] : memref<10112x128xf32, #tpu.memory_space<vmem_shared>> -> memref<10112x128xf32, #tpu.memory_space<vmem_shared>>
          tpu.enqueue_indirect_dma source(%arg8 : memref<128x128xf32, #tpu.memory_space<vmem>>) target(%dma_start3A_247 : memref<10112x128xf32, #tpu.memory_space<vmem_shared>>) offsets(%dma_start3A_244 : memref<128xi32, #tpu.memory_space<vmem>>) semaphore(%run_scoped3A_241 : memref<!tpu.dma_semaphore, #tpu.memory_space<semaphore_mem>>) {add = true}
          %dma_wait3A_248 = arith.constant 0 : i32
          %dma_wait3A_249 = tpu.memref_slice %arg6[%run_scoped3A_175, %run_scoped3A_176, %dma_wait3A_248] : memref<8x2x128xi32, #tpu.memory_space<vmem>> -> memref<1x1x128xi32, #tpu.memory_space<vmem>>
          %dma_wait3A_250 = tpu.memref_squeeze %dma_wait3A_249 : memref<1x1x128xi32, #tpu.memory_space<vmem>> -> memref<128xi32, #tpu.memory_space<vmem>>
          %dma_wait3A_251 = arith.constant 0 : i32
          %dma_wait3A_252 = arith.constant 0 : i32
          %dma_wait3A_253 = tpu.memref_slice %arg13[%dma_wait3A_251, %dma_wait3A_252] : memref<10112x128xf32, #tpu.memory_space<vmem_shared>> -> memref<10112x128xf32, #tpu.memory_space<vmem_shared>>
          tpu.wait_indirect_dma semaphore(%run_scoped3A_241 : memref<!tpu.dma_semaphore, #tpu.memory_space<semaphore_mem>>) src(%arg8 : memref<128x128xf32, #tpu.memory_space<vmem>>) dst(%dma_wait3A_253 : memref<10112x128xf32, #tpu.memory_space<vmem_shared>>)
          tpu.yield
        }) : () -> ()
        %dma_start3A_177 = arith.constant 5 : i32
        %dma_start3A_178 = arith.constant 0 : i32
        %dma_start3A_179 = arith.constant 0 : i32
        %dma_start3A_180 = tpu.memref_slice %arg6[%dma_start3A_177, %dma_start3A_178, %dma_start3A_179] : memref<8x2x128xi32, #tpu.memory_space<vmem>> -> memref<1x1x128xi32, #tpu.memory_space<vmem>>
        %dma_start3A_181 = tpu.memref_squeeze %dma_start3A_180 : memref<1x1x128xi32, #tpu.memory_space<vmem>> -> memref<128xi32, #tpu.memory_space<vmem>>
        %dma_start3A_182 = arith.constant 0 : i32
        %dma_start3A_183 = arith.constant 0 : i32
        %dma_start3A_184 = tpu.memref_slice %arg2[%dma_start3A_182, %dma_start3A_183] : memref<10000x128xf32, #tpu.memory_space<hbm>> -> memref<10000x128xf32, #tpu.memory_space<hbm>>
        tpu.enqueue_indirect_dma source(%dma_start3A_184 : memref<10000x128xf32, #tpu.memory_space<hbm>>) target(%arg8 : memref<128x128xf32, #tpu.memory_space<vmem>>) offsets(%dma_start3A_181 : memref<128xi32, #tpu.memory_space<vmem>>) semaphore(%arg12 : memref<!tpu.dma_semaphore, #tpu.memory_space<semaphore_mem>>)
        %dma_wait3A_185 = arith.constant 4 : i32
        %dma_wait3A_186 = arith.constant 0 : i32
        %dma_wait3A_187 = arith.constant 0 : i32
        %dma_wait3A_188 = tpu.memref_slice %arg6[%dma_wait3A_185, %dma_wait3A_186, %dma_wait3A_187] : memref<8x2x128xi32, #tpu.memory_space<vmem>> -> memref<1x1x128xi32, #tpu.memory_space<vmem>>
        %dma_wait3A_189 = tpu.memref_squeeze %dma_wait3A_188 : memref<1x1x128xi32, #tpu.memory_space<vmem>> -> memref<128xi32, #tpu.memory_space<vmem>>
        %dma_wait3A_190 = arith.constant 0 : i32
        %dma_wait3A_191 = arith.constant 0 : i32
        %dma_wait3A_192 = tpu.memref_slice %arg2[%dma_wait3A_190, %dma_wait3A_191] : memref<10000x128xf32, #tpu.memory_space<hbm>> -> memref<10000x128xf32, #tpu.memory_space<hbm>>
        tpu.wait_indirect_dma semaphore(%arg11 : memref<!tpu.dma_semaphore, #tpu.memory_space<semaphore_mem>>) src(%dma_wait3A_192 : memref<10000x128xf32, #tpu.memory_space<hbm>>) dst(%arg7 : memref<128x128xf32, #tpu.memory_space<vmem>>)
        %run_scoped3A_193 = arith.constant 4 : i32
        %run_scoped3A_194 = arith.constant 1 : i32
        "tpu.region"() ({
          %run_scoped3A_241 = tpu.sem_alloc : memref<!tpu.dma_semaphore, #tpu.memory_space<semaphore_mem>>
          %dma_start3A_242 = arith.constant 0 : i32
          %dma_start3A_243 = tpu.memref_slice %arg6[%run_scoped3A_193, %run_scoped3A_194, %dma_start3A_242] : memref<8x2x128xi32, #tpu.memory_space<vmem>> -> memref<1x1x128xi32, #tpu.memory_space<vmem>>
          %dma_start3A_244 = tpu.memref_squeeze %dma_start3A_243 : memref<1x1x128xi32, #tpu.memory_space<vmem>> -> memref<128xi32, #tpu.memory_space<vmem>>
          %dma_start3A_245 = arith.constant 0 : i32
          %dma_start3A_246 = arith.constant 0 : i32
          %dma_start3A_247 = tpu.memref_slice %arg13[%dma_start3A_245, %dma_start3A_246] : memref<10112x128xf32, #tpu.memory_space<vmem_shared>> -> memref<10112x128xf32, #tpu.memory_space<vmem_shared>>
          tpu.enqueue_indirect_dma source(%arg7 : memref<128x128xf32, #tpu.memory_space<vmem>>) target(%dma_start3A_247 : memref<10112x128xf32, #tpu.memory_space<vmem_shared>>) offsets(%dma_start3A_244 : memref<128xi32, #tpu.memory_space<vmem>>) semaphore(%run_scoped3A_241 : memref<!tpu.dma_semaphore, #tpu.memory_space<semaphore_mem>>) {add = true}
          %dma_wait3A_248 = arith.constant 0 : i32
          %dma_wait3A_249 = tpu.memref_slice %arg6[%run_scoped3A_193, %run_scoped3A_194, %dma_wait3A_248] : memref<8x2x128xi32, #tpu.memory_space<vmem>> -> memref<1x1x128xi32, #tpu.memory_space<vmem>>
          %dma_wait3A_250 = tpu.memref_squeeze %dma_wait3A_249 : memref<1x1x128xi32, #tpu.memory_space<vmem>> -> memref<128xi32, #tpu.memory_space<vmem>>
          %dma_wait3A_251 = arith.constant 0 : i32
          %dma_wait3A_252 = arith.constant 0 : i32
          %dma_wait3A_253 = tpu.memref_slice %arg13[%dma_wait3A_251, %dma_wait3A_252] : memref<10112x128xf32, #tpu.memory_space<vmem_shared>> -> memref<10112x128xf32, #tpu.memory_space<vmem_shared>>
          tpu.wait_indirect_dma semaphore(%run_scoped3A_241 : memref<!tpu.dma_semaphore, #tpu.memory_space<semaphore_mem>>) src(%arg7 : memref<128x128xf32, #tpu.memory_space<vmem>>) dst(%dma_wait3A_253 : memref<10112x128xf32, #tpu.memory_space<vmem_shared>>)
          tpu.yield
        }) : () -> ()
        %dma_start3A_195 = arith.constant 6 : i32
        %dma_start3A_196 = arith.constant 0 : i32
        %dma_start3A_197 = arith.constant 0 : i32
        %dma_start3A_198 = tpu.memref_slice %arg6[%dma_start3A_195, %dma_start3A_196, %dma_start3A_197] : memref<8x2x128xi32, #tpu.memory_space<vmem>> -> memref<1x1x128xi32, #tpu.memory_space<vmem>>
        %dma_start3A_199 = tpu.memref_squeeze %dma_start3A_198 : memref<1x1x128xi32, #tpu.memory_space<vmem>> -> memref<128xi32, #tpu.memory_space<vmem>>
        %dma_start3A_200 = arith.constant 0 : i32
        %dma_start3A_201 = arith.constant 0 : i32
        %dma_start3A_202 = tpu.memref_slice %arg2[%dma_start3A_200, %dma_start3A_201] : memref<10000x128xf32, #tpu.memory_space<hbm>> -> memref<10000x128xf32, #tpu.memory_space<hbm>>
        tpu.enqueue_indirect_dma source(%dma_start3A_202 : memref<10000x128xf32, #tpu.memory_space<hbm>>) target(%arg7 : memref<128x128xf32, #tpu.memory_space<vmem>>) offsets(%dma_start3A_199 : memref<128xi32, #tpu.memory_space<vmem>>) semaphore(%arg11 : memref<!tpu.dma_semaphore, #tpu.memory_space<semaphore_mem>>)
        %dma_wait3A_203 = arith.constant 5 : i32
        %dma_wait3A_204 = arith.constant 0 : i32
        %dma_wait3A_205 = arith.constant 0 : i32
        %dma_wait3A_206 = tpu.memref_slice %arg6[%dma_wait3A_203, %dma_wait3A_204, %dma_wait3A_205] : memref<8x2x128xi32, #tpu.memory_space<vmem>> -> memref<1x1x128xi32, #tpu.memory_space<vmem>>
        %dma_wait3A_207 = tpu.memref_squeeze %dma_wait3A_206 : memref<1x1x128xi32, #tpu.memory_space<vmem>> -> memref<128xi32, #tpu.memory_space<vmem>>
        %dma_wait3A_208 = arith.constant 0 : i32
        %dma_wait3A_209 = arith.constant 0 : i32
        %dma_wait3A_210 = tpu.memref_slice %arg2[%dma_wait3A_208, %dma_wait3A_209] : memref<10000x128xf32, #tpu.memory_space<hbm>> -> memref<10000x128xf32, #tpu.memory_space<hbm>>
        tpu.wait_indirect_dma semaphore(%arg12 : memref<!tpu.dma_semaphore, #tpu.memory_space<semaphore_mem>>) src(%dma_wait3A_210 : memref<10000x128xf32, #tpu.memory_space<hbm>>) dst(%arg8 : memref<128x128xf32, #tpu.memory_space<vmem>>)
        %run_scoped3A_211 = arith.constant 5 : i32
        %run_scoped3A_212 = arith.constant 1 : i32
        "tpu.region"() ({
          %run_scoped3A_241 = tpu.sem_alloc : memref<!tpu.dma_semaphore, #tpu.memory_space<semaphore_mem>>
          %dma_start3A_242 = arith.constant 0 : i32
          %dma_start3A_243 = tpu.memref_slice %arg6[%run_scoped3A_211, %run_scoped3A_212, %dma_start3A_242] : memref<8x2x128xi32, #tpu.memory_space<vmem>> -> memref<1x1x128xi32, #tpu.memory_space<vmem>>
          %dma_start3A_244 = tpu.memref_squeeze %dma_start3A_243 : memref<1x1x128xi32, #tpu.memory_space<vmem>> -> memref<128xi32, #tpu.memory_space<vmem>>
          %dma_start3A_245 = arith.constant 0 : i32
          %dma_start3A_246 = arith.constant 0 : i32
          %dma_start3A_247 = tpu.memref_slice %arg13[%dma_start3A_245, %dma_start3A_246] : memref<10112x128xf32, #tpu.memory_space<vmem_shared>> -> memref<10112x128xf32, #tpu.memory_space<vmem_shared>>
          tpu.enqueue_indirect_dma source(%arg8 : memref<128x128xf32, #tpu.memory_space<vmem>>) target(%dma_start3A_247 : memref<10112x128xf32, #tpu.memory_space<vmem_shared>>) offsets(%dma_start3A_244 : memref<128xi32, #tpu.memory_space<vmem>>) semaphore(%run_scoped3A_241 : memref<!tpu.dma_semaphore, #tpu.memory_space<semaphore_mem>>) {add = true}
          %dma_wait3A_248 = arith.constant 0 : i32
          %dma_wait3A_249 = tpu.memref_slice %arg6[%run_scoped3A_211, %run_scoped3A_212, %dma_wait3A_248] : memref<8x2x128xi32, #tpu.memory_space<vmem>> -> memref<1x1x128xi32, #tpu.memory_space<vmem>>
          %dma_wait3A_250 = tpu.memref_squeeze %dma_wait3A_249 : memref<1x1x128xi32, #tpu.memory_space<vmem>> -> memref<128xi32, #tpu.memory_space<vmem>>
          %dma_wait3A_251 = arith.constant 0 : i32
          %dma_wait3A_252 = arith.constant 0 : i32
          %dma_wait3A_253 = tpu.memref_slice %arg13[%dma_wait3A_251, %dma_wait3A_252] : memref<10112x128xf32, #tpu.memory_space<vmem_shared>> -> memref<10112x128xf32, #tpu.memory_space<vmem_shared>>
          tpu.wait_indirect_dma semaphore(%run_scoped3A_241 : memref<!tpu.dma_semaphore, #tpu.memory_space<semaphore_mem>>) src(%arg8 : memref<128x128xf32, #tpu.memory_space<vmem>>) dst(%dma_wait3A_253 : memref<10112x128xf32, #tpu.memory_space<vmem_shared>>)
          tpu.yield
        }) : () -> ()
        %dma_start3A_213 = arith.constant 7 : i32
        %dma_start3A_214 = arith.constant 0 : i32
        %dma_start3A_215 = arith.constant 0 : i32
        %dma_start3A_216 = tpu.memref_slice %arg6[%dma_start3A_213, %dma_start3A_214, %dma_start3A_215] : memref<8x2x128xi32, #tpu.memory_space<vmem>> -> memref<1x1x128xi32, #tpu.memory_space<vmem>>
        %dma_start3A_217 = tpu.memref_squeeze %dma_start3A_216 : memref<1x1x128xi32, #tpu.memory_space<vmem>> -> memref<128xi32, #tpu.memory_space<vmem>>
        %dma_start3A_218 = arith.constant 0 : i32
        %dma_start3A_219 = arith.constant 0 : i32
        %dma_start3A_220 = tpu.memref_slice %arg2[%dma_start3A_218, %dma_start3A_219] : memref<10000x128xf32, #tpu.memory_space<hbm>> -> memref<10000x128xf32, #tpu.memory_space<hbm>>
        tpu.enqueue_indirect_dma source(%dma_start3A_220 : memref<10000x128xf32, #tpu.memory_space<hbm>>) target(%arg8 : memref<128x128xf32, #tpu.memory_space<vmem>>) offsets(%dma_start3A_217 : memref<128xi32, #tpu.memory_space<vmem>>) semaphore(%arg12 : memref<!tpu.dma_semaphore, #tpu.memory_space<semaphore_mem>>)
        %dma_wait3A_221 = arith.constant 6 : i32
        %dma_wait3A_222 = arith.constant 0 : i32
        %dma_wait3A_223 = arith.constant 0 : i32
        %dma_wait3A_224 = tpu.memref_slice %arg6[%dma_wait3A_221, %dma_wait3A_222, %dma_wait3A_223] : memref<8x2x128xi32, #tpu.memory_space<vmem>> -> memref<1x1x128xi32, #tpu.memory_space<vmem>>
        %dma_wait3A_225 = tpu.memref_squeeze %dma_wait3A_224 : memref<1x1x128xi32, #tpu.memory_space<vmem>> -> memref<128xi32, #tpu.memory_space<vmem>>
        %dma_wait3A_226 = arith.constant 0 : i32
        %dma_wait3A_227 = arith.constant 0 : i32
        %dma_wait3A_228 = tpu.memref_slice %arg2[%dma_wait3A_226, %dma_wait3A_227] : memref<10000x128xf32, #tpu.memory_space<hbm>> -> memref<10000x128xf32, #tpu.memory_space<hbm>>
        tpu.wait_indirect_dma semaphore(%arg11 : memref<!tpu.dma_semaphore, #tpu.memory_space<semaphore_mem>>) src(%dma_wait3A_228 : memref<10000x128xf32, #tpu.memory_space<hbm>>) dst(%arg7 : memref<128x128xf32, #tpu.memory_space<vmem>>)
        %run_scoped3A_229 = arith.constant 6 : i32
        %run_scoped3A_230 = arith.constant 1 : i32
        "tpu.region"() ({
          %run_scoped3A_241 = tpu.sem_alloc : memref<!tpu.dma_semaphore, #tpu.memory_space<semaphore_mem>>
          %dma_start3A_242 = arith.constant 0 : i32
          %dma_start3A_243 = tpu.memref_slice %arg6[%run_scoped3A_229, %run_scoped3A_230, %dma_start3A_242] : memref<8x2x128xi32, #tpu.memory_space<vmem>> -> memref<1x1x128xi32, #tpu.memory_space<vmem>>
          %dma_start3A_244 = tpu.memref_squeeze %dma_start3A_243 : memref<1x1x128xi32, #tpu.memory_space<vmem>> -> memref<128xi32, #tpu.memory_space<vmem>>
          %dma_start3A_245 = arith.constant 0 : i32
          %dma_start3A_246 = arith.constant 0 : i32
          %dma_start3A_247 = tpu.memref_slice %arg13[%dma_start3A_245, %dma_start3A_246] : memref<10112x128xf32, #tpu.memory_space<vmem_shared>> -> memref<10112x128xf32, #tpu.memory_space<vmem_shared>>
          tpu.enqueue_indirect_dma source(%arg7 : memref<128x128xf32, #tpu.memory_space<vmem>>) target(%dma_start3A_247 : memref<10112x128xf32, #tpu.memory_space<vmem_shared>>) offsets(%dma_start3A_244 : memref<128xi32, #tpu.memory_space<vmem>>) semaphore(%run_scoped3A_241 : memref<!tpu.dma_semaphore, #tpu.memory_space<semaphore_mem>>) {add = true}
          %dma_wait3A_248 = arith.constant 0 : i32
          %dma_wait3A_249 = tpu.memref_slice %arg6[%run_scoped3A_229, %run_scoped3A_230, %dma_wait3A_248] : memref<8x2x128xi32, #tpu.memory_space<vmem>> -> memref<1x1x128xi32, #tpu.memory_space<vmem>>
          %dma_wait3A_250 = tpu.memref_squeeze %dma_wait3A_249 : memref<1x1x128xi32, #tpu.memory_space<vmem>> -> memref<128xi32, #tpu.memory_space<vmem>>
          %dma_wait3A_251 = arith.constant 0 : i32
          %dma_wait3A_252 = arith.constant 0 : i32
          %dma_wait3A_253 = tpu.memref_slice %arg13[%dma_wait3A_251, %dma_wait3A_252] : memref<10112x128xf32, #tpu.memory_space<vmem_shared>> -> memref<10112x128xf32, #tpu.memory_space<vmem_shared>>
          tpu.wait_indirect_dma semaphore(%run_scoped3A_241 : memref<!tpu.dma_semaphore, #tpu.memory_space<semaphore_mem>>) src(%arg7 : memref<128x128xf32, #tpu.memory_space<vmem>>) dst(%dma_wait3A_253 : memref<10112x128xf32, #tpu.memory_space<vmem_shared>>)
          tpu.yield
        }) : () -> ()
        %dma_wait3A_231 = arith.constant 7 : i32
        %dma_wait3A_232 = arith.constant 0 : i32
        %dma_wait3A_233 = arith.constant 0 : i32
        %dma_wait3A_234 = tpu.memref_slice %arg6[%dma_wait3A_231, %dma_wait3A_232, %dma_wait3A_233] : memref<8x2x128xi32, #tpu.memory_space<vmem>> -> memref<1x1x128xi32, #tpu.memory_space<vmem>>
        %dma_wait3A_235 = tpu.memref_squeeze %dma_wait3A_234 : memref<1x1x128xi32, #tpu.memory_space<vmem>> -> memref<128xi32, #tpu.memory_space<vmem>>
        %dma_wait3A_236 = arith.constant 0 : i32
        %dma_wait3A_237 = arith.constant 0 : i32
        %dma_wait3A_238 = tpu.memref_slice %arg2[%dma_wait3A_236, %dma_wait3A_237] : memref<10000x128xf32, #tpu.memory_space<hbm>> -> memref<10000x128xf32, #tpu.memory_space<hbm>>
        tpu.wait_indirect_dma semaphore(%arg12 : memref<!tpu.dma_semaphore, #tpu.memory_space<semaphore_mem>>) src(%dma_wait3A_238 : memref<10000x128xf32, #tpu.memory_space<hbm>>) dst(%arg8 : memref<128x128xf32, #tpu.memory_space<vmem>>)
        %run_scoped3A_239 = arith.constant 7 : i32
        %run_scoped3A_240 = arith.constant 1 : i32
        "tpu.region"() ({
          %run_scoped3A_241 = tpu.sem_alloc : memref<!tpu.dma_semaphore, #tpu.memory_space<semaphore_mem>>
          %dma_start3A_242 = arith.constant 0 : i32
          %dma_start3A_243 = tpu.memref_slice %arg6[%run_scoped3A_239, %run_scoped3A_240, %dma_start3A_242] : memref<8x2x128xi32, #tpu.memory_space<vmem>> -> memref<1x1x128xi32, #tpu.memory_space<vmem>>
          %dma_start3A_244 = tpu.memref_squeeze %dma_start3A_243 : memref<1x1x128xi32, #tpu.memory_space<vmem>> -> memref<128xi32, #tpu.memory_space<vmem>>
          %dma_start3A_245 = arith.constant 0 : i32
          %dma_start3A_246 = arith.constant 0 : i32
          %dma_start3A_247 = tpu.memref_slice %arg13[%dma_start3A_245, %dma_start3A_246] : memref<10112x128xf32, #tpu.memory_space<vmem_shared>> -> memref<10112x128xf32, #tpu.memory_space<vmem_shared>>
          tpu.enqueue_indirect_dma source(%arg8 : memref<128x128xf32, #tpu.memory_space<vmem>>) target(%dma_start3A_247 : memref<10112x128xf32, #tpu.memory_space<vmem_shared>>) offsets(%dma_start3A_244 : memref<128xi32, #tpu.memory_space<vmem>>) semaphore(%run_scoped3A_241 : memref<!tpu.dma_semaphore, #tpu.memory_space<semaphore_mem>>) {add = true}
          %dma_wait3A_248 = arith.constant 0 : i32
          %dma_wait3A_249 = tpu.memref_slice %arg6[%run_scoped3A_239, %run_scoped3A_240, %dma_wait3A_248] : memref<8x2x128xi32, #tpu.memory_space<vmem>> -> memref<1x1x128xi32, #tpu.memory_space<vmem>>
          %dma_wait3A_250 = tpu.memref_squeeze %dma_wait3A_249 : memref<1x1x128xi32, #tpu.memory_space<vmem>> -> memref<128xi32, #tpu.memory_space<vmem>>
          %dma_wait3A_251 = arith.constant 0 : i32
          %dma_wait3A_252 = arith.constant 0 : i32
          %dma_wait3A_253 = tpu.memref_slice %arg13[%dma_wait3A_251, %dma_wait3A_252] : memref<10112x128xf32, #tpu.memory_space<vmem_shared>> -> memref<10112x128xf32, #tpu.memory_space<vmem_shared>>
          tpu.wait_indirect_dma semaphore(%run_scoped3A_241 : memref<!tpu.dma_semaphore, #tpu.memory_space<semaphore_mem>>) src(%arg8 : memref<128x128xf32, #tpu.memory_space<vmem>>) dst(%dma_wait3A_253 : memref<10112x128xf32, #tpu.memory_space<vmem_shared>>)
          tpu.yield
        }) : () -> ()
      } else {
      }
    }
    %while3A_39 = arith.constant 1 : i32
    scf.for %while3A_45 = %while3A_37 to %while3A_33 step %while3A_39  : i32 {
      %jit3A_46 = arith.constant 2 : i32
      %eq3A_47 = arith.constant 0 : i32
      %eq3A_48 = arith.cmpi eq, %jit3A_46, %eq3A_47 : i32
      %jit3A_49 = arith.constant 1 : i32
      %select_n3A_50 = arith.select %eq3A_48, %jit3A_49, %jit3A_46 : i32
      %rem3A = arith.remsi %while3A_45, %select_n3A_50 : i32
      %ne3A = arith.constant 0 : i32
      %ne3A_51 = arith.cmpi ne, %rem3A, %ne3A : i32
      %lt3A = arith.constant 0 : i32
      %lt3A_52 = arith.cmpi slt, %rem3A, %lt3A : i32
      %lt3A_53 = arith.constant 0 : i32
      %lt3A_54 = arith.cmpi slt, %select_n3A_50, %lt3A_53 : i32
      %ne3A_55 = arith.xori %lt3A_52, %lt3A_54 : i1
      %and3A = arith.andi %ne3A_55, %ne3A_51 : i1
      %add3A_56 = arith.addi %rem3A, %select_n3A_50 : i32
      %select_n3A_57 = arith.select %and3A, %add3A_56, %rem3A : i32
      %eq3A_58 = arith.constant 0 : i32
      %eq3A_59 = arith.cmpi eq, %select_n3A_57, %eq3A_58 : i32
      %convert_element_type3A_60 = arith.extui %eq3A_59 : i1 to i32
      %cond3A_61 = arith.constant 0 : i32
      %cond3A_62 = arith.cmpi ne, %convert_element_type3A_60, %cond3A_61 : i32
      scf.if %cond3A_62 {
        %dma_wait3A = arith.constant 0 : i32
        %dma_wait3A_84 = arith.constant 0 : i32
        %dma_wait3A_85 = arith.constant 0 : i32
        %dma_wait3A_86 = tpu.memref_slice %arg3[%add3A, %dma_wait3A, %dma_wait3A_84, %dma_wait3A_85] : memref<32x128x2x128xi32, #tpu.memory_space<hbm>> -> memref<1x8x2x128xi32, #tpu.memory_space<hbm>>
        %dma_wait3A_87 = tpu.memref_squeeze %dma_wait3A_86 : memref<1x8x2x128xi32, #tpu.memory_space<hbm>> -> memref<8x2x128xi32, #tpu.memory_space<hbm>>
        %dma_wait3A_88 = arith.constant 0 : i32
        %dma_wait3A_89 = arith.constant 0 : i32
        %dma_wait3A_90 = arith.constant 0 : i32
        %dma_wait3A_91 = tpu.memref_slice %arg3[%add3A, %dma_wait3A_88, %dma_wait3A_89, %dma_wait3A_90] : memref<32x128x2x128xi32, #tpu.memory_space<hbm>> -> memref<1x8x2x128xi32, #tpu.memory_space<hbm>>
        %dma_wait3A_92 = tpu.memref_squeeze %dma_wait3A_91 : memref<1x8x2x128xi32, #tpu.memory_space<hbm>> -> memref<8x2x128xi32, #tpu.memory_space<hbm>>
        tpu.wait_dma2 semaphore(%arg9 : memref<!tpu.dma_semaphore, #tpu.memory_space<semaphore_mem>>) src(%dma_wait3A_92 : memref<8x2x128xi32, #tpu.memory_space<hbm>>) dst(%arg5 : memref<8x2x128xi32, #tpu.memory_space<vmem>>)
        %add3A_93 = arith.constant 1 : i32
        %add3A_94 = arith.addi %while3A_45, %add3A_93 : i32
        %lt3A_95 = arith.cmpi slt, %add3A_94, %select_n3A : i32
        %convert_element_type3A_96 = arith.extui %lt3A_95 : i1 to i32
        %cond3A_97 = arith.constant 0 : i32
        %cond3A_98 = arith.cmpi ne, %convert_element_type3A_96, %cond3A_97 : i32
        scf.if %cond3A_98 {
          %add3A_241 = arith.constant 1 : i32
          %add3A_242 = arith.addi %while3A_45, %add3A_241 : i32
          %mul3A_243 = arith.constant 8 : i32
          %mul3A_244 = arith.muli %add3A_242, %mul3A_243 : i32
          %dma_start3A_245 = arith.constant 0 : i32
          %dma_start3A_246 = arith.constant 0 : i32
          %dma_start3A_247 = tpu.memref_slice %arg3[%add3A, %mul3A_244, %dma_start3A_245, %dma_start3A_246] : memref<32x128x2x128xi32, #tpu.memory_space<hbm>> -> memref<1x8x2x128xi32, #tpu.memory_space<hbm>>
          %dma_start3A_248 = tpu.memref_squeeze %dma_start3A_247 : memref<1x8x2x128xi32, #tpu.memory_space<hbm>> -> memref<8x2x128xi32, #tpu.memory_space<hbm>>
          %dma_start3A_249 = arith.constant 0 : i32
          %dma_start3A_250 = arith.constant 0 : i32
          %dma_start3A_251 = tpu.memref_slice %arg3[%add3A, %mul3A_244, %dma_start3A_249, %dma_start3A_250] : memref<32x128x2x128xi32, #tpu.memory_space<hbm>> -> memref<1x8x2x128xi32, #tpu.memory_space<hbm>>
          %dma_start3A_252 = tpu.memref_squeeze %dma_start3A_251 : memref<1x8x2x128xi32, #tpu.memory_space<hbm>> -> memref<8x2x128xi32, #tpu.memory_space<hbm>>
          tpu.enqueue_dma source(%dma_start3A_252 : memref<8x2x128xi32, #tpu.memory_space<hbm>>) target(%arg6 : memref<8x2x128xi32, #tpu.memory_space<vmem>>) target_semaphore(%arg10 : memref<!tpu.dma_semaphore, #tpu.memory_space<semaphore_mem>>)
        } else {
        }
        %dma_start3A = arith.constant 0 : i32
        %dma_start3A_99 = arith.constant 0 : i32
        %dma_start3A_100 = arith.constant 0 : i32
        %dma_start3A_101 = tpu.memref_slice %arg5[%dma_start3A, %dma_start3A_99, %dma_start3A_100] : memref<8x2x128xi32, #tpu.memory_space<vmem>> -> memref<1x1x128xi32, #tpu.memory_space<vmem>>
        %dma_start3A_102 = tpu.memref_squeeze %dma_start3A_101 : memref<1x1x128xi32, #tpu.memory_space<vmem>> -> memref<128xi32, #tpu.memory_space<vmem>>
        %dma_start3A_103 = arith.constant 0 : i32
        %dma_start3A_104 = arith.constant 0 : i32
        %dma_start3A_105 = tpu.memref_slice %arg2[%dma_start3A_103, %dma_start3A_104] : memref<10000x128xf32, #tpu.memory_space<hbm>> -> memref<10000x128xf32, #tpu.memory_space<hbm>>
        tpu.enqueue_indirect_dma source(%dma_start3A_105 : memref<10000x128xf32, #tpu.memory_space<hbm>>) target(%arg7 : memref<128x128xf32, #tpu.memory_space<vmem>>) offsets(%dma_start3A_102 : memref<128xi32, #tpu.memory_space<vmem>>) semaphore(%arg11 : memref<!tpu.dma_semaphore, #tpu.memory_space<semaphore_mem>>)
        %dma_start3A_106 = arith.constant 1 : i32
        %dma_start3A_107 = arith.constant 0 : i32
        %dma_start3A_108 = arith.constant 0 : i32
        %dma_start3A_109 = tpu.memref_slice %arg5[%dma_start3A_106, %dma_start3A_107, %dma_start3A_108] : memref<8x2x128xi32, #tpu.memory_space<vmem>> -> memref<1x1x128xi32, #tpu.memory_space<vmem>>
        %dma_start3A_110 = tpu.memref_squeeze %dma_start3A_109 : memref<1x1x128xi32, #tpu.memory_space<vmem>> -> memref<128xi32, #tpu.memory_space<vmem>>
        %dma_start3A_111 = arith.constant 0 : i32
        %dma_start3A_112 = arith.constant 0 : i32
        %dma_start3A_113 = tpu.memref_slice %arg2[%dma_start3A_111, %dma_start3A_112] : memref<10000x128xf32, #tpu.memory_space<hbm>> -> memref<10000x128xf32, #tpu.memory_space<hbm>>
        tpu.enqueue_indirect_dma source(%dma_start3A_113 : memref<10000x128xf32, #tpu.memory_space<hbm>>) target(%arg8 : memref<128x128xf32, #tpu.memory_space<vmem>>) offsets(%dma_start3A_110 : memref<128xi32, #tpu.memory_space<vmem>>) semaphore(%arg12 : memref<!tpu.dma_semaphore, #tpu.memory_space<semaphore_mem>>)
        %dma_wait3A_114 = arith.constant 0 : i32
        %dma_wait3A_115 = arith.constant 0 : i32
        %dma_wait3A_116 = arith.constant 0 : i32
        %dma_wait3A_117 = tpu.memref_slice %arg5[%dma_wait3A_114, %dma_wait3A_115, %dma_wait3A_116] : memref<8x2x128xi32, #tpu.memory_space<vmem>> -> memref<1x1x128xi32, #tpu.memory_space<vmem>>
        %dma_wait3A_118 = tpu.memref_squeeze %dma_wait3A_117 : memref<1x1x128xi32, #tpu.memory_space<vmem>> -> memref<128xi32, #tpu.memory_space<vmem>>
        %dma_wait3A_119 = arith.constant 0 : i32
        %dma_wait3A_120 = arith.constant 0 : i32
        %dma_wait3A_121 = tpu.memref_slice %arg2[%dma_wait3A_119, %dma_wait3A_120] : memref<10000x128xf32, #tpu.memory_space<hbm>> -> memref<10000x128xf32, #tpu.memory_space<hbm>>
        tpu.wait_indirect_dma semaphore(%arg11 : memref<!tpu.dma_semaphore, #tpu.memory_space<semaphore_mem>>) src(%dma_wait3A_121 : memref<10000x128xf32, #tpu.memory_space<hbm>>) dst(%arg7 : memref<128x128xf32, #tpu.memory_space<vmem>>)
        %run_scoped3A = arith.constant 0 : i32
        %run_scoped3A_122 = arith.constant 1 : i32
        "tpu.region"() ({
          %run_scoped3A_241 = tpu.sem_alloc : memref<!tpu.dma_semaphore, #tpu.memory_space<semaphore_mem>>
          %dma_start3A_242 = arith.constant 0 : i32
          %dma_start3A_243 = tpu.memref_slice %arg5[%run_scoped3A, %run_scoped3A_122, %dma_start3A_242] : memref<8x2x128xi32, #tpu.memory_space<vmem>> -> memref<1x1x128xi32, #tpu.memory_space<vmem>>
          %dma_start3A_244 = tpu.memref_squeeze %dma_start3A_243 : memref<1x1x128xi32, #tpu.memory_space<vmem>> -> memref<128xi32, #tpu.memory_space<vmem>>
          %dma_start3A_245 = arith.constant 0 : i32
          %dma_start3A_246 = arith.constant 0 : i32
          %dma_start3A_247 = tpu.memref_slice %arg13[%dma_start3A_245, %dma_start3A_246] : memref<10112x128xf32, #tpu.memory_space<vmem_shared>> -> memref<10112x128xf32, #tpu.memory_space<vmem_shared>>
          tpu.enqueue_indirect_dma source(%arg7 : memref<128x128xf32, #tpu.memory_space<vmem>>) target(%dma_start3A_247 : memref<10112x128xf32, #tpu.memory_space<vmem_shared>>) offsets(%dma_start3A_244 : memref<128xi32, #tpu.memory_space<vmem>>) semaphore(%run_scoped3A_241 : memref<!tpu.dma_semaphore, #tpu.memory_space<semaphore_mem>>) {add = true}
          %dma_wait3A_248 = arith.constant 0 : i32
          %dma_wait3A_249 = tpu.memref_slice %arg5[%run_scoped3A, %run_scoped3A_122, %dma_wait3A_248] : memref<8x2x128xi32, #tpu.memory_space<vmem>> -> memref<1x1x128xi32, #tpu.memory_space<vmem>>
          %dma_wait3A_250 = tpu.memref_squeeze %dma_wait3A_249 : memref<1x1x128xi32, #tpu.memory_space<vmem>> -> memref<128xi32, #tpu.memory_space<vmem>>
          %dma_wait3A_251 = arith.constant 0 : i32
          %dma_wait3A_252 = arith.constant 0 : i32
          %dma_wait3A_253 = tpu.memref_slice %arg13[%dma_wait3A_251, %dma_wait3A_252] : memref<10112x128xf32, #tpu.memory_space<vmem_shared>> -> memref<10112x128xf32, #tpu.memory_space<vmem_shared>>
          tpu.wait_indirect_dma semaphore(%run_scoped3A_241 : memref<!tpu.dma_semaphore, #tpu.memory_space<semaphore_mem>>) src(%arg7 : memref<128x128xf32, #tpu.memory_space<vmem>>) dst(%dma_wait3A_253 : memref<10112x128xf32, #tpu.memory_space<vmem_shared>>)
          tpu.yield
        }) : () -> ()
        %dma_start3A_123 = arith.constant 2 : i32
        %dma_start3A_124 = arith.constant 0 : i32
        %dma_start3A_125 = arith.constant 0 : i32
        %dma_start3A_126 = tpu.memref_slice %arg5[%dma_start3A_123, %dma_start3A_124, %dma_start3A_125] : memref<8x2x128xi32, #tpu.memory_space<vmem>> -> memref<1x1x128xi32, #tpu.memory_space<vmem>>
        %dma_start3A_127 = tpu.memref_squeeze %dma_start3A_126 : memref<1x1x128xi32, #tpu.memory_space<vmem>> -> memref<128xi32, #tpu.memory_space<vmem>>
        %dma_start3A_128 = arith.constant 0 : i32
        %dma_start3A_129 = arith.constant 0 : i32
        %dma_start3A_130 = tpu.memref_slice %arg2[%dma_start3A_128, %dma_start3A_129] : memref<10000x128xf32, #tpu.memory_space<hbm>> -> memref<10000x128xf32, #tpu.memory_space<hbm>>
        tpu.enqueue_indirect_dma source(%dma_start3A_130 : memref<10000x128xf32, #tpu.memory_space<hbm>>) target(%arg7 : memref<128x128xf32, #tpu.memory_space<vmem>>) offsets(%dma_start3A_127 : memref<128xi32, #tpu.memory_space<vmem>>) semaphore(%arg11 : memref<!tpu.dma_semaphore, #tpu.memory_space<semaphore_mem>>)
        %dma_wait3A_131 = arith.constant 1 : i32
        %dma_wait3A_132 = arith.constant 0 : i32
        %dma_wait3A_133 = arith.constant 0 : i32
        %dma_wait3A_134 = tpu.memref_slice %arg5[%dma_wait3A_131, %dma_wait3A_132, %dma_wait3A_133] : memref<8x2x128xi32, #tpu.memory_space<vmem>> -> memref<1x1x128xi32, #tpu.memory_space<vmem>>
        %dma_wait3A_135 = tpu.memref_squeeze %dma_wait3A_134 : memref<1x1x128xi32, #tpu.memory_space<vmem>> -> memref<128xi32, #tpu.memory_space<vmem>>
        %dma_wait3A_136 = arith.constant 0 : i32
        %dma_wait3A_137 = arith.constant 0 : i32
        %dma_wait3A_138 = tpu.memref_slice %arg2[%dma_wait3A_136, %dma_wait3A_137] : memref<10000x128xf32, #tpu.memory_space<hbm>> -> memref<10000x128xf32, #tpu.memory_space<hbm>>
        tpu.wait_indirect_dma semaphore(%arg12 : memref<!tpu.dma_semaphore, #tpu.memory_space<semaphore_mem>>) src(%dma_wait3A_138 : memref<10000x128xf32, #tpu.memory_space<hbm>>) dst(%arg8 : memref<128x128xf32, #tpu.memory_space<vmem>>)
        %run_scoped3A_139 = arith.constant 1 : i32
        %run_scoped3A_140 = arith.constant 1 : i32
        "tpu.region"() ({
          %run_scoped3A_241 = tpu.sem_alloc : memref<!tpu.dma_semaphore, #tpu.memory_space<semaphore_mem>>
          %dma_start3A_242 = arith.constant 0 : i32
          %dma_start3A_243 = tpu.memref_slice %arg5[%run_scoped3A_139, %run_scoped3A_140, %dma_start3A_242] : memref<8x2x128xi32, #tpu.memory_space<vmem>> -> memref<1x1x128xi32, #tpu.memory_space<vmem>>
          %dma_start3A_244 = tpu.memref_squeeze %dma_start3A_243 : memref<1x1x128xi32, #tpu.memory_space<vmem>> -> memref<128xi32, #tpu.memory_space<vmem>>
          %dma_start3A_245 = arith.constant 0 : i32
          %dma_start3A_246 = arith.constant 0 : i32
          %dma_start3A_247 = tpu.memref_slice %arg13[%dma_start3A_245, %dma_start3A_246] : memref<10112x128xf32, #tpu.memory_space<vmem_shared>> -> memref<10112x128xf32, #tpu.memory_space<vmem_shared>>
          tpu.enqueue_indirect_dma source(%arg8 : memref<128x128xf32, #tpu.memory_space<vmem>>) target(%dma_start3A_247 : memref<10112x128xf32, #tpu.memory_space<vmem_shared>>) offsets(%dma_start3A_244 : memref<128xi32, #tpu.memory_space<vmem>>) semaphore(%run_scoped3A_241 : memref<!tpu.dma_semaphore, #tpu.memory_space<semaphore_mem>>) {add = true}
          %dma_wait3A_248 = arith.constant 0 : i32
          %dma_wait3A_249 = tpu.memref_slice %arg5[%run_scoped3A_139, %run_scoped3A_140, %dma_wait3A_248] : memref<8x2x128xi32, #tpu.memory_space<vmem>> -> memref<1x1x128xi32, #tpu.memory_space<vmem>>
          %dma_wait3A_250 = tpu.memref_squeeze %dma_wait3A_249 : memref<1x1x128xi32, #tpu.memory_space<vmem>> -> memref<128xi32, #tpu.memory_space<vmem>>
          %dma_wait3A_251 = arith.constant 0 : i32
          %dma_wait3A_252 = arith.constant 0 : i32
          %dma_wait3A_253 = tpu.memref_slice %arg13[%dma_wait3A_251, %dma_wait3A_252] : memref<10112x128xf32, #tpu.memory_space<vmem_shared>> -> memref<10112x128xf32, #tpu.memory_space<vmem_shared>>
          tpu.wait_indirect_dma semaphore(%run_scoped3A_241 : memref<!tpu.dma_semaphore, #tpu.memory_space<semaphore_mem>>) src(%arg8 : memref<128x128xf32, #tpu.memory_space<vmem>>) dst(%dma_wait3A_253 : memref<10112x128xf32, #tpu.memory_space<vmem_shared>>)
          tpu.yield
        }) : () -> ()
        %dma_start3A_141 = arith.constant 3 : i32
        %dma_start3A_142 = arith.constant 0 : i32
        %dma_start3A_143 = arith.constant 0 : i32
        %dma_start3A_144 = tpu.memref_slice %arg5[%dma_start3A_141, %dma_start3A_142, %dma_start3A_143] : memref<8x2x128xi32, #tpu.memory_space<vmem>> -> memref<1x1x128xi32, #tpu.memory_space<vmem>>
        %dma_start3A_145 = tpu.memref_squeeze %dma_start3A_144 : memref<1x1x128xi32, #tpu.memory_space<vmem>> -> memref<128xi32, #tpu.memory_space<vmem>>
        %dma_start3A_146 = arith.constant 0 : i32
        %dma_start3A_147 = arith.constant 0 : i32
        %dma_start3A_148 = tpu.memref_slice %arg2[%dma_start3A_146, %dma_start3A_147] : memref<10000x128xf32, #tpu.memory_space<hbm>> -> memref<10000x128xf32, #tpu.memory_space<hbm>>
        tpu.enqueue_indirect_dma source(%dma_start3A_148 : memref<10000x128xf32, #tpu.memory_space<hbm>>) target(%arg8 : memref<128x128xf32, #tpu.memory_space<vmem>>) offsets(%dma_start3A_145 : memref<128xi32, #tpu.memory_space<vmem>>) semaphore(%arg12 : memref<!tpu.dma_semaphore, #tpu.memory_space<semaphore_mem>>)
        %dma_wait3A_149 = arith.constant 2 : i32
        %dma_wait3A_150 = arith.constant 0 : i32
        %dma_wait3A_151 = arith.constant 0 : i32
        %dma_wait3A_152 = tpu.memref_slice %arg5[%dma_wait3A_149, %dma_wait3A_150, %dma_wait3A_151] : memref<8x2x128xi32, #tpu.memory_space<vmem>> -> memref<1x1x128xi32, #tpu.memory_space<vmem>>
        %dma_wait3A_153 = tpu.memref_squeeze %dma_wait3A_152 : memref<1x1x128xi32, #tpu.memory_space<vmem>> -> memref<128xi32, #tpu.memory_space<vmem>>
        %dma_wait3A_154 = arith.constant 0 : i32
        %dma_wait3A_155 = arith.constant 0 : i32
        %dma_wait3A_156 = tpu.memref_slice %arg2[%dma_wait3A_154, %dma_wait3A_155] : memref<10000x128xf32, #tpu.memory_space<hbm>> -> memref<10000x128xf32, #tpu.memory_space<hbm>>
        tpu.wait_indirect_dma semaphore(%arg11 : memref<!tpu.dma_semaphore, #tpu.memory_space<semaphore_mem>>) src(%dma_wait3A_156 : memref<10000x128xf32, #tpu.memory_space<hbm>>) dst(%arg7 : memref<128x128xf32, #tpu.memory_space<vmem>>)
        %run_scoped3A_157 = arith.constant 2 : i32
        %run_scoped3A_158 = arith.constant 1 : i32
        "tpu.region"() ({
          %run_scoped3A_241 = tpu.sem_alloc : memref<!tpu.dma_semaphore, #tpu.memory_space<semaphore_mem>>
          %dma_start3A_242 = arith.constant 0 : i32
          %dma_start3A_243 = tpu.memref_slice %arg5[%run_scoped3A_157, %run_scoped3A_158, %dma_start3A_242] : memref<8x2x128xi32, #tpu.memory_space<vmem>> -> memref<1x1x128xi32, #tpu.memory_space<vmem>>
          %dma_start3A_244 = tpu.memref_squeeze %dma_start3A_243 : memref<1x1x128xi32, #tpu.memory_space<vmem>> -> memref<128xi32, #tpu.memory_space<vmem>>
          %dma_start3A_245 = arith.constant 0 : i32
          %dma_start3A_246 = arith.constant 0 : i32
          %dma_start3A_247 = tpu.memref_slice %arg13[%dma_start3A_245, %dma_start3A_246] : memref<10112x128xf32, #tpu.memory_space<vmem_shared>> -> memref<10112x128xf32, #tpu.memory_space<vmem_shared>>
          tpu.enqueue_indirect_dma source(%arg7 : memref<128x128xf32, #tpu.memory_space<vmem>>) target(%dma_start3A_247 : memref<10112x128xf32, #tpu.memory_space<vmem_shared>>) offsets(%dma_start3A_244 : memref<128xi32, #tpu.memory_space<vmem>>) semaphore(%run_scoped3A_241 : memref<!tpu.dma_semaphore, #tpu.memory_space<semaphore_mem>>) {add = true}
          %dma_wait3A_248 = arith.constant 0 : i32
          %dma_wait3A_249 = tpu.memref_slice %arg5[%run_scoped3A_157, %run_scoped3A_158, %dma_wait3A_248] : memref<8x2x128xi32, #tpu.memory_space<vmem>> -> memref<1x1x128xi32, #tpu.memory_space<vmem>>
          %dma_wait3A_250 = tpu.memref_squeeze %dma_wait3A_249 : memref<1x1x128xi32, #tpu.memory_space<vmem>> -> memref<128xi32, #tpu.memory_space<vmem>>
          %dma_wait3A_251 = arith.constant 0 : i32
          %dma_wait3A_252 = arith.constant 0 : i32
          %dma_wait3A_253 = tpu.memref_slice %arg13[%dma_wait3A_251, %dma_wait3A_252] : memref<10112x128xf32, #tpu.memory_space<vmem_shared>> -> memref<10112x128xf32, #tpu.memory_space<vmem_shared>>
          tpu.wait_indirect_dma semaphore(%run_scoped3A_241 : memref<!tpu.dma_semaphore, #tpu.memory_space<semaphore_mem>>) src(%arg7 : memref<128x128xf32, #tpu.memory_space<vmem>>) dst(%dma_wait3A_253 : memref<10112x128xf32, #tpu.memory_space<vmem_shared>>)
          tpu.yield
        }) : () -> ()
        %dma_start3A_159 = arith.constant 4 : i32
        %dma_start3A_160 = arith.constant 0 : i32
        %dma_start3A_161 = arith.constant 0 : i32
        %dma_start3A_162 = tpu.memref_slice %arg5[%dma_start3A_159, %dma_start3A_160, %dma_start3A_161] : memref<8x2x128xi32, #tpu.memory_space<vmem>> -> memref<1x1x128xi32, #tpu.memory_space<vmem>>
        %dma_start3A_163 = tpu.memref_squeeze %dma_start3A_162 : memref<1x1x128xi32, #tpu.memory_space<vmem>> -> memref<128xi32, #tpu.memory_space<vmem>>
        %dma_start3A_164 = arith.constant 0 : i32
        %dma_start3A_165 = arith.constant 0 : i32
        %dma_start3A_166 = tpu.memref_slice %arg2[%dma_start3A_164, %dma_start3A_165] : memref<10000x128xf32, #tpu.memory_space<hbm>> -> memref<10000x128xf32, #tpu.memory_space<hbm>>
        tpu.enqueue_indirect_dma source(%dma_start3A_166 : memref<10000x128xf32, #tpu.memory_space<hbm>>) target(%arg7 : memref<128x128xf32, #tpu.memory_space<vmem>>) offsets(%dma_start3A_163 : memref<128xi32, #tpu.memory_space<vmem>>) semaphore(%arg11 : memref<!tpu.dma_semaphore, #tpu.memory_space<semaphore_mem>>)
        %dma_wait3A_167 = arith.constant 3 : i32
        %dma_wait3A_168 = arith.constant 0 : i32
        %dma_wait3A_169 = arith.constant 0 : i32
        %dma_wait3A_170 = tpu.memref_slice %arg5[%dma_wait3A_167, %dma_wait3A_168, %dma_wait3A_169] : memref<8x2x128xi32, #tpu.memory_space<vmem>> -> memref<1x1x128xi32, #tpu.memory_space<vmem>>
        %dma_wait3A_171 = tpu.memref_squeeze %dma_wait3A_170 : memref<1x1x128xi32, #tpu.memory_space<vmem>> -> memref<128xi32, #tpu.memory_space<vmem>>
        %dma_wait3A_172 = arith.constant 0 : i32
        %dma_wait3A_173 = arith.constant 0 : i32
        %dma_wait3A_174 = tpu.memref_slice %arg2[%dma_wait3A_172, %dma_wait3A_173] : memref<10000x128xf32, #tpu.memory_space<hbm>> -> memref<10000x128xf32, #tpu.memory_space<hbm>>
        tpu.wait_indirect_dma semaphore(%arg12 : memref<!tpu.dma_semaphore, #tpu.memory_space<semaphore_mem>>) src(%dma_wait3A_174 : memref<10000x128xf32, #tpu.memory_space<hbm>>) dst(%arg8 : memref<128x128xf32, #tpu.memory_space<vmem>>)
        %run_scoped3A_175 = arith.constant 3 : i32
        %run_scoped3A_176 = arith.constant 1 : i32
        "tpu.region"() ({
          %run_scoped3A_241 = tpu.sem_alloc : memref<!tpu.dma_semaphore, #tpu.memory_space<semaphore_mem>>
          %dma_start3A_242 = arith.constant 0 : i32
          %dma_start3A_243 = tpu.memref_slice %arg5[%run_scoped3A_175, %run_scoped3A_176, %dma_start3A_242] : memref<8x2x128xi32, #tpu.memory_space<vmem>> -> memref<1x1x128xi32, #tpu.memory_space<vmem>>
          %dma_start3A_244 = tpu.memref_squeeze %dma_start3A_243 : memref<1x1x128xi32, #tpu.memory_space<vmem>> -> memref<128xi32, #tpu.memory_space<vmem>>
          %dma_start3A_245 = arith.constant 0 : i32
          %dma_start3A_246 = arith.constant 0 : i32
          %dma_start3A_247 = tpu.memref_slice %arg13[%dma_start3A_245, %dma_start3A_246] : memref<10112x128xf32, #tpu.memory_space<vmem_shared>> -> memref<10112x128xf32, #tpu.memory_space<vmem_shared>>
          tpu.enqueue_indirect_dma source(%arg8 : memref<128x128xf32, #tpu.memory_space<vmem>>) target(%dma_start3A_247 : memref<10112x128xf32, #tpu.memory_space<vmem_shared>>) offsets(%dma_start3A_244 : memref<128xi32, #tpu.memory_space<vmem>>) semaphore(%run_scoped3A_241 : memref<!tpu.dma_semaphore, #tpu.memory_space<semaphore_mem>>) {add = true}
          %dma_wait3A_248 = arith.constant 0 : i32
          %dma_wait3A_249 = tpu.memref_slice %arg5[%run_scoped3A_175, %run_scoped3A_176, %dma_wait3A_248] : memref<8x2x128xi32, #tpu.memory_space<vmem>> -> memref<1x1x128xi32, #tpu.memory_space<vmem>>
          %dma_wait3A_250 = tpu.memref_squeeze %dma_wait3A_249 : memref<1x1x128xi32, #tpu.memory_space<vmem>> -> memref<128xi32, #tpu.memory_space<vmem>>
          %dma_wait3A_251 = arith.constant 0 : i32
          %dma_wait3A_252 = arith.constant 0 : i32
          %dma_wait3A_253 = tpu.memref_slice %arg13[%dma_wait3A_251, %dma_wait3A_252] : memref<10112x128xf32, #tpu.memory_space<vmem_shared>> -> memref<10112x128xf32, #tpu.memory_space<vmem_shared>>
          tpu.wait_indirect_dma semaphore(%run_scoped3A_241 : memref<!tpu.dma_semaphore, #tpu.memory_space<semaphore_mem>>) src(%arg8 : memref<128x128xf32, #tpu.memory_space<vmem>>) dst(%dma_wait3A_253 : memref<10112x128xf32, #tpu.memory_space<vmem_shared>>)
          tpu.yield
        }) : () -> ()
        %dma_start3A_177 = arith.constant 5 : i32
        %dma_start3A_178 = arith.constant 0 : i32
        %dma_start3A_179 = arith.constant 0 : i32
        %dma_start3A_180 = tpu.memref_slice %arg5[%dma_start3A_177, %dma_start3A_178, %dma_start3A_179] : memref<8x2x128xi32, #tpu.memory_space<vmem>> -> memref<1x1x128xi32, #tpu.memory_space<vmem>>
        %dma_start3A_181 = tpu.memref_squeeze %dma_start3A_180 : memref<1x1x128xi32, #tpu.memory_space<vmem>> -> memref<128xi32, #tpu.memory_space<vmem>>
        %dma_start3A_182 = arith.constant 0 : i32
        %dma_start3A_183 = arith.constant 0 : i32
        %dma_start3A_184 = tpu.memref_slice %arg2[%dma_start3A_182, %dma_start3A_183] : memref<10000x128xf32, #tpu.memory_space<hbm>> -> memref<10000x128xf32, #tpu.memory_space<hbm>>
        tpu.enqueue_indirect_dma source(%dma_start3A_184 : memref<10000x128xf32, #tpu.memory_space<hbm>>) target(%arg8 : memref<128x128xf32, #tpu.memory_space<vmem>>) offsets(%dma_start3A_181 : memref<128xi32, #tpu.memory_space<vmem>>) semaphore(%arg12 : memref<!tpu.dma_semaphore, #tpu.memory_space<semaphore_mem>>)
        %dma_wait3A_185 = arith.constant 4 : i32
        %dma_wait3A_186 = arith.constant 0 : i32
        %dma_wait3A_187 = arith.constant 0 : i32
        %dma_wait3A_188 = tpu.memref_slice %arg5[%dma_wait3A_185, %dma_wait3A_186, %dma_wait3A_187] : memref<8x2x128xi32, #tpu.memory_space<vmem>> -> memref<1x1x128xi32, #tpu.memory_space<vmem>>
        %dma_wait3A_189 = tpu.memref_squeeze %dma_wait3A_188 : memref<1x1x128xi32, #tpu.memory_space<vmem>> -> memref<128xi32, #tpu.memory_space<vmem>>
        %dma_wait3A_190 = arith.constant 0 : i32
        %dma_wait3A_191 = arith.constant 0 : i32
        %dma_wait3A_192 = tpu.memref_slice %arg2[%dma_wait3A_190, %dma_wait3A_191] : memref<10000x128xf32, #tpu.memory_space<hbm>> -> memref<10000x128xf32, #tpu.memory_space<hbm>>
        tpu.wait_indirect_dma semaphore(%arg11 : memref<!tpu.dma_semaphore, #tpu.memory_space<semaphore_mem>>) src(%dma_wait3A_192 : memref<10000x128xf32, #tpu.memory_space<hbm>>) dst(%arg7 : memref<128x128xf32, #tpu.memory_space<vmem>>)
        %run_scoped3A_193 = arith.constant 4 : i32
        %run_scoped3A_194 = arith.constant 1 : i32
        "tpu.region"() ({
          %run_scoped3A_241 = tpu.sem_alloc : memref<!tpu.dma_semaphore, #tpu.memory_space<semaphore_mem>>
          %dma_start3A_242 = arith.constant 0 : i32
          %dma_start3A_243 = tpu.memref_slice %arg5[%run_scoped3A_193, %run_scoped3A_194, %dma_start3A_242] : memref<8x2x128xi32, #tpu.memory_space<vmem>> -> memref<1x1x128xi32, #tpu.memory_space<vmem>>
          %dma_start3A_244 = tpu.memref_squeeze %dma_start3A_243 : memref<1x1x128xi32, #tpu.memory_space<vmem>> -> memref<128xi32, #tpu.memory_space<vmem>>
          %dma_start3A_245 = arith.constant 0 : i32
          %dma_start3A_246 = arith.constant 0 : i32
          %dma_start3A_247 = tpu.memref_slice %arg13[%dma_start3A_245, %dma_start3A_246] : memref<10112x128xf32, #tpu.memory_space<vmem_shared>> -> memref<10112x128xf32, #tpu.memory_space<vmem_shared>>
          tpu.enqueue_indirect_dma source(%arg7 : memref<128x128xf32, #tpu.memory_space<vmem>>) target(%dma_start3A_247 : memref<10112x128xf32, #tpu.memory_space<vmem_shared>>) offsets(%dma_start3A_244 : memref<128xi32, #tpu.memory_space<vmem>>) semaphore(%run_scoped3A_241 : memref<!tpu.dma_semaphore, #tpu.memory_space<semaphore_mem>>) {add = true}
          %dma_wait3A_248 = arith.constant 0 : i32
          %dma_wait3A_249 = tpu.memref_slice %arg5[%run_scoped3A_193, %run_scoped3A_194, %dma_wait3A_248] : memref<8x2x128xi32, #tpu.memory_space<vmem>> -> memref<1x1x128xi32, #tpu.memory_space<vmem>>
          %dma_wait3A_250 = tpu.memref_squeeze %dma_wait3A_249 : memref<1x1x128xi32, #tpu.memory_space<vmem>> -> memref<128xi32, #tpu.memory_space<vmem>>
          %dma_wait3A_251 = arith.constant 0 : i32
          %dma_wait3A_252 = arith.constant 0 : i32
          %dma_wait3A_253 = tpu.memref_slice %arg13[%dma_wait3A_251, %dma_wait3A_252] : memref<10112x128xf32, #tpu.memory_space<vmem_shared>> -> memref<10112x128xf32, #tpu.memory_space<vmem_shared>>
          tpu.wait_indirect_dma semaphore(%run_scoped3A_241 : memref<!tpu.dma_semaphore, #tpu.memory_space<semaphore_mem>>) src(%arg7 : memref<128x128xf32, #tpu.memory_space<vmem>>) dst(%dma_wait3A_253 : memref<10112x128xf32, #tpu.memory_space<vmem_shared>>)
          tpu.yield
        }) : () -> ()
        %dma_start3A_195 = arith.constant 6 : i32
        %dma_start3A_196 = arith.constant 0 : i32
        %dma_start3A_197 = arith.constant 0 : i32
        %dma_start3A_198 = tpu.memref_slice %arg5[%dma_start3A_195, %dma_start3A_196, %dma_start3A_197] : memref<8x2x128xi32, #tpu.memory_space<vmem>> -> memref<1x1x128xi32, #tpu.memory_space<vmem>>
        %dma_start3A_199 = tpu.memref_squeeze %dma_start3A_198 : memref<1x1x128xi32, #tpu.memory_space<vmem>> -> memref<128xi32, #tpu.memory_space<vmem>>
        %dma_start3A_200 = arith.constant 0 : i32
        %dma_start3A_201 = arith.constant 0 : i32
        %dma_start3A_202 = tpu.memref_slice %arg2[%dma_start3A_200, %dma_start3A_201] : memref<10000x128xf32, #tpu.memory_space<hbm>> -> memref<10000x128xf32, #tpu.memory_space<hbm>>
        tpu.enqueue_indirect_dma source(%dma_start3A_202 : memref<10000x128xf32, #tpu.memory_space<hbm>>) target(%arg7 : memref<128x128xf32, #tpu.memory_space<vmem>>) offsets(%dma_start3A_199 : memref<128xi32, #tpu.memory_space<vmem>>) semaphore(%arg11 : memref<!tpu.dma_semaphore, #tpu.memory_space<semaphore_mem>>)
        %dma_wait3A_203 = arith.constant 5 : i32
        %dma_wait3A_204 = arith.constant 0 : i32
        %dma_wait3A_205 = arith.constant 0 : i32
        %dma_wait3A_206 = tpu.memref_slice %arg5[%dma_wait3A_203, %dma_wait3A_204, %dma_wait3A_205] : memref<8x2x128xi32, #tpu.memory_space<vmem>> -> memref<1x1x128xi32, #tpu.memory_space<vmem>>
        %dma_wait3A_207 = tpu.memref_squeeze %dma_wait3A_206 : memref<1x1x128xi32, #tpu.memory_space<vmem>> -> memref<128xi32, #tpu.memory_space<vmem>>
        %dma_wait3A_208 = arith.constant 0 : i32
        %dma_wait3A_209 = arith.constant 0 : i32
        %dma_wait3A_210 = tpu.memref_slice %arg2[%dma_wait3A_208, %dma_wait3A_209] : memref<10000x128xf32, #tpu.memory_space<hbm>> -> memref<10000x128xf32, #tpu.memory_space<hbm>>
        tpu.wait_indirect_dma semaphore(%arg12 : memref<!tpu.dma_semaphore, #tpu.memory_space<semaphore_mem>>) src(%dma_wait3A_210 : memref<10000x128xf32, #tpu.memory_space<hbm>>) dst(%arg8 : memref<128x128xf32, #tpu.memory_space<vmem>>)
        %run_scoped3A_211 = arith.constant 5 : i32
        %run_scoped3A_212 = arith.constant 1 : i32
        "tpu.region"() ({
          %run_scoped3A_241 = tpu.sem_alloc : memref<!tpu.dma_semaphore, #tpu.memory_space<semaphore_mem>>
          %dma_start3A_242 = arith.constant 0 : i32
          %dma_start3A_243 = tpu.memref_slice %arg5[%run_scoped3A_211, %run_scoped3A_212, %dma_start3A_242] : memref<8x2x128xi32, #tpu.memory_space<vmem>> -> memref<1x1x128xi32, #tpu.memory_space<vmem>>
          %dma_start3A_244 = tpu.memref_squeeze %dma_start3A_243 : memref<1x1x128xi32, #tpu.memory_space<vmem>> -> memref<128xi32, #tpu.memory_space<vmem>>
          %dma_start3A_245 = arith.constant 0 : i32
          %dma_start3A_246 = arith.constant 0 : i32
          %dma_start3A_247 = tpu.memref_slice %arg13[%dma_start3A_245, %dma_start3A_246] : memref<10112x128xf32, #tpu.memory_space<vmem_shared>> -> memref<10112x128xf32, #tpu.memory_space<vmem_shared>>
          tpu.enqueue_indirect_dma source(%arg8 : memref<128x128xf32, #tpu.memory_space<vmem>>) target(%dma_start3A_247 : memref<10112x128xf32, #tpu.memory_space<vmem_shared>>) offsets(%dma_start3A_244 : memref<128xi32, #tpu.memory_space<vmem>>) semaphore(%run_scoped3A_241 : memref<!tpu.dma_semaphore, #tpu.memory_space<semaphore_mem>>) {add = true}
          %dma_wait3A_248 = arith.constant 0 : i32
          %dma_wait3A_249 = tpu.memref_slice %arg5[%run_scoped3A_211, %run_scoped3A_212, %dma_wait3A_248] : memref<8x2x128xi32, #tpu.memory_space<vmem>> -> memref<1x1x128xi32, #tpu.memory_space<vmem>>
          %dma_wait3A_250 = tpu.memref_squeeze %dma_wait3A_249 : memref<1x1x128xi32, #tpu.memory_space<vmem>> -> memref<128xi32, #tpu.memory_space<vmem>>
          %dma_wait3A_251 = arith.constant 0 : i32
          %dma_wait3A_252 = arith.constant 0 : i32
          %dma_wait3A_253 = tpu.memref_slice %arg13[%dma_wait3A_251, %dma_wait3A_252] : memref<10112x128xf32, #tpu.memory_space<vmem_shared>> -> memref<10112x128xf32, #tpu.memory_space<vmem_shared>>
          tpu.wait_indirect_dma semaphore(%run_scoped3A_241 : memref<!tpu.dma_semaphore, #tpu.memory_space<semaphore_mem>>) src(%arg8 : memref<128x128xf32, #tpu.memory_space<vmem>>) dst(%dma_wait3A_253 : memref<10112x128xf32, #tpu.memory_space<vmem_shared>>)
          tpu.yield
        }) : () -> ()
        %dma_start3A_213 = arith.constant 7 : i32
        %dma_start3A_214 = arith.constant 0 : i32
        %dma_start3A_215 = arith.constant 0 : i32
        %dma_start3A_216 = tpu.memref_slice %arg5[%dma_start3A_213, %dma_start3A_214, %dma_start3A_215] : memref<8x2x128xi32, #tpu.memory_space<vmem>> -> memref<1x1x128xi32, #tpu.memory_space<vmem>>
        %dma_start3A_217 = tpu.memref_squeeze %dma_start3A_216 : memref<1x1x128xi32, #tpu.memory_space<vmem>> -> memref<128xi32, #tpu.memory_space<vmem>>
        %dma_start3A_218 = arith.constant 0 : i32
        %dma_start3A_219 = arith.constant 0 : i32
        %dma_start3A_220 = tpu.memref_slice %arg2[%dma_start3A_218, %dma_start3A_219] : memref<10000x128xf32, #tpu.memory_space<hbm>> -> memref<10000x128xf32, #tpu.memory_space<hbm>>
        tpu.enqueue_indirect_dma source(%dma_start3A_220 : memref<10000x128xf32, #tpu.memory_space<hbm>>) target(%arg8 : memref<128x128xf32, #tpu.memory_space<vmem>>) offsets(%dma_start3A_217 : memref<128xi32, #tpu.memory_space<vmem>>) semaphore(%arg12 : memref<!tpu.dma_semaphore, #tpu.memory_space<semaphore_mem>>)
        %dma_wait3A_221 = arith.constant 6 : i32
        %dma_wait3A_222 = arith.constant 0 : i32
        %dma_wait3A_223 = arith.constant 0 : i32
        %dma_wait3A_224 = tpu.memref_slice %arg5[%dma_wait3A_221, %dma_wait3A_222, %dma_wait3A_223] : memref<8x2x128xi32, #tpu.memory_space<vmem>> -> memref<1x1x128xi32, #tpu.memory_space<vmem>>
        %dma_wait3A_225 = tpu.memref_squeeze %dma_wait3A_224 : memref<1x1x128xi32, #tpu.memory_space<vmem>> -> memref<128xi32, #tpu.memory_space<vmem>>
        %dma_wait3A_226 = arith.constant 0 : i32
        %dma_wait3A_227 = arith.constant 0 : i32
        %dma_wait3A_228 = tpu.memref_slice %arg2[%dma_wait3A_226, %dma_wait3A_227] : memref<10000x128xf32, #tpu.memory_space<hbm>> -> memref<10000x128xf32, #tpu.memory_space<hbm>>
        tpu.wait_indirect_dma semaphore(%arg11 : memref<!tpu.dma_semaphore, #tpu.memory_space<semaphore_mem>>) src(%dma_wait3A_228 : memref<10000x128xf32, #tpu.memory_space<hbm>>) dst(%arg7 : memref<128x128xf32, #tpu.memory_space<vmem>>)
        %run_scoped3A_229 = arith.constant 6 : i32
        %run_scoped3A_230 = arith.constant 1 : i32
        "tpu.region"() ({
          %run_scoped3A_241 = tpu.sem_alloc : memref<!tpu.dma_semaphore, #tpu.memory_space<semaphore_mem>>
          %dma_start3A_242 = arith.constant 0 : i32
          %dma_start3A_243 = tpu.memref_slice %arg5[%run_scoped3A_229, %run_scoped3A_230, %dma_start3A_242] : memref<8x2x128xi32, #tpu.memory_space<vmem>> -> memref<1x1x128xi32, #tpu.memory_space<vmem>>
          %dma_start3A_244 = tpu.memref_squeeze %dma_start3A_243 : memref<1x1x128xi32, #tpu.memory_space<vmem>> -> memref<128xi32, #tpu.memory_space<vmem>>
          %dma_start3A_245 = arith.constant 0 : i32
          %dma_start3A_246 = arith.constant 0 : i32
          %dma_start3A_247 = tpu.memref_slice %arg13[%dma_start3A_245, %dma_start3A_246] : memref<10112x128xf32, #tpu.memory_space<vmem_shared>> -> memref<10112x128xf32, #tpu.memory_space<vmem_shared>>
          tpu.enqueue_indirect_dma source(%arg7 : memref<128x128xf32, #tpu.memory_space<vmem>>) target(%dma_start3A_247 : memref<10112x128xf32, #tpu.memory_space<vmem_shared>>) offsets(%dma_start3A_244 : memref<128xi32, #tpu.memory_space<vmem>>) semaphore(%run_scoped3A_241 : memref<!tpu.dma_semaphore, #tpu.memory_space<semaphore_mem>>) {add = true}
          %dma_wait3A_248 = arith.constant 0 : i32
          %dma_wait3A_249 = tpu.memref_slice %arg5[%run_scoped3A_229, %run_scoped3A_230, %dma_wait3A_248] : memref<8x2x128xi32, #tpu.memory_space<vmem>> -> memref<1x1x128xi32, #tpu.memory_space<vmem>>
          %dma_wait3A_250 = tpu.memref_squeeze %dma_wait3A_249 : memref<1x1x128xi32, #tpu.memory_space<vmem>> -> memref<128xi32, #tpu.memory_space<vmem>>
          %dma_wait3A_251 = arith.constant 0 : i32
          %dma_wait3A_252 = arith.constant 0 : i32
          %dma_wait3A_253 = tpu.memref_slice %arg13[%dma_wait3A_251, %dma_wait3A_252] : memref<10112x128xf32, #tpu.memory_space<vmem_shared>> -> memref<10112x128xf32, #tpu.memory_space<vmem_shared>>
          tpu.wait_indirect_dma semaphore(%run_scoped3A_241 : memref<!tpu.dma_semaphore, #tpu.memory_space<semaphore_mem>>) src(%arg7 : memref<128x128xf32, #tpu.memory_space<vmem>>) dst(%dma_wait3A_253 : memref<10112x128xf32, #tpu.memory_space<vmem_shared>>)
          tpu.yield
        }) : () -> ()
        %dma_wait3A_231 = arith.constant 7 : i32
        %dma_wait3A_232 = arith.constant 0 : i32
        %dma_wait3A_233 = arith.constant 0 : i32
        %dma_wait3A_234 = tpu.memref_slice %arg5[%dma_wait3A_231, %dma_wait3A_232, %dma_wait3A_233] : memref<8x2x128xi32, #tpu.memory_space<vmem>> -> memref<1x1x128xi32, #tpu.memory_space<vmem>>
        %dma_wait3A_235 = tpu.memref_squeeze %dma_wait3A_234 : memref<1x1x128xi32, #tpu.memory_space<vmem>> -> memref<128xi32, #tpu.memory_space<vmem>>
        %dma_wait3A_236 = arith.constant 0 : i32
        %dma_wait3A_237 = arith.constant 0 : i32
        %dma_wait3A_238 = tpu.memref_slice %arg2[%dma_wait3A_236, %dma_wait3A_237] : memref<10000x128xf32, #tpu.memory_space<hbm>> -> memref<10000x128xf32, #tpu.memory_space<hbm>>
        tpu.wait_indirect_dma semaphore(%arg12 : memref<!tpu.dma_semaphore, #tpu.memory_space<semaphore_mem>>) src(%dma_wait3A_238 : memref<10000x128xf32, #tpu.memory_space<hbm>>) dst(%arg8 : memref<128x128xf32, #tpu.memory_space<vmem>>)
        %run_scoped3A_239 = arith.constant 7 : i32
        %run_scoped3A_240 = arith.constant 1 : i32
        "tpu.region"() ({
          %run_scoped3A_241 = tpu.sem_alloc : memref<!tpu.dma_semaphore, #tpu.memory_space<semaphore_mem>>
          %dma_start3A_242 = arith.constant 0 : i32
          %dma_start3A_243 = tpu.memref_slice %arg5[%run_scoped3A_239, %run_scoped3A_240, %dma_start3A_242] : memref<8x2x128xi32, #tpu.memory_space<vmem>> -> memref<1x1x128xi32, #tpu.memory_space<vmem>>
          %dma_start3A_244 = tpu.memref_squeeze %dma_start3A_243 : memref<1x1x128xi32, #tpu.memory_space<vmem>> -> memref<128xi32, #tpu.memory_space<vmem>>
          %dma_start3A_245 = arith.constant 0 : i32
          %dma_start3A_246 = arith.constant 0 : i32
          %dma_start3A_247 = tpu.memref_slice %arg13[%dma_start3A_245, %dma_start3A_246] : memref<10112x128xf32, #tpu.memory_space<vmem_shared>> -> memref<10112x128xf32, #tpu.memory_space<vmem_shared>>
          tpu.enqueue_indirect_dma source(%arg8 : memref<128x128xf32, #tpu.memory_space<vmem>>) target(%dma_start3A_247 : memref<10112x128xf32, #tpu.memory_space<vmem_shared>>) offsets(%dma_start3A_244 : memref<128xi32, #tpu.memory_space<vmem>>) semaphore(%run_scoped3A_241 : memref<!tpu.dma_semaphore, #tpu.memory_space<semaphore_mem>>) {add = true}
          %dma_wait3A_248 = arith.constant 0 : i32
          %dma_wait3A_249 = tpu.memref_slice %arg5[%run_scoped3A_239, %run_scoped3A_240, %dma_wait3A_248] : memref<8x2x128xi32, #tpu.memory_space<vmem>> -> memref<1x1x128xi32, #tpu.memory_space<vmem>>
          %dma_wait3A_250 = tpu.memref_squeeze %dma_wait3A_249 : memref<1x1x128xi32, #tpu.memory_space<vmem>> -> memref<128xi32, #tpu.memory_space<vmem>>
          %dma_wait3A_251 = arith.constant 0 : i32
          %dma_wait3A_252 = arith.constant 0 : i32
          %dma_wait3A_253 = tpu.memref_slice %arg13[%dma_wait3A_251, %dma_wait3A_252] : memref<10112x128xf32, #tpu.memory_space<vmem_shared>> -> memref<10112x128xf32, #tpu.memory_space<vmem_shared>>
          tpu.wait_indirect_dma semaphore(%run_scoped3A_241 : memref<!tpu.dma_semaphore, #tpu.memory_space<semaphore_mem>>) src(%arg8 : memref<128x128xf32, #tpu.memory_space<vmem>>) dst(%dma_wait3A_253 : memref<10112x128xf32, #tpu.memory_space<vmem_shared>>)
          tpu.yield
        }) : () -> ()
      } else {
      }
      %jit3A_63 = arith.constant 2 : i32
      %eq3A_64 = arith.constant 0 : i32
      %eq3A_65 = arith.cmpi eq, %jit3A_63, %eq3A_64 : i32
      %jit3A_66 = arith.constant 1 : i32
      %select_n3A_67 = arith.select %eq3A_65, %jit3A_66, %jit3A_63 : i32
      %rem3A_68 = arith.remsi %while3A_45, %select_n3A_67 : i32
      %ne3A_69 = arith.constant 0 : i32
      %ne3A_70 = arith.cmpi ne, %rem3A_68, %ne3A_69 : i32
      %lt3A_71 = arith.constant 0 : i32
      %lt3A_72 = arith.cmpi slt, %rem3A_68, %lt3A_71 : i32
      %lt3A_73 = arith.constant 0 : i32
      %lt3A_74 = arith.cmpi slt, %select_n3A_67, %lt3A_73 : i32
      %ne3A_75 = arith.xori %lt3A_72, %lt3A_74 : i1
      %and3A_76 = arith.andi %ne3A_75, %ne3A_70 : i1
      %add3A_77 = arith.addi %rem3A_68, %select_n3A_67 : i32
      %select_n3A_78 = arith.select %and3A_76, %add3A_77, %rem3A_68 : i32
      %eq3A_79 = arith.constant 1 : i32
      %eq3A_80 = arith.cmpi eq, %select_n3A_78, %eq3A_79 : i32
      %convert_element_type3A_81 = arith.extui %eq3A_80 : i1 to i32
      %cond3A_82 = arith.constant 0 : i32
      %cond3A_83 = arith.cmpi ne, %convert_element_type3A_81, %cond3A_82 : i32
      scf.if %cond3A_83 {
        %dma_wait3A = arith.constant 0 : i32
        %dma_wait3A_84 = arith.constant 0 : i32
        %dma_wait3A_85 = arith.constant 0 : i32
        %dma_wait3A_86 = tpu.memref_slice %arg3[%add3A, %dma_wait3A, %dma_wait3A_84, %dma_wait3A_85] : memref<32x128x2x128xi32, #tpu.memory_space<hbm>> -> memref<1x8x2x128xi32, #tpu.memory_space<hbm>>
        %dma_wait3A_87 = tpu.memref_squeeze %dma_wait3A_86 : memref<1x8x2x128xi32, #tpu.memory_space<hbm>> -> memref<8x2x128xi32, #tpu.memory_space<hbm>>
        %dma_wait3A_88 = arith.constant 0 : i32
        %dma_wait3A_89 = arith.constant 0 : i32
        %dma_wait3A_90 = arith.constant 0 : i32
        %dma_wait3A_91 = tpu.memref_slice %arg3[%add3A, %dma_wait3A_88, %dma_wait3A_89, %dma_wait3A_90] : memref<32x128x2x128xi32, #tpu.memory_space<hbm>> -> memref<1x8x2x128xi32, #tpu.memory_space<hbm>>
        %dma_wait3A_92 = tpu.memref_squeeze %dma_wait3A_91 : memref<1x8x2x128xi32, #tpu.memory_space<hbm>> -> memref<8x2x128xi32, #tpu.memory_space<hbm>>
        tpu.wait_dma2 semaphore(%arg10 : memref<!tpu.dma_semaphore, #tpu.memory_space<semaphore_mem>>) src(%dma_wait3A_92 : memref<8x2x128xi32, #tpu.memory_space<hbm>>) dst(%arg6 : memref<8x2x128xi32, #tpu.memory_space<vmem>>)
        %add3A_93 = arith.constant 1 : i32
        %add3A_94 = arith.addi %while3A_45, %add3A_93 : i32
        %lt3A_95 = arith.cmpi slt, %add3A_94, %select_n3A : i32
        %convert_element_type3A_96 = arith.extui %lt3A_95 : i1 to i32
        %cond3A_97 = arith.constant 0 : i32
        %cond3A_98 = arith.cmpi ne, %convert_element_type3A_96, %cond3A_97 : i32
        scf.if %cond3A_98 {
          %add3A_241 = arith.constant 1 : i32
          %add3A_242 = arith.addi %while3A_45, %add3A_241 : i32
          %mul3A_243 = arith.constant 8 : i32
          %mul3A_244 = arith.muli %add3A_242, %mul3A_243 : i32
          %dma_start3A_245 = arith.constant 0 : i32
          %dma_start3A_246 = arith.constant 0 : i32
          %dma_start3A_247 = tpu.memref_slice %arg3[%add3A, %mul3A_244, %dma_start3A_245, %dma_start3A_246] : memref<32x128x2x128xi32, #tpu.memory_space<hbm>> -> memref<1x8x2x128xi32, #tpu.memory_space<hbm>>
          %dma_start3A_248 = tpu.memref_squeeze %dma_start3A_247 : memref<1x8x2x128xi32, #tpu.memory_space<hbm>> -> memref<8x2x128xi32, #tpu.memory_space<hbm>>
          %dma_start3A_249 = arith.constant 0 : i32
          %dma_start3A_250 = arith.constant 0 : i32
          %dma_start3A_251 = tpu.memref_slice %arg3[%add3A, %mul3A_244, %dma_start3A_249, %dma_start3A_250] : memref<32x128x2x128xi32, #tpu.memory_space<hbm>> -> memref<1x8x2x128xi32, #tpu.memory_space<hbm>>
          %dma_start3A_252 = tpu.memref_squeeze %dma_start3A_251 : memref<1x8x2x128xi32, #tpu.memory_space<hbm>> -> memref<8x2x128xi32, #tpu.memory_space<hbm>>
          tpu.enqueue_dma source(%dma_start3A_252 : memref<8x2x128xi32, #tpu.memory_space<hbm>>) target(%arg5 : memref<8x2x128xi32, #tpu.memory_space<vmem>>) target_semaphore(%arg9 : memref<!tpu.dma_semaphore, #tpu.memory_space<semaphore_mem>>)
        } else {
        }
        %dma_start3A = arith.constant 0 : i32
        %dma_start3A_99 = arith.constant 0 : i32
        %dma_start3A_100 = arith.constant 0 : i32
        %dma_start3A_101 = tpu.memref_slice %arg6[%dma_start3A, %dma_start3A_99, %dma_start3A_100] : memref<8x2x128xi32, #tpu.memory_space<vmem>> -> memref<1x1x128xi32, #tpu.memory_space<vmem>>
        %dma_start3A_102 = tpu.memref_squeeze %dma_start3A_101 : memref<1x1x128xi32, #tpu.memory_space<vmem>> -> memref<128xi32, #tpu.memory_space<vmem>>
        %dma_start3A_103 = arith.constant 0 : i32
        %dma_start3A_104 = arith.constant 0 : i32
        %dma_start3A_105 = tpu.memref_slice %arg2[%dma_start3A_103, %dma_start3A_104] : memref<10000x128xf32, #tpu.memory_space<hbm>> -> memref<10000x128xf32, #tpu.memory_space<hbm>>
        tpu.enqueue_indirect_dma source(%dma_start3A_105 : memref<10000x128xf32, #tpu.memory_space<hbm>>) target(%arg7 : memref<128x128xf32, #tpu.memory_space<vmem>>) offsets(%dma_start3A_102 : memref<128xi32, #tpu.memory_space<vmem>>) semaphore(%arg11 : memref<!tpu.dma_semaphore, #tpu.memory_space<semaphore_mem>>)
        %dma_start3A_106 = arith.constant 1 : i32
        %dma_start3A_107 = arith.constant 0 : i32
        %dma_start3A_108 = arith.constant 0 : i32
        %dma_start3A_109 = tpu.memref_slice %arg6[%dma_start3A_106, %dma_start3A_107, %dma_start3A_108] : memref<8x2x128xi32, #tpu.memory_space<vmem>> -> memref<1x1x128xi32, #tpu.memory_space<vmem>>
        %dma_start3A_110 = tpu.memref_squeeze %dma_start3A_109 : memref<1x1x128xi32, #tpu.memory_space<vmem>> -> memref<128xi32, #tpu.memory_space<vmem>>
        %dma_start3A_111 = arith.constant 0 : i32
        %dma_start3A_112 = arith.constant 0 : i32
        %dma_start3A_113 = tpu.memref_slice %arg2[%dma_start3A_111, %dma_start3A_112] : memref<10000x128xf32, #tpu.memory_space<hbm>> -> memref<10000x128xf32, #tpu.memory_space<hbm>>
        tpu.enqueue_indirect_dma source(%dma_start3A_113 : memref<10000x128xf32, #tpu.memory_space<hbm>>) target(%arg8 : memref<128x128xf32, #tpu.memory_space<vmem>>) offsets(%dma_start3A_110 : memref<128xi32, #tpu.memory_space<vmem>>) semaphore(%arg12 : memref<!tpu.dma_semaphore, #tpu.memory_space<semaphore_mem>>)
        %dma_wait3A_114 = arith.constant 0 : i32
        %dma_wait3A_115 = arith.constant 0 : i32
        %dma_wait3A_116 = arith.constant 0 : i32
        %dma_wait3A_117 = tpu.memref_slice %arg6[%dma_wait3A_114, %dma_wait3A_115, %dma_wait3A_116] : memref<8x2x128xi32, #tpu.memory_space<vmem>> -> memref<1x1x128xi32, #tpu.memory_space<vmem>>
        %dma_wait3A_118 = tpu.memref_squeeze %dma_wait3A_117 : memref<1x1x128xi32, #tpu.memory_space<vmem>> -> memref<128xi32, #tpu.memory_space<vmem>>
        %dma_wait3A_119 = arith.constant 0 : i32
        %dma_wait3A_120 = arith.constant 0 : i32
        %dma_wait3A_121 = tpu.memref_slice %arg2[%dma_wait3A_119, %dma_wait3A_120] : memref<10000x128xf32, #tpu.memory_space<hbm>> -> memref<10000x128xf32, #tpu.memory_space<hbm>>
        tpu.wait_indirect_dma semaphore(%arg11 : memref<!tpu.dma_semaphore, #tpu.memory_space<semaphore_mem>>) src(%dma_wait3A_121 : memref<10000x128xf32, #tpu.memory_space<hbm>>) dst(%arg7 : memref<128x128xf32, #tpu.memory_space<vmem>>)
        %run_scoped3A = arith.constant 0 : i32
        %run_scoped3A_122 = arith.constant 1 : i32
        "tpu.region"() ({
          %run_scoped3A_241 = tpu.sem_alloc : memref<!tpu.dma_semaphore, #tpu.memory_space<semaphore_mem>>
          %dma_start3A_242 = arith.constant 0 : i32
          %dma_start3A_243 = tpu.memref_slice %arg6[%run_scoped3A, %run_scoped3A_122, %dma_start3A_242] : memref<8x2x128xi32, #tpu.memory_space<vmem>> -> memref<1x1x128xi32, #tpu.memory_space<vmem>>
          %dma_start3A_244 = tpu.memref_squeeze %dma_start3A_243 : memref<1x1x128xi32, #tpu.memory_space<vmem>> -> memref<128xi32, #tpu.memory_space<vmem>>
          %dma_start3A_245 = arith.constant 0 : i32
          %dma_start3A_246 = arith.constant 0 : i32
          %dma_start3A_247 = tpu.memref_slice %arg13[%dma_start3A_245, %dma_start3A_246] : memref<10112x128xf32, #tpu.memory_space<vmem_shared>> -> memref<10112x128xf32, #tpu.memory_space<vmem_shared>>
          tpu.enqueue_indirect_dma source(%arg7 : memref<128x128xf32, #tpu.memory_space<vmem>>) target(%dma_start3A_247 : memref<10112x128xf32, #tpu.memory_space<vmem_shared>>) offsets(%dma_start3A_244 : memref<128xi32, #tpu.memory_space<vmem>>) semaphore(%run_scoped3A_241 : memref<!tpu.dma_semaphore, #tpu.memory_space<semaphore_mem>>) {add = true}
          %dma_wait3A_248 = arith.constant 0 : i32
          %dma_wait3A_249 = tpu.memref_slice %arg6[%run_scoped3A, %run_scoped3A_122, %dma_wait3A_248] : memref<8x2x128xi32, #tpu.memory_space<vmem>> -> memref<1x1x128xi32, #tpu.memory_space<vmem>>
          %dma_wait3A_250 = tpu.memref_squeeze %dma_wait3A_249 : memref<1x1x128xi32, #tpu.memory_space<vmem>> -> memref<128xi32, #tpu.memory_space<vmem>>
          %dma_wait3A_251 = arith.constant 0 : i32
          %dma_wait3A_252 = arith.constant 0 : i32
          %dma_wait3A_253 = tpu.memref_slice %arg13[%dma_wait3A_251, %dma_wait3A_252] : memref<10112x128xf32, #tpu.memory_space<vmem_shared>> -> memref<10112x128xf32, #tpu.memory_space<vmem_shared>>
          tpu.wait_indirect_dma semaphore(%run_scoped3A_241 : memref<!tpu.dma_semaphore, #tpu.memory_space<semaphore_mem>>) src(%arg7 : memref<128x128xf32, #tpu.memory_space<vmem>>) dst(%dma_wait3A_253 : memref<10112x128xf32, #tpu.memory_space<vmem_shared>>)
          tpu.yield
        }) : () -> ()
        %dma_start3A_123 = arith.constant 2 : i32
        %dma_start3A_124 = arith.constant 0 : i32
        %dma_start3A_125 = arith.constant 0 : i32
        %dma_start3A_126 = tpu.memref_slice %arg6[%dma_start3A_123, %dma_start3A_124, %dma_start3A_125] : memref<8x2x128xi32, #tpu.memory_space<vmem>> -> memref<1x1x128xi32, #tpu.memory_space<vmem>>
        %dma_start3A_127 = tpu.memref_squeeze %dma_start3A_126 : memref<1x1x128xi32, #tpu.memory_space<vmem>> -> memref<128xi32, #tpu.memory_space<vmem>>
        %dma_start3A_128 = arith.constant 0 : i32
        %dma_start3A_129 = arith.constant 0 : i32
        %dma_start3A_130 = tpu.memref_slice %arg2[%dma_start3A_128, %dma_start3A_129] : memref<10000x128xf32, #tpu.memory_space<hbm>> -> memref<10000x128xf32, #tpu.memory_space<hbm>>
        tpu.enqueue_indirect_dma source(%dma_start3A_130 : memref<10000x128xf32, #tpu.memory_space<hbm>>) target(%arg7 : memref<128x128xf32, #tpu.memory_space<vmem>>) offsets(%dma_start3A_127 : memref<128xi32, #tpu.memory_space<vmem>>) semaphore(%arg11 : memref<!tpu.dma_semaphore, #tpu.memory_space<semaphore_mem>>)
        %dma_wait3A_131 = arith.constant 1 : i32
        %dma_wait3A_132 = arith.constant 0 : i32
        %dma_wait3A_133 = arith.constant 0 : i32
        %dma_wait3A_134 = tpu.memref_slice %arg6[%dma_wait3A_131, %dma_wait3A_132, %dma_wait3A_133] : memref<8x2x128xi32, #tpu.memory_space<vmem>> -> memref<1x1x128xi32, #tpu.memory_space<vmem>>
        %dma_wait3A_135 = tpu.memref_squeeze %dma_wait3A_134 : memref<1x1x128xi32, #tpu.memory_space<vmem>> -> memref<128xi32, #tpu.memory_space<vmem>>
        %dma_wait3A_136 = arith.constant 0 : i32
        %dma_wait3A_137 = arith.constant 0 : i32
        %dma_wait3A_138 = tpu.memref_slice %arg2[%dma_wait3A_136, %dma_wait3A_137] : memref<10000x128xf32, #tpu.memory_space<hbm>> -> memref<10000x128xf32, #tpu.memory_space<hbm>>
        tpu.wait_indirect_dma semaphore(%arg12 : memref<!tpu.dma_semaphore, #tpu.memory_space<semaphore_mem>>) src(%dma_wait3A_138 : memref<10000x128xf32, #tpu.memory_space<hbm>>) dst(%arg8 : memref<128x128xf32, #tpu.memory_space<vmem>>)
        %run_scoped3A_139 = arith.constant 1 : i32
        %run_scoped3A_140 = arith.constant 1 : i32
        "tpu.region"() ({
          %run_scoped3A_241 = tpu.sem_alloc : memref<!tpu.dma_semaphore, #tpu.memory_space<semaphore_mem>>
          %dma_start3A_242 = arith.constant 0 : i32
          %dma_start3A_243 = tpu.memref_slice %arg6[%run_scoped3A_139, %run_scoped3A_140, %dma_start3A_242] : memref<8x2x128xi32, #tpu.memory_space<vmem>> -> memref<1x1x128xi32, #tpu.memory_space<vmem>>
          %dma_start3A_244 = tpu.memref_squeeze %dma_start3A_243 : memref<1x1x128xi32, #tpu.memory_space<vmem>> -> memref<128xi32, #tpu.memory_space<vmem>>
          %dma_start3A_245 = arith.constant 0 : i32
          %dma_start3A_246 = arith.constant 0 : i32
          %dma_start3A_247 = tpu.memref_slice %arg13[%dma_start3A_245, %dma_start3A_246] : memref<10112x128xf32, #tpu.memory_space<vmem_shared>> -> memref<10112x128xf32, #tpu.memory_space<vmem_shared>>
          tpu.enqueue_indirect_dma source(%arg8 : memref<128x128xf32, #tpu.memory_space<vmem>>) target(%dma_start3A_247 : memref<10112x128xf32, #tpu.memory_space<vmem_shared>>) offsets(%dma_start3A_244 : memref<128xi32, #tpu.memory_space<vmem>>) semaphore(%run_scoped3A_241 : memref<!tpu.dma_semaphore, #tpu.memory_space<semaphore_mem>>) {add = true}
          %dma_wait3A_248 = arith.constant 0 : i32
          %dma_wait3A_249 = tpu.memref_slice %arg6[%run_scoped3A_139, %run_scoped3A_140, %dma_wait3A_248] : memref<8x2x128xi32, #tpu.memory_space<vmem>> -> memref<1x1x128xi32, #tpu.memory_space<vmem>>
          %dma_wait3A_250 = tpu.memref_squeeze %dma_wait3A_249 : memref<1x1x128xi32, #tpu.memory_space<vmem>> -> memref<128xi32, #tpu.memory_space<vmem>>
          %dma_wait3A_251 = arith.constant 0 : i32
          %dma_wait3A_252 = arith.constant 0 : i32
          %dma_wait3A_253 = tpu.memref_slice %arg13[%dma_wait3A_251, %dma_wait3A_252] : memref<10112x128xf32, #tpu.memory_space<vmem_shared>> -> memref<10112x128xf32, #tpu.memory_space<vmem_shared>>
          tpu.wait_indirect_dma semaphore(%run_scoped3A_241 : memref<!tpu.dma_semaphore, #tpu.memory_space<semaphore_mem>>) src(%arg8 : memref<128x128xf32, #tpu.memory_space<vmem>>) dst(%dma_wait3A_253 : memref<10112x128xf32, #tpu.memory_space<vmem_shared>>)
          tpu.yield
        }) : () -> ()
        %dma_start3A_141 = arith.constant 3 : i32
        %dma_start3A_142 = arith.constant 0 : i32
        %dma_start3A_143 = arith.constant 0 : i32
        %dma_start3A_144 = tpu.memref_slice %arg6[%dma_start3A_141, %dma_start3A_142, %dma_start3A_143] : memref<8x2x128xi32, #tpu.memory_space<vmem>> -> memref<1x1x128xi32, #tpu.memory_space<vmem>>
        %dma_start3A_145 = tpu.memref_squeeze %dma_start3A_144 : memref<1x1x128xi32, #tpu.memory_space<vmem>> -> memref<128xi32, #tpu.memory_space<vmem>>
        %dma_start3A_146 = arith.constant 0 : i32
        %dma_start3A_147 = arith.constant 0 : i32
        %dma_start3A_148 = tpu.memref_slice %arg2[%dma_start3A_146, %dma_start3A_147] : memref<10000x128xf32, #tpu.memory_space<hbm>> -> memref<10000x128xf32, #tpu.memory_space<hbm>>
        tpu.enqueue_indirect_dma source(%dma_start3A_148 : memref<10000x128xf32, #tpu.memory_space<hbm>>) target(%arg8 : memref<128x128xf32, #tpu.memory_space<vmem>>) offsets(%dma_start3A_145 : memref<128xi32, #tpu.memory_space<vmem>>) semaphore(%arg12 : memref<!tpu.dma_semaphore, #tpu.memory_space<semaphore_mem>>)
        %dma_wait3A_149 = arith.constant 2 : i32
        %dma_wait3A_150 = arith.constant 0 : i32
        %dma_wait3A_151 = arith.constant 0 : i32
        %dma_wait3A_152 = tpu.memref_slice %arg6[%dma_wait3A_149, %dma_wait3A_150, %dma_wait3A_151] : memref<8x2x128xi32, #tpu.memory_space<vmem>> -> memref<1x1x128xi32, #tpu.memory_space<vmem>>
        %dma_wait3A_153 = tpu.memref_squeeze %dma_wait3A_152 : memref<1x1x128xi32, #tpu.memory_space<vmem>> -> memref<128xi32, #tpu.memory_space<vmem>>
        %dma_wait3A_154 = arith.constant 0 : i32
        %dma_wait3A_155 = arith.constant 0 : i32
        %dma_wait3A_156 = tpu.memref_slice %arg2[%dma_wait3A_154, %dma_wait3A_155] : memref<10000x128xf32, #tpu.memory_space<hbm>> -> memref<10000x128xf32, #tpu.memory_space<hbm>>
        tpu.wait_indirect_dma semaphore(%arg11 : memref<!tpu.dma_semaphore, #tpu.memory_space<semaphore_mem>>) src(%dma_wait3A_156 : memref<10000x128xf32, #tpu.memory_space<hbm>>) dst(%arg7 : memref<128x128xf32, #tpu.memory_space<vmem>>)
        %run_scoped3A_157 = arith.constant 2 : i32
        %run_scoped3A_158 = arith.constant 1 : i32
        "tpu.region"() ({
          %run_scoped3A_241 = tpu.sem_alloc : memref<!tpu.dma_semaphore, #tpu.memory_space<semaphore_mem>>
          %dma_start3A_242 = arith.constant 0 : i32
          %dma_start3A_243 = tpu.memref_slice %arg6[%run_scoped3A_157, %run_scoped3A_158, %dma_start3A_242] : memref<8x2x128xi32, #tpu.memory_space<vmem>> -> memref<1x1x128xi32, #tpu.memory_space<vmem>>
          %dma_start3A_244 = tpu.memref_squeeze %dma_start3A_243 : memref<1x1x128xi32, #tpu.memory_space<vmem>> -> memref<128xi32, #tpu.memory_space<vmem>>
          %dma_start3A_245 = arith.constant 0 : i32
          %dma_start3A_246 = arith.constant 0 : i32
          %dma_start3A_247 = tpu.memref_slice %arg13[%dma_start3A_245, %dma_start3A_246] : memref<10112x128xf32, #tpu.memory_space<vmem_shared>> -> memref<10112x128xf32, #tpu.memory_space<vmem_shared>>
          tpu.enqueue_indirect_dma source(%arg7 : memref<128x128xf32, #tpu.memory_space<vmem>>) target(%dma_start3A_247 : memref<10112x128xf32, #tpu.memory_space<vmem_shared>>) offsets(%dma_start3A_244 : memref<128xi32, #tpu.memory_space<vmem>>) semaphore(%run_scoped3A_241 : memref<!tpu.dma_semaphore, #tpu.memory_space<semaphore_mem>>) {add = true}
          %dma_wait3A_248 = arith.constant 0 : i32
          %dma_wait3A_249 = tpu.memref_slice %arg6[%run_scoped3A_157, %run_scoped3A_158, %dma_wait3A_248] : memref<8x2x128xi32, #tpu.memory_space<vmem>> -> memref<1x1x128xi32, #tpu.memory_space<vmem>>
          %dma_wait3A_250 = tpu.memref_squeeze %dma_wait3A_249 : memref<1x1x128xi32, #tpu.memory_space<vmem>> -> memref<128xi32, #tpu.memory_space<vmem>>
          %dma_wait3A_251 = arith.constant 0 : i32
          %dma_wait3A_252 = arith.constant 0 : i32
          %dma_wait3A_253 = tpu.memref_slice %arg13[%dma_wait3A_251, %dma_wait3A_252] : memref<10112x128xf32, #tpu.memory_space<vmem_shared>> -> memref<10112x128xf32, #tpu.memory_space<vmem_shared>>
          tpu.wait_indirect_dma semaphore(%run_scoped3A_241 : memref<!tpu.dma_semaphore, #tpu.memory_space<semaphore_mem>>) src(%arg7 : memref<128x128xf32, #tpu.memory_space<vmem>>) dst(%dma_wait3A_253 : memref<10112x128xf32, #tpu.memory_space<vmem_shared>>)
          tpu.yield
        }) : () -> ()
        %dma_start3A_159 = arith.constant 4 : i32
        %dma_start3A_160 = arith.constant 0 : i32
        %dma_start3A_161 = arith.constant 0 : i32
        %dma_start3A_162 = tpu.memref_slice %arg6[%dma_start3A_159, %dma_start3A_160, %dma_start3A_161] : memref<8x2x128xi32, #tpu.memory_space<vmem>> -> memref<1x1x128xi32, #tpu.memory_space<vmem>>
        %dma_start3A_163 = tpu.memref_squeeze %dma_start3A_162 : memref<1x1x128xi32, #tpu.memory_space<vmem>> -> memref<128xi32, #tpu.memory_space<vmem>>
        %dma_start3A_164 = arith.constant 0 : i32
        %dma_start3A_165 = arith.constant 0 : i32
        %dma_start3A_166 = tpu.memref_slice %arg2[%dma_start3A_164, %dma_start3A_165] : memref<10000x128xf32, #tpu.memory_space<hbm>> -> memref<10000x128xf32, #tpu.memory_space<hbm>>
        tpu.enqueue_indirect_dma source(%dma_start3A_166 : memref<10000x128xf32, #tpu.memory_space<hbm>>) target(%arg7 : memref<128x128xf32, #tpu.memory_space<vmem>>) offsets(%dma_start3A_163 : memref<128xi32, #tpu.memory_space<vmem>>) semaphore(%arg11 : memref<!tpu.dma_semaphore, #tpu.memory_space<semaphore_mem>>)
        %dma_wait3A_167 = arith.constant 3 : i32
        %dma_wait3A_168 = arith.constant 0 : i32
        %dma_wait3A_169 = arith.constant 0 : i32
        %dma_wait3A_170 = tpu.memref_slice %arg6[%dma_wait3A_167, %dma_wait3A_168, %dma_wait3A_169] : memref<8x2x128xi32, #tpu.memory_space<vmem>> -> memref<1x1x128xi32, #tpu.memory_space<vmem>>
        %dma_wait3A_171 = tpu.memref_squeeze %dma_wait3A_170 : memref<1x1x128xi32, #tpu.memory_space<vmem>> -> memref<128xi32, #tpu.memory_space<vmem>>
        %dma_wait3A_172 = arith.constant 0 : i32
        %dma_wait3A_173 = arith.constant 0 : i32
        %dma_wait3A_174 = tpu.memref_slice %arg2[%dma_wait3A_172, %dma_wait3A_173] : memref<10000x128xf32, #tpu.memory_space<hbm>> -> memref<10000x128xf32, #tpu.memory_space<hbm>>
        tpu.wait_indirect_dma semaphore(%arg12 : memref<!tpu.dma_semaphore, #tpu.memory_space<semaphore_mem>>) src(%dma_wait3A_174 : memref<10000x128xf32, #tpu.memory_space<hbm>>) dst(%arg8 : memref<128x128xf32, #tpu.memory_space<vmem>>)
        %run_scoped3A_175 = arith.constant 3 : i32
        %run_scoped3A_176 = arith.constant 1 : i32
        "tpu.region"() ({
          %run_scoped3A_241 = tpu.sem_alloc : memref<!tpu.dma_semaphore, #tpu.memory_space<semaphore_mem>>
          %dma_start3A_242 = arith.constant 0 : i32
          %dma_start3A_243 = tpu.memref_slice %arg6[%run_scoped3A_175, %run_scoped3A_176, %dma_start3A_242] : memref<8x2x128xi32, #tpu.memory_space<vmem>> -> memref<1x1x128xi32, #tpu.memory_space<vmem>>
          %dma_start3A_244 = tpu.memref_squeeze %dma_start3A_243 : memref<1x1x128xi32, #tpu.memory_space<vmem>> -> memref<128xi32, #tpu.memory_space<vmem>>
          %dma_start3A_245 = arith.constant 0 : i32
          %dma_start3A_246 = arith.constant 0 : i32
          %dma_start3A_247 = tpu.memref_slice %arg13[%dma_start3A_245, %dma_start3A_246] : memref<10112x128xf32, #tpu.memory_space<vmem_shared>> -> memref<10112x128xf32, #tpu.memory_space<vmem_shared>>
          tpu.enqueue_indirect_dma source(%arg8 : memref<128x128xf32, #tpu.memory_space<vmem>>) target(%dma_start3A_247 : memref<10112x128xf32, #tpu.memory_space<vmem_shared>>) offsets(%dma_start3A_244 : memref<128xi32, #tpu.memory_space<vmem>>) semaphore(%run_scoped3A_241 : memref<!tpu.dma_semaphore, #tpu.memory_space<semaphore_mem>>) {add = true}
          %dma_wait3A_248 = arith.constant 0 : i32
          %dma_wait3A_249 = tpu.memref_slice %arg6[%run_scoped3A_175, %run_scoped3A_176, %dma_wait3A_248] : memref<8x2x128xi32, #tpu.memory_space<vmem>> -> memref<1x1x128xi32, #tpu.memory_space<vmem>>
          %dma_wait3A_250 = tpu.memref_squeeze %dma_wait3A_249 : memref<1x1x128xi32, #tpu.memory_space<vmem>> -> memref<128xi32, #tpu.memory_space<vmem>>
          %dma_wait3A_251 = arith.constant 0 : i32
          %dma_wait3A_252 = arith.constant 0 : i32
          %dma_wait3A_253 = tpu.memref_slice %arg13[%dma_wait3A_251, %dma_wait3A_252] : memref<10112x128xf32, #tpu.memory_space<vmem_shared>> -> memref<10112x128xf32, #tpu.memory_space<vmem_shared>>
          tpu.wait_indirect_dma semaphore(%run_scoped3A_241 : memref<!tpu.dma_semaphore, #tpu.memory_space<semaphore_mem>>) src(%arg8 : memref<128x128xf32, #tpu.memory_space<vmem>>) dst(%dma_wait3A_253 : memref<10112x128xf32, #tpu.memory_space<vmem_shared>>)
          tpu.yield
        }) : () -> ()
        %dma_start3A_177 = arith.constant 5 : i32
        %dma_start3A_178 = arith.constant 0 : i32
        %dma_start3A_179 = arith.constant 0 : i32
        %dma_start3A_180 = tpu.memref_slice %arg6[%dma_start3A_177, %dma_start3A_178, %dma_start3A_179] : memref<8x2x128xi32, #tpu.memory_space<vmem>> -> memref<1x1x128xi32, #tpu.memory_space<vmem>>
        %dma_start3A_181 = tpu.memref_squeeze %dma_start3A_180 : memref<1x1x128xi32, #tpu.memory_space<vmem>> -> memref<128xi32, #tpu.memory_space<vmem>>
        %dma_start3A_182 = arith.constant 0 : i32
        %dma_start3A_183 = arith.constant 0 : i32
        %dma_start3A_184 = tpu.memref_slice %arg2[%dma_start3A_182, %dma_start3A_183] : memref<10000x128xf32, #tpu.memory_space<hbm>> -> memref<10000x128xf32, #tpu.memory_space<hbm>>
        tpu.enqueue_indirect_dma source(%dma_start3A_184 : memref<10000x128xf32, #tpu.memory_space<hbm>>) target(%arg8 : memref<128x128xf32, #tpu.memory_space<vmem>>) offsets(%dma_start3A_181 : memref<128xi32, #tpu.memory_space<vmem>>) semaphore(%arg12 : memref<!tpu.dma_semaphore, #tpu.memory_space<semaphore_mem>>)
        %dma_wait3A_185 = arith.constant 4 : i32
        %dma_wait3A_186 = arith.constant 0 : i32
        %dma_wait3A_187 = arith.constant 0 : i32
        %dma_wait3A_188 = tpu.memref_slice %arg6[%dma_wait3A_185, %dma_wait3A_186, %dma_wait3A_187] : memref<8x2x128xi32, #tpu.memory_space<vmem>> -> memref<1x1x128xi32, #tpu.memory_space<vmem>>
        %dma_wait3A_189 = tpu.memref_squeeze %dma_wait3A_188 : memref<1x1x128xi32, #tpu.memory_space<vmem>> -> memref<128xi32, #tpu.memory_space<vmem>>
        %dma_wait3A_190 = arith.constant 0 : i32
        %dma_wait3A_191 = arith.constant 0 : i32
        %dma_wait3A_192 = tpu.memref_slice %arg2[%dma_wait3A_190, %dma_wait3A_191] : memref<10000x128xf32, #tpu.memory_space<hbm>> -> memref<10000x128xf32, #tpu.memory_space<hbm>>
        tpu.wait_indirect_dma semaphore(%arg11 : memref<!tpu.dma_semaphore, #tpu.memory_space<semaphore_mem>>) src(%dma_wait3A_192 : memref<10000x128xf32, #tpu.memory_space<hbm>>) dst(%arg7 : memref<128x128xf32, #tpu.memory_space<vmem>>)
        %run_scoped3A_193 = arith.constant 4 : i32
        %run_scoped3A_194 = arith.constant 1 : i32
        "tpu.region"() ({
          %run_scoped3A_241 = tpu.sem_alloc : memref<!tpu.dma_semaphore, #tpu.memory_space<semaphore_mem>>
          %dma_start3A_242 = arith.constant 0 : i32
          %dma_start3A_243 = tpu.memref_slice %arg6[%run_scoped3A_193, %run_scoped3A_194, %dma_start3A_242] : memref<8x2x128xi32, #tpu.memory_space<vmem>> -> memref<1x1x128xi32, #tpu.memory_space<vmem>>
          %dma_start3A_244 = tpu.memref_squeeze %dma_start3A_243 : memref<1x1x128xi32, #tpu.memory_space<vmem>> -> memref<128xi32, #tpu.memory_space<vmem>>
          %dma_start3A_245 = arith.constant 0 : i32
          %dma_start3A_246 = arith.constant 0 : i32
          %dma_start3A_247 = tpu.memref_slice %arg13[%dma_start3A_245, %dma_start3A_246] : memref<10112x128xf32, #tpu.memory_space<vmem_shared>> -> memref<10112x128xf32, #tpu.memory_space<vmem_shared>>
          tpu.enqueue_indirect_dma source(%arg7 : memref<128x128xf32, #tpu.memory_space<vmem>>) target(%dma_start3A_247 : memref<10112x128xf32, #tpu.memory_space<vmem_shared>>) offsets(%dma_start3A_244 : memref<128xi32, #tpu.memory_space<vmem>>) semaphore(%run_scoped3A_241 : memref<!tpu.dma_semaphore, #tpu.memory_space<semaphore_mem>>) {add = true}
          %dma_wait3A_248 = arith.constant 0 : i32
          %dma_wait3A_249 = tpu.memref_slice %arg6[%run_scoped3A_193, %run_scoped3A_194, %dma_wait3A_248] : memref<8x2x128xi32, #tpu.memory_space<vmem>> -> memref<1x1x128xi32, #tpu.memory_space<vmem>>
          %dma_wait3A_250 = tpu.memref_squeeze %dma_wait3A_249 : memref<1x1x128xi32, #tpu.memory_space<vmem>> -> memref<128xi32, #tpu.memory_space<vmem>>
          %dma_wait3A_251 = arith.constant 0 : i32
          %dma_wait3A_252 = arith.constant 0 : i32
          %dma_wait3A_253 = tpu.memref_slice %arg13[%dma_wait3A_251, %dma_wait3A_252] : memref<10112x128xf32, #tpu.memory_space<vmem_shared>> -> memref<10112x128xf32, #tpu.memory_space<vmem_shared>>
          tpu.wait_indirect_dma semaphore(%run_scoped3A_241 : memref<!tpu.dma_semaphore, #tpu.memory_space<semaphore_mem>>) src(%arg7 : memref<128x128xf32, #tpu.memory_space<vmem>>) dst(%dma_wait3A_253 : memref<10112x128xf32, #tpu.memory_space<vmem_shared>>)
          tpu.yield
        }) : () -> ()
        %dma_start3A_195 = arith.constant 6 : i32
        %dma_start3A_196 = arith.constant 0 : i32
        %dma_start3A_197 = arith.constant 0 : i32
        %dma_start3A_198 = tpu.memref_slice %arg6[%dma_start3A_195, %dma_start3A_196, %dma_start3A_197] : memref<8x2x128xi32, #tpu.memory_space<vmem>> -> memref<1x1x128xi32, #tpu.memory_space<vmem>>
        %dma_start3A_199 = tpu.memref_squeeze %dma_start3A_198 : memref<1x1x128xi32, #tpu.memory_space<vmem>> -> memref<128xi32, #tpu.memory_space<vmem>>
        %dma_start3A_200 = arith.constant 0 : i32
        %dma_start3A_201 = arith.constant 0 : i32
        %dma_start3A_202 = tpu.memref_slice %arg2[%dma_start3A_200, %dma_start3A_201] : memref<10000x128xf32, #tpu.memory_space<hbm>> -> memref<10000x128xf32, #tpu.memory_space<hbm>>
        tpu.enqueue_indirect_dma source(%dma_start3A_202 : memref<10000x128xf32, #tpu.memory_space<hbm>>) target(%arg7 : memref<128x128xf32, #tpu.memory_space<vmem>>) offsets(%dma_start3A_199 : memref<128xi32, #tpu.memory_space<vmem>>) semaphore(%arg11 : memref<!tpu.dma_semaphore, #tpu.memory_space<semaphore_mem>>)
        %dma_wait3A_203 = arith.constant 5 : i32
        %dma_wait3A_204 = arith.constant 0 : i32
        %dma_wait3A_205 = arith.constant 0 : i32
        %dma_wait3A_206 = tpu.memref_slice %arg6[%dma_wait3A_203, %dma_wait3A_204, %dma_wait3A_205] : memref<8x2x128xi32, #tpu.memory_space<vmem>> -> memref<1x1x128xi32, #tpu.memory_space<vmem>>
        %dma_wait3A_207 = tpu.memref_squeeze %dma_wait3A_206 : memref<1x1x128xi32, #tpu.memory_space<vmem>> -> memref<128xi32, #tpu.memory_space<vmem>>
        %dma_wait3A_208 = arith.constant 0 : i32
        %dma_wait3A_209 = arith.constant 0 : i32
        %dma_wait3A_210 = tpu.memref_slice %arg2[%dma_wait3A_208, %dma_wait3A_209] : memref<10000x128xf32, #tpu.memory_space<hbm>> -> memref<10000x128xf32, #tpu.memory_space<hbm>>
        tpu.wait_indirect_dma semaphore(%arg12 : memref<!tpu.dma_semaphore, #tpu.memory_space<semaphore_mem>>) src(%dma_wait3A_210 : memref<10000x128xf32, #tpu.memory_space<hbm>>) dst(%arg8 : memref<128x128xf32, #tpu.memory_space<vmem>>)
        %run_scoped3A_211 = arith.constant 5 : i32
        %run_scoped3A_212 = arith.constant 1 : i32
        "tpu.region"() ({
          %run_scoped3A_241 = tpu.sem_alloc : memref<!tpu.dma_semaphore, #tpu.memory_space<semaphore_mem>>
          %dma_start3A_242 = arith.constant 0 : i32
          %dma_start3A_243 = tpu.memref_slice %arg6[%run_scoped3A_211, %run_scoped3A_212, %dma_start3A_242] : memref<8x2x128xi32, #tpu.memory_space<vmem>> -> memref<1x1x128xi32, #tpu.memory_space<vmem>>
          %dma_start3A_244 = tpu.memref_squeeze %dma_start3A_243 : memref<1x1x128xi32, #tpu.memory_space<vmem>> -> memref<128xi32, #tpu.memory_space<vmem>>
          %dma_start3A_245 = arith.constant 0 : i32
          %dma_start3A_246 = arith.constant 0 : i32
          %dma_start3A_247 = tpu.memref_slice %arg13[%dma_start3A_245, %dma_start3A_246] : memref<10112x128xf32, #tpu.memory_space<vmem_shared>> -> memref<10112x128xf32, #tpu.memory_space<vmem_shared>>
          tpu.enqueue_indirect_dma source(%arg8 : memref<128x128xf32, #tpu.memory_space<vmem>>) target(%dma_start3A_247 : memref<10112x128xf32, #tpu.memory_space<vmem_shared>>) offsets(%dma_start3A_244 : memref<128xi32, #tpu.memory_space<vmem>>) semaphore(%run_scoped3A_241 : memref<!tpu.dma_semaphore, #tpu.memory_space<semaphore_mem>>) {add = true}
          %dma_wait3A_248 = arith.constant 0 : i32
          %dma_wait3A_249 = tpu.memref_slice %arg6[%run_scoped3A_211, %run_scoped3A_212, %dma_wait3A_248] : memref<8x2x128xi32, #tpu.memory_space<vmem>> -> memref<1x1x128xi32, #tpu.memory_space<vmem>>
          %dma_wait3A_250 = tpu.memref_squeeze %dma_wait3A_249 : memref<1x1x128xi32, #tpu.memory_space<vmem>> -> memref<128xi32, #tpu.memory_space<vmem>>
          %dma_wait3A_251 = arith.constant 0 : i32
          %dma_wait3A_252 = arith.constant 0 : i32
          %dma_wait3A_253 = tpu.memref_slice %arg13[%dma_wait3A_251, %dma_wait3A_252] : memref<10112x128xf32, #tpu.memory_space<vmem_shared>> -> memref<10112x128xf32, #tpu.memory_space<vmem_shared>>
          tpu.wait_indirect_dma semaphore(%run_scoped3A_241 : memref<!tpu.dma_semaphore, #tpu.memory_space<semaphore_mem>>) src(%arg8 : memref<128x128xf32, #tpu.memory_space<vmem>>) dst(%dma_wait3A_253 : memref<10112x128xf32, #tpu.memory_space<vmem_shared>>)
          tpu.yield
        }) : () -> ()
        %dma_start3A_213 = arith.constant 7 : i32
        %dma_start3A_214 = arith.constant 0 : i32
        %dma_start3A_215 = arith.constant 0 : i32
        %dma_start3A_216 = tpu.memref_slice %arg6[%dma_start3A_213, %dma_start3A_214, %dma_start3A_215] : memref<8x2x128xi32, #tpu.memory_space<vmem>> -> memref<1x1x128xi32, #tpu.memory_space<vmem>>
        %dma_start3A_217 = tpu.memref_squeeze %dma_start3A_216 : memref<1x1x128xi32, #tpu.memory_space<vmem>> -> memref<128xi32, #tpu.memory_space<vmem>>
        %dma_start3A_218 = arith.constant 0 : i32
        %dma_start3A_219 = arith.constant 0 : i32
        %dma_start3A_220 = tpu.memref_slice %arg2[%dma_start3A_218, %dma_start3A_219] : memref<10000x128xf32, #tpu.memory_space<hbm>> -> memref<10000x128xf32, #tpu.memory_space<hbm>>
        tpu.enqueue_indirect_dma source(%dma_start3A_220 : memref<10000x128xf32, #tpu.memory_space<hbm>>) target(%arg8 : memref<128x128xf32, #tpu.memory_space<vmem>>) offsets(%dma_start3A_217 : memref<128xi32, #tpu.memory_space<vmem>>) semaphore(%arg12 : memref<!tpu.dma_semaphore, #tpu.memory_space<semaphore_mem>>)
        %dma_wait3A_221 = arith.constant 6 : i32
        %dma_wait3A_222 = arith.constant 0 : i32
        %dma_wait3A_223 = arith.constant 0 : i32
        %dma_wait3A_224 = tpu.memref_slice %arg6[%dma_wait3A_221, %dma_wait3A_222, %dma_wait3A_223] : memref<8x2x128xi32, #tpu.memory_space<vmem>> -> memref<1x1x128xi32, #tpu.memory_space<vmem>>
        %dma_wait3A_225 = tpu.memref_squeeze %dma_wait3A_224 : memref<1x1x128xi32, #tpu.memory_space<vmem>> -> memref<128xi32, #tpu.memory_space<vmem>>
        %dma_wait3A_226 = arith.constant 0 : i32
        %dma_wait3A_227 = arith.constant 0 : i32
        %dma_wait3A_228 = tpu.memref_slice %arg2[%dma_wait3A_226, %dma_wait3A_227] : memref<10000x128xf32, #tpu.memory_space<hbm>> -> memref<10000x128xf32, #tpu.memory_space<hbm>>
        tpu.wait_indirect_dma semaphore(%arg11 : memref<!tpu.dma_semaphore, #tpu.memory_space<semaphore_mem>>) src(%dma_wait3A_228 : memref<10000x128xf32, #tpu.memory_space<hbm>>) dst(%arg7 : memref<128x128xf32, #tpu.memory_space<vmem>>)
        %run_scoped3A_229 = arith.constant 6 : i32
        %run_scoped3A_230 = arith.constant 1 : i32
        "tpu.region"() ({
          %run_scoped3A_241 = tpu.sem_alloc : memref<!tpu.dma_semaphore, #tpu.memory_space<semaphore_mem>>
          %dma_start3A_242 = arith.constant 0 : i32
          %dma_start3A_243 = tpu.memref_slice %arg6[%run_scoped3A_229, %run_scoped3A_230, %dma_start3A_242] : memref<8x2x128xi32, #tpu.memory_space<vmem>> -> memref<1x1x128xi32, #tpu.memory_space<vmem>>
          %dma_start3A_244 = tpu.memref_squeeze %dma_start3A_243 : memref<1x1x128xi32, #tpu.memory_space<vmem>> -> memref<128xi32, #tpu.memory_space<vmem>>
          %dma_start3A_245 = arith.constant 0 : i32
          %dma_start3A_246 = arith.constant 0 : i32
          %dma_start3A_247 = tpu.memref_slice %arg13[%dma_start3A_245, %dma_start3A_246] : memref<10112x128xf32, #tpu.memory_space<vmem_shared>> -> memref<10112x128xf32, #tpu.memory_space<vmem_shared>>
          tpu.enqueue_indirect_dma source(%arg7 : memref<128x128xf32, #tpu.memory_space<vmem>>) target(%dma_start3A_247 : memref<10112x128xf32, #tpu.memory_space<vmem_shared>>) offsets(%dma_start3A_244 : memref<128xi32, #tpu.memory_space<vmem>>) semaphore(%run_scoped3A_241 : memref<!tpu.dma_semaphore, #tpu.memory_space<semaphore_mem>>) {add = true}
          %dma_wait3A_248 = arith.constant 0 : i32
          %dma_wait3A_249 = tpu.memref_slice %arg6[%run_scoped3A_229, %run_scoped3A_230, %dma_wait3A_248] : memref<8x2x128xi32, #tpu.memory_space<vmem>> -> memref<1x1x128xi32, #tpu.memory_space<vmem>>
          %dma_wait3A_250 = tpu.memref_squeeze %dma_wait3A_249 : memref<1x1x128xi32, #tpu.memory_space<vmem>> -> memref<128xi32, #tpu.memory_space<vmem>>
          %dma_wait3A_251 = arith.constant 0 : i32
          %dma_wait3A_252 = arith.constant 0 : i32
          %dma_wait3A_253 = tpu.memref_slice %arg13[%dma_wait3A_251, %dma_wait3A_252] : memref<10112x128xf32, #tpu.memory_space<vmem_shared>> -> memref<10112x128xf32, #tpu.memory_space<vmem_shared>>
          tpu.wait_indirect_dma semaphore(%run_scoped3A_241 : memref<!tpu.dma_semaphore, #tpu.memory_space<semaphore_mem>>) src(%arg7 : memref<128x128xf32, #tpu.memory_space<vmem>>) dst(%dma_wait3A_253 : memref<10112x128xf32, #tpu.memory_space<vmem_shared>>)
          tpu.yield
        }) : () -> ()
        %dma_wait3A_231 = arith.constant 7 : i32
        %dma_wait3A_232 = arith.constant 0 : i32
        %dma_wait3A_233 = arith.constant 0 : i32
        %dma_wait3A_234 = tpu.memref_slice %arg6[%dma_wait3A_231, %dma_wait3A_232, %dma_wait3A_233] : memref<8x2x128xi32, #tpu.memory_space<vmem>> -> memref<1x1x128xi32, #tpu.memory_space<vmem>>
        %dma_wait3A_235 = tpu.memref_squeeze %dma_wait3A_234 : memref<1x1x128xi32, #tpu.memory_space<vmem>> -> memref<128xi32, #tpu.memory_space<vmem>>
        %dma_wait3A_236 = arith.constant 0 : i32
        %dma_wait3A_237 = arith.constant 0 : i32
        %dma_wait3A_238 = tpu.memref_slice %arg2[%dma_wait3A_236, %dma_wait3A_237] : memref<10000x128xf32, #tpu.memory_space<hbm>> -> memref<10000x128xf32, #tpu.memory_space<hbm>>
        tpu.wait_indirect_dma semaphore(%arg12 : memref<!tpu.dma_semaphore, #tpu.memory_space<semaphore_mem>>) src(%dma_wait3A_238 : memref<10000x128xf32, #tpu.memory_space<hbm>>) dst(%arg8 : memref<128x128xf32, #tpu.memory_space<vmem>>)
        %run_scoped3A_239 = arith.constant 7 : i32
        %run_scoped3A_240 = arith.constant 1 : i32
        "tpu.region"() ({
          %run_scoped3A_241 = tpu.sem_alloc : memref<!tpu.dma_semaphore, #tpu.memory_space<semaphore_mem>>
          %dma_start3A_242 = arith.constant 0 : i32
          %dma_start3A_243 = tpu.memref_slice %arg6[%run_scoped3A_239, %run_scoped3A_240, %dma_start3A_242] : memref<8x2x128xi32, #tpu.memory_space<vmem>> -> memref<1x1x128xi32, #tpu.memory_space<vmem>>
          %dma_start3A_244 = tpu.memref_squeeze %dma_start3A_243 : memref<1x1x128xi32, #tpu.memory_space<vmem>> -> memref<128xi32, #tpu.memory_space<vmem>>
          %dma_start3A_245 = arith.constant 0 : i32
          %dma_start3A_246 = arith.constant 0 : i32
          %dma_start3A_247 = tpu.memref_slice %arg13[%dma_start3A_245, %dma_start3A_246] : memref<10112x128xf32, #tpu.memory_space<vmem_shared>> -> memref<10112x128xf32, #tpu.memory_space<vmem_shared>>
          tpu.enqueue_indirect_dma source(%arg8 : memref<128x128xf32, #tpu.memory_space<vmem>>) target(%dma_start3A_247 : memref<10112x128xf32, #tpu.memory_space<vmem_shared>>) offsets(%dma_start3A_244 : memref<128xi32, #tpu.memory_space<vmem>>) semaphore(%run_scoped3A_241 : memref<!tpu.dma_semaphore, #tpu.memory_space<semaphore_mem>>) {add = true}
          %dma_wait3A_248 = arith.constant 0 : i32
          %dma_wait3A_249 = tpu.memref_slice %arg6[%run_scoped3A_239, %run_scoped3A_240, %dma_wait3A_248] : memref<8x2x128xi32, #tpu.memory_space<vmem>> -> memref<1x1x128xi32, #tpu.memory_space<vmem>>
          %dma_wait3A_250 = tpu.memref_squeeze %dma_wait3A_249 : memref<1x1x128xi32, #tpu.memory_space<vmem>> -> memref<128xi32, #tpu.memory_space<vmem>>
          %dma_wait3A_251 = arith.constant 0 : i32
          %dma_wait3A_252 = arith.constant 0 : i32
          %dma_wait3A_253 = tpu.memref_slice %arg13[%dma_wait3A_251, %dma_wait3A_252] : memref<10112x128xf32, #tpu.memory_space<vmem_shared>> -> memref<10112x128xf32, #tpu.memory_space<vmem_shared>>
          tpu.wait_indirect_dma semaphore(%run_scoped3A_241 : memref<!tpu.dma_semaphore, #tpu.memory_space<semaphore_mem>>) src(%arg8 : memref<128x128xf32, #tpu.memory_space<vmem>>) dst(%dma_wait3A_253 : memref<10112x128xf32, #tpu.memory_space<vmem_shared>>)
          tpu.yield
        }) : () -> ()
      } else {
      }
    }
    %barrier3A_40 = arith.constant 0 : index
    tpu.barrier barrier_id(%barrier3A_40)
    %mul3A_41 = arith.constant 632 : i32
    %mul3A_42 = arith.muli %arg1, %mul3A_41 : i32
    %mul3A_43 = arith.constant 632 : i32
    %mul3A_44 = arith.muli %arg1, %mul3A_43 : i32
    "tpu.region"() ({
      %run_scoped3A = tpu.sem_alloc : memref<!tpu.dma_semaphore, #tpu.memory_space<semaphore_mem>>
      %dma_start3A = arith.constant 0 : i32
      %dma_start3A_45 = tpu.memref_slice %arg4[%arg0, %mul3A_44, %dma_start3A] : memref<2x10112x128xf32, #tpu.memory_space<hbm>> -> memref<1x632x128xf32, #tpu.memory_space<hbm>>
      %dma_start3A_46 = tpu.memref_squeeze %dma_start3A_45 : memref<1x632x128xf32, #tpu.memory_space<hbm>> -> memref<632x128xf32, #tpu.memory_space<hbm>>
      %dma_start3A_47 = arith.constant 0 : i32
      %dma_start3A_48 = tpu.memref_slice %arg13[%mul3A_42, %dma_start3A_47] : memref<10112x128xf32, #tpu.memory_space<vmem_shared>> -> memref<632x128xf32, #tpu.memory_space<vmem_shared>>
      tpu.enqueue_dma source(%dma_start3A_48 : memref<632x128xf32, #tpu.memory_space<vmem_shared>>) target(%dma_start3A_46 : memref<632x128xf32, #tpu.memory_space<hbm>>) target_semaphore(%run_scoped3A : memref<!tpu.dma_semaphore, #tpu.memory_space<semaphore_mem>>)
      %dma_wait3A = arith.constant 0 : i32
      %dma_wait3A_49 = tpu.memref_slice %arg4[%arg0, %mul3A_44, %dma_wait3A] : memref<2x10112x128xf32, #tpu.memory_space<hbm>> -> memref<1x632x128xf32, #tpu.memory_space<hbm>>
      %dma_wait3A_50 = tpu.memref_squeeze %dma_wait3A_49 : memref<1x632x128xf32, #tpu.memory_space<hbm>> -> memref<632x128xf32, #tpu.memory_space<hbm>>
      %dma_wait3A_51 = arith.constant 0 : i32
      %dma_wait3A_52 = tpu.memref_slice %arg13[%mul3A_42, %dma_wait3A_51] : memref<10112x128xf32, #tpu.memory_space<vmem_shared>> -> memref<632x128xf32, #tpu.memory_space<vmem_shared>>
      tpu.wait_dma2 semaphore(%run_scoped3A : memref<!tpu.dma_semaphore, #tpu.memory_space<semaphore_mem>>) src(%dma_wait3A_52 : memref<632x128xf32, #tpu.memory_space<vmem_shared>>) dst(%dma_wait3A_50 : memref<632x128xf32, #tpu.memory_space<hbm>>)
      tpu.yield
    }) : () -> ()
    return
  }
}

module attributes {stable_mosaic.version = 14 : i64} {
  func.func @_dense0_body(%arg0: i32, %arg1: memref<2000x128xf32, #tpu.memory_space<vmem>>, %arg2: memref<128x128xf32, #tpu.memory_space<vmem>>, %arg3: memref<1x128xf32, #tpu.memory_space<vmem>>, %arg4: memref<2000x128xf32, #tpu.memory_space<vmem>>) attributes {dimension_semantics = [#tpu.dimension_semantics<arbitrary>], iteration_bounds = array<i64: 5>, scalar_prefetch = 0 : i64, scratch_operands = 0 : i64, tpu.core_type = #tpu.core_type<tc>, window_params = [{transform_indices = @transform_0, window_bounds = array<i64: 2000, 128>}, {pipeline_mode = #tpu.pipeline_mode<synchronous>, transform_indices = @transform_1, window_bounds = array<i64: 128, 128>}, {pipeline_mode = #tpu.pipeline_mode<synchronous>, transform_indices = @transform_2, window_bounds = array<i64: 1, 128>}, {transform_indices = @transform_3, window_bounds = array<i64: 2000, 128>}]} {
    %get3A = arith.constant 0 : index
    %get3A_0 = arith.constant 0 : index
    %get3A_1 = vector.load %arg1[%get3A, %get3A_0] : memref<2000x128xf32, #tpu.memory_space<vmem>>, vector<2000x128xf32>
    %get3A_2 = arith.constant 0 : index
    %get3A_3 = arith.constant 0 : index
    %get3A_4 = vector.load %arg2[%get3A_2, %get3A_3] : memref<128x128xf32, #tpu.memory_space<vmem>>, vector<128x128xf32>
    %dot_general3A = arith.constant dense<0.000000e+00> : vector<2000x128xf32>
    %dot_general3A_5 = tpu.matmul %get3A_1, %get3A_4, %dot_general3A {dimension_numbers = #tpu.dot_dimension_numbers<[1], [0], [0], [1], [0, 0, 1, 1], [], []>, transpose_lhs_hint = false} : vector<2000x128xf32>, vector<128x128xf32>, vector<2000x128xf32> -> vector<2000x128xf32>
    %get3A_6 = arith.constant 0 : index
    %get3A_7 = arith.constant 0 : index
    %get3A_8 = vector.load %arg3[%get3A_6, %get3A_7] : memref<1x128xf32, #tpu.memory_space<vmem>>, vector<1x128xf32>
    %add3A = vector.broadcast %get3A_8 : vector<1x128xf32> to vector<2000x128xf32>
    %add3A_9 = arith.addf %dot_general3A_5, %add3A : vector<2000x128xf32>
    %swap3A = arith.constant 0 : index
    %swap3A_10 = arith.constant 0 : index
    %swap3A_11 = vector.load %arg4[%swap3A, %swap3A_10] : memref<2000x128xf32, #tpu.memory_space<vmem>>, vector<2000x128xf32>
    tpu.vector_store %arg4[%swap3A, %swap3A_10], %add3A_9 {strides = array<i32>} : memref<2000x128xf32, #tpu.memory_space<vmem>>, vector<2000x128xf32>,
    return
  }
  func.func @transform_0(%arg0: i32) -> (i32, i32) {
    %c0_i32 = arith.constant 0 : i32
    %c0_i32_0 = arith.constant 0 : i32
    return %arg0, %c0_i32 : i32, i32
  }
  func.func @transform_1(%arg0: i32) -> (i32, i32) {
    %c0_i32 = arith.constant 0 : i32
    %c0_i32_0 = arith.constant 0 : i32
    %c0_i32_1 = arith.constant 0 : i32
    return %c0_i32, %c0_i32_0 : i32, i32
  }
  func.func @transform_2(%arg0: i32) -> (i32, i32) {
    %c0_i32 = arith.constant 0 : i32
    %c0_i32_0 = arith.constant 0 : i32
    %c0_i32_1 = arith.constant 0 : i32
    return %c0_i32, %c0_i32_0 : i32, i32
  }
  func.func @transform_3(%arg0: i32) -> (i32, i32) {
    %c0_i32 = arith.constant 0 : i32
    %c0_i32_0 = arith.constant 0 : i32
    return %arg0, %c0_i32 : i32, i32
  }
}

module attributes {stable_mosaic.version = 14 : i64} {
  func.func @_layer_a_body(%arg0: i32, %arg1: memref<2000x128xf32, #tpu.memory_space<vmem>>, %arg2: memref<2000x128xf32, #tpu.memory_space<vmem>>, %arg3: memref<2000x128xf32, #tpu.memory_space<vmem>>, %arg4: memref<128x128xf32, #tpu.memory_space<vmem>>, %arg5: memref<128x128xf32, #tpu.memory_space<vmem>>, %arg6: memref<1x128xf32, #tpu.memory_space<vmem>>, %arg7: memref<2000x128xf32, #tpu.memory_space<vmem>>, %arg8: memref<8x128xf32, #tpu.memory_space<vmem>>, %arg9: memref<8x128xf32, #tpu.memory_space<vmem>>) attributes {dimension_semantics = [#tpu.dimension_semantics<arbitrary>], iteration_bounds = array<i64: 5>, scalar_prefetch = 0 : i64, scratch_operands = 0 : i64, tpu.core_type = #tpu.core_type<tc>, window_params = [{transform_indices = @transform_0, window_bounds = array<i64: 2000, 128>}, {transform_indices = @transform_1, window_bounds = array<i64: 2000, 128>}, {transform_indices = @transform_2, window_bounds = array<i64: 2000, 128>}, {pipeline_mode = #tpu.pipeline_mode<synchronous>, transform_indices = @transform_3, window_bounds = array<i64: 128, 128>}, {pipeline_mode = #tpu.pipeline_mode<synchronous>, transform_indices = @transform_4, window_bounds = array<i64: 128, 128>}, {pipeline_mode = #tpu.pipeline_mode<synchronous>, transform_indices = @transform_5, window_bounds = array<i64: 1, 128>}, {transform_indices = @transform_6, window_bounds = array<i64: 2000, 128>}, {pipeline_mode = #tpu.pipeline_mode<synchronous>, transform_indices = @transform_7, window_bounds = array<i64: 8, 128>}, {pipeline_mode = #tpu.pipeline_mode<synchronous>, transform_indices = @transform_8, window_bounds = array<i64: 8, 128>}]} {
    %get3A = arith.constant 0 : index
    %get3A_0 = arith.constant 0 : index
    %get3A_1 = vector.load %arg1[%get3A, %get3A_0] : memref<2000x128xf32, #tpu.memory_space<vmem>>, vector<2000x128xf32>
    %get3A_2 = arith.constant 0 : index
    %get3A_3 = arith.constant 0 : index
    %get3A_4 = vector.load %arg2[%get3A_2, %get3A_3] : memref<2000x128xf32, #tpu.memory_space<vmem>>, vector<2000x128xf32>
    %add3A = arith.addf %get3A_1, %get3A_4 : vector<2000x128xf32>
    %get3A_5 = arith.constant 0 : index
    %get3A_6 = arith.constant 0 : index
    %get3A_7 = vector.load %arg3[%get3A_5, %get3A_6] : memref<2000x128xf32, #tpu.memory_space<vmem>>, vector<2000x128xf32>
    %get3A_8 = arith.constant 0 : index
    %get3A_9 = arith.constant 0 : index
    %get3A_10 = vector.load %arg4[%get3A_8, %get3A_9] : memref<128x128xf32, #tpu.memory_space<vmem>>, vector<128x128xf32>
    %dot_general3A = arith.constant dense<0.000000e+00> : vector<2000x128xf32>
    %dot_general3A_11 = tpu.matmul %add3A, %get3A_10, %dot_general3A {dimension_numbers = #tpu.dot_dimension_numbers<[1], [0], [0], [1], [0, 0, 1, 1], [], []>, transpose_lhs_hint = false} : vector<2000x128xf32>, vector<128x128xf32>, vector<2000x128xf32> -> vector<2000x128xf32>
    %get3A_12 = arith.constant 0 : index
    %get3A_13 = arith.constant 0 : index
    %get3A_14 = vector.load %arg5[%get3A_12, %get3A_13] : memref<128x128xf32, #tpu.memory_space<vmem>>, vector<128x128xf32>
    %dot_general3A_15 = arith.constant dense<0.000000e+00> : vector<2000x128xf32>
    %dot_general3A_16 = tpu.matmul %get3A_7, %get3A_14, %dot_general3A_15 {dimension_numbers = #tpu.dot_dimension_numbers<[1], [0], [0], [1], [0, 0, 1, 1], [], []>, transpose_lhs_hint = false} : vector<2000x128xf32>, vector<128x128xf32>, vector<2000x128xf32> -> vector<2000x128xf32>
    %add3A_17 = arith.addf %dot_general3A_11, %dot_general3A_16 : vector<2000x128xf32>
    %add3A_18 = arith.addf %add3A_17, %get3A_7 : vector<2000x128xf32>
    %get3A_19 = arith.constant 0 : index
    %get3A_20 = arith.constant 0 : index
    %get3A_21 = vector.load %arg6[%get3A_19, %get3A_20] : memref<1x128xf32, #tpu.memory_space<vmem>>, vector<1x128xf32>
    %add3A_22 = vector.broadcast %get3A_21 : vector<1x128xf32> to vector<2000x128xf32>
    %add3A_23 = arith.addf %add3A_18, %add3A_22 : vector<2000x128xf32>
    %swap3A = arith.constant 0 : index
    %swap3A_24 = arith.constant 0 : index
    %swap3A_25 = vector.load %arg7[%swap3A, %swap3A_24] : memref<2000x128xf32, #tpu.memory_space<vmem>>, vector<2000x128xf32>
    tpu.vector_store %arg7[%swap3A, %swap3A_24], %add3A_23 {strides = array<i32>} : memref<2000x128xf32, #tpu.memory_space<vmem>>, vector<2000x128xf32>,
    %eq3A = arith.constant 0 : i32
    %eq3A_26 = arith.cmpi eq, %arg0, %eq3A : i32
    %convert_element_type3A = arith.extui %eq3A_26 : i1 to i32
    %cond3A = arith.constant 0 : i32
    %cond3A_27 = arith.cmpi ne, %convert_element_type3A, %cond3A : i32
    scf.if %cond3A_27 {
      %broadcast_in_dim3A_48 = arith.constant 0.000000e+00 : f32
      %broadcast_in_dim3A_49 = vector.broadcast %broadcast_in_dim3A_48 : f32 to vector<8x128xf32>
      %swap3A_50 = arith.constant 0 : index
      %swap3A_51 = arith.constant 0 : index
      %swap3A_52 = vector.load %arg8[%swap3A_50, %swap3A_51] : memref<8x128xf32, #tpu.memory_space<vmem>>, vector<8x128xf32>
      tpu.vector_store %arg8[%swap3A_50, %swap3A_51], %broadcast_in_dim3A_49 {strides = array<i32>} : memref<8x128xf32, #tpu.memory_space<vmem>>, vector<8x128xf32>,
      %broadcast_in_dim3A_53 = arith.constant 0.000000e+00 : f32
      %broadcast_in_dim3A_54 = vector.broadcast %broadcast_in_dim3A_53 : f32 to vector<8x128xf32>
      %swap3A_55 = arith.constant 0 : index
      %swap3A_56 = arith.constant 0 : index
      %swap3A_57 = vector.load %arg9[%swap3A_55, %swap3A_56] : memref<8x128xf32, #tpu.memory_space<vmem>>, vector<8x128xf32>
      tpu.vector_store %arg9[%swap3A_55, %swap3A_56], %broadcast_in_dim3A_54 {strides = array<i32>} : memref<8x128xf32, #tpu.memory_space<vmem>>, vector<8x128xf32>,
    } else {
    }
    %get3A_28 = arith.constant 0 : index
    %get3A_29 = arith.constant 0 : index
    %get3A_30 = vector.load %arg8[%get3A_28, %get3A_29] : memref<8x128xf32, #tpu.memory_space<vmem>>, vector<8x128xf32>
    %reduce_sum3A = arith.constant dense<0.000000e+00> : vector<128xf32>
    %reduce_sum3A_31 = vector.multi_reduction <add>, %add3A_23, %reduce_sum3A [0] : vector<2000x128xf32> to vector<128xf32>
    %broadcast_in_dim3A = vector.shape_cast %reduce_sum3A_31 : vector<128xf32> to vector<1x128xf32>
    %broadcast_in_dim3A_32 = vector.broadcast %broadcast_in_dim3A : vector<1x128xf32> to vector<8x128xf32>
    %add3A_33 = arith.addf %get3A_30, %broadcast_in_dim3A_32 : vector<8x128xf32>
    %swap3A_34 = arith.constant 0 : index
    %swap3A_35 = arith.constant 0 : index
    %swap3A_36 = vector.load %arg8[%swap3A_34, %swap3A_35] : memref<8x128xf32, #tpu.memory_space<vmem>>, vector<8x128xf32>
    tpu.vector_store %arg8[%swap3A_34, %swap3A_35], %add3A_33 {strides = array<i32>} : memref<8x128xf32, #tpu.memory_space<vmem>>, vector<8x128xf32>,
    %get3A_37 = arith.constant 0 : index
    %get3A_38 = arith.constant 0 : index
    %get3A_39 = vector.load %arg9[%get3A_37, %get3A_38] : memref<8x128xf32, #tpu.memory_space<vmem>>, vector<8x128xf32>
    %mul3A = arith.mulf %add3A_23, %add3A_23 : vector<2000x128xf32>
    %reduce_sum3A_40 = arith.constant dense<0.000000e+00> : vector<128xf32>
    %reduce_sum3A_41 = vector.multi_reduction <add>, %mul3A, %reduce_sum3A_40 [0] : vector<2000x128xf32> to vector<128xf32>
    %broadcast_in_dim3A_42 = vector.shape_cast %reduce_sum3A_41 : vector<128xf32> to vector<1x128xf32>
    %broadcast_in_dim3A_43 = vector.broadcast %broadcast_in_dim3A_42 : vector<1x128xf32> to vector<8x128xf32>
    %add3A_44 = arith.addf %get3A_39, %broadcast_in_dim3A_43 : vector<8x128xf32>
    %swap3A_45 = arith.constant 0 : index
    %swap3A_46 = arith.constant 0 : index
    %swap3A_47 = vector.load %arg9[%swap3A_45, %swap3A_46] : memref<8x128xf32, #tpu.memory_space<vmem>>, vector<8x128xf32>
    tpu.vector_store %arg9[%swap3A_45, %swap3A_46], %add3A_44 {strides = array<i32>} : memref<8x128xf32, #tpu.memory_space<vmem>>, vector<8x128xf32>,
    return
  }
  func.func @transform_0(%arg0: i32) -> (i32, i32) {
    %c0_i32 = arith.constant 0 : i32
    %c0_i32_0 = arith.constant 0 : i32
    return %arg0, %c0_i32 : i32, i32
  }
  func.func @transform_1(%arg0: i32) -> (i32, i32) {
    %c0_i32 = arith.constant 0 : i32
    %c0_i32_0 = arith.constant 0 : i32
    return %arg0, %c0_i32 : i32, i32
  }
  func.func @transform_2(%arg0: i32) -> (i32, i32) {
    %c0_i32 = arith.constant 0 : i32
    %c0_i32_0 = arith.constant 0 : i32
    return %arg0, %c0_i32 : i32, i32
  }
  func.func @transform_3(%arg0: i32) -> (i32, i32) {
    %c0_i32 = arith.constant 0 : i32
    %c0_i32_0 = arith.constant 0 : i32
    %c0_i32_1 = arith.constant 0 : i32
    return %c0_i32, %c0_i32_0 : i32, i32
  }
  func.func @transform_4(%arg0: i32) -> (i32, i32) {
    %c0_i32 = arith.constant 0 : i32
    %c0_i32_0 = arith.constant 0 : i32
    %c0_i32_1 = arith.constant 0 : i32
    return %c0_i32, %c0_i32_0 : i32, i32
  }
  func.func @transform_5(%arg0: i32) -> (i32, i32) {
    %c0_i32 = arith.constant 0 : i32
    %c0_i32_0 = arith.constant 0 : i32
    %c0_i32_1 = arith.constant 0 : i32
    return %c0_i32, %c0_i32_0 : i32, i32
  }
  func.func @transform_6(%arg0: i32) -> (i32, i32) {
    %c0_i32 = arith.constant 0 : i32
    %c0_i32_0 = arith.constant 0 : i32
    return %arg0, %c0_i32 : i32, i32
  }
  func.func @transform_7(%arg0: i32) -> (i32, i32) {
    %c0_i32 = arith.constant 0 : i32
    %c0_i32_0 = arith.constant 0 : i32
    %c0_i32_1 = arith.constant 0 : i32
    return %c0_i32, %c0_i32_0 : i32, i32
  }
  func.func @transform_8(%arg0: i32) -> (i32, i32) {
    %c0_i32 = arith.constant 0 : i32
    %c0_i32_0 = arith.constant 0 : i32
    %c0_i32_1 = arith.constant 0 : i32
    return %c0_i32, %c0_i32_0 : i32, i32
  }
}

module attributes {stable_mosaic.version = 14 : i64} {
  func.func @_layer_b_body(%arg0: i32, %arg1: memref<2000x128xf32, #tpu.memory_space<vmem>>, %arg2: memref<8x128xf32, #tpu.memory_space<vmem>>, %arg3: memref<8x128xf32, #tpu.memory_space<vmem>>, %arg4: memref<1x128xf32, #tpu.memory_space<vmem>>, %arg5: memref<1x128xf32, #tpu.memory_space<vmem>>, %arg6: memref<2000x128xf32, #tpu.memory_space<vmem>>) attributes {dimension_semantics = [#tpu.dimension_semantics<arbitrary>], iteration_bounds = array<i64: 5>, scalar_prefetch = 0 : i64, scratch_operands = 0 : i64, tpu.core_type = #tpu.core_type<tc>, window_params = [{transform_indices = @transform_0, window_bounds = array<i64: 2000, 128>}, {pipeline_mode = #tpu.pipeline_mode<synchronous>, transform_indices = @transform_1, window_bounds = array<i64: 8, 128>}, {pipeline_mode = #tpu.pipeline_mode<synchronous>, transform_indices = @transform_2, window_bounds = array<i64: 8, 128>}, {pipeline_mode = #tpu.pipeline_mode<synchronous>, transform_indices = @transform_3, window_bounds = array<i64: 1, 128>}, {pipeline_mode = #tpu.pipeline_mode<synchronous>, transform_indices = @transform_4, window_bounds = array<i64: 1, 128>}, {transform_indices = @transform_5, window_bounds = array<i64: 2000, 128>}]} {
    %get3A = arith.constant 0 : index
    %get3A_0 = arith.constant 0 : index
    %get3A_1 = vector.load %arg2[%get3A, %get3A_0] : memref<8x128xf32, #tpu.memory_space<vmem>>, vector<1x128xf32>
    %mul3A = arith.constant 9.99999974E-5 : f32
    %mul3A_2 = vector.broadcast %mul3A : f32 to vector<1x128xf32>
    %mul3A_3 = arith.mulf %get3A_1, %mul3A_2 : vector<1x128xf32>
    %get3A_4 = arith.constant 0 : index
    %get3A_5 = arith.constant 0 : index
    %get3A_6 = vector.load %arg3[%get3A_4, %get3A_5] : memref<8x128xf32, #tpu.memory_space<vmem>>, vector<1x128xf32>
    %mul3A_7 = arith.constant 9.99999974E-5 : f32
    %mul3A_8 = vector.broadcast %mul3A_7 : f32 to vector<1x128xf32>
    %mul3A_9 = arith.mulf %get3A_6, %mul3A_8 : vector<1x128xf32>
    %mul3A_10 = arith.mulf %mul3A_3, %mul3A_3 : vector<1x128xf32>
    %sub3A = arith.subf %mul3A_9, %mul3A_10 : vector<1x128xf32>
    %add3A = arith.constant 9.99999974E-6 : f32
    %add3A_11 = vector.broadcast %add3A : f32 to vector<1x128xf32>
    %add3A_12 = arith.addf %sub3A, %add3A_11 : vector<1x128xf32>
    %rsqrt3A = math.rsqrt %add3A_12 : vector<1x128xf32>
    %get3A_13 = arith.constant 0 : index
    %get3A_14 = arith.constant 0 : index
    %get3A_15 = vector.load %arg4[%get3A_13, %get3A_14] : memref<1x128xf32, #tpu.memory_space<vmem>>, vector<1x128xf32>
    %get3A_16 = arith.constant 0 : index
    %get3A_17 = arith.constant 0 : index
    %get3A_18 = vector.load %arg1[%get3A_16, %get3A_17] : memref<2000x128xf32, #tpu.memory_space<vmem>>, vector<2000x128xf32>
    %sub3A_19 = vector.broadcast %mul3A_3 : vector<1x128xf32> to vector<2000x128xf32>
    %sub3A_20 = arith.subf %get3A_18, %sub3A_19 : vector<2000x128xf32>
    %mul3A_21 = vector.broadcast %rsqrt3A : vector<1x128xf32> to vector<2000x128xf32>
    %mul3A_22 = arith.mulf %sub3A_20, %mul3A_21 : vector<2000x128xf32>
    %mul3A_23 = vector.broadcast %get3A_15 : vector<1x128xf32> to vector<2000x128xf32>
    %mul3A_24 = arith.mulf %mul3A_23, %mul3A_22 : vector<2000x128xf32>
    %get3A_25 = arith.constant 0 : index
    %get3A_26 = arith.constant 0 : index
    %get3A_27 = vector.load %arg5[%get3A_25, %get3A_26] : memref<1x128xf32, #tpu.memory_space<vmem>>, vector<1x128xf32>
    %add3A_28 = vector.broadcast %get3A_27 : vector<1x128xf32> to vector<2000x128xf32>
    %add3A_29 = arith.addf %mul3A_24, %add3A_28 : vector<2000x128xf32>
    %max3A = arith.constant 0.000000e+00 : f32
    %max3A_30 = vector.broadcast %max3A : f32 to vector<2000x128xf32>
    %max3A_31 = arith.maximumf %add3A_29, %max3A_30 : vector<2000x128xf32>
    %swap3A = arith.constant 0 : index
    %swap3A_32 = arith.constant 0 : index
    %swap3A_33 = vector.load %arg6[%swap3A, %swap3A_32] : memref<2000x128xf32, #tpu.memory_space<vmem>>, vector<2000x128xf32>
    tpu.vector_store %arg6[%swap3A, %swap3A_32], %max3A_31 {strides = array<i32>} : memref<2000x128xf32, #tpu.memory_space<vmem>>, vector<2000x128xf32>,
    return
  }
  func.func @transform_0(%arg0: i32) -> (i32, i32) {
    %c0_i32 = arith.constant 0 : i32
    %c0_i32_0 = arith.constant 0 : i32
    return %arg0, %c0_i32 : i32, i32
  }
  func.func @transform_1(%arg0: i32) -> (i32, i32) {
    %c0_i32 = arith.constant 0 : i32
    %c0_i32_0 = arith.constant 0 : i32
    %c0_i32_1 = arith.constant 0 : i32
    return %c0_i32, %c0_i32_0 : i32, i32
  }
  func.func @transform_2(%arg0: i32) -> (i32, i32) {
    %c0_i32 = arith.constant 0 : i32
    %c0_i32_0 = arith.constant 0 : i32
    %c0_i32_1 = arith.constant 0 : i32
    return %c0_i32, %c0_i32_0 : i32, i32
  }
  func.func @transform_3(%arg0: i32) -> (i32, i32) {
    %c0_i32 = arith.constant 0 : i32
    %c0_i32_0 = arith.constant 0 : i32
    %c0_i32_1 = arith.constant 0 : i32
    return %c0_i32, %c0_i32_0 : i32, i32
  }
  func.func @transform_4(%arg0: i32) -> (i32, i32) {
    %c0_i32 = arith.constant 0 : i32
    %c0_i32_0 = arith.constant 0 : i32
    %c0_i32_1 = arith.constant 0 : i32
    return %c0_i32, %c0_i32_0 : i32, i32
  }
  func.func @transform_5(%arg0: i32) -> (i32, i32) {
    %c0_i32 = arith.constant 0 : i32
    %c0_i32_0 = arith.constant 0 : i32
    return %arg0, %c0_i32 : i32, i32
  }
}

module attributes {stable_mosaic.version = 14 : i64} {
  func.func @_layer_b_body(%arg0: i32, %arg1: memref<2000x128xf32, #tpu.memory_space<vmem>>, %arg2: memref<8x128xf32, #tpu.memory_space<vmem>>, %arg3: memref<8x128xf32, #tpu.memory_space<vmem>>, %arg4: memref<1x128xf32, #tpu.memory_space<vmem>>, %arg5: memref<1x128xf32, #tpu.memory_space<vmem>>, %arg6: memref<2000x128xf32, #tpu.memory_space<vmem>>) attributes {dimension_semantics = [#tpu.dimension_semantics<arbitrary>], iteration_bounds = array<i64: 5>, scalar_prefetch = 0 : i64, scratch_operands = 0 : i64, tpu.core_type = #tpu.core_type<tc>, window_params = [{transform_indices = @transform_0, window_bounds = array<i64: 2000, 128>}, {pipeline_mode = #tpu.pipeline_mode<synchronous>, transform_indices = @transform_1, window_bounds = array<i64: 8, 128>}, {pipeline_mode = #tpu.pipeline_mode<synchronous>, transform_indices = @transform_2, window_bounds = array<i64: 8, 128>}, {pipeline_mode = #tpu.pipeline_mode<synchronous>, transform_indices = @transform_3, window_bounds = array<i64: 1, 128>}, {pipeline_mode = #tpu.pipeline_mode<synchronous>, transform_indices = @transform_4, window_bounds = array<i64: 1, 128>}, {transform_indices = @transform_5, window_bounds = array<i64: 2000, 128>}]} {
    %get3A = arith.constant 0 : index
    %get3A_0 = arith.constant 0 : index
    %get3A_1 = vector.load %arg2[%get3A, %get3A_0] : memref<8x128xf32, #tpu.memory_space<vmem>>, vector<1x128xf32>
    %mul3A = arith.constant 9.99999974E-5 : f32
    %mul3A_2 = vector.broadcast %mul3A : f32 to vector<1x128xf32>
    %mul3A_3 = arith.mulf %get3A_1, %mul3A_2 : vector<1x128xf32>
    %get3A_4 = arith.constant 0 : index
    %get3A_5 = arith.constant 0 : index
    %get3A_6 = vector.load %arg3[%get3A_4, %get3A_5] : memref<8x128xf32, #tpu.memory_space<vmem>>, vector<1x128xf32>
    %mul3A_7 = arith.constant 9.99999974E-5 : f32
    %mul3A_8 = vector.broadcast %mul3A_7 : f32 to vector<1x128xf32>
    %mul3A_9 = arith.mulf %get3A_6, %mul3A_8 : vector<1x128xf32>
    %mul3A_10 = arith.mulf %mul3A_3, %mul3A_3 : vector<1x128xf32>
    %sub3A = arith.subf %mul3A_9, %mul3A_10 : vector<1x128xf32>
    %add3A = arith.constant 9.99999974E-6 : f32
    %add3A_11 = vector.broadcast %add3A : f32 to vector<1x128xf32>
    %add3A_12 = arith.addf %sub3A, %add3A_11 : vector<1x128xf32>
    %rsqrt3A = math.rsqrt %add3A_12 : vector<1x128xf32>
    %get3A_13 = arith.constant 0 : index
    %get3A_14 = arith.constant 0 : index
    %get3A_15 = vector.load %arg4[%get3A_13, %get3A_14] : memref<1x128xf32, #tpu.memory_space<vmem>>, vector<1x128xf32>
    %get3A_16 = arith.constant 0 : index
    %get3A_17 = arith.constant 0 : index
    %get3A_18 = vector.load %arg1[%get3A_16, %get3A_17] : memref<2000x128xf32, #tpu.memory_space<vmem>>, vector<2000x128xf32>
    %sub3A_19 = vector.broadcast %mul3A_3 : vector<1x128xf32> to vector<2000x128xf32>
    %sub3A_20 = arith.subf %get3A_18, %sub3A_19 : vector<2000x128xf32>
    %mul3A_21 = vector.broadcast %rsqrt3A : vector<1x128xf32> to vector<2000x128xf32>
    %mul3A_22 = arith.mulf %sub3A_20, %mul3A_21 : vector<2000x128xf32>
    %mul3A_23 = vector.broadcast %get3A_15 : vector<1x128xf32> to vector<2000x128xf32>
    %mul3A_24 = arith.mulf %mul3A_23, %mul3A_22 : vector<2000x128xf32>
    %get3A_25 = arith.constant 0 : index
    %get3A_26 = arith.constant 0 : index
    %get3A_27 = vector.load %arg5[%get3A_25, %get3A_26] : memref<1x128xf32, #tpu.memory_space<vmem>>, vector<1x128xf32>
    %add3A_28 = vector.broadcast %get3A_27 : vector<1x128xf32> to vector<2000x128xf32>
    %add3A_29 = arith.addf %mul3A_24, %add3A_28 : vector<2000x128xf32>
    %swap3A = arith.constant 0 : index
    %swap3A_30 = arith.constant 0 : index
    %swap3A_31 = vector.load %arg6[%swap3A, %swap3A_30] : memref<2000x128xf32, #tpu.memory_space<vmem>>, vector<2000x128xf32>
    tpu.vector_store %arg6[%swap3A, %swap3A_30], %add3A_29 {strides = array<i32>} : memref<2000x128xf32, #tpu.memory_space<vmem>>, vector<2000x128xf32>,
    return
  }
  func.func @transform_0(%arg0: i32) -> (i32, i32) {
    %c0_i32 = arith.constant 0 : i32
    %c0_i32_0 = arith.constant 0 : i32
    return %arg0, %c0_i32 : i32, i32
  }
  func.func @transform_1(%arg0: i32) -> (i32, i32) {
    %c0_i32 = arith.constant 0 : i32
    %c0_i32_0 = arith.constant 0 : i32
    %c0_i32_1 = arith.constant 0 : i32
    return %c0_i32, %c0_i32_0 : i32, i32
  }
  func.func @transform_2(%arg0: i32) -> (i32, i32) {
    %c0_i32 = arith.constant 0 : i32
    %c0_i32_0 = arith.constant 0 : i32
    %c0_i32_1 = arith.constant 0 : i32
    return %c0_i32, %c0_i32_0 : i32, i32
  }
  func.func @transform_3(%arg0: i32) -> (i32, i32) {
    %c0_i32 = arith.constant 0 : i32
    %c0_i32_0 = arith.constant 0 : i32
    %c0_i32_1 = arith.constant 0 : i32
    return %c0_i32, %c0_i32_0 : i32, i32
  }
  func.func @transform_4(%arg0: i32) -> (i32, i32) {
    %c0_i32 = arith.constant 0 : i32
    %c0_i32_0 = arith.constant 0 : i32
    %c0_i32_1 = arith.constant 0 : i32
    return %c0_i32, %c0_i32_0 : i32, i32
  }
  func.func @transform_5(%arg0: i32) -> (i32, i32) {
    %c0_i32 = arith.constant 0 : i32
    %c0_i32_0 = arith.constant 0 : i32
    return %arg0, %c0_i32 : i32, i32
  }
}

</mosaic_0001>

<sc_bundles>
// kernel: kernel.12.cloned.1.call-start
scs
__scs_entry_jumppad:
0x0: {  	(pc) =	sbr.rel $0x88, $3  }
0x1: {  	(tag) =	ssettag $0x0;
	lr =	simm.s32 $0x1  }
0x2: {  	[smem:$0x3F92] =	sst lr;
	_ =	strace $0xD0000000  }
0x3: {  	_ = 	snop  }
0x4: {  	_ = 	snop  }
0x5: {  	_ = 	snop  }
0x6: {  	_ = 	snop  }
0x7: {  	_ = 	snop  }
__scs_overlays_trampoline_lowered:
0x8: {  	[smem:$0x3FA1] =	sst s0  }
0x9: {  	[smem:$0x3FA2] =	sst s1  }
0xa: {  	[smem:$0x3FA3] =	sst s2  }
0xb: {  	[smem:$0x3FA4] =	sst s3  }
0xc: {  	[smem:$0x3FA5] =	sst s4  }
0xd: {  	[smem:$0x3FA6] =	sst s5  }
0xe: {  	[smem:$0x3FA7] =	sst s6  }
0xf: {  	[smem:$0x3FA8] =	sst s7  }
0x10: {  	[smem:$0x3FA9] =	sst s8  }
0x11: {  	[smem:$0x3FAA] =	sst s9;
	s0 =	simm.s32 @!p0 $0x0  }
0x12: {  	s1 =	sld [smem:$0x3F90];
	s0 =	simm.s32 @p0 $0x1  }
0x13: {  	[smem:$0x3FAB] =	sst s0;
	s0 =	simm.s32 @!p1 $0x0  }
0x14: {  	s2 =	sld [smem:$0x3F8F];
	s0 =	simm.s32 @p1 $0x1  }
0x15: {  	[smem:$0x3FAC] =	sst s0;
	s0 =	simm.s32 @!p2 $0x0  }
0x16: {  	s3 =	sld [smem:$0x3FDB];
	s0 =	simm.s32 @p2 $0x1  }
0x17: {  	s4 =	simm.s32 $0x1BF5;
	[smem:$0x3FAE] =	sst s0  }
0x18: {  	s0 =	sld [smem:$0x3F91];
	_ =	swait.ge [sflag:s4], $0x0  }
0x19: {  	s7 =	sld [smem:$0x3F92]  }
0x1a: {  	s8 =	sadd.s32 $0xFFFFE003, lr  }
0x1b: {  	s9 =	sadd.s32 $0xFFFFFEF7, lr;
	s5 =	simm.s32 $0xFFFFFFFF;
	p2 =	slt.u32 s8, $0xFFFFF086  }
0x1c: {  	p1 =	slt.u32 s9, $0xF7A;
	s5 =	simm.s32 @!p2 $0x0  }
0x1d: {  	s5 =	simm.s32 @p1 $0x1;
	p0 =	seq.s32 s7, s2  }
0x1e: {  	s7 =	smul.u32 @!p0 $0xF7A, s2;
	p2 =	seq.s32 @!p0 s5, $0x0  }
0x1f: {  	s9 =	smul.u32 $0xF7A, s1;
	s8 =	simm.s32 @!p0 $0x1BF5;
	p2 =	por !p2, p0  }
0x20: {  	[sflag:s8] =	ssyncset.s32 @!p0 $0xFFFFF086;
	s6 =	sadd.s32 @!p0 s3, s7;
	s7 =	simm.s32 @!p0 $0x108  }
0x21: {  	s3 =	sadd.s32 s3, s9;
	s6 =	sadd.s32 @!p0 $0x88, s6;
	s7 =	simm.s32 @p2 $0x1082  }
0x22: {  	[simem:s7], [sflag:s8] =	dma.local @!p0 [hbm:s6], $0xF7A  }
0x23: {  	s9 =	sor.u32 $0xD0000000, s2;
	s6 =	simm.s32 $0x108;
	_ =	swait.ge @!p0 [sflag:s8], $0x0  }
0x24: {  	s3 =	sadd.s32 $0x88, s3;
	s6 =	simm.s32 @!p1 $0x1082;
	[sflag:s4] =	ssyncset.s32 $0xFFFFF086  }
0x25: {  	[simem:s6], [sflag:s4] =	dma.local [hbm:s3], $0xF7A  }
0x26: {  	[smem:$0x3F92] =	sst s1;
	(tag) =	ssettag s2;
	_ =	strace s9  }
0x27: {  	s1 =	sld [smem:$0x3FA2]  }
0x28: {  	s2 =	sld [smem:$0x3FA3]  }
0x29: {  	s4 =	sld [smem:$0x3FA5]  }
0x2a: {  	p0 =	seq.s32 s5, $0x0;
	s5 =	sld [smem:$0x3FA6]  }
0x2b: {  	s6 =	sld [smem:$0x3FA7]  }
0x2c: {  	s7 =	sld [smem:$0x3FA8]  }
0x2d: {  	s3 =	simm.s32 $0x108;
	s8 =	sld [smem:$0x3FA9]  }
0x2e: {  	s3 =	simm.s32 @!p0 $0x1082;
	s9 =	sld [smem:$0x3FAA]  }
0x2f: {  	lr =	sadd.s32 s0, s3;
	s0 =	sld [smem:$0x3FA1]  }
0x30: {  	s3 =	sld [smem:$0x3FA4]  }
0x31: {  	[smem:$0x3FAD] =	sst s10  }
0x32: {  	s10 =	sld [smem:$0x3FAB];
	_ =	sdelay $0x3  }
0x33: {  	p0 =	seq.s32 s10, $0x1;
	s10 =	sld [smem:$0x3FAD];
	_ =	sdelay $0x3  }
0x34: {  	[smem:$0x3FAD] =	sst s10  }
0x35: {  	s10 =	sld [smem:$0x3FAC];
	_ =	sdelay $0x3  }
0x36: {  	p1 =	seq.s32 s10, $0x1;
	s10 =	sld [smem:$0x3FAD];
	_ =	sdelay $0x3  }
0x37: {  	[smem:$0x3FAD] =	sst s10  }
0x38: {  	s10 =	sld [smem:$0x3FAE]  }
0x39: {  	_ = 	snop;
	(pc) =	sbr.ind lr, $3  }
0x3a: {  	_ = 	snop  }
0x3b: {  	_ = 	snop  }
0x3c: {  	p2 =	seq.s32 s10, $0x1;
	s10 =	sld [smem:$0x3FAD]  }
0x3d: {  	_ =	shalt  }
0x3e: {  	_ =	shalt  }
0x3f: {  	_ =	shalt  }
0x40: {  	_ =	shalt  }
0x41: {  	_ =	shalt  }
0x42: {  	_ =	shalt  }
0x43: {  	_ =	shalt  }
0x44: {  	_ =	shalt  }
0x45: {  	_ =	shalt  }
0x46: {  	_ =	shalt  }
0x47: {  	_ =	shalt  }
0x48: {  	_ =	shalt  }
0x49: {  	_ =	shalt  }
0x4a: {  	_ =	shalt  }
0x4b: {  	_ =	shalt  }
0x4c: {  	_ =	shalt  }
0x4d: {  	_ =	shalt  }
0x4e: {  	_ =	shalt  }
0x4f: {  	_ =	shalt  }
0x50: {  	_ =	shalt  }
0x51: {  	_ =	shalt  }
0x52: {  	_ =	shalt  }
0x53: {  	_ =	shalt  }
0x54: {  	_ =	shalt  }
0x55: {  	_ =	shalt  }
0x56: {  	_ =	shalt  }
0x57: {  	_ =	shalt  }
0x58: {  	_ =	shalt  }
0x59: {  	_ =	shalt  }
0x5a: {  	_ =	shalt  }
0x5b: {  	_ =	shalt  }
0x5c: {  	_ =	shalt  }
0x5d: {  	_ =	shalt  }
0x5e: {  	_ =	shalt  }
0x5f: {  	_ =	shalt  }
0x60: {  	_ =	shalt  }
0x61: {  	_ =	shalt  }
0x62: {  	_ =	shalt  }
0x63: {  	_ =	shalt  }
0x64: {  	_ =	shalt  }
0x65: {  	_ =	shalt  }
0x66: {  	_ =	shalt  }
0x67: {  	_ =	shalt  }
0x68: {  	_ =	shalt  }
0x69: {  	_ =	shalt  }
0x6a: {  	_ =	shalt  }
0x6b: {  	_ =	shalt  }
0x6c: {  	_ =	shalt  }
0x6d: {  	_ =	shalt  }
0x6e: {  	_ =	shalt  }
0x6f: {  	_ =	shalt  }
0x70: {  	_ =	shalt  }
0x71: {  	_ =	shalt  }
0x72: {  	_ =	shalt  }
0x73: {  	_ =	shalt  }
0x74: {  	_ =	shalt  }
0x75: {  	_ =	shalt  }
0x76: {  	_ =	shalt  }
0x77: {  	_ =	shalt  }
0x78: {  	_ =	shalt  }
0x79: {  	_ =	shalt  }
0x7a: {  	_ =	shalt  }
0x7b: {  	_ =	shalt  }
0x7c: {  	_ =	shalt  }
0x7d: {  	_ =	shalt  }
0x7e: {  	_ =	shalt  }
0x7f: {  	_ =	shalt  }
0x80: {  	_ =	shalt  }
0x81: {  	_ =	shalt  }
0x82: {  	_ =	shalt  }
0x83: {  	_ =	shalt  }
0x84: {  	_ =	shalt  }
0x85: {  	_ =	shalt  }
0x86: {  	_ =	shalt  }
0x87: {  	_ =	shalt  }
.Lfunc_end0:
.L_simem_size_0:
called_computation.1_lowered:
.L_overlay_start_0:
0x88: {  	s2 =	sld [smem:$0x3FD9]  }
0x89: {  	s3 =	sld [smem:$0x3FFE];
	_ =	sdelay $0x1  }
0x8a: {  	s1 =	srdreg.scid  }
0x8b: {  	s0 =	sand.u32 $0x1, s1  }
0x8c: {  	s17 =	sshll.u32 s0, $0xA;
	s2 =	sadd.s32 s3, s2  }
0x8d: {  	s2 =	sadd.s32 s2, s17  }
0x8e: {  	[smem:$0x3FB9] =	sst s2  }
0x8f: {  	_ = 	snop  }
0x90: {  	s2 =	sld [smem:$0x3FD0];
	(tm) =	ssettm $0x1  }
0x91: {  	s18 =	sld [smem:$0x3FFB];
	_ =	sdelay $0x3  }
0x92: {  	_ =	strace s18  }
0x93: {  	s3 =	sld [smem:$0x3FFC];
	_ =	sdelay $0x3  }
0x94: {  	_ =	strace s3  }
0x95: {  	s3 =	sld [smem:$0x3FFD];
	_ =	sdelay $0x3  }
0x96: {  	_ =	strace s3  }
0x97: {  	_ =	strace $0x8FFFFFFF  }
0x98: {  	s19 =	sld [smem:$0x3FDB];
	_ =	sdelay $0x1  }
0x99: {  	s4 =	simm.s32 $_scs_section_size  }
0x9a: {  	s5 =	simm.s32 $_size__tile_overlayer_lowered;
	s6 =	simm.s32 $_tile_overlayer_lowered  }
0x9b: {  	s22 =	simm.s32 $0x1BFF;
	s21 =	sshll.u32 s6, $0x1;
	s3 =	sadd.s32 s4, s19  }
0x9c: {  	s7 =	simm.s32 $0x0;
	s20 =	sshll.u32 s5, $0x1;
	s5 =	sadd.s32 s21, s3  }
0x9d: {  	[timem:s7], [sflag:s22] =	dma.local [hbm:s5], s20  }
0x9e: {  	_ =	swait.ge [sflag:s22], s20  }
0x9f: {  	s4 =	ssub.s32 $0x0, s20;
	[sflag:s22] =	ssyncset.done $0x0  }
0xa0: {  	[sflag:s22] =	ssyncadd.s32 s4;
	_ =	sdelay $0x1  }
0xa1: {  	s23 =	simm.s32 $0x1B8B  }
0xa2: {  	_ =	swait.ge [sflag:s23], $0x1  }
0xa3: {  	[sflag:s23] =	ssyncset.done $0x0  }
0xa4: {  	s25 =	simm.s32 $0x1B8E;
	s24 =	sld [smem:$0x3FFE];
	[sflag:s23] =	ssyncadd.s32 $0xFFFFFFFF  }
0xa5: {  	s26 =	simm.s32 $execute0_lowered;
	[smem:$0x3FD2] =	sst s25  }
0xa6: {  	s5 =	sshll.u32 s26, $0x1;
	_ =	strace $0x80000049;
	[dreg:$0x1] =	wrdreg $0xFFFFFFFF  }
0xa7: {  	s28 =	simm.s32 $_size_execute0_lowered;
	s3 =	sadd.s32 s3, s5;
	[dreg:$0x0] =	wrdreg $0x0  }
0xa8: {  	s5 =	sshll.u32 s28, $0x1;
	[dreg:$0x2] =	wrdreg s3  }
0xa9: {  	[dreg:$0x3] =	wrdreg s5  }
0xaa: {  	[dreg:$0x4] =	wrdreg $0xC0  }
0xab: {  	_ =	task [dreg:s7], $0x5FFFF  }
0xac: {  	[dreg:$0x1] =	wrdreg $0xFFFFFFFF  }
0xad: {  	[dreg:$0x0] =	wrdreg $0x60  }
0xae: {  	[dreg:$0x2] =	wrdreg s2  }
0xaf: {  	[dreg:$0x3] =	wrdreg s24  }
0xb0: {  	[dreg:$0x4] =	wrdreg $0x90000  }
0xb1: {  	[dreg:$0x5] =	wrdreg $0x9  }
0xb2: {  	_ =	task.clear_ibuf [dreg:s7], $0x6FFFF;
	_ =	strace $0x90000049  }
0xb3: {  	s29 =	simm.s32 $0x9;
	_ =	strace $0x8000004B  }
0xb4: {  	_ =	swait.ge [sflag:s29], $0x1  }
0xb5: {  	[sflag:s29] =	ssyncadd.s32 $0xFFFFFFFF  }
0xb6: {  	_ =	strace $0x9000004B  }
0xb7: {  	_ =	sfence  }
0xb8: {  	s30 =	sld [smem:$0x0];
	_ =	sdelay $0x2  }
0xb9: {  	s31 =	sshll.u32 s1, $0xD;
	s1 =	sshrl.u32 s1, $0x2  }
0xba: {  	s3 =	sand.u32 $0x4000, s31;
	s1 =	sadd.s32 s1, s30  }
0xbb: {  	s0 =	sor.u32 s3, s0;
	s1 =	sshll.u32 s1, $0x11  }
0xbc: {  	s0 =	sor.u32 s1, s0  }
0xbd: {  	s0 =	sadd.s32 $0x8F2B, s0  }
0xbe: {  	[sflag:s0] =	ssyncadd.remote.s32 $0x1  }
0xbf: {  	_ =	sfence.sel $0xFFFF  }
0xc0: {  	[dreg:$0x0] =	wrdreg $0xFFFFFFFF;
	(pc) =	sbr.abs _section_cstart, $3  }
0xc1: {  	[dreg:$0x1] =	wrdreg $0xFFFFFFFF  }
0xc2: {  	_ =	task.clear_ibuf [dreg:s7], $0x2FFFF;
	_ =	strace $0x9FFFFFFF  }
0xc3: {  	(tm) =	ssettm $0x7FFFFFFF  }
tec
execute0_lowered:
.L_overlay_start_1:
0x0: {  	(tag) =	ssettag $0x1  }
0x1: {  	s0 =	rddreg [dreg:$0x0]  }
0x2: {  	s1 =	rddreg [dreg:$0x1]  }
0x3: {  	s2 =	srdreg.scid;
	s3 =	rddreg [dreg:$0x2]  }
0x4: {  	s10 =	stileid.u32;
	s6 =	simm.s32 $0x0;
	s16 =	simm.s32 $0x1000  }
0x5: {  	s17 =	simm.s32 $0x5;
	s18 =	simm.s32 $0x1;
	s14 =	simm.s32 $0x2  }
0x6: {  	s28 =	simm.s32 $0xA80;
	s29 =	simm.s32 $0xC00;
	s30 =	simm.s32 $0xB80  }
0x7: {  	s31 =	simm.s32 $0xD00;
	s11 =	simm.s32 $0xF80;
	s5 =	smul.u32 $0x13C00, s10  }
0x8: {  	s2 =	sand.u32 $0x1, s2;
	[smem:$0x7FF] =	sst s6;
	s9 =	smul.u32 $0x4F000, s10  }
0x9: {  	s6 =	simm.s32 $0x10;
	s4 =	smul.u32 $0x13C000, s2;
	_ =	strace $0x8000004A  }
0xa: {  	s19 =	ssub.s32 $0x2, s2;
	s8 =	sshll.u32 s2, $0x4;
	p0 =	seq.s32 s2, $0x0  }
0xb: {  	s7 =	sshrl.u32 s19, $0x1;
	s21 =	sor.u32 s10, s8;
	s22 =	sshrl.u32 s9, $0x2  }
0xc: {  	s6 =	simm.s32 @!p0 $0x4;
	s9 =	simm.s32 $0xF00;
	s10 =	simm.s32 $0xE80  }
0xd: {  	s4 =	sadd.s32 s5, s4;
	s5 =	sadd.s32 $0x71E00, s1;
	s20 =	ssub.s32 s19, s7  }
0xe: {  	s8 =	sshll.u32 s21, $0xC;
	s2 =	sadd.s32 s22, s3;
	s13 =	sshll.u32 s21, $0xF  }
0xf: {  	s19 =	simm.s32 $0x80;
	s8 =	sadd.s32 s5, s8;
	[dreg:$0x4] =	wrdreg s2  }
0x10: {  	s21 =	simm.s32 $0x5000;
	s23 =	sadd.s32 $0x4000, s2;
	[dreg:$0x5] =	wrdreg s8  }
0x11: {  	s22 =	simm.s32 $0x3;
	s24 =	sadd.s32 $0x8000, s2;
	[dreg:$0x6] =	wrdreg s23  }
0x12: {  	s7 =	simm.s32 $0x0;
	s25 =	sadd.s32 $0xC000, s2;
	[dreg:$0x7] =	wrdreg s24  }
0x13: {  	s4 =	sshrl.u32 s4, $0x3;
	s2 =	sadd.s32 $0x10000, s2;
	[dreg:$0x8] =	wrdreg s25  }
.Ltmp0:
0x14: {  	s26 =	smax.u32 s20, $0x1;
	[dreg:$0x9] =	wrdreg s2;
	(pc) =	sbr.rel .LBB2_1-.Ltmp0, $4  }
0x15: {  	s20 =	simm.s32 $0xA00;
	s1 =	sadd.s32 s4, s1;
	[dreg:$0xb] =	wrdreg s26  }
0x16: {  	s23 =	simm.s32 $0x6;
	s25 =	simm.s32 $0x4;
	s24 =	simm.s32 $0x980  }
0x17: {  	s26 =	simm.s32 $0xB00;
	s2 =	simm.s32 $0xE00;
	s1 =	sadd.s32 $0x2E00, s1  }
0x18: {  	v0 =	vimm.f32 $0.0e+00;
	s8 =	simm.s32 $0xD80;
	[dreg:$0xa] =	wrdreg s1;
	s1 =	simm.s32 $0xC80  }
.LBB2_8:
0x19: {  	s4 =	stileid.u32;
	[bflag:$0x0] =	sbarrier.arrive $0xFFFF  }
0x1a: {  	s4 =	sshll.u32 s4, $0x6;
	s7 =	rddreg [dreg:$0x4]  }
0x1b: {  	s12 =	rddreg [dreg:$0xa];
	s4 =	sor.u32 $0x1C05, s4;
	s7 =	sshrl.u32 s7, $0x3  }
0x1c: {  	[hbm:s12], [sflag:s4] =	dma.local [spmem:s7], $0x2780  }
0x1d: {  	_ =	swait.ge [sflag:s17], $0x2780  }
0x1e: {  	s12 =	rddreg [dreg:$0xc]  }
0x1f: {  	s15 =	rddreg [dreg:$0xb];
	s7 =	sadd.s32 $0x1, s12  }
0x20: {  	p0 =	sne.s32 s7, s15  }
.Ltmp1:
0x21: {  	_ = 	snop;
	(pc) =	sbr.rel @!p0 .LBB2_9-.Ltmp1, $3  }
0x22: {  	_ =	sdelay $0x1  }
0x23: {  	[sflag:s17] =	ssyncset.done $0x0  }
0x24: {  	[sflag:s17] =	ssyncadd.s32 $0xFFFFD880  }
.LBB2_1:
0x25: {  	s4 =	simm.s32 $0x0;
	s15 =	rddreg [dreg:$0x5]  }
0x26: {  	[tilespmem:s4], [sflag:$0x1] =	stream.linear.gather [hbm4b:s15+s4], $0x800, $0x38;
	[tilespmem:$0x1CC00] =	vst v63  }
0x27: {  	[dreg:$0xc] =	wrdreg s7;
	s12 =	simm.s32 $0x0;
	s15 =	simm.s32 $0x200  }
.LBB2_2:
0x28: {  	p0 =	sne.s32 s15, $0xFE00;
	[tilespmem:s12+$0x1070] =	vst v0  }
0x29: {  	[tilespmem:s12+$0x1000] =	vst v0  }
0x2a: {  	[tilespmem:s12+$0x1010] =	vst v0  }
.Ltmp2:
0x2b: {  	[tilespmem:s12+$0x1020] =	vst v0;
	(pc) =	sbr.rel @p0 .LBB2_2-.Ltmp2, $4  }
0x2c: {  	[tilespmem:s12+$0x1030] =	vst v0  }
0x2d: {  	[tilespmem:s12+$0x1040] =	vst v0  }
0x2e: {  	[tilespmem:s12+$0x1050] =	vst v0  }
0x2f: {  	[tilespmem:s12+$0x1060] =	vst v0;
	s12 =	sshra.s32 s15, $0x2;
	s15 =	sadd.s32 $0x200, s15  }
0x30: {  	[tilespmem:s12+$0x1070] =	vst v0  }
0x31: {  	[tilespmem:s12+$0x1000] =	vst v0  }
0x32: {  	[tilespmem:s12+$0x1010] =	vst v0  }
0x33: {  	[tilespmem:s12+$0x1020] =	vst v0  }
0x34: {  	[tilespmem:s12+$0x1030] =	vst v0  }
0x35: {  	[tilespmem:s12+$0x1040] =	vst v0  }
0x36: {  	[tilespmem:s12+$0x1050] =	vst v0  }
0x37: {  	[tilespmem:s12+$0x1060] =	vst v0;
	s4 =	rddreg [dreg:$0x4]  }
0x38: {  	[spmem:s4] =	stream.linear.scatter [tilespmem:s16], [sflag:$0x5], $0x4000, $0x38;
	[tilespmem:$0x1CC00] =	vst v63  }
0x39: {  	_ =	swait.ge [sflag:s17], $0x4000  }
0x3a: {  	[sflag:s17] =	ssyncset.done $0x0  }
0x3b: {  	s15 =	rddreg [dreg:$0x6];
	[sflag:s17] =	ssyncadd.s32 $0xFFFFC000  }
0x3c: {  	[spmem:s15] =	stream.linear.scatter [tilespmem:s16], [sflag:$0x5], $0x4000, $0x38;
	[tilespmem:$0x1CC00] =	vst v63  }
0x3d: {  	_ =	swait.ge [sflag:s17], $0x4000  }
0x3e: {  	[sflag:s17] =	ssyncset.done $0x0  }
0x3f: {  	s7 =	rddreg [dreg:$0x7];
	[sflag:s17] =	ssyncadd.s32 $0xFFFFC000  }
0x40: {  	[spmem:s7] =	stream.linear.scatter [tilespmem:s16], [sflag:$0x5], $0x4000, $0x38;
	[tilespmem:$0x1CC00] =	vst v63  }
0x41: {  	_ =	swait.ge [sflag:s17], $0x4000  }
0x42: {  	[sflag:s17] =	ssyncset.done $0x0  }
0x43: {  	s12 =	rddreg [dreg:$0x8];
	[sflag:s17] =	ssyncadd.s32 $0xFFFFC000  }
0x44: {  	[spmem:s12] =	stream.linear.scatter [tilespmem:s16], [sflag:$0x5], $0x4000, $0x38;
	[tilespmem:$0x1CC00] =	vst v63  }
0x45: {  	_ =	swait.ge [sflag:s17], $0x4000  }
0x46: {  	[sflag:s17] =	ssyncset.done $0x0  }
0x47: {  	s15 =	rddreg [dreg:$0x9];
	[sflag:s17] =	ssyncadd.s32 $0xFFFFC000  }
0x48: {  	[spmem:s15] =	stream.linear.scatter [tilespmem:s16], [sflag:$0x5], $0x3C00, $0x38;
	[tilespmem:$0x1CC00] =	vst v63  }
.Ltmp3:
0x49: {  	_ =	swait.ge [sflag:s17], $0x3C00;
	(pc) =	sbr.rel .LBB2_4-.Ltmp3, $4  }
0x4a: {  	[sflag:s17] =	ssyncset.done $0x0  }
0x4b: {  	[sflag:s17] =	ssyncadd.s32 $0xFFFFC400  }
0x4c: {  	[bflag:$0x0] =	sbarrier.arrive $0xFFFF  }
0x4d: {  	s12 =	simm.s32 $0x0  }
.LBB2_6:
0x4e: {  	s12 =	sadd.s32 $0x1, s12  }
0x4f: {  	p0 =	sge.u32 s12, s6  }
0x50: {  	s4 =	sshll.u32 @!p0 s12, $0xB  }
0x51: {  	_ =	swait.ge [sflag:s14], $0x800;
	s4 =	sadd.s32 @!p0 s13, s4  }
0x52: {  	[sflag:s14] =	ssyncset.done $0x0;
	s4 =	sshrl.u32 @!p0 s4, $0x3  }
0x53: {  	[sflag:s14] =	ssyncadd.s32 $0xFFFFF800;
	s7 =	simm.s32 @!p0 $0x0;
	s4 =	sadd.s32 @!p0 s5, s4  }
0x54: {  	[tilespmem:s7], [sflag:$0x1] =	stream.linear.gather @!p0 [hbm4b:s4+s7], $0x800, $0x38;
	[tilespmem:$0x1CC00] =	vst v63  }
0x55: {  	s15 =	simm.s32 $0x800  }
0x56: {  	[tilespmem:s16], [sflag:$0x3] =	stream.indirect.gather [hbm4b:s0+s19], $0x80, s15, s19, $0xb8;
	[tilespmem:$0x1CC00] =	vst v63  }
0x57: {  	s7 =	simm.s32 $0x900  }
0x58: {  	[tilespmem:s21], [sflag:$0x4] =	stream.indirect.gather [hbm4b:s0+s19], $0x80, s7, s19, $0xb8;
	[tilespmem:$0x1CC00] =	vst v63  }
0x59: {  	_ =	swait.ge [sflag:s22], $0x4000  }
0x5a: {  	[sflag:s22] =	ssyncset.done $0x0  }
0x5b: {  	s15 =	simm.s32 $0x880;
	[sflag:s22] =	ssyncadd.s32 $0xFFFFC000  }
0x5c: {  	[spmem:s3] =	stream.indirect.scatter.add.f32 [tilespmem:s16], [sflag:$0x6], $0x80, s15, s19, $0xb8;
	[tilespmem:$0x1CC00] =	vst v63  }
0x5d: {  	_ =	swait.ge [sflag:s23], $0x4000  }
0x5e: {  	[sflag:s23] =	ssyncset.done $0x0  }
0x5f: {  	[sflag:s23] =	ssyncadd.s32 $0xFFFFC000  }
0x60: {  	[tilespmem:s16], [sflag:$0x3] =	stream.indirect.gather [hbm4b:s0+s19], $0x80, s20, s19, $0xb8;
	[tilespmem:$0x1CC00] =	vst v63  }
0x61: {  	_ =	swait.ge [sflag:s25], $0x4000  }
0x62: {  	[sflag:s25] =	ssyncset.done $0x0  }
0x63: {  	[sflag:s25] =	ssyncadd.s32 $0xFFFFC000  }
0x64: {  	[spmem:s3] =	stream.indirect.scatter.add.f32 [tilespmem:s21], [sflag:$0x6], $0x80, s24, s19, $0xb8;
	[tilespmem:$0x1CC00] =	vst v63  }
0x65: {  	_ =	swait.ge [sflag:s23], $0x4000  }
0x66: {  	[sflag:s23] =	ssyncset.done $0x0  }
0x67: {  	[sflag:s23] =	ssyncadd.s32 $0xFFFFC000  }
0x68: {  	[tilespmem:s21], [sflag:$0x4] =	stream.indirect.gather [hbm4b:s0+s19], $0x80, s26, s19, $0xb8;
	[tilespmem:$0x1CC00] =	vst v63  }
0x69: {  	_ =	swait.ge [sflag:s22], $0x4000  }
0x6a: {  	[sflag:s22] =	ssyncset.done $0x0  }
0x6b: {  	[sflag:s22] =	ssyncadd.s32 $0xFFFFC000  }
0x6c: {  	[spmem:s3] =	stream.indirect.scatter.add.f32 [tilespmem:s16], [sflag:$0x6], $0x80, s28, s19, $0xb8;
	[tilespmem:$0x1CC00] =	vst v63  }
0x6d: {  	_ =	swait.ge [sflag:s23], $0x4000  }
0x6e: {  	[sflag:s23] =	ssyncset.done $0x0  }
0x6f: {  	[sflag:s23] =	ssyncadd.s32 $0xFFFFC000  }
0x70: {  	[tilespmem:s16], [sflag:$0x3] =	stream.indirect.gather [hbm4b:s0+s19], $0x80, s29, s19, $0xb8;
	[tilespmem:$0x1CC00] =	vst v63  }
0x71: {  	_ =	swait.ge [sflag:s25], $0x4000  }
0x72: {  	[sflag:s25] =	ssyncset.done $0x0  }
0x73: {  	[sflag:s25] =	ssyncadd.s32 $0xFFFFC000  }
0x74: {  	[spmem:s3] =	stream.indirect.scatter.add.f32 [tilespmem:s21], [sflag:$0x6], $0x80, s30, s19, $0xb8;
	[tilespmem:$0x1CC00] =	vst v63  }
0x75: {  	_ =	swait.ge [sflag:s23], $0x4000  }
0x76: {  	[sflag:s23] =	ssyncset.done $0x0  }
0x77: {  	[sflag:s23] =	ssyncadd.s32 $0xFFFFC000  }
0x78: {  	[tilespmem:s21], [sflag:$0x4] =	stream.indirect.gather [hbm4b:s0+s19], $0x80, s31, s19, $0xb8;
	[tilespmem:$0x1CC00] =	vst v63  }
0x79: {  	_ =	swait.ge [sflag:s22], $0x4000  }
0x7a: {  	[sflag:s22] =	ssyncset.done $0x0  }
0x7b: {  	[sflag:s22] =	ssyncadd.s32 $0xFFFFC000  }
0x7c: {  	[spmem:s3] =	stream.indirect.scatter.add.f32 [tilespmem:s16], [sflag:$0x6], $0x80, s1, s19, $0xb8;
	[tilespmem:$0x1CC00] =	vst v63  }
0x7d: {  	_ =	swait.ge [sflag:s23], $0x4000  }
0x7e: {  	[sflag:s23] =	ssyncset.done $0x0  }
0x7f: {  	[sflag:s23] =	ssyncadd.s32 $0xFFFFC000  }
0x80: {  	[tilespmem:s16], [sflag:$0x3] =	stream.indirect.gather [hbm4b:s0+s19], $0x80, s2, s19, $0xb8;
	[tilespmem:$0x1CC00] =	vst v63  }
0x81: {  	_ =	swait.ge [sflag:s25], $0x4000  }
0x82: {  	[sflag:s25] =	ssyncset.done $0x0  }
0x83: {  	[sflag:s25] =	ssyncadd.s32 $0xFFFFC000  }
0x84: {  	[spmem:s3] =	stream.indirect.scatter.add.f32 [tilespmem:s21], [sflag:$0x6], $0x80, s8, s19, $0xb8;
	[tilespmem:$0x1CC00] =	vst v63  }
0x85: {  	_ =	swait.ge [sflag:s23], $0x4000  }
0x86: {  	[sflag:s23] =	ssyncset.done $0x0  }
0x87: {  	[sflag:s23] =	ssyncadd.s32 $0xFFFFC000  }
0x88: {  	[tilespmem:s21], [sflag:$0x4] =	stream.indirect.gather [hbm4b:s0+s19], $0x80, s9, s19, $0xb8;
	[tilespmem:$0x1CC00] =	vst v63  }
0x89: {  	_ =	swait.ge [sflag:s22], $0x4000  }
0x8a: {  	[sflag:s22] =	ssyncset.done $0x0  }
0x8b: {  	[sflag:s22] =	ssyncadd.s32 $0xFFFFC000  }
0x8c: {  	[spmem:s3] =	stream.indirect.scatter.add.f32 [tilespmem:s16], [sflag:$0x6], $0x80, s10, s19, $0xb8;
	[tilespmem:$0x1CC00] =	vst v63  }
0x8d: {  	_ =	swait.ge [sflag:s23], $0x4000  }
0x8e: {  	[sflag:s23] =	ssyncset.done $0x0  }
0x8f: {  	[sflag:s23] =	ssyncadd.s32 $0xFFFFC000  }
0x90: {  	_ =	swait.ge [sflag:s25], $0x4000  }
0x91: {  	[sflag:s25] =	ssyncset.done $0x0  }
0x92: {  	[sflag:s25] =	ssyncadd.s32 $0xFFFFC000  }
0x93: {  	[spmem:s3] =	stream.indirect.scatter.add.f32 [tilespmem:s21], [sflag:$0x5], $0x80, s11, s19, $0xb8;
	[tilespmem:$0x1CC00] =	vst v63  }
0x94: {  	_ =	swait.ge [sflag:s17], $0x4000  }
0x95: {  	[sflag:s17] =	ssyncset.done $0x0  }
0x96: {  	[sflag:s17] =	ssyncadd.s32 $0xFFFFC000  }
.LBB2_7:
0x97: {  	p0 =	sne.s32 s12, s6  }
.Ltmp4:
0x98: {  	_ = 	snop;
	(pc) =	sbr.rel @!p0 .LBB2_8-.Ltmp4, $1  }
0x99: {  	_ =	sdelay $0x3  }
.LBB2_4:
0x9a: {  	s15 =	sand.u32 $0x1, s12  }
0x9b: {  	p0 =	seq.s32 s15, $0x1  }
.Ltmp5:
0x9c: {  	_ = 	snop;
	(pc) =	sbr.rel @p0 .LBB2_6-.Ltmp5, $1  }
0x9d: {  	_ =	sdelay $0x3  }
0x9e: {  	s12 =	sor.u32 $0x1, s12  }
0x9f: {  	p0 =	sge.u32 s12, s6  }
0xa0: {  	_ =	swait.ge [sflag:s18], $0x800;
	s15 =	sshll.u32 @!p0 s12, $0xB  }
0xa1: {  	[sflag:s18] =	ssyncset.done $0x0;
	s15 =	sadd.s32 @!p0 s13, s15  }
0xa2: {  	[sflag:s18] =	ssyncadd.s32 $0xFFFFF800;
	s15 =	sshrl.u32 @!p0 s15, $0x3  }
0xa3: {  	s7 =	simm.s32 @!p0 $0x0;
	s4 =	simm.s32 @!p0 $0x800;
	s15 =	sadd.s32 @!p0 s5, s15  }
0xa4: {  	[tilespmem:s4], [sflag:$0x2] =	stream.linear.gather @!p0 [hbm4b:s15+s7], $0x800, $0x38;
	[tilespmem:$0x1CC00] =	vst v63  }
0xa5: {  	s15 =	simm.s32 $0x0  }
0xa6: {  	[tilespmem:s16], [sflag:$0x3] =	stream.indirect.gather [hbm4b:s0+s19], $0x80, s15, s19, $0xb8;
	[tilespmem:$0x1CC00] =	vst v63  }
0xa7: {  	s7 =	simm.s32 $0x100  }
0xa8: {  	[tilespmem:s21], [sflag:$0x4] =	stream.indirect.gather [hbm4b:s0+s19], $0x80, s7, s19, $0xb8;
	[tilespmem:$0x1CC00] =	vst v63  }
0xa9: {  	_ =	swait.ge [sflag:s22], $0x4000  }
0xaa: {  	[sflag:s22] =	ssyncset.done $0x0  }
0xab: {  	[sflag:s22] =	ssyncadd.s32 $0xFFFFC000  }
0xac: {  	[spmem:s3] =	stream.indirect.scatter.add.f32 [tilespmem:s16], [sflag:$0x6], $0x80, s19, s19, $0xb8;
	[tilespmem:$0x1CC00] =	vst v63  }
0xad: {  	_ =	swait.ge [sflag:s23], $0x4000  }
0xae: {  	[sflag:s23] =	ssyncset.done $0x0  }
0xaf: {  	s15 =	simm.s32 $0x200;
	[sflag:s23] =	ssyncadd.s32 $0xFFFFC000  }
0xb0: {  	[tilespmem:s16], [sflag:$0x3] =	stream.indirect.gather [hbm4b:s0+s19], $0x80, s15, s19, $0xb8;
	[tilespmem:$0x1CC00] =	vst v63  }
0xb1: {  	_ =	swait.ge [sflag:s25], $0x4000  }
0xb2: {  	[sflag:s25] =	ssyncset.done $0x0  }
0xb3: {  	s7 =	simm.s32 $0x180;
	[sflag:s25] =	ssyncadd.s32 $0xFFFFC000  }
0xb4: {  	[spmem:s3] =	stream.indirect.scatter.add.f32 [tilespmem:s21], [sflag:$0x6], $0x80, s7, s19, $0xb8;
	[tilespmem:$0x1CC00] =	vst v63  }
0xb5: {  	_ =	swait.ge [sflag:s23], $0x4000  }
0xb6: {  	[sflag:s23] =	ssyncset.done $0x0  }
0xb7: {  	s15 =	simm.s32 $0x300;
	[sflag:s23] =	ssyncadd.s32 $0xFFFFC000  }
0xb8: {  	[tilespmem:s21], [sflag:$0x4] =	stream.indirect.gather [hbm4b:s0+s19], $0x80, s15, s19, $0xb8;
	[tilespmem:$0x1CC00] =	vst v63  }
0xb9: {  	_ =	swait.ge [sflag:s22], $0x4000  }
0xba: {  	[sflag:s22] =	ssyncset.done $0x0  }
0xbb: {  	s7 =	simm.s32 $0x280;
	[sflag:s22] =	ssyncadd.s32 $0xFFFFC000  }
0xbc: {  	[spmem:s3] =	stream.indirect.scatter.add.f32 [tilespmem:s16], [sflag:$0x6], $0x80, s7, s19, $0xb8;
	[tilespmem:$0x1CC00] =	vst v63  }
0xbd: {  	_ =	swait.ge [sflag:s23], $0x4000  }
0xbe: {  	[sflag:s23] =	ssyncset.done $0x0  }
0xbf: {  	s15 =	simm.s32 $0x400;
	[sflag:s23] =	ssyncadd.s32 $0xFFFFC000  }
0xc0: {  	[tilespmem:s16], [sflag:$0x3] =	stream.indirect.gather [hbm4b:s0+s19], $0x80, s15, s19, $0xb8;
	[tilespmem:$0x1CC00] =	vst v63  }
0xc1: {  	_ =	swait.ge [sflag:s25], $0x4000  }
0xc2: {  	[sflag:s25] =	ssyncset.done $0x0  }
0xc3: {  	s7 =	simm.s32 $0x380;
	[sflag:s25] =	ssyncadd.s32 $0xFFFFC000  }
0xc4: {  	[spmem:s3] =	stream.indirect.scatter.add.f32 [tilespmem:s21], [sflag:$0x6], $0x80, s7, s19, $0xb8;
	[tilespmem:$0x1CC00] =	vst v63  }
0xc5: {  	_ =	swait.ge [sflag:s23], $0x4000  }
0xc6: {  	[sflag:s23] =	ssyncset.done $0x0  }
0xc7: {  	s15 =	simm.s32 $0x500;
	[sflag:s23] =	ssyncadd.s32 $0xFFFFC000  }
0xc8: {  	[tilespmem:s21], [sflag:$0x4] =	stream.indirect.gather [hbm4b:s0+s19], $0x80, s15, s19, $0xb8;
	[tilespmem:$0x1CC00] =	vst v63  }
0xc9: {  	_ =	swait.ge [sflag:s22], $0x4000  }
0xca: {  	[sflag:s22] =	ssyncset.done $0x0  }
0xcb: {  	s7 =	simm.s32 $0x480;
	[sflag:s22] =	ssyncadd.s32 $0xFFFFC000  }
0xcc: {  	[spmem:s3] =	stream.indirect.scatter.add.f32 [tilespmem:s16], [sflag:$0x6], $0x80, s7, s19, $0xb8;
	[tilespmem:$0x1CC00] =	vst v63  }
0xcd: {  	_ =	swait.ge [sflag:s23], $0x4000  }
0xce: {  	[sflag:s23] =	ssyncset.done $0x0  }
0xcf: {  	s15 =	simm.s32 $0x600;
	[sflag:s23] =	ssyncadd.s32 $0xFFFFC000  }
0xd0: {  	[tilespmem:s16], [sflag:$0x3] =	stream.indirect.gather [hbm4b:s0+s19], $0x80, s15, s19, $0xb8;
	[tilespmem:$0x1CC00] =	vst v63  }
0xd1: {  	_ =	swait.ge [sflag:s25], $0x4000  }
0xd2: {  	[sflag:s25] =	ssyncset.done $0x0  }
0xd3: {  	s7 =	simm.s32 $0x580;
	[sflag:s25] =	ssyncadd.s32 $0xFFFFC000  }
0xd4: {  	[spmem:s3] =	stream.indirect.scatter.add.f32 [tilespmem:s21], [sflag:$0x6], $0x80, s7, s19, $0xb8;
	[tilespmem:$0x1CC00] =	vst v63  }
0xd5: {  	_ =	swait.ge [sflag:s23], $0x4000  }
0xd6: {  	[sflag:s23] =	ssyncset.done $0x0  }
0xd7: {  	s15 =	simm.s32 $0x700;
	[sflag:s23] =	ssyncadd.s32 $0xFFFFC000  }
0xd8: {  	[tilespmem:s21], [sflag:$0x4] =	stream.indirect.gather [hbm4b:s0+s19], $0x80, s15, s19, $0xb8;
	[tilespmem:$0x1CC00] =	vst v63  }
0xd9: {  	_ =	swait.ge [sflag:s22], $0x4000  }
0xda: {  	[sflag:s22] =	ssyncset.done $0x0  }
0xdb: {  	s7 =	simm.s32 $0x680;
	[sflag:s22] =	ssyncadd.s32 $0xFFFFC000  }
0xdc: {  	[spmem:s3] =	stream.indirect.scatter.add.f32 [tilespmem:s16], [sflag:$0x6], $0x80, s7, s19, $0xb8;
	[tilespmem:$0x1CC00] =	vst v63  }
0xdd: {  	_ =	swait.ge [sflag:s23], $0x4000  }
0xde: {  	[sflag:s23] =	ssyncset.done $0x0  }
0xdf: {  	[sflag:s23] =	ssyncadd.s32 $0xFFFFC000  }
0xe0: {  	_ =	swait.ge [sflag:s25], $0x4000  }
0xe1: {  	[sflag:s25] =	ssyncset.done $0x0  }
.Ltmp6:
0xe2: {  	s15 =	simm.s32 $0x780;
	[sflag:s25] =	ssyncadd.s32 $0xFFFFC000;
	(pc) =	sbr.rel .LBB2_7-.Ltmp6, $4  }
0xe3: {  	[spmem:s3] =	stream.indirect.scatter.add.f32 [tilespmem:s21], [sflag:$0x6], $0x80, s15, s19, $0xb8;
	[tilespmem:$0x1CC00] =	vst v63  }
0xe4: {  	_ =	swait.ge [sflag:s23], $0x4000  }
0xe5: {  	[sflag:s23] =	ssyncset.done $0x0  }
0xe6: {  	[sflag:s23] =	ssyncadd.s32 $0xFFFFC000  }
.LBB2_9:
0xe7: {  	_ =	sfence.sel $0x180000  }
0xe8: {  	[bflag:$0x0] =	sbarrier.arrive $0xFFFF  }
0xe9: {  	_ =	strace $0x9000004A  }
0xea: {  	s0 =	stileid.u32;
	[bflag:$0x2] =	sbarrier.arrive $0xFFFF  }
0xeb: {  	p0 =	sne.s32 s0, $0x0;
	s0 =	rddreg [dreg:$0x3]  }
0xec: {  	s0 =	sadd.s32 @!p0 $0x100000, s0  }
0xed: {  	[sflag:s0] =	ssyncadd.tile.s32 @!p0 $0x1;
	_ =	shalt  }
.Lfunc_end2:
_tile_overlayer_lowered:
.L_overlay_start_2:
0xee: {  	(tag) =	ssettag $0x2  }
0xef: {  	s0 =	rddreg [dreg:$0x0];
	s2 =	stileid.u32  }
0xf0: {  	s1 =	rddreg [dreg:$0x1];
	p0 =	sne.s32 s2, $0x0  }
0xf1: {  	s3 =	rddreg [dreg:$0x2];
	[bflag:$0x3] =	sbarrier.arrive $0xFFFF;
	s2 =	simm.s32 @!p0 $0x1C05  }
0xf2: {  	[timem:s3], [sflag:s2] =	dma.local @!p0 [hbm:s0], s1  }
0xf3: {  	s0 =	simm.s32 @!p0 $0x5  }
0xf4: {  	_ =	swait.ge @!p0 [sflag:s0], s1  }
0xf5: {  	s1 =	ssub.s32 @!p0 $0x0, s1;
	[sflag:s0] =	ssyncset.done @!p0 $0x0  }
0xf6: {  	[sflag:s0] =	ssyncadd.s32 @!p0 s1  }
0xf7: {  	[bflag:$0x3] =	sbarrier.arrive $0xFFFF  }
0xf8: {  	_ =	shalt  }

// kernel: kernel.9.cloned.1.call-start
scs
__scs_entry_jumppad:
0x0: {  	(pc) =	sbr.rel $0x88, $3  }
0x1: {  	(tag) =	ssettag $0x0;
	lr =	simm.s32 $0x1  }
0x2: {  	[smem:$0x3F92] =	sst lr;
	_ =	strace $0xD0000000  }
0x3: {  	_ = 	snop  }
0x4: {  	_ = 	snop  }
0x5: {  	_ = 	snop  }
0x6: {  	_ = 	snop  }
0x7: {  	_ = 	snop  }
__scs_overlays_trampoline_lowered:
0x8: {  	[smem:$0x3FA1] =	sst s0  }
0x9: {  	[smem:$0x3FA2] =	sst s1  }
0xa: {  	[smem:$0x3FA3] =	sst s2  }
0xb: {  	[smem:$0x3FA4] =	sst s3  }
0xc: {  	[smem:$0x3FA5] =	sst s4  }
0xd: {  	[smem:$0x3FA6] =	sst s5  }
0xe: {  	[smem:$0x3FA7] =	sst s6  }
0xf: {  	[smem:$0x3FA8] =	sst s7  }
0x10: {  	[smem:$0x3FA9] =	sst s8  }
0x11: {  	[smem:$0x3FAA] =	sst s9;
	s0 =	simm.s32 @!p0 $0x0  }
0x12: {  	s1 =	sld [smem:$0x3F90];
	s0 =	simm.s32 @p0 $0x1  }
0x13: {  	[smem:$0x3FAB] =	sst s0;
	s0 =	simm.s32 @!p1 $0x0  }
0x14: {  	s2 =	sld [smem:$0x3F8F];
	s0 =	simm.s32 @p1 $0x1  }
0x15: {  	[smem:$0x3FAC] =	sst s0;
	s0 =	simm.s32 @!p2 $0x0  }
0x16: {  	s3 =	sld [smem:$0x3FDB];
	s0 =	simm.s32 @p2 $0x1  }
0x17: {  	s4 =	simm.s32 $0x1BF5;
	[smem:$0x3FAE] =	sst s0  }
0x18: {  	s0 =	sld [smem:$0x3F91];
	_ =	swait.ge [sflag:s4], $0x0  }
0x19: {  	s7 =	sld [smem:$0x3F92]  }
0x1a: {  	s8 =	sadd.s32 $0xFFFFE003, lr  }
0x1b: {  	s9 =	sadd.s32 $0xFFFFFEF7, lr;
	s5 =	simm.s32 $0xFFFFFFFF;
	p2 =	slt.u32 s8, $0xFFFFF086  }
0x1c: {  	p1 =	slt.u32 s9, $0xF7A;
	s5 =	simm.s32 @!p2 $0x0  }
0x1d: {  	s5 =	simm.s32 @p1 $0x1;
	p0 =	seq.s32 s7, s2  }
0x1e: {  	s7 =	smul.u32 @!p0 $0xF7A, s2;
	p2 =	seq.s32 @!p0 s5, $0x0  }
0x1f: {  	s9 =	smul.u32 $0xF7A, s1;
	s8 =	simm.s32 @!p0 $0x1BF5;
	p2 =	por !p2, p0  }
0x20: {  	[sflag:s8] =	ssyncset.s32 @!p0 $0xFFFFF086;
	s6 =	sadd.s32 @!p0 s3, s7;
	s7 =	simm.s32 @!p0 $0x108  }
0x21: {  	s3 =	sadd.s32 s3, s9;
	s6 =	sadd.s32 @!p0 $0x88, s6;
	s7 =	simm.s32 @p2 $0x1082  }
0x22: {  	[simem:s7], [sflag:s8] =	dma.local @!p0 [hbm:s6], $0xF7A  }
0x23: {  	s9 =	sor.u32 $0xD0000000, s2;
	s6 =	simm.s32 $0x108;
	_ =	swait.ge @!p0 [sflag:s8], $0x0  }
0x24: {  	s3 =	sadd.s32 $0x88, s3;
	s6 =	simm.s32 @!p1 $0x1082;
	[sflag:s4] =	ssyncset.s32 $0xFFFFF086  }
0x25: {  	[simem:s6], [sflag:s4] =	dma.local [hbm:s3], $0xF7A  }
0x26: {  	[smem:$0x3F92] =	sst s1;
	(tag) =	ssettag s2;
	_ =	strace s9  }
0x27: {  	s1 =	sld [smem:$0x3FA2]  }
0x28: {  	s2 =	sld [smem:$0x3FA3]  }
0x29: {  	s4 =	sld [smem:$0x3FA5]  }
0x2a: {  	p0 =	seq.s32 s5, $0x0;
	s5 =	sld [smem:$0x3FA6]  }
0x2b: {  	s6 =	sld [smem:$0x3FA7]  }
0x2c: {  	s7 =	sld [smem:$0x3FA8]  }
0x2d: {  	s3 =	simm.s32 $0x108;
	s8 =	sld [smem:$0x3FA9]  }
0x2e: {  	s3 =	simm.s32 @!p0 $0x1082;
	s9 =	sld [smem:$0x3FAA]  }
0x2f: {  	lr =	sadd.s32 s0, s3;
	s0 =	sld [smem:$0x3FA1]  }
0x30: {  	s3 =	sld [smem:$0x3FA4]  }
0x31: {  	[smem:$0x3FAD] =	sst s10  }
0x32: {  	s10 =	sld [smem:$0x3FAB];
	_ =	sdelay $0x3  }
0x33: {  	p0 =	seq.s32 s10, $0x1;
	s10 =	sld [smem:$0x3FAD];
	_ =	sdelay $0x3  }
0x34: {  	[smem:$0x3FAD] =	sst s10  }
0x35: {  	s10 =	sld [smem:$0x3FAC];
	_ =	sdelay $0x3  }
0x36: {  	p1 =	seq.s32 s10, $0x1;
	s10 =	sld [smem:$0x3FAD];
	_ =	sdelay $0x3  }
0x37: {  	[smem:$0x3FAD] =	sst s10  }
0x38: {  	s10 =	sld [smem:$0x3FAE]  }
0x39: {  	_ = 	snop;
	(pc) =	sbr.ind lr, $3  }
0x3a: {  	_ = 	snop  }
0x3b: {  	_ = 	snop  }
0x3c: {  	p2 =	seq.s32 s10, $0x1;
	s10 =	sld [smem:$0x3FAD]  }
0x3d: {  	_ =	shalt  }
0x3e: {  	_ =	shalt  }
0x3f: {  	_ =	shalt  }
0x40: {  	_ =	shalt  }
0x41: {  	_ =	shalt  }
0x42: {  	_ =	shalt  }
0x43: {  	_ =	shalt  }
0x44: {  	_ =	shalt  }
0x45: {  	_ =	shalt  }
0x46: {  	_ =	shalt  }
0x47: {  	_ =	shalt  }
0x48: {  	_ =	shalt  }
0x49: {  	_ =	shalt  }
0x4a: {  	_ =	shalt  }
0x4b: {  	_ =	shalt  }
0x4c: {  	_ =	shalt  }
0x4d: {  	_ =	shalt  }
0x4e: {  	_ =	shalt  }
0x4f: {  	_ =	shalt  }
0x50: {  	_ =	shalt  }
0x51: {  	_ =	shalt  }
0x52: {  	_ =	shalt  }
0x53: {  	_ =	shalt  }
0x54: {  	_ =	shalt  }
0x55: {  	_ =	shalt  }
0x56: {  	_ =	shalt  }
0x57: {  	_ =	shalt  }
0x58: {  	_ =	shalt  }
0x59: {  	_ =	shalt  }
0x5a: {  	_ =	shalt  }
0x5b: {  	_ =	shalt  }
0x5c: {  	_ =	shalt  }
0x5d: {  	_ =	shalt  }
0x5e: {  	_ =	shalt  }
0x5f: {  	_ =	shalt  }
0x60: {  	_ =	shalt  }
0x61: {  	_ =	shalt  }
0x62: {  	_ =	shalt  }
0x63: {  	_ =	shalt  }
0x64: {  	_ =	shalt  }
0x65: {  	_ =	shalt  }
0x66: {  	_ =	shalt  }
0x67: {  	_ =	shalt  }
0x68: {  	_ =	shalt  }
0x69: {  	_ =	shalt  }
0x6a: {  	_ =	shalt  }
0x6b: {  	_ =	shalt  }
0x6c: {  	_ =	shalt  }
0x6d: {  	_ =	shalt  }
0x6e: {  	_ =	shalt  }
0x6f: {  	_ =	shalt  }
0x70: {  	_ =	shalt  }
0x71: {  	_ =	shalt  }
0x72: {  	_ =	shalt  }
0x73: {  	_ =	shalt  }
0x74: {  	_ =	shalt  }
0x75: {  	_ =	shalt  }
0x76: {  	_ =	shalt  }
0x77: {  	_ =	shalt  }
0x78: {  	_ =	shalt  }
0x79: {  	_ =	shalt  }
0x7a: {  	_ =	shalt  }
0x7b: {  	_ =	shalt  }
0x7c: {  	_ =	shalt  }
0x7d: {  	_ =	shalt  }
0x7e: {  	_ =	shalt  }
0x7f: {  	_ =	shalt  }
0x80: {  	_ =	shalt  }
0x81: {  	_ =	shalt  }
0x82: {  	_ =	shalt  }
0x83: {  	_ =	shalt  }
0x84: {  	_ =	shalt  }
0x85: {  	_ =	shalt  }
0x86: {  	_ =	shalt  }
0x87: {  	_ =	shalt  }
.Lfunc_end0:
.L_simem_size_0:
called_computation_lowered:
.L_overlay_start_0:
0x88: {  	s2 =	sld [smem:$0x3FD9]  }
0x89: {  	s3 =	sld [smem:$0x3FFE];
	_ =	sdelay $0x1  }
0x8a: {  	s1 =	srdreg.scid  }
0x8b: {  	s0 =	sand.u32 $0x1, s1  }
0x8c: {  	s17 =	sshll.u32 s0, $0xA;
	s2 =	sadd.s32 s3, s2  }
0x8d: {  	s2 =	sadd.s32 s2, s17  }
0x8e: {  	[smem:$0x3FB9] =	sst s2  }
0x8f: {  	_ = 	snop  }
0x90: {  	s2 =	sld [smem:$0x3FD0];
	(tm) =	ssettm $0x1  }
0x91: {  	s18 =	sld [smem:$0x3FFB];
	_ =	sdelay $0x3  }
0x92: {  	_ =	strace s18  }
0x93: {  	s3 =	sld [smem:$0x3FFC];
	_ =	sdelay $0x3  }
0x94: {  	_ =	strace s3  }
0x95: {  	s3 =	sld [smem:$0x3FFD];
	_ =	sdelay $0x3  }
0x96: {  	_ =	strace s3  }
0x97: {  	_ =	strace $0x8FFFFFFF  }
0x98: {  	s19 =	sld [smem:$0x3FDB];
	_ =	sdelay $0x1  }
0x99: {  	s4 =	simm.s32 $_scs_section_size  }
0x9a: {  	s5 =	simm.s32 $_size__tile_overlayer_lowered;
	s6 =	simm.s32 $_tile_overlayer_lowered  }
0x9b: {  	s22 =	simm.s32 $0x1BFF;
	s21 =	sshll.u32 s6, $0x1;
	s3 =	sadd.s32 s4, s19  }
0x9c: {  	s7 =	simm.s32 $0x0;
	s20 =	sshll.u32 s5, $0x1;
	s5 =	sadd.s32 s21, s3  }
0x9d: {  	[timem:s7], [sflag:s22] =	dma.local [hbm:s5], s20  }
0x9e: {  	_ =	swait.ge [sflag:s22], s20  }
0x9f: {  	s4 =	ssub.s32 $0x0, s20;
	[sflag:s22] =	ssyncset.done $0x0  }
0xa0: {  	[sflag:s22] =	ssyncadd.s32 s4;
	_ =	sdelay $0x1  }
0xa1: {  	s23 =	simm.s32 $0x1B8B  }
0xa2: {  	_ =	swait.ge [sflag:s23], $0x1  }
0xa3: {  	[sflag:s23] =	ssyncset.done $0x0  }
0xa4: {  	s25 =	simm.s32 $0x1B8E;
	s24 =	sld [smem:$0x3FFE];
	[sflag:s23] =	ssyncadd.s32 $0xFFFFFFFF  }
0xa5: {  	s26 =	simm.s32 $execute0_lowered;
	[smem:$0x3FD2] =	sst s25  }
0xa6: {  	s5 =	sshll.u32 s26, $0x1;
	_ =	strace $0x80000046;
	[dreg:$0x1] =	wrdreg $0xFFFFFFFF  }
0xa7: {  	s28 =	simm.s32 $_size_execute0_lowered;
	s3 =	sadd.s32 s3, s5;
	[dreg:$0x0] =	wrdreg $0x0  }
0xa8: {  	s5 =	sshll.u32 s28, $0x1;
	[dreg:$0x2] =	wrdreg s3  }
0xa9: {  	[dreg:$0x3] =	wrdreg s5  }
0xaa: {  	[dreg:$0x4] =	wrdreg $0xC0  }
0xab: {  	_ =	task [dreg:s7], $0x5FFFF  }
0xac: {  	[dreg:$0x1] =	wrdreg $0xFFFFFFFF  }
0xad: {  	[dreg:$0x0] =	wrdreg $0x60  }
0xae: {  	[dreg:$0x2] =	wrdreg s2  }
0xaf: {  	[dreg:$0x3] =	wrdreg s24  }
0xb0: {  	[dreg:$0x4] =	wrdreg $0x90000  }
0xb1: {  	[dreg:$0x5] =	wrdreg $0x9  }
0xb2: {  	_ =	task.clear_ibuf [dreg:s7], $0x6FFFF;
	_ =	strace $0x90000046  }
0xb3: {  	s29 =	simm.s32 $0x9;
	_ =	strace $0x80000048  }
0xb4: {  	_ =	swait.ge [sflag:s29], $0x1  }
0xb5: {  	[sflag:s29] =	ssyncadd.s32 $0xFFFFFFFF  }
0xb6: {  	_ =	strace $0x90000048  }
0xb7: {  	_ =	sfence  }
0xb8: {  	s30 =	sld [smem:$0x0];
	_ =	sdelay $0x2  }
0xb9: {  	s31 =	sshll.u32 s1, $0xD;
	s1 =	sshrl.u32 s1, $0x2  }
0xba: {  	s3 =	sand.u32 $0x4000, s31;
	s1 =	sadd.s32 s1, s30  }
0xbb: {  	s0 =	sor.u32 s3, s0;
	s1 =	sshll.u32 s1, $0x11  }
0xbc: {  	s0 =	sor.u32 s1, s0  }
0xbd: {  	s0 =	sadd.s32 $0x8F2B, s0  }
0xbe: {  	[sflag:s0] =	ssyncadd.remote.s32 $0x1  }
0xbf: {  	_ =	sfence.sel $0xFFFF  }
0xc0: {  	[dreg:$0x0] =	wrdreg $0xFFFFFFFF;
	(pc) =	sbr.abs _section_cstart, $3  }
0xc1: {  	[dreg:$0x1] =	wrdreg $0xFFFFFFFF  }
0xc2: {  	_ =	task.clear_ibuf [dreg:s7], $0x2FFFF;
	_ =	strace $0x9FFFFFFF  }
0xc3: {  	(tm) =	ssettm $0x7FFFFFFF  }
tec
execute0_lowered:
.L_overlay_start_1:
0x0: {  	(tag) =	ssettag $0x1  }
0x1: {  	s0 =	rddreg [dreg:$0x0]  }
0x2: {  	s1 =	rddreg [dreg:$0x1]  }
0x3: {  	s2 =	srdreg.scid;
	s3 =	rddreg [dreg:$0x2]  }
0x4: {  	s10 =	stileid.u32;
	s6 =	simm.s32 $0x0;
	s16 =	simm.s32 $0x1000  }
0x5: {  	s17 =	simm.s32 $0x5;
	s18 =	simm.s32 $0x1;
	s14 =	simm.s32 $0x2  }
0x6: {  	s28 =	simm.s32 $0xA80;
	s29 =	simm.s32 $0xC00;
	s30 =	simm.s32 $0xB80  }
0x7: {  	s31 =	simm.s32 $0xD00;
	s11 =	simm.s32 $0xF80;
	s5 =	smul.u32 $0x13C00, s10  }
0x8: {  	s2 =	sand.u32 $0x1, s2;
	[smem:$0x7FF] =	sst s6;
	s9 =	smul.u32 $0x4F000, s10  }
0x9: {  	s6 =	simm.s32 $0x10;
	s4 =	smul.u32 $0x13C000, s2;
	_ =	strace $0x80000047  }
0xa: {  	s19 =	ssub.s32 $0x2, s2;
	s8 =	sshll.u32 s2, $0x4;
	p0 =	seq.s32 s2, $0x0  }
0xb: {  	s7 =	sshrl.u32 s19, $0x1;
	s21 =	sor.u32 s10, s8;
	s22 =	sshrl.u32 s9, $0x2  }
0xc: {  	s6 =	simm.s32 @!p0 $0x4;
	s9 =	simm.s32 $0xF00;
	s10 =	simm.s32 $0xE80  }
0xd: {  	s4 =	sadd.s32 s5, s4;
	s5 =	sadd.s32 $0x2E00, s1;
	s20 =	ssub.s32 s19, s7  }
0xe: {  	s8 =	sshll.u32 s21, $0xC;
	s2 =	sadd.s32 s22, s3;
	s13 =	sshll.u32 s21, $0xF  }
0xf: {  	s19 =	simm.s32 $0x80;
	s8 =	sadd.s32 s5, s8;
	[dreg:$0x4] =	wrdreg s2  }
0x10: {  	s21 =	simm.s32 $0x5000;
	s23 =	sadd.s32 $0x4000, s2;
	[dreg:$0x5] =	wrdreg s8  }
0x11: {  	s22 =	simm.s32 $0x3;
	s24 =	sadd.s32 $0x8000, s2;
	[dreg:$0x6] =	wrdreg s23  }
0x12: {  	s7 =	simm.s32 $0x0;
	s25 =	sadd.s32 $0xC000, s2;
	[dreg:$0x7] =	wrdreg s24  }
0x13: {  	s4 =	sshrl.u32 s4, $0x3;
	s2 =	sadd.s32 $0x10000, s2;
	[dreg:$0x8] =	wrdreg s25  }
.Ltmp0:
0x14: {  	s26 =	smax.u32 s20, $0x1;
	[dreg:$0x9] =	wrdreg s2;
	(pc) =	sbr.rel .LBB2_1-.Ltmp0, $4  }
0x15: {  	s20 =	simm.s32 $0xA00;
	s1 =	sadd.s32 s4, s1;
	[dreg:$0xb] =	wrdreg s26  }
0x16: {  	s23 =	simm.s32 $0x6;
	s25 =	simm.s32 $0x4;
	s24 =	simm.s32 $0x980  }
0x17: {  	s26 =	simm.s32 $0xB00;
	s2 =	simm.s32 $0xE00;
	s1 =	sadd.s32 $0x22E00, s1  }
0x18: {  	v0 =	vimm.f32 $0.0e+00;
	s8 =	simm.s32 $0xD80;
	[dreg:$0xa] =	wrdreg s1;
	s1 =	simm.s32 $0xC80  }
.LBB2_8:
0x19: {  	s4 =	stileid.u32;
	[bflag:$0x0] =	sbarrier.arrive $0xFFFF  }
0x1a: {  	s4 =	sshll.u32 s4, $0x6;
	s7 =	rddreg [dreg:$0x4]  }
0x1b: {  	s12 =	rddreg [dreg:$0xa];
	s4 =	sor.u32 $0x1C05, s4;
	s7 =	sshrl.u32 s7, $0x3  }
0x1c: {  	[hbm:s12], [sflag:s4] =	dma.local [spmem:s7], $0x2780  }
0x1d: {  	_ =	swait.ge [sflag:s17], $0x2780  }
0x1e: {  	s12 =	rddreg [dreg:$0xc]  }
0x1f: {  	s15 =	rddreg [dreg:$0xb];
	s7 =	sadd.s32 $0x1, s12  }
0x20: {  	p0 =	sne.s32 s7, s15  }
.Ltmp1:
0x21: {  	_ = 	snop;
	(pc) =	sbr.rel @!p0 .LBB2_9-.Ltmp1, $3  }
0x22: {  	_ =	sdelay $0x1  }
0x23: {  	[sflag:s17] =	ssyncset.done $0x0  }
0x24: {  	[sflag:s17] =	ssyncadd.s32 $0xFFFFD880  }
.LBB2_1:
0x25: {  	s4 =	simm.s32 $0x0;
	s15 =	rddreg [dreg:$0x5]  }
0x26: {  	[tilespmem:s4], [sflag:$0x1] =	stream.linear.gather [hbm4b:s15+s4], $0x800, $0x38;
	[tilespmem:$0x1CC00] =	vst v63  }
0x27: {  	[dreg:$0xc] =	wrdreg s7;
	s12 =	simm.s32 $0x0;
	s15 =	simm.s32 $0x200  }
.LBB2_2:
0x28: {  	p0 =	sne.s32 s15, $0xFE00;
	[tilespmem:s12+$0x1070] =	vst v0  }
0x29: {  	[tilespmem:s12+$0x1000] =	vst v0  }
0x2a: {  	[tilespmem:s12+$0x1010] =	vst v0  }
.Ltmp2:
0x2b: {  	[tilespmem:s12+$0x1020] =	vst v0;
	(pc) =	sbr.rel @p0 .LBB2_2-.Ltmp2, $4  }
0x2c: {  	[tilespmem:s12+$0x1030] =	vst v0  }
0x2d: {  	[tilespmem:s12+$0x1040] =	vst v0  }
0x2e: {  	[tilespmem:s12+$0x1050] =	vst v0  }
0x2f: {  	[tilespmem:s12+$0x1060] =	vst v0;
	s12 =	sshra.s32 s15, $0x2;
	s15 =	sadd.s32 $0x200, s15  }
0x30: {  	[tilespmem:s12+$0x1070] =	vst v0  }
0x31: {  	[tilespmem:s12+$0x1000] =	vst v0  }
0x32: {  	[tilespmem:s12+$0x1010] =	vst v0  }
0x33: {  	[tilespmem:s12+$0x1020] =	vst v0  }
0x34: {  	[tilespmem:s12+$0x1030] =	vst v0  }
0x35: {  	[tilespmem:s12+$0x1040] =	vst v0  }
0x36: {  	[tilespmem:s12+$0x1050] =	vst v0  }
0x37: {  	[tilespmem:s12+$0x1060] =	vst v0;
	s4 =	rddreg [dreg:$0x4]  }
0x38: {  	[spmem:s4] =	stream.linear.scatter [tilespmem:s16], [sflag:$0x5], $0x4000, $0x38;
	[tilespmem:$0x1CC00] =	vst v63  }
0x39: {  	_ =	swait.ge [sflag:s17], $0x4000  }
0x3a: {  	[sflag:s17] =	ssyncset.done $0x0  }
0x3b: {  	s15 =	rddreg [dreg:$0x6];
	[sflag:s17] =	ssyncadd.s32 $0xFFFFC000  }
0x3c: {  	[spmem:s15] =	stream.linear.scatter [tilespmem:s16], [sflag:$0x5], $0x4000, $0x38;
	[tilespmem:$0x1CC00] =	vst v63  }
0x3d: {  	_ =	swait.ge [sflag:s17], $0x4000  }
0x3e: {  	[sflag:s17] =	ssyncset.done $0x0  }
0x3f: {  	s7 =	rddreg [dreg:$0x7];
	[sflag:s17] =	ssyncadd.s32 $0xFFFFC000  }
0x40: {  	[spmem:s7] =	stream.linear.scatter [tilespmem:s16], [sflag:$0x5], $0x4000, $0x38;
	[tilespmem:$0x1CC00] =	vst v63  }
0x41: {  	_ =	swait.ge [sflag:s17], $0x4000  }
0x42: {  	[sflag:s17] =	ssyncset.done $0x0  }
0x43: {  	s12 =	rddreg [dreg:$0x8];
	[sflag:s17] =	ssyncadd.s32 $0xFFFFC000  }
0x44: {  	[spmem:s12] =	stream.linear.scatter [tilespmem:s16], [sflag:$0x5], $0x4000, $0x38;
	[tilespmem:$0x1CC00] =	vst v63  }
0x45: {  	_ =	swait.ge [sflag:s17], $0x4000  }
0x46: {  	[sflag:s17] =	ssyncset.done $0x0  }
0x47: {  	s15 =	rddreg [dreg:$0x9];
	[sflag:s17] =	ssyncadd.s32 $0xFFFFC000  }
0x48: {  	[spmem:s15] =	stream.linear.scatter [tilespmem:s16], [sflag:$0x5], $0x3C00, $0x38;
	[tilespmem:$0x1CC00] =	vst v63  }
.Ltmp3:
0x49: {  	_ =	swait.ge [sflag:s17], $0x3C00;
	(pc) =	sbr.rel .LBB2_4-.Ltmp3, $4  }
0x4a: {  	[sflag:s17] =	ssyncset.done $0x0  }
0x4b: {  	[sflag:s17] =	ssyncadd.s32 $0xFFFFC400  }
0x4c: {  	[bflag:$0x0] =	sbarrier.arrive $0xFFFF  }
0x4d: {  	s12 =	simm.s32 $0x0  }
.LBB2_6:
0x4e: {  	s12 =	sadd.s32 $0x1, s12  }
0x4f: {  	p0 =	sge.u32 s12, s6  }
0x50: {  	s4 =	sshll.u32 @!p0 s12, $0xB  }
0x51: {  	_ =	swait.ge [sflag:s14], $0x800;
	s4 =	sadd.s32 @!p0 s13, s4  }
0x52: {  	[sflag:s14] =	ssyncset.done $0x0;
	s4 =	sshrl.u32 @!p0 s4, $0x3  }
0x53: {  	[sflag:s14] =	ssyncadd.s32 $0xFFFFF800;
	s7 =	simm.s32 @!p0 $0x0;
	s4 =	sadd.s32 @!p0 s5, s4  }
0x54: {  	[tilespmem:s7], [sflag:$0x1] =	stream.linear.gather @!p0 [hbm4b:s4+s7], $0x800, $0x38;
	[tilespmem:$0x1CC00] =	vst v63  }
0x55: {  	s15 =	simm.s32 $0x800  }
0x56: {  	[tilespmem:s16], [sflag:$0x3] =	stream.indirect.gather [hbm4b:s0+s19], $0x80, s15, s19, $0xb8;
	[tilespmem:$0x1CC00] =	vst v63  }
0x57: {  	s7 =	simm.s32 $0x900  }
0x58: {  	[tilespmem:s21], [sflag:$0x4] =	stream.indirect.gather [hbm4b:s0+s19], $0x80, s7, s19, $0xb8;
	[tilespmem:$0x1CC00] =	vst v63  }
0x59: {  	_ =	swait.ge [sflag:s22], $0x4000  }
0x5a: {  	[sflag:s22] =	ssyncset.done $0x0  }
0x5b: {  	s15 =	simm.s32 $0x880;
	[sflag:s22] =	ssyncadd.s32 $0xFFFFC000  }
0x5c: {  	[spmem:s3] =	stream.indirect.scatter.add.f32 [tilespmem:s16], [sflag:$0x6], $0x80, s15, s19, $0xb8;
	[tilespmem:$0x1CC00] =	vst v63  }
0x5d: {  	_ =	swait.ge [sflag:s23], $0x4000  }
0x5e: {  	[sflag:s23] =	ssyncset.done $0x0  }
0x5f: {  	[sflag:s23] =	ssyncadd.s32 $0xFFFFC000  }
0x60: {  	[tilespmem:s16], [sflag:$0x3] =	stream.indirect.gather [hbm4b:s0+s19], $0x80, s20, s19, $0xb8;
	[tilespmem:$0x1CC00] =	vst v63  }
0x61: {  	_ =	swait.ge [sflag:s25], $0x4000  }
0x62: {  	[sflag:s25] =	ssyncset.done $0x0  }
0x63: {  	[sflag:s25] =	ssyncadd.s32 $0xFFFFC000  }
0x64: {  	[spmem:s3] =	stream.indirect.scatter.add.f32 [tilespmem:s21], [sflag:$0x6], $0x80, s24, s19, $0xb8;
	[tilespmem:$0x1CC00] =	vst v63  }
0x65: {  	_ =	swait.ge [sflag:s23], $0x4000  }
0x66: {  	[sflag:s23] =	ssyncset.done $0x0  }
0x67: {  	[sflag:s23] =	ssyncadd.s32 $0xFFFFC000  }
0x68: {  	[tilespmem:s21], [sflag:$0x4] =	stream.indirect.gather [hbm4b:s0+s19], $0x80, s26, s19, $0xb8;
	[tilespmem:$0x1CC00] =	vst v63  }
0x69: {  	_ =	swait.ge [sflag:s22], $0x4000  }
0x6a: {  	[sflag:s22] =	ssyncset.done $0x0  }
0x6b: {  	[sflag:s22] =	ssyncadd.s32 $0xFFFFC000  }
0x6c: {  	[spmem:s3] =	stream.indirect.scatter.add.f32 [tilespmem:s16], [sflag:$0x6], $0x80, s28, s19, $0xb8;
	[tilespmem:$0x1CC00] =	vst v63  }
0x6d: {  	_ =	swait.ge [sflag:s23], $0x4000  }
0x6e: {  	[sflag:s23] =	ssyncset.done $0x0  }
0x6f: {  	[sflag:s23] =	ssyncadd.s32 $0xFFFFC000  }
0x70: {  	[tilespmem:s16], [sflag:$0x3] =	stream.indirect.gather [hbm4b:s0+s19], $0x80, s29, s19, $0xb8;
	[tilespmem:$0x1CC00] =	vst v63  }
0x71: {  	_ =	swait.ge [sflag:s25], $0x4000  }
0x72: {  	[sflag:s25] =	ssyncset.done $0x0  }
0x73: {  	[sflag:s25] =	ssyncadd.s32 $0xFFFFC000  }
0x74: {  	[spmem:s3] =	stream.indirect.scatter.add.f32 [tilespmem:s21], [sflag:$0x6], $0x80, s30, s19, $0xb8;
	[tilespmem:$0x1CC00] =	vst v63  }
0x75: {  	_ =	swait.ge [sflag:s23], $0x4000  }
0x76: {  	[sflag:s23] =	ssyncset.done $0x0  }
0x77: {  	[sflag:s23] =	ssyncadd.s32 $0xFFFFC000  }
0x78: {  	[tilespmem:s21], [sflag:$0x4] =	stream.indirect.gather [hbm4b:s0+s19], $0x80, s31, s19, $0xb8;
	[tilespmem:$0x1CC00] =	vst v63  }
0x79: {  	_ =	swait.ge [sflag:s22], $0x4000  }
0x7a: {  	[sflag:s22] =	ssyncset.done $0x0  }
0x7b: {  	[sflag:s22] =	ssyncadd.s32 $0xFFFFC000  }
0x7c: {  	[spmem:s3] =	stream.indirect.scatter.add.f32 [tilespmem:s16], [sflag:$0x6], $0x80, s1, s19, $0xb8;
	[tilespmem:$0x1CC00] =	vst v63  }
0x7d: {  	_ =	swait.ge [sflag:s23], $0x4000  }
0x7e: {  	[sflag:s23] =	ssyncset.done $0x0  }
0x7f: {  	[sflag:s23] =	ssyncadd.s32 $0xFFFFC000  }
0x80: {  	[tilespmem:s16], [sflag:$0x3] =	stream.indirect.gather [hbm4b:s0+s19], $0x80, s2, s19, $0xb8;
	[tilespmem:$0x1CC00] =	vst v63  }
0x81: {  	_ =	swait.ge [sflag:s25], $0x4000  }
0x82: {  	[sflag:s25] =	ssyncset.done $0x0  }
0x83: {  	[sflag:s25] =	ssyncadd.s32 $0xFFFFC000  }
0x84: {  	[spmem:s3] =	stream.indirect.scatter.add.f32 [tilespmem:s21], [sflag:$0x6], $0x80, s8, s19, $0xb8;
	[tilespmem:$0x1CC00] =	vst v63  }
0x85: {  	_ =	swait.ge [sflag:s23], $0x4000  }
0x86: {  	[sflag:s23] =	ssyncset.done $0x0  }
0x87: {  	[sflag:s23] =	ssyncadd.s32 $0xFFFFC000  }
0x88: {  	[tilespmem:s21], [sflag:$0x4] =	stream.indirect.gather [hbm4b:s0+s19], $0x80, s9, s19, $0xb8;
	[tilespmem:$0x1CC00] =	vst v63  }
0x89: {  	_ =	swait.ge [sflag:s22], $0x4000  }
0x8a: {  	[sflag:s22] =	ssyncset.done $0x0  }
0x8b: {  	[sflag:s22] =	ssyncadd.s32 $0xFFFFC000  }
0x8c: {  	[spmem:s3] =	stream.indirect.scatter.add.f32 [tilespmem:s16], [sflag:$0x6], $0x80, s10, s19, $0xb8;
	[tilespmem:$0x1CC00] =	vst v63  }
0x8d: {  	_ =	swait.ge [sflag:s23], $0x4000  }
0x8e: {  	[sflag:s23] =	ssyncset.done $0x0  }
0x8f: {  	[sflag:s23] =	ssyncadd.s32 $0xFFFFC000  }
0x90: {  	_ =	swait.ge [sflag:s25], $0x4000  }
0x91: {  	[sflag:s25] =	ssyncset.done $0x0  }
0x92: {  	[sflag:s25] =	ssyncadd.s32 $0xFFFFC000  }
0x93: {  	[spmem:s3] =	stream.indirect.scatter.add.f32 [tilespmem:s21], [sflag:$0x5], $0x80, s11, s19, $0xb8;
	[tilespmem:$0x1CC00] =	vst v63  }
0x94: {  	_ =	swait.ge [sflag:s17], $0x4000  }
0x95: {  	[sflag:s17] =	ssyncset.done $0x0  }
0x96: {  	[sflag:s17] =	ssyncadd.s32 $0xFFFFC000  }
.LBB2_7:
0x97: {  	p0 =	sne.s32 s12, s6  }
.Ltmp4:
0x98: {  	_ = 	snop;
	(pc) =	sbr.rel @!p0 .LBB2_8-.Ltmp4, $1  }
0x99: {  	_ =	sdelay $0x3  }
.LBB2_4:
0x9a: {  	s15 =	sand.u32 $0x1, s12  }
0x9b: {  	p0 =	seq.s32 s15, $0x1  }
.Ltmp5:
0x9c: {  	_ = 	snop;
	(pc) =	sbr.rel @p0 .LBB2_6-.Ltmp5, $1  }
0x9d: {  	_ =	sdelay $0x3  }
0x9e: {  	s12 =	sor.u32 $0x1, s12  }
0x9f: {  	p0 =	sge.u32 s12, s6  }
0xa0: {  	_ =	swait.ge [sflag:s18], $0x800;
	s15 =	sshll.u32 @!p0 s12, $0xB  }
0xa1: {  	[sflag:s18] =	ssyncset.done $0x0;
	s15 =	sadd.s32 @!p0 s13, s15  }
0xa2: {  	[sflag:s18] =	ssyncadd.s32 $0xFFFFF800;
	s15 =	sshrl.u32 @!p0 s15, $0x3  }
0xa3: {  	s7 =	simm.s32 @!p0 $0x0;
	s4 =	simm.s32 @!p0 $0x800;
	s15 =	sadd.s32 @!p0 s5, s15  }
0xa4: {  	[tilespmem:s4], [sflag:$0x2] =	stream.linear.gather @!p0 [hbm4b:s15+s7], $0x800, $0x38;
	[tilespmem:$0x1CC00] =	vst v63  }
0xa5: {  	s15 =	simm.s32 $0x0  }
0xa6: {  	[tilespmem:s16], [sflag:$0x3] =	stream.indirect.gather [hbm4b:s0+s19], $0x80, s15, s19, $0xb8;
	[tilespmem:$0x1CC00] =	vst v63  }
0xa7: {  	s7 =	simm.s32 $0x100  }
0xa8: {  	[tilespmem:s21], [sflag:$0x4] =	stream.indirect.gather [hbm4b:s0+s19], $0x80, s7, s19, $0xb8;
	[tilespmem:$0x1CC00] =	vst v63  }
0xa9: {  	_ =	swait.ge [sflag:s22], $0x4000  }
0xaa: {  	[sflag:s22] =	ssyncset.done $0x0  }
0xab: {  	[sflag:s22] =	ssyncadd.s32 $0xFFFFC000  }
0xac: {  	[spmem:s3] =	stream.indirect.scatter.add.f32 [tilespmem:s16], [sflag:$0x6], $0x80, s19, s19, $0xb8;
	[tilespmem:$0x1CC00] =	vst v63  }
0xad: {  	_ =	swait.ge [sflag:s23], $0x4000  }
0xae: {  	[sflag:s23] =	ssyncset.done $0x0  }
0xaf: {  	s15 =	simm.s32 $0x200;
	[sflag:s23] =	ssyncadd.s32 $0xFFFFC000  }
0xb0: {  	[tilespmem:s16], [sflag:$0x3] =	stream.indirect.gather [hbm4b:s0+s19], $0x80, s15, s19, $0xb8;
	[tilespmem:$0x1CC00] =	vst v63  }
0xb1: {  	_ =	swait.ge [sflag:s25], $0x4000  }
0xb2: {  	[sflag:s25] =	ssyncset.done $0x0  }
0xb3: {  	s7 =	simm.s32 $0x180;
	[sflag:s25] =	ssyncadd.s32 $0xFFFFC000  }
0xb4: {  	[spmem:s3] =	stream.indirect.scatter.add.f32 [tilespmem:s21], [sflag:$0x6], $0x80, s7, s19, $0xb8;
	[tilespmem:$0x1CC00] =	vst v63  }
0xb5: {  	_ =	swait.ge [sflag:s23], $0x4000  }
0xb6: {  	[sflag:s23] =	ssyncset.done $0x0  }
0xb7: {  	s15 =	simm.s32 $0x300;
	[sflag:s23] =	ssyncadd.s32 $0xFFFFC000  }
0xb8: {  	[tilespmem:s21], [sflag:$0x4] =	stream.indirect.gather [hbm4b:s0+s19], $0x80, s15, s19, $0xb8;
	[tilespmem:$0x1CC00] =	vst v63  }
0xb9: {  	_ =	swait.ge [sflag:s22], $0x4000  }
0xba: {  	[sflag:s22] =	ssyncset.done $0x0  }
0xbb: {  	s7 =	simm.s32 $0x280;
	[sflag:s22] =	ssyncadd.s32 $0xFFFFC000  }
0xbc: {  	[spmem:s3] =	stream.indirect.scatter.add.f32 [tilespmem:s16], [sflag:$0x6], $0x80, s7, s19, $0xb8;
	[tilespmem:$0x1CC00] =	vst v63  }
0xbd: {  	_ =	swait.ge [sflag:s23], $0x4000  }
0xbe: {  	[sflag:s23] =	ssyncset.done $0x0  }
0xbf: {  	s15 =	simm.s32 $0x400;
	[sflag:s23] =	ssyncadd.s32 $0xFFFFC000  }
0xc0: {  	[tilespmem:s16], [sflag:$0x3] =	stream.indirect.gather [hbm4b:s0+s19], $0x80, s15, s19, $0xb8;
	[tilespmem:$0x1CC00] =	vst v63  }
0xc1: {  	_ =	swait.ge [sflag:s25], $0x4000  }
0xc2: {  	[sflag:s25] =	ssyncset.done $0x0  }
0xc3: {  	s7 =	simm.s32 $0x380;
	[sflag:s25] =	ssyncadd.s32 $0xFFFFC000  }
0xc4: {  	[spmem:s3] =	stream.indirect.scatter.add.f32 [tilespmem:s21], [sflag:$0x6], $0x80, s7, s19, $0xb8;
	[tilespmem:$0x1CC00] =	vst v63  }
0xc5: {  	_ =	swait.ge [sflag:s23], $0x4000  }
0xc6: {  	[sflag:s23] =	ssyncset.done $0x0  }
0xc7: {  	s15 =	simm.s32 $0x500;
	[sflag:s23] =	ssyncadd.s32 $0xFFFFC000  }
0xc8: {  	[tilespmem:s21], [sflag:$0x4] =	stream.indirect.gather [hbm4b:s0+s19], $0x80, s15, s19, $0xb8;
	[tilespmem:$0x1CC00] =	vst v63  }
0xc9: {  	_ =	swait.ge [sflag:s22], $0x4000  }
0xca: {  	[sflag:s22] =	ssyncset.done $0x0  }
0xcb: {  	s7 =	simm.s32 $0x480;
	[sflag:s22] =	ssyncadd.s32 $0xFFFFC000  }
0xcc: {  	[spmem:s3] =	stream.indirect.scatter.add.f32 [tilespmem:s16], [sflag:$0x6], $0x80, s7, s19, $0xb8;
	[tilespmem:$0x1CC00] =	vst v63  }
0xcd: {  	_ =	swait.ge [sflag:s23], $0x4000  }
0xce: {  	[sflag:s23] =	ssyncset.done $0x0  }
0xcf: {  	s15 =	simm.s32 $0x600;
	[sflag:s23] =	ssyncadd.s32 $0xFFFFC000  }
0xd0: {  	[tilespmem:s16], [sflag:$0x3] =	stream.indirect.gather [hbm4b:s0+s19], $0x80, s15, s19, $0xb8;
	[tilespmem:$0x1CC00] =	vst v63  }
0xd1: {  	_ =	swait.ge [sflag:s25], $0x4000  }
0xd2: {  	[sflag:s25] =	ssyncset.done $0x0  }
0xd3: {  	s7 =	simm.s32 $0x580;
	[sflag:s25] =	ssyncadd.s32 $0xFFFFC000  }
0xd4: {  	[spmem:s3] =	stream.indirect.scatter.add.f32 [tilespmem:s21], [sflag:$0x6], $0x80, s7, s19, $0xb8;
	[tilespmem:$0x1CC00] =	vst v63  }
0xd5: {  	_ =	swait.ge [sflag:s23], $0x4000  }
0xd6: {  	[sflag:s23] =	ssyncset.done $0x0  }
0xd7: {  	s15 =	simm.s32 $0x700;
	[sflag:s23] =	ssyncadd.s32 $0xFFFFC000  }
0xd8: {  	[tilespmem:s21], [sflag:$0x4] =	stream.indirect.gather [hbm4b:s0+s19], $0x80, s15, s19, $0xb8;
	[tilespmem:$0x1CC00] =	vst v63  }
0xd9: {  	_ =	swait.ge [sflag:s22], $0x4000  }
0xda: {  	[sflag:s22] =	ssyncset.done $0x0  }
0xdb: {  	s7 =	simm.s32 $0x680;
	[sflag:s22] =	ssyncadd.s32 $0xFFFFC000  }
0xdc: {  	[spmem:s3] =	stream.indirect.scatter.add.f32 [tilespmem:s16], [sflag:$0x6], $0x80, s7, s19, $0xb8;
	[tilespmem:$0x1CC00] =	vst v63  }
0xdd: {  	_ =	swait.ge [sflag:s23], $0x4000  }
0xde: {  	[sflag:s23] =	ssyncset.done $0x0  }
0xdf: {  	[sflag:s23] =	ssyncadd.s32 $0xFFFFC000  }
0xe0: {  	_ =	swait.ge [sflag:s25], $0x4000  }
0xe1: {  	[sflag:s25] =	ssyncset.done $0x0  }
.Ltmp6:
0xe2: {  	s15 =	simm.s32 $0x780;
	[sflag:s25] =	ssyncadd.s32 $0xFFFFC000;
	(pc) =	sbr.rel .LBB2_7-.Ltmp6, $4  }
0xe3: {  	[spmem:s3] =	stream.indirect.scatter.add.f32 [tilespmem:s21], [sflag:$0x6], $0x80, s15, s19, $0xb8;
	[tilespmem:$0x1CC00] =	vst v63  }
0xe4: {  	_ =	swait.ge [sflag:s23], $0x4000  }
0xe5: {  	[sflag:s23] =	ssyncset.done $0x0  }
0xe6: {  	[sflag:s23] =	ssyncadd.s32 $0xFFFFC000  }
.LBB2_9:
0xe7: {  	_ =	sfence.sel $0x180000  }
0xe8: {  	[bflag:$0x0] =	sbarrier.arrive $0xFFFF  }
0xe9: {  	_ =	strace $0x90000047  }
0xea: {  	s0 =	stileid.u32;
	[bflag:$0x2] =	sbarrier.arrive $0xFFFF  }
0xeb: {  	p0 =	sne.s32 s0, $0x0;
	s0 =	rddreg [dreg:$0x3]  }
0xec: {  	s0 =	sadd.s32 @!p0 $0x100000, s0  }
0xed: {  	[sflag:s0] =	ssyncadd.tile.s32 @!p0 $0x1;
	_ =	shalt  }
.Lfunc_end2:
_tile_overlayer_lowered:
.L_overlay_start_2:
0xee: {  	(tag) =	ssettag $0x2  }
0xef: {  	s0 =	rddreg [dreg:$0x0];
	s2 =	stileid.u32  }
0xf0: {  	s1 =	rddreg [dreg:$0x1];
	p0 =	sne.s32 s2, $0x0  }
0xf1: {  	s3 =	rddreg [dreg:$0x2];
	[bflag:$0x3] =	sbarrier.arrive $0xFFFF;
	s2 =	simm.s32 @!p0 $0x1C05  }
0xf2: {  	[timem:s3], [sflag:s2] =	dma.local @!p0 [hbm:s0], s1  }
0xf3: {  	s0 =	simm.s32 @!p0 $0x5  }
0xf4: {  	_ =	swait.ge @!p0 [sflag:s0], s1  }
0xf5: {  	s1 =	ssub.s32 @!p0 $0x0, s1;
	[sflag:s0] =	ssyncset.done @!p0 $0x0  }
0xf6: {  	[sflag:s0] =	ssyncadd.s32 @!p0 s1  }
0xf7: {  	[bflag:$0x3] =	sbarrier.arrive $0xFFFF  }
0xf8: {  	_ =	shalt  }

</sc_bundles>
